<compile_context>
chip_gen: v7x
topology: tpu7x:2x2x1
jax: 0.10.2.dev20260603
libtpu: 0.0.44.dev20260713+nightly
codegen_flags: <defaults>
</compile_context>

<pallas_src>
import functools

import jax
import jax.numpy as jnp
from jax import lax
from jax.experimental import pallas as pl
from jax.experimental.pallas import tpu as pltpu
from jax.experimental.pallas import tpu_sc as plsc

_NPIX = 196608
_NFREQ = 128
_NPTS = 65536

_NUM_CORES = 2
_NUM_SUBCORES = 16
_NUM_WORKERS = _NUM_CORES * _NUM_SUBCORES
_LANES = 16
_CHUNK_PTS = 32
_NBUF = 4
_GROUP_PTS = 128
_NOUT = 2


def _pixel_beam_sc(table, idx2d, wgt):
    ppw = _NPTS // _NUM_WORKERS
    chunks = ppw // _CHUNK_PTS
    groups = ppw // _GROUP_PTS
    cpg = _GROUP_PTS // _CHUNK_PTS
    rows_pc = _CHUNK_PTS * 4
    nblk = _NFREQ // _LANES

    mesh = plsc.VectorSubcoreMesh(core_axis_name="c", subcore_axis_name="s")

    @functools.partial(
        pl.kernel,
        out_type=jax.ShapeDtypeStruct((_NPTS, _NFREQ), jnp.float32),
        mesh=mesh,
        compiler_params=pltpu.CompilerParams(needs_layout_passes=False),
        scratch_types=[
            pltpu.VMEM((chunks, 128), jnp.int32),
            pltpu.VMEM((ppw * 4,), jnp.float32),
            pltpu.VMEM((_NBUF, rows_pc, _NFREQ), jnp.float32),
            pltpu.VMEM((_NOUT, _GROUP_PTS, _NFREQ), jnp.float32),
            pltpu.SemaphoreType.DMA,
            pltpu.SemaphoreType.DMA,
        ],
    )
    def sc_kernel(table_h, idx_h, wgt_h, out_h, idx_v, wgt_v, rows_v, outb,
                  gsem, fsem):
        wid = lax.axis_index("s") * _NUM_CORES + lax.axis_index("c")
        pltpu.sync_copy(idx_h.at[pl.ds(wid * chunks, chunks)], idx_v)
        pltpu.sync_copy(wgt_h.at[pl.ds(wid * ppw * 4, ppw * 4)], wgt_v)

        def gather(c):
            return pltpu.async_copy(
                table_h.at[idx_v.at[c]], rows_v.at[c % _NBUF], gsem)

        for c in range(_NBUF - 1):
            gather(c)

        def flush_copy(g):
            gstart = wid * ppw + g * _GROUP_PTS
            return pltpu.make_async_copy(
                outb.at[g % _NOUT], out_h.at[pl.ds(gstart, _GROUP_PTS)], fsem)

        def group_body(g, carry):
            @pl.when(g >= _NOUT)
            def _drain():
                flush_copy(g - _NOUT).wait()

            ob = outb.at[g % _NOUT]
            for cc in range(cpg):
                c = g * cpg + cc
                pltpu.make_async_copy(
                    table_h.at[idx_v.at[c]], rows_v.at[c % _NBUF], gsem).wait()

                @pl.when(c + _NBUF - 1 < chunks)
                def _prefetch():
                    gather(c + _NBUF - 1)

                rows = rows_v.at[c % _NBUF]

                @plsc.parallel_loop(0, _CHUNK_PTS, 1, unroll=4)
                def _pts(pp):
                    wof = 4 * (c * _CHUNK_PTS + pp)
                    accs = [None] * nblk
                    for k in range(4):
                        wv = plsc.load_gather(
                            wgt_v, [jnp.full((_LANES,), wof + k, jnp.int32)])
                        r = 4 * pp + k
                        for j in range(nblk):
                            term = wv * rows[r, pl.ds(j * _LANES, _LANES)]
                            accs[j] = term if k == 0 else accs[j] + term
                    prow = cc * _CHUNK_PTS + pp
                    for j in range(nblk):
                        ob[prow, pl.ds(j * _LANES, _LANES)] = accs[j]

            flush_copy(g).start()
            return carry

        lax.fori_loop(0, groups, group_body, 0)
        for g in range(groups - _NOUT, groups):
            flush_copy(g).wait()

    return sc_kernel(table, idx2d, wgt)


def kernel(params, inds, wgts, freqs):
    table = params.reshape(_NFREQ, _NPIX).T
    idx2d = inds.astype(jnp.int32).reshape(_NPTS * 4 // 128, 128)
    wgt = wgts.astype(jnp.float32).reshape(_NPTS * 4)
    out_pt = _pixel_beam_sc(table, idx2d, wgt)
    return out_pt.T.reshape(1, 1, 1, _NFREQ, _NPTS)

# --- scband reference (transcript-rebuilt; emitter-appended) ---
"""Pipeline reference for scband-pixel-beam-18322330485163 (READ-ONLY COPY).

The authoritative reference and input builder live on the scoring server;
editing this copy changes nothing except your own understanding.
"""

import jax, jax.numpy as jnp
import numpy as np

NPIX = 196608   # healpix nside=128
NFREQS = 128
NPTS = 65536    # number of (zen, az) sky directions queried


def setup_inputs(seed: int = 0) -> dict:
    key = jax.random.key(seed)
    k1, k2, k3 = jax.random.split(key, 3)
    # learned beam map parameter: (Npol, Npol, Nmodel, Nfreqs, Npix)
    params = jax.random.normal(k1, (1, 1, 1, NFREQS, NPIX), dtype=jnp.float32) * 0.1
    # bilinear interpolation cache: 4 healpix neighbor indices per query direction
    inds = jax.random.randint(k2, (NPTS, 4), 0, NPIX).astype(jnp.int64)
    # bilinear weights, normalized to sum to 1 across the 4 neighbors
    wgts = jax.random.uniform(k3, (NPTS, 4), dtype=jnp.float32)
    wgts = wgts / jnp.sum(wgts, axis=-1, keepdims=True)
    freqs = jnp.linspace(1.0e8, 2.0e8, NFREQS).astype(jnp.float32)
    return {"params": params, "inds": inds, "wgts": wgts, "freqs": freqs}


def reference(params, inds, wgts, freqs):
    # PixelResponse.__call__ with interp_mode='bilinear', freq_mode='channel':
    # gather the 4 neighboring beam-map pixels for each query direction and
    # combine with the cached bilinear weights.
    # params: (1, 1, 1, Nfreqs, Npix); inds: (Npts, 4); wgts: (Npts, 4)
    nearest = jnp.take(params, inds, axis=-1)          # (1,1,1,Nfreqs,Npts,4)
    b = jnp.sum(nearest * wgts, axis=-1)               # (1,1,1,Nfreqs,Npts)
    # freq_mode == 'channel': each channel independent, no poly projection.
    # powerbeam with 1pol: beam is real-valued power beam, returned as-is.
    return b

if __name__ == "__main__":
    import jax
    _d = setup_inputs()
    print(jax.jit(kernel)(*tuple(_d.values())))

</pallas_src>

<mosaic_0001>
#map = affine_map<(d0, d1) -> (0, 0)>
#map1 = affine_map<(d0, d1) -> (0)>
module attributes {stable_mosaic.version = 14 : i64} {
  func.func @sc_kernel(%arg0: i32, %arg1: i32, %arg2: memref<196608x128xf32, #tpu.memory_space<hbm>>, %arg3: memref<2048x128xi32, #tpu.memory_space<hbm>>, %arg4: memref<262144xf32, #tpu.memory_space<hbm>>, %arg5: memref<65536x128xf32, #tpu.memory_space<hbm>>, %arg6: memref<64x128xi32, #tpu.memory_space<vmem>>, %arg7: memref<8192xf32, #tpu.memory_space<vmem>>, %arg8: memref<4x128x128xf32, #tpu.memory_space<vmem>>, %arg9: memref<2x128x128xf32, #tpu.memory_space<vmem>>, %arg10: memref<!tpu.dma_semaphore, #tpu.memory_space<semaphore_mem>>, %arg11: memref<!tpu.dma_semaphore, #tpu.memory_space<semaphore_mem>>) attributes {dimension_semantics = [#tpu.dimension_semantics<core_parallel>, #tpu.dimension_semantics<subcore_parallel>], iteration_bounds = array<i64: 2, 16>, scalar_prefetch = 0 : i64, scratch_operands = 6 : i64, tpu.core_type = #tpu.core_type<sc_vector_subcore>, window_params = [{transform_indices = #map}, {transform_indices = #map}, {transform_indices = #map1}, {transform_indices = #map}]} {
    %mul3A = arith.constant 2 : i32
    %mul3A_0 = arith.muli %arg1, %mul3A : i32
    %add3A = arith.addi %mul3A_0, %arg0 : i32
    %mul3A_1 = arith.constant 64 : i32
    %mul3A_2 = arith.muli %add3A, %mul3A_1 : i32
    "tpu.region"() ({
      %run_scoped3A = tpu.sem_alloc : memref<!tpu.dma_semaphore, #tpu.memory_space<semaphore_mem>>
      %dma_start3A_80 = arith.constant 0 : i32
      %dma_start3A_81 = tpu.memref_slice %arg3[%mul3A_2, %dma_start3A_80] : memref<2048x128xi32, #tpu.memory_space<hbm>> -> memref<64x128xi32, #tpu.memory_space<hbm>>
      %dma_start3A_82 = arith.constant 0 : i32
      %dma_start3A_83 = tpu.memref_slice %arg3[%mul3A_2, %dma_start3A_82] : memref<2048x128xi32, #tpu.memory_space<hbm>> -> memref<64x128xi32, #tpu.memory_space<hbm>>
      tpu.enqueue_dma source(%dma_start3A_83 : memref<64x128xi32, #tpu.memory_space<hbm>>) target(%arg6 : memref<64x128xi32, #tpu.memory_space<vmem>>) target_semaphore(%run_scoped3A : memref<!tpu.dma_semaphore, #tpu.memory_space<semaphore_mem>>)
      %dma_wait3A_84 = arith.constant 0 : i32
      %dma_wait3A_85 = tpu.memref_slice %arg3[%mul3A_2, %dma_wait3A_84] : memref<2048x128xi32, #tpu.memory_space<hbm>> -> memref<64x128xi32, #tpu.memory_space<hbm>>
      %dma_wait3A_86 = arith.constant 0 : i32
      %dma_wait3A_87 = tpu.memref_slice %arg3[%mul3A_2, %dma_wait3A_86] : memref<2048x128xi32, #tpu.memory_space<hbm>> -> memref<64x128xi32, #tpu.memory_space<hbm>>
      tpu.wait_dma2 semaphore(%run_scoped3A : memref<!tpu.dma_semaphore, #tpu.memory_space<semaphore_mem>>) src(%dma_wait3A_87 : memref<64x128xi32, #tpu.memory_space<hbm>>) dst(%arg6 : memref<64x128xi32, #tpu.memory_space<vmem>>)
      tpu.yield
    }) : () -> ()
    %mul3A_3 = arith.constant 2048 : i32
    %mul3A_4 = arith.muli %add3A, %mul3A_3 : i32
    %mul3A_5 = arith.constant 4 : i32
    %mul3A_6 = arith.muli %mul3A_4, %mul3A_5 : i32
    "tpu.region"() ({
      %run_scoped3A = tpu.sem_alloc : memref<!tpu.dma_semaphore, #tpu.memory_space<semaphore_mem>>
      %dma_start3A_80 = tpu.memref_slice %arg4[%mul3A_6] : memref<262144xf32, #tpu.memory_space<hbm>> -> memref<8192xf32, #tpu.memory_space<hbm>>
      %dma_start3A_81 = tpu.memref_slice %arg4[%mul3A_6] : memref<262144xf32, #tpu.memory_space<hbm>> -> memref<8192xf32, #tpu.memory_space<hbm>>
      tpu.enqueue_dma source(%dma_start3A_81 : memref<8192xf32, #tpu.memory_space<hbm>>) target(%arg7 : memref<8192xf32, #tpu.memory_space<vmem>>) target_semaphore(%run_scoped3A : memref<!tpu.dma_semaphore, #tpu.memory_space<semaphore_mem>>)
      %dma_wait3A_82 = tpu.memref_slice %arg4[%mul3A_6] : memref<262144xf32, #tpu.memory_space<hbm>> -> memref<8192xf32, #tpu.memory_space<hbm>>
      %dma_wait3A_83 = tpu.memref_slice %arg4[%mul3A_6] : memref<262144xf32, #tpu.memory_space<hbm>> -> memref<8192xf32, #tpu.memory_space<hbm>>
      tpu.wait_dma2 semaphore(%run_scoped3A : memref<!tpu.dma_semaphore, #tpu.memory_space<semaphore_mem>>) src(%dma_wait3A_83 : memref<8192xf32, #tpu.memory_space<hbm>>) dst(%arg7 : memref<8192xf32, #tpu.memory_space<vmem>>)
      tpu.yield
    }) : () -> ()
    %dma_start3A = arith.constant 0 : i32
    %dma_start3A_7 = arith.constant 0 : i32
    %dma_start3A_8 = arith.constant 0 : i32
    %dma_start3A_9 = arith.constant 0 : i32
    %dma_start3A_10 = tpu.memref_slice %arg8[%dma_start3A_7, %dma_start3A_8, %dma_start3A_9] : memref<4x128x128xf32, #tpu.memory_space<vmem>> -> memref<1x128x128xf32, #tpu.memory_space<vmem>>
    %dma_start3A_11 = tpu.memref_squeeze %dma_start3A_10 : memref<1x128x128xf32, #tpu.memory_space<vmem>> -> memref<128x128xf32, #tpu.memory_space<vmem>>
    %dma_start3A_12 = arith.constant 0 : i32
    %dma_start3A_13 = tpu.memref_slice %arg6[%dma_start3A, %dma_start3A_12] : memref<64x128xi32, #tpu.memory_space<vmem>> -> memref<1x128xi32, #tpu.memory_space<vmem>>
    %dma_start3A_14 = tpu.memref_squeeze %dma_start3A_13 : memref<1x128xi32, #tpu.memory_space<vmem>> -> memref<128xi32, #tpu.memory_space<vmem>>
    %dma_start3A_15 = arith.constant 0 : i32
    %dma_start3A_16 = arith.constant 0 : i32
    %dma_start3A_17 = tpu.memref_slice %arg2[%dma_start3A_15, %dma_start3A_16] : memref<196608x128xf32, #tpu.memory_space<hbm>> -> memref<196608x128xf32, #tpu.memory_space<hbm>>
    tpu.enqueue_indirect_dma source(%dma_start3A_17 : memref<196608x128xf32, #tpu.memory_space<hbm>>) target(%dma_start3A_11 : memref<128x128xf32, #tpu.memory_space<vmem>>) offsets(%dma_start3A_14 : memref<128xi32, #tpu.memory_space<vmem>>) semaphore(%arg10 : memref<!tpu.dma_semaphore, #tpu.memory_space<semaphore_mem>>)
    %dma_start3A_18 = arith.constant 1 : i32
    %dma_start3A_19 = arith.constant 1 : i32
    %dma_start3A_20 = arith.constant 0 : i32
    %dma_start3A_21 = arith.constant 0 : i32
    %dma_start3A_22 = tpu.memref_slice %arg8[%dma_start3A_19, %dma_start3A_20, %dma_start3A_21] : memref<4x128x128xf32, #tpu.memory_space<vmem>> -> memref<1x128x128xf32, #tpu.memory_space<vmem>>
    %dma_start3A_23 = tpu.memref_squeeze %dma_start3A_22 : memref<1x128x128xf32, #tpu.memory_space<vmem>> -> memref<128x128xf32, #tpu.memory_space<vmem>>
    %dma_start3A_24 = arith.constant 0 : i32
    %dma_start3A_25 = tpu.memref_slice %arg6[%dma_start3A_18, %dma_start3A_24] : memref<64x128xi32, #tpu.memory_space<vmem>> -> memref<1x128xi32, #tpu.memory_space<vmem>>
    %dma_start3A_26 = tpu.memref_squeeze %dma_start3A_25 : memref<1x128xi32, #tpu.memory_space<vmem>> -> memref<128xi32, #tpu.memory_space<vmem>>
    %dma_start3A_27 = arith.constant 0 : i32
    %dma_start3A_28 = arith.constant 0 : i32
    %dma_start3A_29 = tpu.memref_slice %arg2[%dma_start3A_27, %dma_start3A_28] : memref<196608x128xf32, #tpu.memory_space<hbm>> -> memref<196608x128xf32, #tpu.memory_space<hbm>>
    tpu.enqueue_indirect_dma source(%dma_start3A_29 : memref<196608x128xf32, #tpu.memory_space<hbm>>) target(%dma_start3A_23 : memref<128x128xf32, #tpu.memory_space<vmem>>) offsets(%dma_start3A_26 : memref<128xi32, #tpu.memory_space<vmem>>) semaphore(%arg10 : memref<!tpu.dma_semaphore, #tpu.memory_space<semaphore_mem>>)
    %dma_start3A_30 = arith.constant 2 : i32
    %dma_start3A_31 = arith.constant 2 : i32
    %dma_start3A_32 = arith.constant 0 : i32
    %dma_start3A_33 = arith.constant 0 : i32
    %dma_start3A_34 = tpu.memref_slice %arg8[%dma_start3A_31, %dma_start3A_32, %dma_start3A_33] : memref<4x128x128xf32, #tpu.memory_space<vmem>> -> memref<1x128x128xf32, #tpu.memory_space<vmem>>
    %dma_start3A_35 = tpu.memref_squeeze %dma_start3A_34 : memref<1x128x128xf32, #tpu.memory_space<vmem>> -> memref<128x128xf32, #tpu.memory_space<vmem>>
    %dma_start3A_36 = arith.constant 0 : i32
    %dma_start3A_37 = tpu.memref_slice %arg6[%dma_start3A_30, %dma_start3A_36] : memref<64x128xi32, #tpu.memory_space<vmem>> -> memref<1x128xi32, #tpu.memory_space<vmem>>
    %dma_start3A_38 = tpu.memref_squeeze %dma_start3A_37 : memref<1x128xi32, #tpu.memory_space<vmem>> -> memref<128xi32, #tpu.memory_space<vmem>>
    %dma_start3A_39 = arith.constant 0 : i32
    %dma_start3A_40 = arith.constant 0 : i32
    %dma_start3A_41 = tpu.memref_slice %arg2[%dma_start3A_39, %dma_start3A_40] : memref<196608x128xf32, #tpu.memory_space<hbm>> -> memref<196608x128xf32, #tpu.memory_space<hbm>>
    tpu.enqueue_indirect_dma source(%dma_start3A_41 : memref<196608x128xf32, #tpu.memory_space<hbm>>) target(%dma_start3A_35 : memref<128x128xf32, #tpu.memory_space<vmem>>) offsets(%dma_start3A_38 : memref<128xi32, #tpu.memory_space<vmem>>) semaphore(%arg10 : memref<!tpu.dma_semaphore, #tpu.memory_space<semaphore_mem>>)
    %scan3A = arith.constant 0 : i32
    %scan3A_42 = arith.constant 0 : i32
    %scan3A_43 = arith.constant 16 : i32
    %scan3A_44 = arith.addi %scan3A_42, %scan3A_43 : i32
    %scan3A_45 = arith.constant 1 : i32
    scf.for %scan3A_80 = %scan3A_42 to %scan3A_44 step %scan3A_45  : i32 {
      %ge3A = arith.constant 2 : i32
      %ge3A_81 = arith.cmpi sge, %scan3A_80, %ge3A : i32
      %convert_element_type3A = arith.extui %ge3A_81 : i1 to i32
      %cond3A = arith.constant 0 : i32
      %cond3A_82 = arith.cmpi ne, %convert_element_type3A, %cond3A : i32
      scf.if %cond3A_82 {
        %sub3A_355 = arith.constant 2 : i32
        %sub3A_356 = arith.subi %scan3A_80, %sub3A_355 : i32
        %mul3A_357 = arith.constant 2048 : i32
        %mul3A_358 = arith.muli %add3A, %mul3A_357 : i32
        %mul3A_359 = arith.constant 128 : i32
        %mul3A_360 = arith.muli %sub3A_356, %mul3A_359 : i32
        %add3A_361 = arith.addi %mul3A_358, %mul3A_360 : i32
        %jit3A_362 = arith.constant 2 : i32
        %eq3A_363 = arith.constant 0 : i32
        %eq3A_364 = arith.cmpi eq, %jit3A_362, %eq3A_363 : i32
        %jit3A_365 = arith.constant 1 : i32
        %select_n3A_366 = arith.select %eq3A_364, %jit3A_365, %jit3A_362 : i32
        %rem3A_367 = arith.remsi %sub3A_356, %select_n3A_366 : i32
        %ne3A_368 = arith.constant 0 : i32
        %ne3A_369 = arith.cmpi ne, %rem3A_367, %ne3A_368 : i32
        %lt3A_370 = arith.constant 0 : i32
        %lt3A_371 = arith.cmpi slt, %rem3A_367, %lt3A_370 : i32
        %lt3A_372 = arith.constant 0 : i32
        %lt3A_373 = arith.cmpi slt, %select_n3A_366, %lt3A_372 : i32
        %ne3A_374 = arith.xori %lt3A_371, %lt3A_373 : i1
        %and3A_375 = arith.andi %ne3A_374, %ne3A_369 : i1
        %add3A_376 = arith.addi %rem3A_367, %select_n3A_366 : i32
        %select_n3A_377 = arith.select %and3A_375, %add3A_376, %rem3A_367 : i32
        %dma_wait3A_378 = arith.constant 0 : i32
        %dma_wait3A_379 = arith.constant 0 : i32
        %dma_wait3A_380 = tpu.memref_slice %arg9[%select_n3A_377, %dma_wait3A_378, %dma_wait3A_379] : memref<2x128x128xf32, #tpu.memory_space<vmem>> -> memref<1x128x128xf32, #tpu.memory_space<vmem>>
        %dma_wait3A_381 = tpu.memref_squeeze %dma_wait3A_380 : memref<1x128x128xf32, #tpu.memory_space<vmem>> -> memref<128x128xf32, #tpu.memory_space<vmem>>
        %dma_wait3A_382 = arith.constant 0 : i32
        %dma_wait3A_383 = tpu.memref_slice %arg5[%add3A_361, %dma_wait3A_382] : memref<65536x128xf32, #tpu.memory_space<hbm>> -> memref<128x128xf32, #tpu.memory_space<hbm>>
        %dma_wait3A_384 = arith.constant 0 : i32
        %dma_wait3A_385 = tpu.memref_slice %arg5[%add3A_361, %dma_wait3A_384] : memref<65536x128xf32, #tpu.memory_space<hbm>> -> memref<128x128xf32, #tpu.memory_space<hbm>>
        %dma_wait3A_386 = arith.constant 0 : i32
        %dma_wait3A_387 = arith.constant 0 : i32
        %dma_wait3A_388 = tpu.memref_slice %arg9[%select_n3A_377, %dma_wait3A_386, %dma_wait3A_387] : memref<2x128x128xf32, #tpu.memory_space<vmem>> -> memref<1x128x128xf32, #tpu.memory_space<vmem>>
        %dma_wait3A_389 = tpu.memref_squeeze %dma_wait3A_388 : memref<1x128x128xf32, #tpu.memory_space<vmem>> -> memref<128x128xf32, #tpu.memory_space<vmem>>
        tpu.wait_dma2 semaphore(%arg11 : memref<!tpu.dma_semaphore, #tpu.memory_space<semaphore_mem>>) src(%dma_wait3A_389 : memref<128x128xf32, #tpu.memory_space<vmem>>) dst(%dma_wait3A_385 : memref<128x128xf32, #tpu.memory_space<hbm>>)
      } else {
      }
      %jit3A = arith.constant 2 : i32
      %eq3A = arith.constant 0 : i32
      %eq3A_83 = arith.cmpi eq, %jit3A, %eq3A : i32
      %jit3A_84 = arith.constant 1 : i32
      %select_n3A = arith.select %eq3A_83, %jit3A_84, %jit3A : i32
      %rem3A = arith.remsi %scan3A_80, %select_n3A : i32
      %ne3A = arith.constant 0 : i32
      %ne3A_85 = arith.cmpi ne, %rem3A, %ne3A : i32
      %lt3A = arith.constant 0 : i32
      %lt3A_86 = arith.cmpi slt, %rem3A, %lt3A : i32
      %lt3A_87 = arith.constant 0 : i32
      %lt3A_88 = arith.cmpi slt, %select_n3A, %lt3A_87 : i32
      %ne3A_89 = arith.xori %lt3A_86, %lt3A_88 : i1
      %and3A = arith.andi %ne3A_89, %ne3A_85 : i1
      %add3A_90 = arith.addi %rem3A, %select_n3A : i32
      %select_n3A_91 = arith.select %and3A, %add3A_90, %rem3A : i32
      %mul3A_92 = arith.constant 4 : i32
      %mul3A_93 = arith.muli %scan3A_80, %mul3A_92 : i32
      %add3A_94 = arith.constant 0 : i32
      %add3A_95 = arith.addi %mul3A_93, %add3A_94 : i32
      %jit3A_96 = arith.constant 4 : i32
      %eq3A_97 = arith.constant 0 : i32
      %eq3A_98 = arith.cmpi eq, %jit3A_96, %eq3A_97 : i32
      %jit3A_99 = arith.constant 1 : i32
      %select_n3A_100 = arith.select %eq3A_98, %jit3A_99, %jit3A_96 : i32
      %rem3A_101 = arith.remsi %add3A_95, %select_n3A_100 : i32
      %ne3A_102 = arith.constant 0 : i32
      %ne3A_103 = arith.cmpi ne, %rem3A_101, %ne3A_102 : i32
      %lt3A_104 = arith.constant 0 : i32
      %lt3A_105 = arith.cmpi slt, %rem3A_101, %lt3A_104 : i32
      %lt3A_106 = arith.constant 0 : i32
      %lt3A_107 = arith.cmpi slt, %select_n3A_100, %lt3A_106 : i32
      %ne3A_108 = arith.xori %lt3A_105, %lt3A_107 : i1
      %and3A_109 = arith.andi %ne3A_108, %ne3A_103 : i1
      %add3A_110 = arith.addi %rem3A_101, %select_n3A_100 : i32
      %select_n3A_111 = arith.select %and3A_109, %add3A_110, %rem3A_101 : i32
      %dma_wait3A_112 = arith.constant 0 : i32
      %dma_wait3A_113 = arith.constant 0 : i32
      %dma_wait3A_114 = tpu.memref_slice %arg8[%select_n3A_111, %dma_wait3A_112, %dma_wait3A_113] : memref<4x128x128xf32, #tpu.memory_space<vmem>> -> memref<1x128x128xf32, #tpu.memory_space<vmem>>
      %dma_wait3A_115 = tpu.memref_squeeze %dma_wait3A_114 : memref<1x128x128xf32, #tpu.memory_space<vmem>> -> memref<128x128xf32, #tpu.memory_space<vmem>>
      %dma_wait3A_116 = arith.constant 0 : i32
      %dma_wait3A_117 = tpu.memref_slice %arg6[%add3A_95, %dma_wait3A_116] : memref<64x128xi32, #tpu.memory_space<vmem>> -> memref<1x128xi32, #tpu.memory_space<vmem>>
      %dma_wait3A_118 = tpu.memref_squeeze %dma_wait3A_117 : memref<1x128xi32, #tpu.memory_space<vmem>> -> memref<128xi32, #tpu.memory_space<vmem>>
      %dma_wait3A_119 = arith.constant 0 : i32
      %dma_wait3A_120 = arith.constant 0 : i32
      %dma_wait3A_121 = tpu.memref_slice %arg2[%dma_wait3A_119, %dma_wait3A_120] : memref<196608x128xf32, #tpu.memory_space<hbm>> -> memref<196608x128xf32, #tpu.memory_space<hbm>>
      tpu.wait_indirect_dma semaphore(%arg10 : memref<!tpu.dma_semaphore, #tpu.memory_space<semaphore_mem>>) src(%dma_wait3A_121 : memref<196608x128xf32, #tpu.memory_space<hbm>>) dst(%dma_wait3A_115 : memref<128x128xf32, #tpu.memory_space<vmem>>)
      %add3A_122 = arith.constant 4 : i32
      %add3A_123 = arith.addi %add3A_95, %add3A_122 : i32
      %sub3A = arith.constant 1 : i32
      %sub3A_124 = arith.subi %add3A_123, %sub3A : i32
      %lt3A_125 = arith.constant 64 : i32
      %lt3A_126 = arith.cmpi slt, %sub3A_124, %lt3A_125 : i32
      %convert_element_type3A_127 = arith.extui %lt3A_126 : i1 to i32
      %cond3A_128 = arith.constant 0 : i32
      %cond3A_129 = arith.cmpi ne, %convert_element_type3A_127, %cond3A_128 : i32
      scf.if %cond3A_129 {
        %add3A_355 = arith.constant 4 : i32
        %add3A_356 = arith.addi %add3A_95, %add3A_355 : i32
        %sub3A_357 = arith.constant 1 : i32
        %sub3A_358 = arith.subi %add3A_356, %sub3A_357 : i32
        %jit3A_359 = arith.constant 4 : i32
        %eq3A_360 = arith.constant 0 : i32
        %eq3A_361 = arith.cmpi eq, %jit3A_359, %eq3A_360 : i32
        %jit3A_362 = arith.constant 1 : i32
        %select_n3A_363 = arith.select %eq3A_361, %jit3A_362, %jit3A_359 : i32
        %rem3A_364 = arith.remsi %sub3A_358, %select_n3A_363 : i32
        %ne3A_365 = arith.constant 0 : i32
        %ne3A_366 = arith.cmpi ne, %rem3A_364, %ne3A_365 : i32
        %lt3A_367 = arith.constant 0 : i32
        %lt3A_368 = arith.cmpi slt, %rem3A_364, %lt3A_367 : i32
        %lt3A_369 = arith.constant 0 : i32
        %lt3A_370 = arith.cmpi slt, %select_n3A_363, %lt3A_369 : i32
        %ne3A_371 = arith.xori %lt3A_368, %lt3A_370 : i1
        %and3A_372 = arith.andi %ne3A_371, %ne3A_366 : i1
        %add3A_373 = arith.addi %rem3A_364, %select_n3A_363 : i32
        %select_n3A_374 = arith.select %and3A_372, %add3A_373, %rem3A_364 : i32
        %dma_start3A_375 = arith.constant 0 : i32
        %dma_start3A_376 = arith.constant 0 : i32
        %dma_start3A_377 = tpu.memref_slice %arg8[%select_n3A_374, %dma_start3A_375, %dma_start3A_376] : memref<4x128x128xf32, #tpu.memory_space<vmem>> -> memref<1x128x128xf32, #tpu.memory_space<vmem>>
        %dma_start3A_378 = tpu.memref_squeeze %dma_start3A_377 : memref<1x128x128xf32, #tpu.memory_space<vmem>> -> memref<128x128xf32, #tpu.memory_space<vmem>>
        %dma_start3A_379 = arith.constant 0 : i32
        %dma_start3A_380 = tpu.memref_slice %arg6[%sub3A_358, %dma_start3A_379] : memref<64x128xi32, #tpu.memory_space<vmem>> -> memref<1x128xi32, #tpu.memory_space<vmem>>
        %dma_start3A_381 = tpu.memref_squeeze %dma_start3A_380 : memref<1x128xi32, #tpu.memory_space<vmem>> -> memref<128xi32, #tpu.memory_space<vmem>>
        %dma_start3A_382 = arith.constant 0 : i32
        %dma_start3A_383 = arith.constant 0 : i32
        %dma_start3A_384 = tpu.memref_slice %arg2[%dma_start3A_382, %dma_start3A_383] : memref<196608x128xf32, #tpu.memory_space<hbm>> -> memref<196608x128xf32, #tpu.memory_space<hbm>>
        tpu.enqueue_indirect_dma source(%dma_start3A_384 : memref<196608x128xf32, #tpu.memory_space<hbm>>) target(%dma_start3A_378 : memref<128x128xf32, #tpu.memory_space<vmem>>) offsets(%dma_start3A_381 : memref<128xi32, #tpu.memory_space<vmem>>) semaphore(%arg10 : memref<!tpu.dma_semaphore, #tpu.memory_space<semaphore_mem>>)
      } else {
      }
      %jit3A_130 = arith.constant 4 : i32
      %eq3A_131 = arith.constant 0 : i32
      %eq3A_132 = arith.cmpi eq, %jit3A_130, %eq3A_131 : i32
      %jit3A_133 = arith.constant 1 : i32
      %select_n3A_134 = arith.select %eq3A_132, %jit3A_133, %jit3A_130 : i32
      %rem3A_135 = arith.remsi %add3A_95, %select_n3A_134 : i32
      %ne3A_136 = arith.constant 0 : i32
      %ne3A_137 = arith.cmpi ne, %rem3A_135, %ne3A_136 : i32
      %lt3A_138 = arith.constant 0 : i32
      %lt3A_139 = arith.cmpi slt, %rem3A_135, %lt3A_138 : i32
      %lt3A_140 = arith.constant 0 : i32
      %lt3A_141 = arith.cmpi slt, %select_n3A_134, %lt3A_140 : i32
      %ne3A_142 = arith.xori %lt3A_139, %lt3A_141 : i1
      %and3A_143 = arith.andi %ne3A_142, %ne3A_137 : i1
      %add3A_144 = arith.addi %rem3A_135, %select_n3A_134 : i32
      %select_n3A_145 = arith.select %and3A_143, %add3A_144, %rem3A_135 : i32
      %parallel_loop3A = arith.constant 0 : i32
      %parallel_loop3A_146 = arith.constant 32 : i32
      %parallel_loop3A_147 = arith.constant 1 : i32
      scf.for %parallel_loop3A_355 = %parallel_loop3A to %parallel_loop3A_146 step %parallel_loop3A_147  : i32 {
        %parallel_loop3A_356 = arith.constant 32 : i32
        %parallel_loop3A_357 = arith.muli %add3A_95, %parallel_loop3A_356 : i32
        %parallel_loop3A_358 = arith.addi %parallel_loop3A_357, %parallel_loop3A_355 : i32
        %parallel_loop3A_359 = arith.constant 4 : i32
        %parallel_loop3A_360 = arith.muli %parallel_loop3A_359, %parallel_loop3A_358 : i32
        %parallel_loop3A_361 = arith.constant 0 : i32
        %parallel_loop3A_362 = arith.addi %parallel_loop3A_360, %parallel_loop3A_361 : i32
        %parallel_loop3A_363 = vector.broadcast %parallel_loop3A_362 : i32 to vector<16xi32>
        %parallel_loop3A_364 = tpu.vector_load_idx %arg7[%parallel_loop3A_363] : memref<8192xf32, #tpu.memory_space<vmem>>[vector<16xi32>], vector<16xf32>,
        %parallel_loop3A_365 = arith.constant 4 : i32
        %parallel_loop3A_366 = arith.muli %parallel_loop3A_365, %parallel_loop3A_355 : i32
        %parallel_loop3A_367 = arith.constant 0 : i32
        %parallel_loop3A_368 = arith.addi %parallel_loop3A_366, %parallel_loop3A_367 : i32
        %parallel_loop3A_369 = arith.constant 0 : i32
        %parallel_loop3A_370 = arith.constant 0 : i32
        %parallel_loop3A_371 = tpu.memref_slice %arg8[%select_n3A_145, %parallel_loop3A_369, %parallel_loop3A_370] : memref<4x128x128xf32, #tpu.memory_space<vmem>> -> memref<1x128x128xf32, #tpu.memory_space<vmem>>
        %parallel_loop3A_372 = tpu.memref_squeeze %parallel_loop3A_371 : memref<1x128x128xf32, #tpu.memory_space<vmem>> -> memref<128x128xf32, #tpu.memory_space<vmem>>
        %parallel_loop3A_373 = arith.index_cast %parallel_loop3A_368 : i32 to index
        %parallel_loop3A_374 = arith.constant 0 : index
        %parallel_loop3A_375 = tpu.vector_load %parallel_loop3A_372[%parallel_loop3A_373, %parallel_loop3A_374] {strides = array<i32>} : memref<128x128xf32, #tpu.memory_space<vmem>>, vector<16xf32>,
        %parallel_loop3A_376 = arith.mulf %parallel_loop3A_364, %parallel_loop3A_375 : vector<16xf32>
        %parallel_loop3A_377 = arith.constant 0 : i32
        %parallel_loop3A_378 = arith.constant 0 : i32
        %parallel_loop3A_379 = tpu.memref_slice %arg8[%select_n3A_145, %parallel_loop3A_377, %parallel_loop3A_378] : memref<4x128x128xf32, #tpu.memory_space<vmem>> -> memref<1x128x128xf32, #tpu.memory_space<vmem>>
        %parallel_loop3A_380 = tpu.memref_squeeze %parallel_loop3A_379 : memref<1x128x128xf32, #tpu.memory_space<vmem>> -> memref<128x128xf32, #tpu.memory_space<vmem>>
        %parallel_loop3A_381 = arith.index_cast %parallel_loop3A_368 : i32 to index
        %parallel_loop3A_382 = arith.constant 16 : index
        %parallel_loop3A_383 = tpu.vector_load %parallel_loop3A_380[%parallel_loop3A_381, %parallel_loop3A_382] {strides = array<i32>} : memref<128x128xf32, #tpu.memory_space<vmem>>, vector<16xf32>,
        %parallel_loop3A_384 = arith.mulf %parallel_loop3A_364, %parallel_loop3A_383 : vector<16xf32>
        %parallel_loop3A_385 = arith.constant 0 : i32
        %parallel_loop3A_386 = arith.constant 0 : i32
        %parallel_loop3A_387 = tpu.memref_slice %arg8[%select_n3A_145, %parallel_loop3A_385, %parallel_loop3A_386] : memref<4x128x128xf32, #tpu.memory_space<vmem>> -> memref<1x128x128xf32, #tpu.memory_space<vmem>>
        %parallel_loop3A_388 = tpu.memref_squeeze %parallel_loop3A_387 : memref<1x128x128xf32, #tpu.memory_space<vmem>> -> memref<128x128xf32, #tpu.memory_space<vmem>>
        %parallel_loop3A_389 = arith.index_cast %parallel_loop3A_368 : i32 to index
        %parallel_loop3A_390 = arith.constant 32 : index
        %parallel_loop3A_391 = tpu.vector_load %parallel_loop3A_388[%parallel_loop3A_389, %parallel_loop3A_390] {strides = array<i32>} : memref<128x128xf32, #tpu.memory_space<vmem>>, vector<16xf32>,
        %parallel_loop3A_392 = arith.mulf %parallel_loop3A_364, %parallel_loop3A_391 : vector<16xf32>
        %parallel_loop3A_393 = arith.constant 0 : i32
        %parallel_loop3A_394 = arith.constant 0 : i32
        %parallel_loop3A_395 = tpu.memref_slice %arg8[%select_n3A_145, %parallel_loop3A_393, %parallel_loop3A_394] : memref<4x128x128xf32, #tpu.memory_space<vmem>> -> memref<1x128x128xf32, #tpu.memory_space<vmem>>
        %parallel_loop3A_396 = tpu.memref_squeeze %parallel_loop3A_395 : memref<1x128x128xf32, #tpu.memory_space<vmem>> -> memref<128x128xf32, #tpu.memory_space<vmem>>
        %parallel_loop3A_397 = arith.index_cast %parallel_loop3A_368 : i32 to index
        %parallel_loop3A_398 = arith.constant 48 : index
        %parallel_loop3A_399 = tpu.vector_load %parallel_loop3A_396[%parallel_loop3A_397, %parallel_loop3A_398] {strides = array<i32>} : memref<128x128xf32, #tpu.memory_space<vmem>>, vector<16xf32>,
        %parallel_loop3A_400 = arith.mulf %parallel_loop3A_364, %parallel_loop3A_399 : vector<16xf32>
        %parallel_loop3A_401 = arith.constant 0 : i32
        %parallel_loop3A_402 = arith.constant 0 : i32
        %parallel_loop3A_403 = tpu.memref_slice %arg8[%select_n3A_145, %parallel_loop3A_401, %parallel_loop3A_402] : memref<4x128x128xf32, #tpu.memory_space<vmem>> -> memref<1x128x128xf32, #tpu.memory_space<vmem>>
        %parallel_loop3A_404 = tpu.memref_squeeze %parallel_loop3A_403 : memref<1x128x128xf32, #tpu.memory_space<vmem>> -> memref<128x128xf32, #tpu.memory_space<vmem>>
        %parallel_loop3A_405 = arith.index_cast %parallel_loop3A_368 : i32 to index
        %parallel_loop3A_406 = arith.constant 64 : index
        %parallel_loop3A_407 = tpu.vector_load %parallel_loop3A_404[%parallel_loop3A_405, %parallel_loop3A_406] {strides = array<i32>} : memref<128x128xf32, #tpu.memory_space<vmem>>, vector<16xf32>,
        %parallel_loop3A_408 = arith.mulf %parallel_loop3A_364, %parallel_loop3A_407 : vector<16xf32>
        %parallel_loop3A_409 = arith.constant 0 : i32
        %parallel_loop3A_410 = arith.constant 0 : i32
        %parallel_loop3A_411 = tpu.memref_slice %arg8[%select_n3A_145, %parallel_loop3A_409, %parallel_loop3A_410] : memref<4x128x128xf32, #tpu.memory_space<vmem>> -> memref<1x128x128xf32, #tpu.memory_space<vmem>>
        %parallel_loop3A_412 = tpu.memref_squeeze %parallel_loop3A_411 : memref<1x128x128xf32, #tpu.memory_space<vmem>> -> memref<128x128xf32, #tpu.memory_space<vmem>>
        %parallel_loop3A_413 = arith.index_cast %parallel_loop3A_368 : i32 to index
        %parallel_loop3A_414 = arith.constant 80 : index
        %parallel_loop3A_415 = tpu.vector_load %parallel_loop3A_412[%parallel_loop3A_413, %parallel_loop3A_414] {strides = array<i32>} : memref<128x128xf32, #tpu.memory_space<vmem>>, vector<16xf32>,
        %parallel_loop3A_416 = arith.mulf %parallel_loop3A_364, %parallel_loop3A_415 : vector<16xf32>
        %parallel_loop3A_417 = arith.constant 0 : i32
        %parallel_loop3A_418 = arith.constant 0 : i32
        %parallel_loop3A_419 = tpu.memref_slice %arg8[%select_n3A_145, %parallel_loop3A_417, %parallel_loop3A_418] : memref<4x128x128xf32, #tpu.memory_space<vmem>> -> memref<1x128x128xf32, #tpu.memory_space<vmem>>
        %parallel_loop3A_420 = tpu.memref_squeeze %parallel_loop3A_419 : memref<1x128x128xf32, #tpu.memory_space<vmem>> -> memref<128x128xf32, #tpu.memory_space<vmem>>
        %parallel_loop3A_421 = arith.index_cast %parallel_loop3A_368 : i32 to index
        %parallel_loop3A_422 = arith.constant 96 : index
        %parallel_loop3A_423 = tpu.vector_load %parallel_loop3A_420[%parallel_loop3A_421, %parallel_loop3A_422] {strides = array<i32>} : memref<128x128xf32, #tpu.memory_space<vmem>>, vector<16xf32>,
        %parallel_loop3A_424 = arith.mulf %parallel_loop3A_364, %parallel_loop3A_423 : vector<16xf32>
        %parallel_loop3A_425 = arith.constant 0 : i32
        %parallel_loop3A_426 = arith.constant 0 : i32
        %parallel_loop3A_427 = tpu.memref_slice %arg8[%select_n3A_145, %parallel_loop3A_425, %parallel_loop3A_426] : memref<4x128x128xf32, #tpu.memory_space<vmem>> -> memref<1x128x128xf32, #tpu.memory_space<vmem>>
        %parallel_loop3A_428 = tpu.memref_squeeze %parallel_loop3A_427 : memref<1x128x128xf32, #tpu.memory_space<vmem>> -> memref<128x128xf32, #tpu.memory_space<vmem>>
        %parallel_loop3A_429 = arith.index_cast %parallel_loop3A_368 : i32 to index
        %parallel_loop3A_430 = arith.constant 112 : index
        %parallel_loop3A_431 = tpu.vector_load %parallel_loop3A_428[%parallel_loop3A_429, %parallel_loop3A_430] {strides = array<i32>} : memref<128x128xf32, #tpu.memory_space<vmem>>, vector<16xf32>,
        %parallel_loop3A_432 = arith.mulf %parallel_loop3A_364, %parallel_loop3A_431 : vector<16xf32>
        %parallel_loop3A_433 = arith.constant 1 : i32
        %parallel_loop3A_434 = arith.addi %parallel_loop3A_360, %parallel_loop3A_433 : i32
        %parallel_loop3A_435 = vector.broadcast %parallel_loop3A_434 : i32 to vector<16xi32>
        %parallel_loop3A_436 = tpu.vector_load_idx %arg7[%parallel_loop3A_435] : memref<8192xf32, #tpu.memory_space<vmem>>[vector<16xi32>], vector<16xf32>,
        %parallel_loop3A_437 = arith.constant 4 : i32
        %parallel_loop3A_438 = arith.muli %parallel_loop3A_437, %parallel_loop3A_355 : i32
        %parallel_loop3A_439 = arith.constant 1 : i32
        %parallel_loop3A_440 = arith.addi %parallel_loop3A_438, %parallel_loop3A_439 : i32
        %parallel_loop3A_441 = arith.constant 0 : i32
        %parallel_loop3A_442 = arith.constant 0 : i32
        %parallel_loop3A_443 = tpu.memref_slice %arg8[%select_n3A_145, %parallel_loop3A_441, %parallel_loop3A_442] : memref<4x128x128xf32, #tpu.memory_space<vmem>> -> memref<1x128x128xf32, #tpu.memory_space<vmem>>
        %parallel_loop3A_444 = tpu.memref_squeeze %parallel_loop3A_443 : memref<1x128x128xf32, #tpu.memory_space<vmem>> -> memref<128x128xf32, #tpu.memory_space<vmem>>
        %parallel_loop3A_445 = arith.index_cast %parallel_loop3A_440 : i32 to index
        %parallel_loop3A_446 = arith.constant 0 : index
        %parallel_loop3A_447 = tpu.vector_load %parallel_loop3A_444[%parallel_loop3A_445, %parallel_loop3A_446] {strides = array<i32>} : memref<128x128xf32, #tpu.memory_space<vmem>>, vector<16xf32>,
        %parallel_loop3A_448 = arith.mulf %parallel_loop3A_436, %parallel_loop3A_447 : vector<16xf32>
        %parallel_loop3A_449 = arith.addf %parallel_loop3A_376, %parallel_loop3A_448 : vector<16xf32>
        %parallel_loop3A_450 = arith.constant 0 : i32
        %parallel_loop3A_451 = arith.constant 0 : i32
        %parallel_loop3A_452 = tpu.memref_slice %arg8[%select_n3A_145, %parallel_loop3A_450, %parallel_loop3A_451] : memref<4x128x128xf32, #tpu.memory_space<vmem>> -> memref<1x128x128xf32, #tpu.memory_space<vmem>>
        %parallel_loop3A_453 = tpu.memref_squeeze %parallel_loop3A_452 : memref<1x128x128xf32, #tpu.memory_space<vmem>> -> memref<128x128xf32, #tpu.memory_space<vmem>>
        %parallel_loop3A_454 = arith.index_cast %parallel_loop3A_440 : i32 to index
        %parallel_loop3A_455 = arith.constant 16 : index
        %parallel_loop3A_456 = tpu.vector_load %parallel_loop3A_453[%parallel_loop3A_454, %parallel_loop3A_455] {strides = array<i32>} : memref<128x128xf32, #tpu.memory_space<vmem>>, vector<16xf32>,
        %parallel_loop3A_457 = arith.mulf %parallel_loop3A_436, %parallel_loop3A_456 : vector<16xf32>
        %parallel_loop3A_458 = arith.addf %parallel_loop3A_384, %parallel_loop3A_457 : vector<16xf32>
        %parallel_loop3A_459 = arith.constant 0 : i32
        %parallel_loop3A_460 = arith.constant 0 : i32
        %parallel_loop3A_461 = tpu.memref_slice %arg8[%select_n3A_145, %parallel_loop3A_459, %parallel_loop3A_460] : memref<4x128x128xf32, #tpu.memory_space<vmem>> -> memref<1x128x128xf32, #tpu.memory_space<vmem>>
        %parallel_loop3A_462 = tpu.memref_squeeze %parallel_loop3A_461 : memref<1x128x128xf32, #tpu.memory_space<vmem>> -> memref<128x128xf32, #tpu.memory_space<vmem>>
        %parallel_loop3A_463 = arith.index_cast %parallel_loop3A_440 : i32 to index
        %parallel_loop3A_464 = arith.constant 32 : index
        %parallel_loop3A_465 = tpu.vector_load %parallel_loop3A_462[%parallel_loop3A_463, %parallel_loop3A_464] {strides = array<i32>} : memref<128x128xf32, #tpu.memory_space<vmem>>, vector<16xf32>,
        %parallel_loop3A_466 = arith.mulf %parallel_loop3A_436, %parallel_loop3A_465 : vector<16xf32>
        %parallel_loop3A_467 = arith.addf %parallel_loop3A_392, %parallel_loop3A_466 : vector<16xf32>
        %parallel_loop3A_468 = arith.constant 0 : i32
        %parallel_loop3A_469 = arith.constant 0 : i32
        %parallel_loop3A_470 = tpu.memref_slice %arg8[%select_n3A_145, %parallel_loop3A_468, %parallel_loop3A_469] : memref<4x128x128xf32, #tpu.memory_space<vmem>> -> memref<1x128x128xf32, #tpu.memory_space<vmem>>
        %parallel_loop3A_471 = tpu.memref_squeeze %parallel_loop3A_470 : memref<1x128x128xf32, #tpu.memory_space<vmem>> -> memref<128x128xf32, #tpu.memory_space<vmem>>
        %parallel_loop3A_472 = arith.index_cast %parallel_loop3A_440 : i32 to index
        %parallel_loop3A_473 = arith.constant 48 : index
        %parallel_loop3A_474 = tpu.vector_load %parallel_loop3A_471[%parallel_loop3A_472, %parallel_loop3A_473] {strides = array<i32>} : memref<128x128xf32, #tpu.memory_space<vmem>>, vector<16xf32>,
        %parallel_loop3A_475 = arith.mulf %parallel_loop3A_436, %parallel_loop3A_474 : vector<16xf32>
        %parallel_loop3A_476 = arith.addf %parallel_loop3A_400, %parallel_loop3A_475 : vector<16xf32>
        %parallel_loop3A_477 = arith.constant 0 : i32
        %parallel_loop3A_478 = arith.constant 0 : i32
        %parallel_loop3A_479 = tpu.memref_slice %arg8[%select_n3A_145, %parallel_loop3A_477, %parallel_loop3A_478] : memref<4x128x128xf32, #tpu.memory_space<vmem>> -> memref<1x128x128xf32, #tpu.memory_space<vmem>>
        %parallel_loop3A_480 = tpu.memref_squeeze %parallel_loop3A_479 : memref<1x128x128xf32, #tpu.memory_space<vmem>> -> memref<128x128xf32, #tpu.memory_space<vmem>>
        %parallel_loop3A_481 = arith.index_cast %parallel_loop3A_440 : i32 to index
        %parallel_loop3A_482 = arith.constant 64 : index
        %parallel_loop3A_483 = tpu.vector_load %parallel_loop3A_480[%parallel_loop3A_481, %parallel_loop3A_482] {strides = array<i32>} : memref<128x128xf32, #tpu.memory_space<vmem>>, vector<16xf32>,
        %parallel_loop3A_484 = arith.mulf %parallel_loop3A_436, %parallel_loop3A_483 : vector<16xf32>
        %parallel_loop3A_485 = arith.addf %parallel_loop3A_408, %parallel_loop3A_484 : vector<16xf32>
        %parallel_loop3A_486 = arith.constant 0 : i32
        %parallel_loop3A_487 = arith.constant 0 : i32
        %parallel_loop3A_488 = tpu.memref_slice %arg8[%select_n3A_145, %parallel_loop3A_486, %parallel_loop3A_487] : memref<4x128x128xf32, #tpu.memory_space<vmem>> -> memref<1x128x128xf32, #tpu.memory_space<vmem>>
        %parallel_loop3A_489 = tpu.memref_squeeze %parallel_loop3A_488 : memref<1x128x128xf32, #tpu.memory_space<vmem>> -> memref<128x128xf32, #tpu.memory_space<vmem>>
        %parallel_loop3A_490 = arith.index_cast %parallel_loop3A_440 : i32 to index
        %parallel_loop3A_491 = arith.constant 80 : index
        %parallel_loop3A_492 = tpu.vector_load %parallel_loop3A_489[%parallel_loop3A_490, %parallel_loop3A_491] {strides = array<i32>} : memref<128x128xf32, #tpu.memory_space<vmem>>, vector<16xf32>,
        %parallel_loop3A_493 = arith.mulf %parallel_loop3A_436, %parallel_loop3A_492 : vector<16xf32>
        %parallel_loop3A_494 = arith.addf %parallel_loop3A_416, %parallel_loop3A_493 : vector<16xf32>
        %parallel_loop3A_495 = arith.constant 0 : i32
        %parallel_loop3A_496 = arith.constant 0 : i32
        %parallel_loop3A_497 = tpu.memref_slice %arg8[%select_n3A_145, %parallel_loop3A_495, %parallel_loop3A_496] : memref<4x128x128xf32, #tpu.memory_space<vmem>> -> memref<1x128x128xf32, #tpu.memory_space<vmem>>
        %parallel_loop3A_498 = tpu.memref_squeeze %parallel_loop3A_497 : memref<1x128x128xf32, #tpu.memory_space<vmem>> -> memref<128x128xf32, #tpu.memory_space<vmem>>
        %parallel_loop3A_499 = arith.index_cast %parallel_loop3A_440 : i32 to index
        %parallel_loop3A_500 = arith.constant 96 : index
        %parallel_loop3A_501 = tpu.vector_load %parallel_loop3A_498[%parallel_loop3A_499, %parallel_loop3A_500] {strides = array<i32>} : memref<128x128xf32, #tpu.memory_space<vmem>>, vector<16xf32>,
        %parallel_loop3A_502 = arith.mulf %parallel_loop3A_436, %parallel_loop3A_501 : vector<16xf32>
        %parallel_loop3A_503 = arith.addf %parallel_loop3A_424, %parallel_loop3A_502 : vector<16xf32>
        %parallel_loop3A_504 = arith.constant 0 : i32
        %parallel_loop3A_505 = arith.constant 0 : i32
        %parallel_loop3A_506 = tpu.memref_slice %arg8[%select_n3A_145, %parallel_loop3A_504, %parallel_loop3A_505] : memref<4x128x128xf32, #tpu.memory_space<vmem>> -> memref<1x128x128xf32, #tpu.memory_space<vmem>>
        %parallel_loop3A_507 = tpu.memref_squeeze %parallel_loop3A_506 : memref<1x128x128xf32, #tpu.memory_space<vmem>> -> memref<128x128xf32, #tpu.memory_space<vmem>>
        %parallel_loop3A_508 = arith.index_cast %parallel_loop3A_440 : i32 to index
        %parallel_loop3A_509 = arith.constant 112 : index
        %parallel_loop3A_510 = tpu.vector_load %parallel_loop3A_507[%parallel_loop3A_508, %parallel_loop3A_509] {strides = array<i32>} : memref<128x128xf32, #tpu.memory_space<vmem>>, vector<16xf32>,
        %parallel_loop3A_511 = arith.mulf %parallel_loop3A_436, %parallel_loop3A_510 : vector<16xf32>
        %parallel_loop3A_512 = arith.addf %parallel_loop3A_432, %parallel_loop3A_511 : vector<16xf32>
        %parallel_loop3A_513 = arith.constant 2 : i32
        %parallel_loop3A_514 = arith.addi %parallel_loop3A_360, %parallel_loop3A_513 : i32
        %parallel_loop3A_515 = vector.broadcast %parallel_loop3A_514 : i32 to vector<16xi32>
        %parallel_loop3A_516 = tpu.vector_load_idx %arg7[%parallel_loop3A_515] : memref<8192xf32, #tpu.memory_space<vmem>>[vector<16xi32>], vector<16xf32>,
        %parallel_loop3A_517 = arith.constant 4 : i32
        %parallel_loop3A_518 = arith.muli %parallel_loop3A_517, %parallel_loop3A_355 : i32
        %parallel_loop3A_519 = arith.constant 2 : i32
        %parallel_loop3A_520 = arith.addi %parallel_loop3A_518, %parallel_loop3A_519 : i32
        %parallel_loop3A_521 = arith.constant 0 : i32
        %parallel_loop3A_522 = arith.constant 0 : i32
        %parallel_loop3A_523 = tpu.memref_slice %arg8[%select_n3A_145, %parallel_loop3A_521, %parallel_loop3A_522] : memref<4x128x128xf32, #tpu.memory_space<vmem>> -> memref<1x128x128xf32, #tpu.memory_space<vmem>>
        %parallel_loop3A_524 = tpu.memref_squeeze %parallel_loop3A_523 : memref<1x128x128xf32, #tpu.memory_space<vmem>> -> memref<128x128xf32, #tpu.memory_space<vmem>>
        %parallel_loop3A_525 = arith.index_cast %parallel_loop3A_520 : i32 to index
        %parallel_loop3A_526 = arith.constant 0 : index
        %parallel_loop3A_527 = tpu.vector_load %parallel_loop3A_524[%parallel_loop3A_525, %parallel_loop3A_526] {strides = array<i32>} : memref<128x128xf32, #tpu.memory_space<vmem>>, vector<16xf32>,
        %parallel_loop3A_528 = arith.mulf %parallel_loop3A_516, %parallel_loop3A_527 : vector<16xf32>
        %parallel_loop3A_529 = arith.addf %parallel_loop3A_449, %parallel_loop3A_528 : vector<16xf32>
        %parallel_loop3A_530 = arith.constant 0 : i32
        %parallel_loop3A_531 = arith.constant 0 : i32
        %parallel_loop3A_532 = tpu.memref_slice %arg8[%select_n3A_145, %parallel_loop3A_530, %parallel_loop3A_531] : memref<4x128x128xf32, #tpu.memory_space<vmem>> -> memref<1x128x128xf32, #tpu.memory_space<vmem>>
        %parallel_loop3A_533 = tpu.memref_squeeze %parallel_loop3A_532 : memref<1x128x128xf32, #tpu.memory_space<vmem>> -> memref<128x128xf32, #tpu.memory_space<vmem>>
        %parallel_loop3A_534 = arith.index_cast %parallel_loop3A_520 : i32 to index
        %parallel_loop3A_535 = arith.constant 16 : index
        %parallel_loop3A_536 = tpu.vector_load %parallel_loop3A_533[%parallel_loop3A_534, %parallel_loop3A_535] {strides = array<i32>} : memref<128x128xf32, #tpu.memory_space<vmem>>, vector<16xf32>,
        %parallel_loop3A_537 = arith.mulf %parallel_loop3A_516, %parallel_loop3A_536 : vector<16xf32>
        %parallel_loop3A_538 = arith.addf %parallel_loop3A_458, %parallel_loop3A_537 : vector<16xf32>
        %parallel_loop3A_539 = arith.constant 0 : i32
        %parallel_loop3A_540 = arith.constant 0 : i32
        %parallel_loop3A_541 = tpu.memref_slice %arg8[%select_n3A_145, %parallel_loop3A_539, %parallel_loop3A_540] : memref<4x128x128xf32, #tpu.memory_space<vmem>> -> memref<1x128x128xf32, #tpu.memory_space<vmem>>
        %parallel_loop3A_542 = tpu.memref_squeeze %parallel_loop3A_541 : memref<1x128x128xf32, #tpu.memory_space<vmem>> -> memref<128x128xf32, #tpu.memory_space<vmem>>
        %parallel_loop3A_543 = arith.index_cast %parallel_loop3A_520 : i32 to index
        %parallel_loop3A_544 = arith.constant 32 : index
        %parallel_loop3A_545 = tpu.vector_load %parallel_loop3A_542[%parallel_loop3A_543, %parallel_loop3A_544] {strides = array<i32>} : memref<128x128xf32, #tpu.memory_space<vmem>>, vector<16xf32>,
        %parallel_loop3A_546 = arith.mulf %parallel_loop3A_516, %parallel_loop3A_545 : vector<16xf32>
        %parallel_loop3A_547 = arith.addf %parallel_loop3A_467, %parallel_loop3A_546 : vector<16xf32>
        %parallel_loop3A_548 = arith.constant 0 : i32
        %parallel_loop3A_549 = arith.constant 0 : i32
        %parallel_loop3A_550 = tpu.memref_slice %arg8[%select_n3A_145, %parallel_loop3A_548, %parallel_loop3A_549] : memref<4x128x128xf32, #tpu.memory_space<vmem>> -> memref<1x128x128xf32, #tpu.memory_space<vmem>>
        %parallel_loop3A_551 = tpu.memref_squeeze %parallel_loop3A_550 : memref<1x128x128xf32, #tpu.memory_space<vmem>> -> memref<128x128xf32, #tpu.memory_space<vmem>>
        %parallel_loop3A_552 = arith.index_cast %parallel_loop3A_520 : i32 to index
        %parallel_loop3A_553 = arith.constant 48 : index
        %parallel_loop3A_554 = tpu.vector_load %parallel_loop3A_551[%parallel_loop3A_552, %parallel_loop3A_553] {strides = array<i32>} : memref<128x128xf32, #tpu.memory_space<vmem>>, vector<16xf32>,
        %parallel_loop3A_555 = arith.mulf %parallel_loop3A_516, %parallel_loop3A_554 : vector<16xf32>
        %parallel_loop3A_556 = arith.addf %parallel_loop3A_476, %parallel_loop3A_555 : vector<16xf32>
        %parallel_loop3A_557 = arith.constant 0 : i32
        %parallel_loop3A_558 = arith.constant 0 : i32
        %parallel_loop3A_559 = tpu.memref_slice %arg8[%select_n3A_145, %parallel_loop3A_557, %parallel_loop3A_558] : memref<4x128x128xf32, #tpu.memory_space<vmem>> -> memref<1x128x128xf32, #tpu.memory_space<vmem>>
        %parallel_loop3A_560 = tpu.memref_squeeze %parallel_loop3A_559 : memref<1x128x128xf32, #tpu.memory_space<vmem>> -> memref<128x128xf32, #tpu.memory_space<vmem>>
        %parallel_loop3A_561 = arith.index_cast %parallel_loop3A_520 : i32 to index
        %parallel_loop3A_562 = arith.constant 64 : index
        %parallel_loop3A_563 = tpu.vector_load %parallel_loop3A_560[%parallel_loop3A_561, %parallel_loop3A_562] {strides = array<i32>} : memref<128x128xf32, #tpu.memory_space<vmem>>, vector<16xf32>,
        %parallel_loop3A_564 = arith.mulf %parallel_loop3A_516, %parallel_loop3A_563 : vector<16xf32>
        %parallel_loop3A_565 = arith.addf %parallel_loop3A_485, %parallel_loop3A_564 : vector<16xf32>
        %parallel_loop3A_566 = arith.constant 0 : i32
        %parallel_loop3A_567 = arith.constant 0 : i32
        %parallel_loop3A_568 = tpu.memref_slice %arg8[%select_n3A_145, %parallel_loop3A_566, %parallel_loop3A_567] : memref<4x128x128xf32, #tpu.memory_space<vmem>> -> memref<1x128x128xf32, #tpu.memory_space<vmem>>
        %parallel_loop3A_569 = tpu.memref_squeeze %parallel_loop3A_568 : memref<1x128x128xf32, #tpu.memory_space<vmem>> -> memref<128x128xf32, #tpu.memory_space<vmem>>
        %parallel_loop3A_570 = arith.index_cast %parallel_loop3A_520 : i32 to index
        %parallel_loop3A_571 = arith.constant 80 : index
        %parallel_loop3A_572 = tpu.vector_load %parallel_loop3A_569[%parallel_loop3A_570, %parallel_loop3A_571] {strides = array<i32>} : memref<128x128xf32, #tpu.memory_space<vmem>>, vector<16xf32>,
        %parallel_loop3A_573 = arith.mulf %parallel_loop3A_516, %parallel_loop3A_572 : vector<16xf32>
        %parallel_loop3A_574 = arith.addf %parallel_loop3A_494, %parallel_loop3A_573 : vector<16xf32>
        %parallel_loop3A_575 = arith.constant 0 : i32
        %parallel_loop3A_576 = arith.constant 0 : i32
        %parallel_loop3A_577 = tpu.memref_slice %arg8[%select_n3A_145, %parallel_loop3A_575, %parallel_loop3A_576] : memref<4x128x128xf32, #tpu.memory_space<vmem>> -> memref<1x128x128xf32, #tpu.memory_space<vmem>>
        %parallel_loop3A_578 = tpu.memref_squeeze %parallel_loop3A_577 : memref<1x128x128xf32, #tpu.memory_space<vmem>> -> memref<128x128xf32, #tpu.memory_space<vmem>>
        %parallel_loop3A_579 = arith.index_cast %parallel_loop3A_520 : i32 to index
        %parallel_loop3A_580 = arith.constant 96 : index
        %parallel_loop3A_581 = tpu.vector_load %parallel_loop3A_578[%parallel_loop3A_579, %parallel_loop3A_580] {strides = array<i32>} : memref<128x128xf32, #tpu.memory_space<vmem>>, vector<16xf32>,
        %parallel_loop3A_582 = arith.mulf %parallel_loop3A_516, %parallel_loop3A_581 : vector<16xf32>
        %parallel_loop3A_583 = arith.addf %parallel_loop3A_503, %parallel_loop3A_582 : vector<16xf32>
        %parallel_loop3A_584 = arith.constant 0 : i32
        %parallel_loop3A_585 = arith.constant 0 : i32
        %parallel_loop3A_586 = tpu.memref_slice %arg8[%select_n3A_145, %parallel_loop3A_584, %parallel_loop3A_585] : memref<4x128x128xf32, #tpu.memory_space<vmem>> -> memref<1x128x128xf32, #tpu.memory_space<vmem>>
        %parallel_loop3A_587 = tpu.memref_squeeze %parallel_loop3A_586 : memref<1x128x128xf32, #tpu.memory_space<vmem>> -> memref<128x128xf32, #tpu.memory_space<vmem>>
        %parallel_loop3A_588 = arith.index_cast %parallel_loop3A_520 : i32 to index
        %parallel_loop3A_589 = arith.constant 112 : index
        %parallel_loop3A_590 = tpu.vector_load %parallel_loop3A_587[%parallel_loop3A_588, %parallel_loop3A_589] {strides = array<i32>} : memref<128x128xf32, #tpu.memory_space<vmem>>, vector<16xf32>,
        %parallel_loop3A_591 = arith.mulf %parallel_loop3A_516, %parallel_loop3A_590 : vector<16xf32>
        %parallel_loop3A_592 = arith.addf %parallel_loop3A_512, %parallel_loop3A_591 : vector<16xf32>
        %parallel_loop3A_593 = arith.constant 3 : i32
        %parallel_loop3A_594 = arith.addi %parallel_loop3A_360, %parallel_loop3A_593 : i32
        %parallel_loop3A_595 = vector.broadcast %parallel_loop3A_594 : i32 to vector<16xi32>
        %parallel_loop3A_596 = tpu.vector_load_idx %arg7[%parallel_loop3A_595] : memref<8192xf32, #tpu.memory_space<vmem>>[vector<16xi32>], vector<16xf32>,
        %parallel_loop3A_597 = arith.constant 4 : i32
        %parallel_loop3A_598 = arith.muli %parallel_loop3A_597, %parallel_loop3A_355 : i32
        %parallel_loop3A_599 = arith.constant 3 : i32
        %parallel_loop3A_600 = arith.addi %parallel_loop3A_598, %parallel_loop3A_599 : i32
        %parallel_loop3A_601 = arith.constant 0 : i32
        %parallel_loop3A_602 = arith.constant 0 : i32
        %parallel_loop3A_603 = tpu.memref_slice %arg8[%select_n3A_145, %parallel_loop3A_601, %parallel_loop3A_602] : memref<4x128x128xf32, #tpu.memory_space<vmem>> -> memref<1x128x128xf32, #tpu.memory_space<vmem>>
        %parallel_loop3A_604 = tpu.memref_squeeze %parallel_loop3A_603 : memref<1x128x128xf32, #tpu.memory_space<vmem>> -> memref<128x128xf32, #tpu.memory_space<vmem>>
        %parallel_loop3A_605 = arith.index_cast %parallel_loop3A_600 : i32 to index
        %parallel_loop3A_606 = arith.constant 0 : index
        %parallel_loop3A_607 = tpu.vector_load %parallel_loop3A_604[%parallel_loop3A_605, %parallel_loop3A_606] {strides = array<i32>} : memref<128x128xf32, #tpu.memory_space<vmem>>, vector<16xf32>,
        %parallel_loop3A_608 = arith.mulf %parallel_loop3A_596, %parallel_loop3A_607 : vector<16xf32>
        %parallel_loop3A_609 = arith.addf %parallel_loop3A_529, %parallel_loop3A_608 : vector<16xf32>
        %parallel_loop3A_610 = arith.constant 0 : i32
        %parallel_loop3A_611 = arith.constant 0 : i32
        %parallel_loop3A_612 = tpu.memref_slice %arg8[%select_n3A_145, %parallel_loop3A_610, %parallel_loop3A_611] : memref<4x128x128xf32, #tpu.memory_space<vmem>> -> memref<1x128x128xf32, #tpu.memory_space<vmem>>
        %parallel_loop3A_613 = tpu.memref_squeeze %parallel_loop3A_612 : memref<1x128x128xf32, #tpu.memory_space<vmem>> -> memref<128x128xf32, #tpu.memory_space<vmem>>
        %parallel_loop3A_614 = arith.index_cast %parallel_loop3A_600 : i32 to index
        %parallel_loop3A_615 = arith.constant 16 : index
        %parallel_loop3A_616 = tpu.vector_load %parallel_loop3A_613[%parallel_loop3A_614, %parallel_loop3A_615] {strides = array<i32>} : memref<128x128xf32, #tpu.memory_space<vmem>>, vector<16xf32>,
        %parallel_loop3A_617 = arith.mulf %parallel_loop3A_596, %parallel_loop3A_616 : vector<16xf32>
        %parallel_loop3A_618 = arith.addf %parallel_loop3A_538, %parallel_loop3A_617 : vector<16xf32>
        %parallel_loop3A_619 = arith.constant 0 : i32
        %parallel_loop3A_620 = arith.constant 0 : i32
        %parallel_loop3A_621 = tpu.memref_slice %arg8[%select_n3A_145, %parallel_loop3A_619, %parallel_loop3A_620] : memref<4x128x128xf32, #tpu.memory_space<vmem>> -> memref<1x128x128xf32, #tpu.memory_space<vmem>>
        %parallel_loop3A_622 = tpu.memref_squeeze %parallel_loop3A_621 : memref<1x128x128xf32, #tpu.memory_space<vmem>> -> memref<128x128xf32, #tpu.memory_space<vmem>>
        %parallel_loop3A_623 = arith.index_cast %parallel_loop3A_600 : i32 to index
        %parallel_loop3A_624 = arith.constant 32 : index
        %parallel_loop3A_625 = tpu.vector_load %parallel_loop3A_622[%parallel_loop3A_623, %parallel_loop3A_624] {strides = array<i32>} : memref<128x128xf32, #tpu.memory_space<vmem>>, vector<16xf32>,
        %parallel_loop3A_626 = arith.mulf %parallel_loop3A_596, %parallel_loop3A_625 : vector<16xf32>
        %parallel_loop3A_627 = arith.addf %parallel_loop3A_547, %parallel_loop3A_626 : vector<16xf32>
        %parallel_loop3A_628 = arith.constant 0 : i32
        %parallel_loop3A_629 = arith.constant 0 : i32
        %parallel_loop3A_630 = tpu.memref_slice %arg8[%select_n3A_145, %parallel_loop3A_628, %parallel_loop3A_629] : memref<4x128x128xf32, #tpu.memory_space<vmem>> -> memref<1x128x128xf32, #tpu.memory_space<vmem>>
        %parallel_loop3A_631 = tpu.memref_squeeze %parallel_loop3A_630 : memref<1x128x128xf32, #tpu.memory_space<vmem>> -> memref<128x128xf32, #tpu.memory_space<vmem>>
        %parallel_loop3A_632 = arith.index_cast %parallel_loop3A_600 : i32 to index
        %parallel_loop3A_633 = arith.constant 48 : index
        %parallel_loop3A_634 = tpu.vector_load %parallel_loop3A_631[%parallel_loop3A_632, %parallel_loop3A_633] {strides = array<i32>} : memref<128x128xf32, #tpu.memory_space<vmem>>, vector<16xf32>,
        %parallel_loop3A_635 = arith.mulf %parallel_loop3A_596, %parallel_loop3A_634 : vector<16xf32>
        %parallel_loop3A_636 = arith.addf %parallel_loop3A_556, %parallel_loop3A_635 : vector<16xf32>
        %parallel_loop3A_637 = arith.constant 0 : i32
        %parallel_loop3A_638 = arith.constant 0 : i32
        %parallel_loop3A_639 = tpu.memref_slice %arg8[%select_n3A_145, %parallel_loop3A_637, %parallel_loop3A_638] : memref<4x128x128xf32, #tpu.memory_space<vmem>> -> memref<1x128x128xf32, #tpu.memory_space<vmem>>
        %parallel_loop3A_640 = tpu.memref_squeeze %parallel_loop3A_639 : memref<1x128x128xf32, #tpu.memory_space<vmem>> -> memref<128x128xf32, #tpu.memory_space<vmem>>
        %parallel_loop3A_641 = arith.index_cast %parallel_loop3A_600 : i32 to index
        %parallel_loop3A_642 = arith.constant 64 : index
        %parallel_loop3A_643 = tpu.vector_load %parallel_loop3A_640[%parallel_loop3A_641, %parallel_loop3A_642] {strides = array<i32>} : memref<128x128xf32, #tpu.memory_space<vmem>>, vector<16xf32>,
        %parallel_loop3A_644 = arith.mulf %parallel_loop3A_596, %parallel_loop3A_643 : vector<16xf32>
        %parallel_loop3A_645 = arith.addf %parallel_loop3A_565, %parallel_loop3A_644 : vector<16xf32>
        %parallel_loop3A_646 = arith.constant 0 : i32
        %parallel_loop3A_647 = arith.constant 0 : i32
        %parallel_loop3A_648 = tpu.memref_slice %arg8[%select_n3A_145, %parallel_loop3A_646, %parallel_loop3A_647] : memref<4x128x128xf32, #tpu.memory_space<vmem>> -> memref<1x128x128xf32, #tpu.memory_space<vmem>>
        %parallel_loop3A_649 = tpu.memref_squeeze %parallel_loop3A_648 : memref<1x128x128xf32, #tpu.memory_space<vmem>> -> memref<128x128xf32, #tpu.memory_space<vmem>>
        %parallel_loop3A_650 = arith.index_cast %parallel_loop3A_600 : i32 to index
        %parallel_loop3A_651 = arith.constant 80 : index
        %parallel_loop3A_652 = tpu.vector_load %parallel_loop3A_649[%parallel_loop3A_650, %parallel_loop3A_651] {strides = array<i32>} : memref<128x128xf32, #tpu.memory_space<vmem>>, vector<16xf32>,
        %parallel_loop3A_653 = arith.mulf %parallel_loop3A_596, %parallel_loop3A_652 : vector<16xf32>
        %parallel_loop3A_654 = arith.addf %parallel_loop3A_574, %parallel_loop3A_653 : vector<16xf32>
        %parallel_loop3A_655 = arith.constant 0 : i32
        %parallel_loop3A_656 = arith.constant 0 : i32
        %parallel_loop3A_657 = tpu.memref_slice %arg8[%select_n3A_145, %parallel_loop3A_655, %parallel_loop3A_656] : memref<4x128x128xf32, #tpu.memory_space<vmem>> -> memref<1x128x128xf32, #tpu.memory_space<vmem>>
        %parallel_loop3A_658 = tpu.memref_squeeze %parallel_loop3A_657 : memref<1x128x128xf32, #tpu.memory_space<vmem>> -> memref<128x128xf32, #tpu.memory_space<vmem>>
        %parallel_loop3A_659 = arith.index_cast %parallel_loop3A_600 : i32 to index
        %parallel_loop3A_660 = arith.constant 96 : index
        %parallel_loop3A_661 = tpu.vector_load %parallel_loop3A_658[%parallel_loop3A_659, %parallel_loop3A_660] {strides = array<i32>} : memref<128x128xf32, #tpu.memory_space<vmem>>, vector<16xf32>,
        %parallel_loop3A_662 = arith.mulf %parallel_loop3A_596, %parallel_loop3A_661 : vector<16xf32>
        %parallel_loop3A_663 = arith.addf %parallel_loop3A_583, %parallel_loop3A_662 : vector<16xf32>
        %parallel_loop3A_664 = arith.constant 0 : i32
        %parallel_loop3A_665 = arith.constant 0 : i32
        %parallel_loop3A_666 = tpu.memref_slice %arg8[%select_n3A_145, %parallel_loop3A_664, %parallel_loop3A_665] : memref<4x128x128xf32, #tpu.memory_space<vmem>> -> memref<1x128x128xf32, #tpu.memory_space<vmem>>
        %parallel_loop3A_667 = tpu.memref_squeeze %parallel_loop3A_666 : memref<1x128x128xf32, #tpu.memory_space<vmem>> -> memref<128x128xf32, #tpu.memory_space<vmem>>
        %parallel_loop3A_668 = arith.index_cast %parallel_loop3A_600 : i32 to index
        %parallel_loop3A_669 = arith.constant 112 : index
        %parallel_loop3A_670 = tpu.vector_load %parallel_loop3A_667[%parallel_loop3A_668, %parallel_loop3A_669] {strides = array<i32>} : memref<128x128xf32, #tpu.memory_space<vmem>>, vector<16xf32>,
        %parallel_loop3A_671 = arith.mulf %parallel_loop3A_596, %parallel_loop3A_670 : vector<16xf32>
        %parallel_loop3A_672 = arith.addf %parallel_loop3A_592, %parallel_loop3A_671 : vector<16xf32>
        %parallel_loop3A_673 = arith.constant 0 : i32
        %parallel_loop3A_674 = arith.addi %parallel_loop3A_673, %parallel_loop3A_355 : i32
        %parallel_loop3A_675 = arith.constant 0 : i32
        %parallel_loop3A_676 = arith.constant 0 : i32
        %parallel_loop3A_677 = tpu.memref_slice %arg9[%select_n3A_91, %parallel_loop3A_675, %parallel_loop3A_676] : memref<2x128x128xf32, #tpu.memory_space<vmem>> -> memref<1x128x128xf32, #tpu.memory_space<vmem>>
        %parallel_loop3A_678 = tpu.memref_squeeze %parallel_loop3A_677 : memref<1x128x128xf32, #tpu.memory_space<vmem>> -> memref<128x128xf32, #tpu.memory_space<vmem>>
        %parallel_loop3A_679 = arith.index_cast %parallel_loop3A_674 : i32 to index
        %parallel_loop3A_680 = arith.constant 0 : index
        %parallel_loop3A_681 = tpu.vector_load %parallel_loop3A_678[%parallel_loop3A_679, %parallel_loop3A_680] {strides = array<i32>} : memref<128x128xf32, #tpu.memory_space<vmem>>, vector<16xf32>,
        tpu.vector_store %parallel_loop3A_678[%parallel_loop3A_679, %parallel_loop3A_680], %parallel_loop3A_609 {strides = array<i32>} : memref<128x128xf32, #tpu.memory_space<vmem>>, vector<16xf32>,
        %parallel_loop3A_682 = arith.constant 0 : i32
        %parallel_loop3A_683 = arith.constant 0 : i32
        %parallel_loop3A_684 = tpu.memref_slice %arg9[%select_n3A_91, %parallel_loop3A_682, %parallel_loop3A_683] : memref<2x128x128xf32, #tpu.memory_space<vmem>> -> memref<1x128x128xf32, #tpu.memory_space<vmem>>
        %parallel_loop3A_685 = tpu.memref_squeeze %parallel_loop3A_684 : memref<1x128x128xf32, #tpu.memory_space<vmem>> -> memref<128x128xf32, #tpu.memory_space<vmem>>
        %parallel_loop3A_686 = arith.index_cast %parallel_loop3A_674 : i32 to index
        %parallel_loop3A_687 = arith.constant 16 : index
        %parallel_loop3A_688 = tpu.vector_load %parallel_loop3A_685[%parallel_loop3A_686, %parallel_loop3A_687] {strides = array<i32>} : memref<128x128xf32, #tpu.memory_space<vmem>>, vector<16xf32>,
        tpu.vector_store %parallel_loop3A_685[%parallel_loop3A_686, %parallel_loop3A_687], %parallel_loop3A_618 {strides = array<i32>} : memref<128x128xf32, #tpu.memory_space<vmem>>, vector<16xf32>,
        %parallel_loop3A_689 = arith.constant 0 : i32
        %parallel_loop3A_690 = arith.constant 0 : i32
        %parallel_loop3A_691 = tpu.memref_slice %arg9[%select_n3A_91, %parallel_loop3A_689, %parallel_loop3A_690] : memref<2x128x128xf32, #tpu.memory_space<vmem>> -> memref<1x128x128xf32, #tpu.memory_space<vmem>>
        %parallel_loop3A_692 = tpu.memref_squeeze %parallel_loop3A_691 : memref<1x128x128xf32, #tpu.memory_space<vmem>> -> memref<128x128xf32, #tpu.memory_space<vmem>>
        %parallel_loop3A_693 = arith.index_cast %parallel_loop3A_674 : i32 to index
        %parallel_loop3A_694 = arith.constant 32 : index
        %parallel_loop3A_695 = tpu.vector_load %parallel_loop3A_692[%parallel_loop3A_693, %parallel_loop3A_694] {strides = array<i32>} : memref<128x128xf32, #tpu.memory_space<vmem>>, vector<16xf32>,
        tpu.vector_store %parallel_loop3A_692[%parallel_loop3A_693, %parallel_loop3A_694], %parallel_loop3A_627 {strides = array<i32>} : memref<128x128xf32, #tpu.memory_space<vmem>>, vector<16xf32>,
        %parallel_loop3A_696 = arith.constant 0 : i32
        %parallel_loop3A_697 = arith.constant 0 : i32
        %parallel_loop3A_698 = tpu.memref_slice %arg9[%select_n3A_91, %parallel_loop3A_696, %parallel_loop3A_697] : memref<2x128x128xf32, #tpu.memory_space<vmem>> -> memref<1x128x128xf32, #tpu.memory_space<vmem>>
        %parallel_loop3A_699 = tpu.memref_squeeze %parallel_loop3A_698 : memref<1x128x128xf32, #tpu.memory_space<vmem>> -> memref<128x128xf32, #tpu.memory_space<vmem>>
        %parallel_loop3A_700 = arith.index_cast %parallel_loop3A_674 : i32 to index
        %parallel_loop3A_701 = arith.constant 48 : index
        %parallel_loop3A_702 = tpu.vector_load %parallel_loop3A_699[%parallel_loop3A_700, %parallel_loop3A_701] {strides = array<i32>} : memref<128x128xf32, #tpu.memory_space<vmem>>, vector<16xf32>,
        tpu.vector_store %parallel_loop3A_699[%parallel_loop3A_700, %parallel_loop3A_701], %parallel_loop3A_636 {strides = array<i32>} : memref<128x128xf32, #tpu.memory_space<vmem>>, vector<16xf32>,
        %parallel_loop3A_703 = arith.constant 0 : i32
        %parallel_loop3A_704 = arith.constant 0 : i32
        %parallel_loop3A_705 = tpu.memref_slice %arg9[%select_n3A_91, %parallel_loop3A_703, %parallel_loop3A_704] : memref<2x128x128xf32, #tpu.memory_space<vmem>> -> memref<1x128x128xf32, #tpu.memory_space<vmem>>
        %parallel_loop3A_706 = tpu.memref_squeeze %parallel_loop3A_705 : memref<1x128x128xf32, #tpu.memory_space<vmem>> -> memref<128x128xf32, #tpu.memory_space<vmem>>
        %parallel_loop3A_707 = arith.index_cast %parallel_loop3A_674 : i32 to index
        %parallel_loop3A_708 = arith.constant 64 : index
        %parallel_loop3A_709 = tpu.vector_load %parallel_loop3A_706[%parallel_loop3A_707, %parallel_loop3A_708] {strides = array<i32>} : memref<128x128xf32, #tpu.memory_space<vmem>>, vector<16xf32>,
        tpu.vector_store %parallel_loop3A_706[%parallel_loop3A_707, %parallel_loop3A_708], %parallel_loop3A_645 {strides = array<i32>} : memref<128x128xf32, #tpu.memory_space<vmem>>, vector<16xf32>,
        %parallel_loop3A_710 = arith.constant 0 : i32
        %parallel_loop3A_711 = arith.constant 0 : i32
        %parallel_loop3A_712 = tpu.memref_slice %arg9[%select_n3A_91, %parallel_loop3A_710, %parallel_loop3A_711] : memref<2x128x128xf32, #tpu.memory_space<vmem>> -> memref<1x128x128xf32, #tpu.memory_space<vmem>>
        %parallel_loop3A_713 = tpu.memref_squeeze %parallel_loop3A_712 : memref<1x128x128xf32, #tpu.memory_space<vmem>> -> memref<128x128xf32, #tpu.memory_space<vmem>>
        %parallel_loop3A_714 = arith.index_cast %parallel_loop3A_674 : i32 to index
        %parallel_loop3A_715 = arith.constant 80 : index
        %parallel_loop3A_716 = tpu.vector_load %parallel_loop3A_713[%parallel_loop3A_714, %parallel_loop3A_715] {strides = array<i32>} : memref<128x128xf32, #tpu.memory_space<vmem>>, vector<16xf32>,
        tpu.vector_store %parallel_loop3A_713[%parallel_loop3A_714, %parallel_loop3A_715], %parallel_loop3A_654 {strides = array<i32>} : memref<128x128xf32, #tpu.memory_space<vmem>>, vector<16xf32>,
        %parallel_loop3A_717 = arith.constant 0 : i32
        %parallel_loop3A_718 = arith.constant 0 : i32
        %parallel_loop3A_719 = tpu.memref_slice %arg9[%select_n3A_91, %parallel_loop3A_717, %parallel_loop3A_718] : memref<2x128x128xf32, #tpu.memory_space<vmem>> -> memref<1x128x128xf32, #tpu.memory_space<vmem>>
        %parallel_loop3A_720 = tpu.memref_squeeze %parallel_loop3A_719 : memref<1x128x128xf32, #tpu.memory_space<vmem>> -> memref<128x128xf32, #tpu.memory_space<vmem>>
        %parallel_loop3A_721 = arith.index_cast %parallel_loop3A_674 : i32 to index
        %parallel_loop3A_722 = arith.constant 96 : index
        %parallel_loop3A_723 = tpu.vector_load %parallel_loop3A_720[%parallel_loop3A_721, %parallel_loop3A_722] {strides = array<i32>} : memref<128x128xf32, #tpu.memory_space<vmem>>, vector<16xf32>,
        tpu.vector_store %parallel_loop3A_720[%parallel_loop3A_721, %parallel_loop3A_722], %parallel_loop3A_663 {strides = array<i32>} : memref<128x128xf32, #tpu.memory_space<vmem>>, vector<16xf32>,
        %parallel_loop3A_724 = arith.constant 0 : i32
        %parallel_loop3A_725 = arith.constant 0 : i32
        %parallel_loop3A_726 = tpu.memref_slice %arg9[%select_n3A_91, %parallel_loop3A_724, %parallel_loop3A_725] : memref<2x128x128xf32, #tpu.memory_space<vmem>> -> memref<1x128x128xf32, #tpu.memory_space<vmem>>
        %parallel_loop3A_727 = tpu.memref_squeeze %parallel_loop3A_726 : memref<1x128x128xf32, #tpu.memory_space<vmem>> -> memref<128x128xf32, #tpu.memory_space<vmem>>
        %parallel_loop3A_728 = arith.index_cast %parallel_loop3A_674 : i32 to index
        %parallel_loop3A_729 = arith.constant 112 : index
        %parallel_loop3A_730 = tpu.vector_load %parallel_loop3A_727[%parallel_loop3A_728, %parallel_loop3A_729] {strides = array<i32>} : memref<128x128xf32, #tpu.memory_space<vmem>>, vector<16xf32>,
        tpu.vector_store %parallel_loop3A_727[%parallel_loop3A_728, %parallel_loop3A_729], %parallel_loop3A_672 {strides = array<i32>} : memref<128x128xf32, #tpu.memory_space<vmem>>, vector<16xf32>,
      } {sc.loop_unroll_factor = 4 : i64, sc.parallel_access}
      %mul3A_148 = arith.constant 4 : i32
      %mul3A_149 = arith.muli %scan3A_80, %mul3A_148 : i32
      %add3A_150 = arith.constant 1 : i32
      %add3A_151 = arith.addi %mul3A_149, %add3A_150 : i32
      %jit3A_152 = arith.constant 4 : i32
      %eq3A_153 = arith.constant 0 : i32
      %eq3A_154 = arith.cmpi eq, %jit3A_152, %eq3A_153 : i32
      %jit3A_155 = arith.constant 1 : i32
      %select_n3A_156 = arith.select %eq3A_154, %jit3A_155, %jit3A_152 : i32
      %rem3A_157 = arith.remsi %add3A_151, %select_n3A_156 : i32
      %ne3A_158 = arith.constant 0 : i32
      %ne3A_159 = arith.cmpi ne, %rem3A_157, %ne3A_158 : i32
      %lt3A_160 = arith.constant 0 : i32
      %lt3A_161 = arith.cmpi slt, %rem3A_157, %lt3A_160 : i32
      %lt3A_162 = arith.constant 0 : i32
      %lt3A_163 = arith.cmpi slt, %select_n3A_156, %lt3A_162 : i32
      %ne3A_164 = arith.xori %lt3A_161, %lt3A_163 : i1
      %and3A_165 = arith.andi %ne3A_164, %ne3A_159 : i1
      %add3A_166 = arith.addi %rem3A_157, %select_n3A_156 : i32
      %select_n3A_167 = arith.select %and3A_165, %add3A_166, %rem3A_157 : i32
      %dma_wait3A_168 = arith.constant 0 : i32
      %dma_wait3A_169 = arith.constant 0 : i32
      %dma_wait3A_170 = tpu.memref_slice %arg8[%select_n3A_167, %dma_wait3A_168, %dma_wait3A_169] : memref<4x128x128xf32, #tpu.memory_space<vmem>> -> memref<1x128x128xf32, #tpu.memory_space<vmem>>
      %dma_wait3A_171 = tpu.memref_squeeze %dma_wait3A_170 : memref<1x128x128xf32, #tpu.memory_space<vmem>> -> memref<128x128xf32, #tpu.memory_space<vmem>>
      %dma_wait3A_172 = arith.constant 0 : i32
      %dma_wait3A_173 = tpu.memref_slice %arg6[%add3A_151, %dma_wait3A_172] : memref<64x128xi32, #tpu.memory_space<vmem>> -> memref<1x128xi32, #tpu.memory_space<vmem>>
      %dma_wait3A_174 = tpu.memref_squeeze %dma_wait3A_173 : memref<1x128xi32, #tpu.memory_space<vmem>> -> memref<128xi32, #tpu.memory_space<vmem>>
      %dma_wait3A_175 = arith.constant 0 : i32
      %dma_wait3A_176 = arith.constant 0 : i32
      %dma_wait3A_177 = tpu.memref_slice %arg2[%dma_wait3A_175, %dma_wait3A_176] : memref<196608x128xf32, #tpu.memory_space<hbm>> -> memref<196608x128xf32, #tpu.memory_space<hbm>>
      tpu.wait_indirect_dma semaphore(%arg10 : memref<!tpu.dma_semaphore, #tpu.memory_space<semaphore_mem>>) src(%dma_wait3A_177 : memref<196608x128xf32, #tpu.memory_space<hbm>>) dst(%dma_wait3A_171 : memref<128x128xf32, #tpu.memory_space<vmem>>)
      %add3A_178 = arith.constant 4 : i32
      %add3A_179 = arith.addi %add3A_151, %add3A_178 : i32
      %sub3A_180 = arith.constant 1 : i32
      %sub3A_181 = arith.subi %add3A_179, %sub3A_180 : i32
      %lt3A_182 = arith.constant 64 : i32
      %lt3A_183 = arith.cmpi slt, %sub3A_181, %lt3A_182 : i32
      %convert_element_type3A_184 = arith.extui %lt3A_183 : i1 to i32
      %cond3A_185 = arith.constant 0 : i32
      %cond3A_186 = arith.cmpi ne, %convert_element_type3A_184, %cond3A_185 : i32
      scf.if %cond3A_186 {
        %add3A_355 = arith.constant 4 : i32
        %add3A_356 = arith.addi %add3A_151, %add3A_355 : i32
        %sub3A_357 = arith.constant 1 : i32
        %sub3A_358 = arith.subi %add3A_356, %sub3A_357 : i32
        %jit3A_359 = arith.constant 4 : i32
        %eq3A_360 = arith.constant 0 : i32
        %eq3A_361 = arith.cmpi eq, %jit3A_359, %eq3A_360 : i32
        %jit3A_362 = arith.constant 1 : i32
        %select_n3A_363 = arith.select %eq3A_361, %jit3A_362, %jit3A_359 : i32
        %rem3A_364 = arith.remsi %sub3A_358, %select_n3A_363 : i32
        %ne3A_365 = arith.constant 0 : i32
        %ne3A_366 = arith.cmpi ne, %rem3A_364, %ne3A_365 : i32
        %lt3A_367 = arith.constant 0 : i32
        %lt3A_368 = arith.cmpi slt, %rem3A_364, %lt3A_367 : i32
        %lt3A_369 = arith.constant 0 : i32
        %lt3A_370 = arith.cmpi slt, %select_n3A_363, %lt3A_369 : i32
        %ne3A_371 = arith.xori %lt3A_368, %lt3A_370 : i1
        %and3A_372 = arith.andi %ne3A_371, %ne3A_366 : i1
        %add3A_373 = arith.addi %rem3A_364, %select_n3A_363 : i32
        %select_n3A_374 = arith.select %and3A_372, %add3A_373, %rem3A_364 : i32
        %dma_start3A_375 = arith.constant 0 : i32
        %dma_start3A_376 = arith.constant 0 : i32
        %dma_start3A_377 = tpu.memref_slice %arg8[%select_n3A_374, %dma_start3A_375, %dma_start3A_376] : memref<4x128x128xf32, #tpu.memory_space<vmem>> -> memref<1x128x128xf32, #tpu.memory_space<vmem>>
        %dma_start3A_378 = tpu.memref_squeeze %dma_start3A_377 : memref<1x128x128xf32, #tpu.memory_space<vmem>> -> memref<128x128xf32, #tpu.memory_space<vmem>>
        %dma_start3A_379 = arith.constant 0 : i32
        %dma_start3A_380 = tpu.memref_slice %arg6[%sub3A_358, %dma_start3A_379] : memref<64x128xi32, #tpu.memory_space<vmem>> -> memref<1x128xi32, #tpu.memory_space<vmem>>
        %dma_start3A_381 = tpu.memref_squeeze %dma_start3A_380 : memref<1x128xi32, #tpu.memory_space<vmem>> -> memref<128xi32, #tpu.memory_space<vmem>>
        %dma_start3A_382 = arith.constant 0 : i32
        %dma_start3A_383 = arith.constant 0 : i32
        %dma_start3A_384 = tpu.memref_slice %arg2[%dma_start3A_382, %dma_start3A_383] : memref<196608x128xf32, #tpu.memory_space<hbm>> -> memref<196608x128xf32, #tpu.memory_space<hbm>>
        tpu.enqueue_indirect_dma source(%dma_start3A_384 : memref<196608x128xf32, #tpu.memory_space<hbm>>) target(%dma_start3A_378 : memref<128x128xf32, #tpu.memory_space<vmem>>) offsets(%dma_start3A_381 : memref<128xi32, #tpu.memory_space<vmem>>) semaphore(%arg10 : memref<!tpu.dma_semaphore, #tpu.memory_space<semaphore_mem>>)
      } else {
      }
      %jit3A_187 = arith.constant 4 : i32
      %eq3A_188 = arith.constant 0 : i32
      %eq3A_189 = arith.cmpi eq, %jit3A_187, %eq3A_188 : i32
      %jit3A_190 = arith.constant 1 : i32
      %select_n3A_191 = arith.select %eq3A_189, %jit3A_190, %jit3A_187 : i32
      %rem3A_192 = arith.remsi %add3A_151, %select_n3A_191 : i32
      %ne3A_193 = arith.constant 0 : i32
      %ne3A_194 = arith.cmpi ne, %rem3A_192, %ne3A_193 : i32
      %lt3A_195 = arith.constant 0 : i32
      %lt3A_196 = arith.cmpi slt, %rem3A_192, %lt3A_195 : i32
      %lt3A_197 = arith.constant 0 : i32
      %lt3A_198 = arith.cmpi slt, %select_n3A_191, %lt3A_197 : i32
      %ne3A_199 = arith.xori %lt3A_196, %lt3A_198 : i1
      %and3A_200 = arith.andi %ne3A_199, %ne3A_194 : i1
      %add3A_201 = arith.addi %rem3A_192, %select_n3A_191 : i32
      %select_n3A_202 = arith.select %and3A_200, %add3A_201, %rem3A_192 : i32
      %parallel_loop3A_203 = arith.constant 0 : i32
      %parallel_loop3A_204 = arith.constant 32 : i32
      %parallel_loop3A_205 = arith.constant 1 : i32
      scf.for %parallel_loop3A_355 = %parallel_loop3A_203 to %parallel_loop3A_204 step %parallel_loop3A_205  : i32 {
        %parallel_loop3A_356 = arith.constant 32 : i32
        %parallel_loop3A_357 = arith.muli %add3A_151, %parallel_loop3A_356 : i32
        %parallel_loop3A_358 = arith.addi %parallel_loop3A_357, %parallel_loop3A_355 : i32
        %parallel_loop3A_359 = arith.constant 4 : i32
        %parallel_loop3A_360 = arith.muli %parallel_loop3A_359, %parallel_loop3A_358 : i32
        %parallel_loop3A_361 = arith.constant 0 : i32
        %parallel_loop3A_362 = arith.addi %parallel_loop3A_360, %parallel_loop3A_361 : i32
        %parallel_loop3A_363 = vector.broadcast %parallel_loop3A_362 : i32 to vector<16xi32>
        %parallel_loop3A_364 = tpu.vector_load_idx %arg7[%parallel_loop3A_363] : memref<8192xf32, #tpu.memory_space<vmem>>[vector<16xi32>], vector<16xf32>,
        %parallel_loop3A_365 = arith.constant 4 : i32
        %parallel_loop3A_366 = arith.muli %parallel_loop3A_365, %parallel_loop3A_355 : i32
        %parallel_loop3A_367 = arith.constant 0 : i32
        %parallel_loop3A_368 = arith.addi %parallel_loop3A_366, %parallel_loop3A_367 : i32
        %parallel_loop3A_369 = arith.constant 0 : i32
        %parallel_loop3A_370 = arith.constant 0 : i32
        %parallel_loop3A_371 = tpu.memref_slice %arg8[%select_n3A_202, %parallel_loop3A_369, %parallel_loop3A_370] : memref<4x128x128xf32, #tpu.memory_space<vmem>> -> memref<1x128x128xf32, #tpu.memory_space<vmem>>
        %parallel_loop3A_372 = tpu.memref_squeeze %parallel_loop3A_371 : memref<1x128x128xf32, #tpu.memory_space<vmem>> -> memref<128x128xf32, #tpu.memory_space<vmem>>
        %parallel_loop3A_373 = arith.index_cast %parallel_loop3A_368 : i32 to index
        %parallel_loop3A_374 = arith.constant 0 : index
        %parallel_loop3A_375 = tpu.vector_load %parallel_loop3A_372[%parallel_loop3A_373, %parallel_loop3A_374] {strides = array<i32>} : memref<128x128xf32, #tpu.memory_space<vmem>>, vector<16xf32>,
        %parallel_loop3A_376 = arith.mulf %parallel_loop3A_364, %parallel_loop3A_375 : vector<16xf32>
        %parallel_loop3A_377 = arith.constant 0 : i32
        %parallel_loop3A_378 = arith.constant 0 : i32
        %parallel_loop3A_379 = tpu.memref_slice %arg8[%select_n3A_202, %parallel_loop3A_377, %parallel_loop3A_378] : memref<4x128x128xf32, #tpu.memory_space<vmem>> -> memref<1x128x128xf32, #tpu.memory_space<vmem>>
        %parallel_loop3A_380 = tpu.memref_squeeze %parallel_loop3A_379 : memref<1x128x128xf32, #tpu.memory_space<vmem>> -> memref<128x128xf32, #tpu.memory_space<vmem>>
        %parallel_loop3A_381 = arith.index_cast %parallel_loop3A_368 : i32 to index
        %parallel_loop3A_382 = arith.constant 16 : index
        %parallel_loop3A_383 = tpu.vector_load %parallel_loop3A_380[%parallel_loop3A_381, %parallel_loop3A_382] {strides = array<i32>} : memref<128x128xf32, #tpu.memory_space<vmem>>, vector<16xf32>,
        %parallel_loop3A_384 = arith.mulf %parallel_loop3A_364, %parallel_loop3A_383 : vector<16xf32>
        %parallel_loop3A_385 = arith.constant 0 : i32
        %parallel_loop3A_386 = arith.constant 0 : i32
        %parallel_loop3A_387 = tpu.memref_slice %arg8[%select_n3A_202, %parallel_loop3A_385, %parallel_loop3A_386] : memref<4x128x128xf32, #tpu.memory_space<vmem>> -> memref<1x128x128xf32, #tpu.memory_space<vmem>>
        %parallel_loop3A_388 = tpu.memref_squeeze %parallel_loop3A_387 : memref<1x128x128xf32, #tpu.memory_space<vmem>> -> memref<128x128xf32, #tpu.memory_space<vmem>>
        %parallel_loop3A_389 = arith.index_cast %parallel_loop3A_368 : i32 to index
        %parallel_loop3A_390 = arith.constant 32 : index
        %parallel_loop3A_391 = tpu.vector_load %parallel_loop3A_388[%parallel_loop3A_389, %parallel_loop3A_390] {strides = array<i32>} : memref<128x128xf32, #tpu.memory_space<vmem>>, vector<16xf32>,
        %parallel_loop3A_392 = arith.mulf %parallel_loop3A_364, %parallel_loop3A_391 : vector<16xf32>
        %parallel_loop3A_393 = arith.constant 0 : i32
        %parallel_loop3A_394 = arith.constant 0 : i32
        %parallel_loop3A_395 = tpu.memref_slice %arg8[%select_n3A_202, %parallel_loop3A_393, %parallel_loop3A_394] : memref<4x128x128xf32, #tpu.memory_space<vmem>> -> memref<1x128x128xf32, #tpu.memory_space<vmem>>
        %parallel_loop3A_396 = tpu.memref_squeeze %parallel_loop3A_395 : memref<1x128x128xf32, #tpu.memory_space<vmem>> -> memref<128x128xf32, #tpu.memory_space<vmem>>
        %parallel_loop3A_397 = arith.index_cast %parallel_loop3A_368 : i32 to index
        %parallel_loop3A_398 = arith.constant 48 : index
        %parallel_loop3A_399 = tpu.vector_load %parallel_loop3A_396[%parallel_loop3A_397, %parallel_loop3A_398] {strides = array<i32>} : memref<128x128xf32, #tpu.memory_space<vmem>>, vector<16xf32>,
        %parallel_loop3A_400 = arith.mulf %parallel_loop3A_364, %parallel_loop3A_399 : vector<16xf32>
        %parallel_loop3A_401 = arith.constant 0 : i32
        %parallel_loop3A_402 = arith.constant 0 : i32
        %parallel_loop3A_403 = tpu.memref_slice %arg8[%select_n3A_202, %parallel_loop3A_401, %parallel_loop3A_402] : memref<4x128x128xf32, #tpu.memory_space<vmem>> -> memref<1x128x128xf32, #tpu.memory_space<vmem>>
        %parallel_loop3A_404 = tpu.memref_squeeze %parallel_loop3A_403 : memref<1x128x128xf32, #tpu.memory_space<vmem>> -> memref<128x128xf32, #tpu.memory_space<vmem>>
        %parallel_loop3A_405 = arith.index_cast %parallel_loop3A_368 : i32 to index
        %parallel_loop3A_406 = arith.constant 64 : index
        %parallel_loop3A_407 = tpu.vector_load %parallel_loop3A_404[%parallel_loop3A_405, %parallel_loop3A_406] {strides = array<i32>} : memref<128x128xf32, #tpu.memory_space<vmem>>, vector<16xf32>,
        %parallel_loop3A_408 = arith.mulf %parallel_loop3A_364, %parallel_loop3A_407 : vector<16xf32>
        %parallel_loop3A_409 = arith.constant 0 : i32
        %parallel_loop3A_410 = arith.constant 0 : i32
        %parallel_loop3A_411 = tpu.memref_slice %arg8[%select_n3A_202, %parallel_loop3A_409, %parallel_loop3A_410] : memref<4x128x128xf32, #tpu.memory_space<vmem>> -> memref<1x128x128xf32, #tpu.memory_space<vmem>>
        %parallel_loop3A_412 = tpu.memref_squeeze %parallel_loop3A_411 : memref<1x128x128xf32, #tpu.memory_space<vmem>> -> memref<128x128xf32, #tpu.memory_space<vmem>>
        %parallel_loop3A_413 = arith.index_cast %parallel_loop3A_368 : i32 to index
        %parallel_loop3A_414 = arith.constant 80 : index
        %parallel_loop3A_415 = tpu.vector_load %parallel_loop3A_412[%parallel_loop3A_413, %parallel_loop3A_414] {strides = array<i32>} : memref<128x128xf32, #tpu.memory_space<vmem>>, vector<16xf32>,
        %parallel_loop3A_416 = arith.mulf %parallel_loop3A_364, %parallel_loop3A_415 : vector<16xf32>
        %parallel_loop3A_417 = arith.constant 0 : i32
        %parallel_loop3A_418 = arith.constant 0 : i32
        %parallel_loop3A_419 = tpu.memref_slice %arg8[%select_n3A_202, %parallel_loop3A_417, %parallel_loop3A_418] : memref<4x128x128xf32, #tpu.memory_space<vmem>> -> memref<1x128x128xf32, #tpu.memory_space<vmem>>
        %parallel_loop3A_420 = tpu.memref_squeeze %parallel_loop3A_419 : memref<1x128x128xf32, #tpu.memory_space<vmem>> -> memref<128x128xf32, #tpu.memory_space<vmem>>
        %parallel_loop3A_421 = arith.index_cast %parallel_loop3A_368 : i32 to index
        %parallel_loop3A_422 = arith.constant 96 : index
        %parallel_loop3A_423 = tpu.vector_load %parallel_loop3A_420[%parallel_loop3A_421, %parallel_loop3A_422] {strides = array<i32>} : memref<128x128xf32, #tpu.memory_space<vmem>>, vector<16xf32>,
        %parallel_loop3A_424 = arith.mulf %parallel_loop3A_364, %parallel_loop3A_423 : vector<16xf32>
        %parallel_loop3A_425 = arith.constant 0 : i32
        %parallel_loop3A_426 = arith.constant 0 : i32
        %parallel_loop3A_427 = tpu.memref_slice %arg8[%select_n3A_202, %parallel_loop3A_425, %parallel_loop3A_426] : memref<4x128x128xf32, #tpu.memory_space<vmem>> -> memref<1x128x128xf32, #tpu.memory_space<vmem>>
        %parallel_loop3A_428 = tpu.memref_squeeze %parallel_loop3A_427 : memref<1x128x128xf32, #tpu.memory_space<vmem>> -> memref<128x128xf32, #tpu.memory_space<vmem>>
        %parallel_loop3A_429 = arith.index_cast %parallel_loop3A_368 : i32 to index
        %parallel_loop3A_430 = arith.constant 112 : index
        %parallel_loop3A_431 = tpu.vector_load %parallel_loop3A_428[%parallel_loop3A_429, %parallel_loop3A_430] {strides = array<i32>} : memref<128x128xf32, #tpu.memory_space<vmem>>, vector<16xf32>,
        %parallel_loop3A_432 = arith.mulf %parallel_loop3A_364, %parallel_loop3A_431 : vector<16xf32>
        %parallel_loop3A_433 = arith.constant 1 : i32
        %parallel_loop3A_434 = arith.addi %parallel_loop3A_360, %parallel_loop3A_433 : i32
        %parallel_loop3A_435 = vector.broadcast %parallel_loop3A_434 : i32 to vector<16xi32>
        %parallel_loop3A_436 = tpu.vector_load_idx %arg7[%parallel_loop3A_435] : memref<8192xf32, #tpu.memory_space<vmem>>[vector<16xi32>], vector<16xf32>,
        %parallel_loop3A_437 = arith.constant 4 : i32
        %parallel_loop3A_438 = arith.muli %parallel_loop3A_437, %parallel_loop3A_355 : i32
        %parallel_loop3A_439 = arith.constant 1 : i32
        %parallel_loop3A_440 = arith.addi %parallel_loop3A_438, %parallel_loop3A_439 : i32
        %parallel_loop3A_441 = arith.constant 0 : i32
        %parallel_loop3A_442 = arith.constant 0 : i32
        %parallel_loop3A_443 = tpu.memref_slice %arg8[%select_n3A_202, %parallel_loop3A_441, %parallel_loop3A_442] : memref<4x128x128xf32, #tpu.memory_space<vmem>> -> memref<1x128x128xf32, #tpu.memory_space<vmem>>
        %parallel_loop3A_444 = tpu.memref_squeeze %parallel_loop3A_443 : memref<1x128x128xf32, #tpu.memory_space<vmem>> -> memref<128x128xf32, #tpu.memory_space<vmem>>
        %parallel_loop3A_445 = arith.index_cast %parallel_loop3A_440 : i32 to index
        %parallel_loop3A_446 = arith.constant 0 : index
        %parallel_loop3A_447 = tpu.vector_load %parallel_loop3A_444[%parallel_loop3A_445, %parallel_loop3A_446] {strides = array<i32>} : memref<128x128xf32, #tpu.memory_space<vmem>>, vector<16xf32>,
        %parallel_loop3A_448 = arith.mulf %parallel_loop3A_436, %parallel_loop3A_447 : vector<16xf32>
        %parallel_loop3A_449 = arith.addf %parallel_loop3A_376, %parallel_loop3A_448 : vector<16xf32>
        %parallel_loop3A_450 = arith.constant 0 : i32
        %parallel_loop3A_451 = arith.constant 0 : i32
        %parallel_loop3A_452 = tpu.memref_slice %arg8[%select_n3A_202, %parallel_loop3A_450, %parallel_loop3A_451] : memref<4x128x128xf32, #tpu.memory_space<vmem>> -> memref<1x128x128xf32, #tpu.memory_space<vmem>>
        %parallel_loop3A_453 = tpu.memref_squeeze %parallel_loop3A_452 : memref<1x128x128xf32, #tpu.memory_space<vmem>> -> memref<128x128xf32, #tpu.memory_space<vmem>>
        %parallel_loop3A_454 = arith.index_cast %parallel_loop3A_440 : i32 to index
        %parallel_loop3A_455 = arith.constant 16 : index
        %parallel_loop3A_456 = tpu.vector_load %parallel_loop3A_453[%parallel_loop3A_454, %parallel_loop3A_455] {strides = array<i32>} : memref<128x128xf32, #tpu.memory_space<vmem>>, vector<16xf32>,
        %parallel_loop3A_457 = arith.mulf %parallel_loop3A_436, %parallel_loop3A_456 : vector<16xf32>
        %parallel_loop3A_458 = arith.addf %parallel_loop3A_384, %parallel_loop3A_457 : vector<16xf32>
        %parallel_loop3A_459 = arith.constant 0 : i32
        %parallel_loop3A_460 = arith.constant 0 : i32
        %parallel_loop3A_461 = tpu.memref_slice %arg8[%select_n3A_202, %parallel_loop3A_459, %parallel_loop3A_460] : memref<4x128x128xf32, #tpu.memory_space<vmem>> -> memref<1x128x128xf32, #tpu.memory_space<vmem>>
        %parallel_loop3A_462 = tpu.memref_squeeze %parallel_loop3A_461 : memref<1x128x128xf32, #tpu.memory_space<vmem>> -> memref<128x128xf32, #tpu.memory_space<vmem>>
        %parallel_loop3A_463 = arith.index_cast %parallel_loop3A_440 : i32 to index
        %parallel_loop3A_464 = arith.constant 32 : index
        %parallel_loop3A_465 = tpu.vector_load %parallel_loop3A_462[%parallel_loop3A_463, %parallel_loop3A_464] {strides = array<i32>} : memref<128x128xf32, #tpu.memory_space<vmem>>, vector<16xf32>,
        %parallel_loop3A_466 = arith.mulf %parallel_loop3A_436, %parallel_loop3A_465 : vector<16xf32>
        %parallel_loop3A_467 = arith.addf %parallel_loop3A_392, %parallel_loop3A_466 : vector<16xf32>
        %parallel_loop3A_468 = arith.constant 0 : i32
        %parallel_loop3A_469 = arith.constant 0 : i32
        %parallel_loop3A_470 = tpu.memref_slice %arg8[%select_n3A_202, %parallel_loop3A_468, %parallel_loop3A_469] : memref<4x128x128xf32, #tpu.memory_space<vmem>> -> memref<1x128x128xf32, #tpu.memory_space<vmem>>
        %parallel_loop3A_471 = tpu.memref_squeeze %parallel_loop3A_470 : memref<1x128x128xf32, #tpu.memory_space<vmem>> -> memref<128x128xf32, #tpu.memory_space<vmem>>
        %parallel_loop3A_472 = arith.index_cast %parallel_loop3A_440 : i32 to index
        %parallel_loop3A_473 = arith.constant 48 : index
        %parallel_loop3A_474 = tpu.vector_load %parallel_loop3A_471[%parallel_loop3A_472, %parallel_loop3A_473] {strides = array<i32>} : memref<128x128xf32, #tpu.memory_space<vmem>>, vector<16xf32>,
        %parallel_loop3A_475 = arith.mulf %parallel_loop3A_436, %parallel_loop3A_474 : vector<16xf32>
        %parallel_loop3A_476 = arith.addf %parallel_loop3A_400, %parallel_loop3A_475 : vector<16xf32>
        %parallel_loop3A_477 = arith.constant 0 : i32
        %parallel_loop3A_478 = arith.constant 0 : i32
        %parallel_loop3A_479 = tpu.memref_slice %arg8[%select_n3A_202, %parallel_loop3A_477, %parallel_loop3A_478] : memref<4x128x128xf32, #tpu.memory_space<vmem>> -> memref<1x128x128xf32, #tpu.memory_space<vmem>>
        %parallel_loop3A_480 = tpu.memref_squeeze %parallel_loop3A_479 : memref<1x128x128xf32, #tpu.memory_space<vmem>> -> memref<128x128xf32, #tpu.memory_space<vmem>>
        %parallel_loop3A_481 = arith.index_cast %parallel_loop3A_440 : i32 to index
        %parallel_loop3A_482 = arith.constant 64 : index
        %parallel_loop3A_483 = tpu.vector_load %parallel_loop3A_480[%parallel_loop3A_481, %parallel_loop3A_482] {strides = array<i32>} : memref<128x128xf32, #tpu.memory_space<vmem>>, vector<16xf32>,
        %parallel_loop3A_484 = arith.mulf %parallel_loop3A_436, %parallel_loop3A_483 : vector<16xf32>
        %parallel_loop3A_485 = arith.addf %parallel_loop3A_408, %parallel_loop3A_484 : vector<16xf32>
        %parallel_loop3A_486 = arith.constant 0 : i32
        %parallel_loop3A_487 = arith.constant 0 : i32
        %parallel_loop3A_488 = tpu.memref_slice %arg8[%select_n3A_202, %parallel_loop3A_486, %parallel_loop3A_487] : memref<4x128x128xf32, #tpu.memory_space<vmem>> -> memref<1x128x128xf32, #tpu.memory_space<vmem>>
        %parallel_loop3A_489 = tpu.memref_squeeze %parallel_loop3A_488 : memref<1x128x128xf32, #tpu.memory_space<vmem>> -> memref<128x128xf32, #tpu.memory_space<vmem>>
        %parallel_loop3A_490 = arith.index_cast %parallel_loop3A_440 : i32 to index
        %parallel_loop3A_491 = arith.constant 80 : index
        %parallel_loop3A_492 = tpu.vector_load %parallel_loop3A_489[%parallel_loop3A_490, %parallel_loop3A_491] {strides = array<i32>} : memref<128x128xf32, #tpu.memory_space<vmem>>, vector<16xf32>,
        %parallel_loop3A_493 = arith.mulf %parallel_loop3A_436, %parallel_loop3A_492 : vector<16xf32>
        %parallel_loop3A_494 = arith.addf %parallel_loop3A_416, %parallel_loop3A_493 : vector<16xf32>
        %parallel_loop3A_495 = arith.constant 0 : i32
        %parallel_loop3A_496 = arith.constant 0 : i32
        %parallel_loop3A_497 = tpu.memref_slice %arg8[%select_n3A_202, %parallel_loop3A_495, %parallel_loop3A_496] : memref<4x128x128xf32, #tpu.memory_space<vmem>> -> memref<1x128x128xf32, #tpu.memory_space<vmem>>
        %parallel_loop3A_498 = tpu.memref_squeeze %parallel_loop3A_497 : memref<1x128x128xf32, #tpu.memory_space<vmem>> -> memref<128x128xf32, #tpu.memory_space<vmem>>
        %parallel_loop3A_499 = arith.index_cast %parallel_loop3A_440 : i32 to index
        %parallel_loop3A_500 = arith.constant 96 : index
        %parallel_loop3A_501 = tpu.vector_load %parallel_loop3A_498[%parallel_loop3A_499, %parallel_loop3A_500] {strides = array<i32>} : memref<128x128xf32, #tpu.memory_space<vmem>>, vector<16xf32>,
        %parallel_loop3A_502 = arith.mulf %parallel_loop3A_436, %parallel_loop3A_501 : vector<16xf32>
        %parallel_loop3A_503 = arith.addf %parallel_loop3A_424, %parallel_loop3A_502 : vector<16xf32>
        %parallel_loop3A_504 = arith.constant 0 : i32
        %parallel_loop3A_505 = arith.constant 0 : i32
        %parallel_loop3A_506 = tpu.memref_slice %arg8[%select_n3A_202, %parallel_loop3A_504, %parallel_loop3A_505] : memref<4x128x128xf32, #tpu.memory_space<vmem>> -> memref<1x128x128xf32, #tpu.memory_space<vmem>>
        %parallel_loop3A_507 = tpu.memref_squeeze %parallel_loop3A_506 : memref<1x128x128xf32, #tpu.memory_space<vmem>> -> memref<128x128xf32, #tpu.memory_space<vmem>>
        %parallel_loop3A_508 = arith.index_cast %parallel_loop3A_440 : i32 to index
        %parallel_loop3A_509 = arith.constant 112 : index
        %parallel_loop3A_510 = tpu.vector_load %parallel_loop3A_507[%parallel_loop3A_508, %parallel_loop3A_509] {strides = array<i32>} : memref<128x128xf32, #tpu.memory_space<vmem>>, vector<16xf32>,
        %parallel_loop3A_511 = arith.mulf %parallel_loop3A_436, %parallel_loop3A_510 : vector<16xf32>
        %parallel_loop3A_512 = arith.addf %parallel_loop3A_432, %parallel_loop3A_511 : vector<16xf32>
        %parallel_loop3A_513 = arith.constant 2 : i32
        %parallel_loop3A_514 = arith.addi %parallel_loop3A_360, %parallel_loop3A_513 : i32
        %parallel_loop3A_515 = vector.broadcast %parallel_loop3A_514 : i32 to vector<16xi32>
        %parallel_loop3A_516 = tpu.vector_load_idx %arg7[%parallel_loop3A_515] : memref<8192xf32, #tpu.memory_space<vmem>>[vector<16xi32>], vector<16xf32>,
        %parallel_loop3A_517 = arith.constant 4 : i32
        %parallel_loop3A_518 = arith.muli %parallel_loop3A_517, %parallel_loop3A_355 : i32
        %parallel_loop3A_519 = arith.constant 2 : i32
        %parallel_loop3A_520 = arith.addi %parallel_loop3A_518, %parallel_loop3A_519 : i32
        %parallel_loop3A_521 = arith.constant 0 : i32
        %parallel_loop3A_522 = arith.constant 0 : i32
        %parallel_loop3A_523 = tpu.memref_slice %arg8[%select_n3A_202, %parallel_loop3A_521, %parallel_loop3A_522] : memref<4x128x128xf32, #tpu.memory_space<vmem>> -> memref<1x128x128xf32, #tpu.memory_space<vmem>>
        %parallel_loop3A_524 = tpu.memref_squeeze %parallel_loop3A_523 : memref<1x128x128xf32, #tpu.memory_space<vmem>> -> memref<128x128xf32, #tpu.memory_space<vmem>>
        %parallel_loop3A_525 = arith.index_cast %parallel_loop3A_520 : i32 to index
        %parallel_loop3A_526 = arith.constant 0 : index
        %parallel_loop3A_527 = tpu.vector_load %parallel_loop3A_524[%parallel_loop3A_525, %parallel_loop3A_526] {strides = array<i32>} : memref<128x128xf32, #tpu.memory_space<vmem>>, vector<16xf32>,
        %parallel_loop3A_528 = arith.mulf %parallel_loop3A_516, %parallel_loop3A_527 : vector<16xf32>
        %parallel_loop3A_529 = arith.addf %parallel_loop3A_449, %parallel_loop3A_528 : vector<16xf32>
        %parallel_loop3A_530 = arith.constant 0 : i32
        %parallel_loop3A_531 = arith.constant 0 : i32
        %parallel_loop3A_532 = tpu.memref_slice %arg8[%select_n3A_202, %parallel_loop3A_530, %parallel_loop3A_531] : memref<4x128x128xf32, #tpu.memory_space<vmem>> -> memref<1x128x128xf32, #tpu.memory_space<vmem>>
        %parallel_loop3A_533 = tpu.memref_squeeze %parallel_loop3A_532 : memref<1x128x128xf32, #tpu.memory_space<vmem>> -> memref<128x128xf32, #tpu.memory_space<vmem>>
        %parallel_loop3A_534 = arith.index_cast %parallel_loop3A_520 : i32 to index
        %parallel_loop3A_535 = arith.constant 16 : index
        %parallel_loop3A_536 = tpu.vector_load %parallel_loop3A_533[%parallel_loop3A_534, %parallel_loop3A_535] {strides = array<i32>} : memref<128x128xf32, #tpu.memory_space<vmem>>, vector<16xf32>,
        %parallel_loop3A_537 = arith.mulf %parallel_loop3A_516, %parallel_loop3A_536 : vector<16xf32>
        %parallel_loop3A_538 = arith.addf %parallel_loop3A_458, %parallel_loop3A_537 : vector<16xf32>
        %parallel_loop3A_539 = arith.constant 0 : i32
        %parallel_loop3A_540 = arith.constant 0 : i32
        %parallel_loop3A_541 = tpu.memref_slice %arg8[%select_n3A_202, %parallel_loop3A_539, %parallel_loop3A_540] : memref<4x128x128xf32, #tpu.memory_space<vmem>> -> memref<1x128x128xf32, #tpu.memory_space<vmem>>
        %parallel_loop3A_542 = tpu.memref_squeeze %parallel_loop3A_541 : memref<1x128x128xf32, #tpu.memory_space<vmem>> -> memref<128x128xf32, #tpu.memory_space<vmem>>
        %parallel_loop3A_543 = arith.index_cast %parallel_loop3A_520 : i32 to index
        %parallel_loop3A_544 = arith.constant 32 : index
        %parallel_loop3A_545 = tpu.vector_load %parallel_loop3A_542[%parallel_loop3A_543, %parallel_loop3A_544] {strides = array<i32>} : memref<128x128xf32, #tpu.memory_space<vmem>>, vector<16xf32>,
        %parallel_loop3A_546 = arith.mulf %parallel_loop3A_516, %parallel_loop3A_545 : vector<16xf32>
        %parallel_loop3A_547 = arith.addf %parallel_loop3A_467, %parallel_loop3A_546 : vector<16xf32>
        %parallel_loop3A_548 = arith.constant 0 : i32
        %parallel_loop3A_549 = arith.constant 0 : i32
        %parallel_loop3A_550 = tpu.memref_slice %arg8[%select_n3A_202, %parallel_loop3A_548, %parallel_loop3A_549] : memref<4x128x128xf32, #tpu.memory_space<vmem>> -> memref<1x128x128xf32, #tpu.memory_space<vmem>>
        %parallel_loop3A_551 = tpu.memref_squeeze %parallel_loop3A_550 : memref<1x128x128xf32, #tpu.memory_space<vmem>> -> memref<128x128xf32, #tpu.memory_space<vmem>>
        %parallel_loop3A_552 = arith.index_cast %parallel_loop3A_520 : i32 to index
        %parallel_loop3A_553 = arith.constant 48 : index
        %parallel_loop3A_554 = tpu.vector_load %parallel_loop3A_551[%parallel_loop3A_552, %parallel_loop3A_553] {strides = array<i32>} : memref<128x128xf32, #tpu.memory_space<vmem>>, vector<16xf32>,
        %parallel_loop3A_555 = arith.mulf %parallel_loop3A_516, %parallel_loop3A_554 : vector<16xf32>
        %parallel_loop3A_556 = arith.addf %parallel_loop3A_476, %parallel_loop3A_555 : vector<16xf32>
        %parallel_loop3A_557 = arith.constant 0 : i32
        %parallel_loop3A_558 = arith.constant 0 : i32
        %parallel_loop3A_559 = tpu.memref_slice %arg8[%select_n3A_202, %parallel_loop3A_557, %parallel_loop3A_558] : memref<4x128x128xf32, #tpu.memory_space<vmem>> -> memref<1x128x128xf32, #tpu.memory_space<vmem>>
        %parallel_loop3A_560 = tpu.memref_squeeze %parallel_loop3A_559 : memref<1x128x128xf32, #tpu.memory_space<vmem>> -> memref<128x128xf32, #tpu.memory_space<vmem>>
        %parallel_loop3A_561 = arith.index_cast %parallel_loop3A_520 : i32 to index
        %parallel_loop3A_562 = arith.constant 64 : index
        %parallel_loop3A_563 = tpu.vector_load %parallel_loop3A_560[%parallel_loop3A_561, %parallel_loop3A_562] {strides = array<i32>} : memref<128x128xf32, #tpu.memory_space<vmem>>, vector<16xf32>,
        %parallel_loop3A_564 = arith.mulf %parallel_loop3A_516, %parallel_loop3A_563 : vector<16xf32>
        %parallel_loop3A_565 = arith.addf %parallel_loop3A_485, %parallel_loop3A_564 : vector<16xf32>
        %parallel_loop3A_566 = arith.constant 0 : i32
        %parallel_loop3A_567 = arith.constant 0 : i32
        %parallel_loop3A_568 = tpu.memref_slice %arg8[%select_n3A_202, %parallel_loop3A_566, %parallel_loop3A_567] : memref<4x128x128xf32, #tpu.memory_space<vmem>> -> memref<1x128x128xf32, #tpu.memory_space<vmem>>
        %parallel_loop3A_569 = tpu.memref_squeeze %parallel_loop3A_568 : memref<1x128x128xf32, #tpu.memory_space<vmem>> -> memref<128x128xf32, #tpu.memory_space<vmem>>
        %parallel_loop3A_570 = arith.index_cast %parallel_loop3A_520 : i32 to index
        %parallel_loop3A_571 = arith.constant 80 : index
        %parallel_loop3A_572 = tpu.vector_load %parallel_loop3A_569[%parallel_loop3A_570, %parallel_loop3A_571] {strides = array<i32>} : memref<128x128xf32, #tpu.memory_space<vmem>>, vector<16xf32>,
        %parallel_loop3A_573 = arith.mulf %parallel_loop3A_516, %parallel_loop3A_572 : vector<16xf32>
        %parallel_loop3A_574 = arith.addf %parallel_loop3A_494, %parallel_loop3A_573 : vector<16xf32>
        %parallel_loop3A_575 = arith.constant 0 : i32
        %parallel_loop3A_576 = arith.constant 0 : i32
        %parallel_loop3A_577 = tpu.memref_slice %arg8[%select_n3A_202, %parallel_loop3A_575, %parallel_loop3A_576] : memref<4x128x128xf32, #tpu.memory_space<vmem>> -> memref<1x128x128xf32, #tpu.memory_space<vmem>>
        %parallel_loop3A_578 = tpu.memref_squeeze %parallel_loop3A_577 : memref<1x128x128xf32, #tpu.memory_space<vmem>> -> memref<128x128xf32, #tpu.memory_space<vmem>>
        %parallel_loop3A_579 = arith.index_cast %parallel_loop3A_520 : i32 to index
        %parallel_loop3A_580 = arith.constant 96 : index
        %parallel_loop3A_581 = tpu.vector_load %parallel_loop3A_578[%parallel_loop3A_579, %parallel_loop3A_580] {strides = array<i32>} : memref<128x128xf32, #tpu.memory_space<vmem>>, vector<16xf32>,
        %parallel_loop3A_582 = arith.mulf %parallel_loop3A_516, %parallel_loop3A_581 : vector<16xf32>
        %parallel_loop3A_583 = arith.addf %parallel_loop3A_503, %parallel_loop3A_582 : vector<16xf32>
        %parallel_loop3A_584 = arith.constant 0 : i32
        %parallel_loop3A_585 = arith.constant 0 : i32
        %parallel_loop3A_586 = tpu.memref_slice %arg8[%select_n3A_202, %parallel_loop3A_584, %parallel_loop3A_585] : memref<4x128x128xf32, #tpu.memory_space<vmem>> -> memref<1x128x128xf32, #tpu.memory_space<vmem>>
        %parallel_loop3A_587 = tpu.memref_squeeze %parallel_loop3A_586 : memref<1x128x128xf32, #tpu.memory_space<vmem>> -> memref<128x128xf32, #tpu.memory_space<vmem>>
        %parallel_loop3A_588 = arith.index_cast %parallel_loop3A_520 : i32 to index
        %parallel_loop3A_589 = arith.constant 112 : index
        %parallel_loop3A_590 = tpu.vector_load %parallel_loop3A_587[%parallel_loop3A_588, %parallel_loop3A_589] {strides = array<i32>} : memref<128x128xf32, #tpu.memory_space<vmem>>, vector<16xf32>,
        %parallel_loop3A_591 = arith.mulf %parallel_loop3A_516, %parallel_loop3A_590 : vector<16xf32>
        %parallel_loop3A_592 = arith.addf %parallel_loop3A_512, %parallel_loop3A_591 : vector<16xf32>
        %parallel_loop3A_593 = arith.constant 3 : i32
        %parallel_loop3A_594 = arith.addi %parallel_loop3A_360, %parallel_loop3A_593 : i32
        %parallel_loop3A_595 = vector.broadcast %parallel_loop3A_594 : i32 to vector<16xi32>
        %parallel_loop3A_596 = tpu.vector_load_idx %arg7[%parallel_loop3A_595] : memref<8192xf32, #tpu.memory_space<vmem>>[vector<16xi32>], vector<16xf32>,
        %parallel_loop3A_597 = arith.constant 4 : i32
        %parallel_loop3A_598 = arith.muli %parallel_loop3A_597, %parallel_loop3A_355 : i32
        %parallel_loop3A_599 = arith.constant 3 : i32
        %parallel_loop3A_600 = arith.addi %parallel_loop3A_598, %parallel_loop3A_599 : i32
        %parallel_loop3A_601 = arith.constant 0 : i32
        %parallel_loop3A_602 = arith.constant 0 : i32
        %parallel_loop3A_603 = tpu.memref_slice %arg8[%select_n3A_202, %parallel_loop3A_601, %parallel_loop3A_602] : memref<4x128x128xf32, #tpu.memory_space<vmem>> -> memref<1x128x128xf32, #tpu.memory_space<vmem>>
        %parallel_loop3A_604 = tpu.memref_squeeze %parallel_loop3A_603 : memref<1x128x128xf32, #tpu.memory_space<vmem>> -> memref<128x128xf32, #tpu.memory_space<vmem>>
        %parallel_loop3A_605 = arith.index_cast %parallel_loop3A_600 : i32 to index
        %parallel_loop3A_606 = arith.constant 0 : index
        %parallel_loop3A_607 = tpu.vector_load %parallel_loop3A_604[%parallel_loop3A_605, %parallel_loop3A_606] {strides = array<i32>} : memref<128x128xf32, #tpu.memory_space<vmem>>, vector<16xf32>,
        %parallel_loop3A_608 = arith.mulf %parallel_loop3A_596, %parallel_loop3A_607 : vector<16xf32>
        %parallel_loop3A_609 = arith.addf %parallel_loop3A_529, %parallel_loop3A_608 : vector<16xf32>
        %parallel_loop3A_610 = arith.constant 0 : i32
        %parallel_loop3A_611 = arith.constant 0 : i32
        %parallel_loop3A_612 = tpu.memref_slice %arg8[%select_n3A_202, %parallel_loop3A_610, %parallel_loop3A_611] : memref<4x128x128xf32, #tpu.memory_space<vmem>> -> memref<1x128x128xf32, #tpu.memory_space<vmem>>
        %parallel_loop3A_613 = tpu.memref_squeeze %parallel_loop3A_612 : memref<1x128x128xf32, #tpu.memory_space<vmem>> -> memref<128x128xf32, #tpu.memory_space<vmem>>
        %parallel_loop3A_614 = arith.index_cast %parallel_loop3A_600 : i32 to index
        %parallel_loop3A_615 = arith.constant 16 : index
        %parallel_loop3A_616 = tpu.vector_load %parallel_loop3A_613[%parallel_loop3A_614, %parallel_loop3A_615] {strides = array<i32>} : memref<128x128xf32, #tpu.memory_space<vmem>>, vector<16xf32>,
        %parallel_loop3A_617 = arith.mulf %parallel_loop3A_596, %parallel_loop3A_616 : vector<16xf32>
        %parallel_loop3A_618 = arith.addf %parallel_loop3A_538, %parallel_loop3A_617 : vector<16xf32>
        %parallel_loop3A_619 = arith.constant 0 : i32
        %parallel_loop3A_620 = arith.constant 0 : i32
        %parallel_loop3A_621 = tpu.memref_slice %arg8[%select_n3A_202, %parallel_loop3A_619, %parallel_loop3A_620] : memref<4x128x128xf32, #tpu.memory_space<vmem>> -> memref<1x128x128xf32, #tpu.memory_space<vmem>>
        %parallel_loop3A_622 = tpu.memref_squeeze %parallel_loop3A_621 : memref<1x128x128xf32, #tpu.memory_space<vmem>> -> memref<128x128xf32, #tpu.memory_space<vmem>>
        %parallel_loop3A_623 = arith.index_cast %parallel_loop3A_600 : i32 to index
        %parallel_loop3A_624 = arith.constant 32 : index
        %parallel_loop3A_625 = tpu.vector_load %parallel_loop3A_622[%parallel_loop3A_623, %parallel_loop3A_624] {strides = array<i32>} : memref<128x128xf32, #tpu.memory_space<vmem>>, vector<16xf32>,
        %parallel_loop3A_626 = arith.mulf %parallel_loop3A_596, %parallel_loop3A_625 : vector<16xf32>
        %parallel_loop3A_627 = arith.addf %parallel_loop3A_547, %parallel_loop3A_626 : vector<16xf32>
        %parallel_loop3A_628 = arith.constant 0 : i32
        %parallel_loop3A_629 = arith.constant 0 : i32
        %parallel_loop3A_630 = tpu.memref_slice %arg8[%select_n3A_202, %parallel_loop3A_628, %parallel_loop3A_629] : memref<4x128x128xf32, #tpu.memory_space<vmem>> -> memref<1x128x128xf32, #tpu.memory_space<vmem>>
        %parallel_loop3A_631 = tpu.memref_squeeze %parallel_loop3A_630 : memref<1x128x128xf32, #tpu.memory_space<vmem>> -> memref<128x128xf32, #tpu.memory_space<vmem>>
        %parallel_loop3A_632 = arith.index_cast %parallel_loop3A_600 : i32 to index
        %parallel_loop3A_633 = arith.constant 48 : index
        %parallel_loop3A_634 = tpu.vector_load %parallel_loop3A_631[%parallel_loop3A_632, %parallel_loop3A_633] {strides = array<i32>} : memref<128x128xf32, #tpu.memory_space<vmem>>, vector<16xf32>,
        %parallel_loop3A_635 = arith.mulf %parallel_loop3A_596, %parallel_loop3A_634 : vector<16xf32>
        %parallel_loop3A_636 = arith.addf %parallel_loop3A_556, %parallel_loop3A_635 : vector<16xf32>
        %parallel_loop3A_637 = arith.constant 0 : i32
        %parallel_loop3A_638 = arith.constant 0 : i32
        %parallel_loop3A_639 = tpu.memref_slice %arg8[%select_n3A_202, %parallel_loop3A_637, %parallel_loop3A_638] : memref<4x128x128xf32, #tpu.memory_space<vmem>> -> memref<1x128x128xf32, #tpu.memory_space<vmem>>
        %parallel_loop3A_640 = tpu.memref_squeeze %parallel_loop3A_639 : memref<1x128x128xf32, #tpu.memory_space<vmem>> -> memref<128x128xf32, #tpu.memory_space<vmem>>
        %parallel_loop3A_641 = arith.index_cast %parallel_loop3A_600 : i32 to index
        %parallel_loop3A_642 = arith.constant 64 : index
        %parallel_loop3A_643 = tpu.vector_load %parallel_loop3A_640[%parallel_loop3A_641, %parallel_loop3A_642] {strides = array<i32>} : memref<128x128xf32, #tpu.memory_space<vmem>>, vector<16xf32>,
        %parallel_loop3A_644 = arith.mulf %parallel_loop3A_596, %parallel_loop3A_643 : vector<16xf32>
        %parallel_loop3A_645 = arith.addf %parallel_loop3A_565, %parallel_loop3A_644 : vector<16xf32>
        %parallel_loop3A_646 = arith.constant 0 : i32
        %parallel_loop3A_647 = arith.constant 0 : i32
        %parallel_loop3A_648 = tpu.memref_slice %arg8[%select_n3A_202, %parallel_loop3A_646, %parallel_loop3A_647] : memref<4x128x128xf32, #tpu.memory_space<vmem>> -> memref<1x128x128xf32, #tpu.memory_space<vmem>>
        %parallel_loop3A_649 = tpu.memref_squeeze %parallel_loop3A_648 : memref<1x128x128xf32, #tpu.memory_space<vmem>> -> memref<128x128xf32, #tpu.memory_space<vmem>>
        %parallel_loop3A_650 = arith.index_cast %parallel_loop3A_600 : i32 to index
        %parallel_loop3A_651 = arith.constant 80 : index
        %parallel_loop3A_652 = tpu.vector_load %parallel_loop3A_649[%parallel_loop3A_650, %parallel_loop3A_651] {strides = array<i32>} : memref<128x128xf32, #tpu.memory_space<vmem>>, vector<16xf32>,
        %parallel_loop3A_653 = arith.mulf %parallel_loop3A_596, %parallel_loop3A_652 : vector<16xf32>
        %parallel_loop3A_654 = arith.addf %parallel_loop3A_574, %parallel_loop3A_653 : vector<16xf32>
        %parallel_loop3A_655 = arith.constant 0 : i32
        %parallel_loop3A_656 = arith.constant 0 : i32
        %parallel_loop3A_657 = tpu.memref_slice %arg8[%select_n3A_202, %parallel_loop3A_655, %parallel_loop3A_656] : memref<4x128x128xf32, #tpu.memory_space<vmem>> -> memref<1x128x128xf32, #tpu.memory_space<vmem>>
        %parallel_loop3A_658 = tpu.memref_squeeze %parallel_loop3A_657 : memref<1x128x128xf32, #tpu.memory_space<vmem>> -> memref<128x128xf32, #tpu.memory_space<vmem>>
        %parallel_loop3A_659 = arith.index_cast %parallel_loop3A_600 : i32 to index
        %parallel_loop3A_660 = arith.constant 96 : index
        %parallel_loop3A_661 = tpu.vector_load %parallel_loop3A_658[%parallel_loop3A_659, %parallel_loop3A_660] {strides = array<i32>} : memref<128x128xf32, #tpu.memory_space<vmem>>, vector<16xf32>,
        %parallel_loop3A_662 = arith.mulf %parallel_loop3A_596, %parallel_loop3A_661 : vector<16xf32>
        %parallel_loop3A_663 = arith.addf %parallel_loop3A_583, %parallel_loop3A_662 : vector<16xf32>
        %parallel_loop3A_664 = arith.constant 0 : i32
        %parallel_loop3A_665 = arith.constant 0 : i32
        %parallel_loop3A_666 = tpu.memref_slice %arg8[%select_n3A_202, %parallel_loop3A_664, %parallel_loop3A_665] : memref<4x128x128xf32, #tpu.memory_space<vmem>> -> memref<1x128x128xf32, #tpu.memory_space<vmem>>
        %parallel_loop3A_667 = tpu.memref_squeeze %parallel_loop3A_666 : memref<1x128x128xf32, #tpu.memory_space<vmem>> -> memref<128x128xf32, #tpu.memory_space<vmem>>
        %parallel_loop3A_668 = arith.index_cast %parallel_loop3A_600 : i32 to index
        %parallel_loop3A_669 = arith.constant 112 : index
        %parallel_loop3A_670 = tpu.vector_load %parallel_loop3A_667[%parallel_loop3A_668, %parallel_loop3A_669] {strides = array<i32>} : memref<128x128xf32, #tpu.memory_space<vmem>>, vector<16xf32>,
        %parallel_loop3A_671 = arith.mulf %parallel_loop3A_596, %parallel_loop3A_670 : vector<16xf32>
        %parallel_loop3A_672 = arith.addf %parallel_loop3A_592, %parallel_loop3A_671 : vector<16xf32>
        %parallel_loop3A_673 = arith.constant 32 : i32
        %parallel_loop3A_674 = arith.addi %parallel_loop3A_673, %parallel_loop3A_355 : i32
        %parallel_loop3A_675 = arith.constant 0 : i32
        %parallel_loop3A_676 = arith.constant 0 : i32
        %parallel_loop3A_677 = tpu.memref_slice %arg9[%select_n3A_91, %parallel_loop3A_675, %parallel_loop3A_676] : memref<2x128x128xf32, #tpu.memory_space<vmem>> -> memref<1x128x128xf32, #tpu.memory_space<vmem>>
        %parallel_loop3A_678 = tpu.memref_squeeze %parallel_loop3A_677 : memref<1x128x128xf32, #tpu.memory_space<vmem>> -> memref<128x128xf32, #tpu.memory_space<vmem>>
        %parallel_loop3A_679 = arith.index_cast %parallel_loop3A_674 : i32 to index
        %parallel_loop3A_680 = arith.constant 0 : index
        %parallel_loop3A_681 = tpu.vector_load %parallel_loop3A_678[%parallel_loop3A_679, %parallel_loop3A_680] {strides = array<i32>} : memref<128x128xf32, #tpu.memory_space<vmem>>, vector<16xf32>,
        tpu.vector_store %parallel_loop3A_678[%parallel_loop3A_679, %parallel_loop3A_680], %parallel_loop3A_609 {strides = array<i32>} : memref<128x128xf32, #tpu.memory_space<vmem>>, vector<16xf32>,
        %parallel_loop3A_682 = arith.constant 0 : i32
        %parallel_loop3A_683 = arith.constant 0 : i32
        %parallel_loop3A_684 = tpu.memref_slice %arg9[%select_n3A_91, %parallel_loop3A_682, %parallel_loop3A_683] : memref<2x128x128xf32, #tpu.memory_space<vmem>> -> memref<1x128x128xf32, #tpu.memory_space<vmem>>
        %parallel_loop3A_685 = tpu.memref_squeeze %parallel_loop3A_684 : memref<1x128x128xf32, #tpu.memory_space<vmem>> -> memref<128x128xf32, #tpu.memory_space<vmem>>
        %parallel_loop3A_686 = arith.index_cast %parallel_loop3A_674 : i32 to index
        %parallel_loop3A_687 = arith.constant 16 : index
        %parallel_loop3A_688 = tpu.vector_load %parallel_loop3A_685[%parallel_loop3A_686, %parallel_loop3A_687] {strides = array<i32>} : memref<128x128xf32, #tpu.memory_space<vmem>>, vector<16xf32>,
        tpu.vector_store %parallel_loop3A_685[%parallel_loop3A_686, %parallel_loop3A_687], %parallel_loop3A_618 {strides = array<i32>} : memref<128x128xf32, #tpu.memory_space<vmem>>, vector<16xf32>,
        %parallel_loop3A_689 = arith.constant 0 : i32
        %parallel_loop3A_690 = arith.constant 0 : i32
        %parallel_loop3A_691 = tpu.memref_slice %arg9[%select_n3A_91, %parallel_loop3A_689, %parallel_loop3A_690] : memref<2x128x128xf32, #tpu.memory_space<vmem>> -> memref<1x128x128xf32, #tpu.memory_space<vmem>>
        %parallel_loop3A_692 = tpu.memref_squeeze %parallel_loop3A_691 : memref<1x128x128xf32, #tpu.memory_space<vmem>> -> memref<128x128xf32, #tpu.memory_space<vmem>>
        %parallel_loop3A_693 = arith.index_cast %parallel_loop3A_674 : i32 to index
        %parallel_loop3A_694 = arith.constant 32 : index
        %parallel_loop3A_695 = tpu.vector_load %parallel_loop3A_692[%parallel_loop3A_693, %parallel_loop3A_694] {strides = array<i32>} : memref<128x128xf32, #tpu.memory_space<vmem>>, vector<16xf32>,
        tpu.vector_store %parallel_loop3A_692[%parallel_loop3A_693, %parallel_loop3A_694], %parallel_loop3A_627 {strides = array<i32>} : memref<128x128xf32, #tpu.memory_space<vmem>>, vector<16xf32>,
        %parallel_loop3A_696 = arith.constant 0 : i32
        %parallel_loop3A_697 = arith.constant 0 : i32
        %parallel_loop3A_698 = tpu.memref_slice %arg9[%select_n3A_91, %parallel_loop3A_696, %parallel_loop3A_697] : memref<2x128x128xf32, #tpu.memory_space<vmem>> -> memref<1x128x128xf32, #tpu.memory_space<vmem>>
        %parallel_loop3A_699 = tpu.memref_squeeze %parallel_loop3A_698 : memref<1x128x128xf32, #tpu.memory_space<vmem>> -> memref<128x128xf32, #tpu.memory_space<vmem>>
        %parallel_loop3A_700 = arith.index_cast %parallel_loop3A_674 : i32 to index
        %parallel_loop3A_701 = arith.constant 48 : index
        %parallel_loop3A_702 = tpu.vector_load %parallel_loop3A_699[%parallel_loop3A_700, %parallel_loop3A_701] {strides = array<i32>} : memref<128x128xf32, #tpu.memory_space<vmem>>, vector<16xf32>,
        tpu.vector_store %parallel_loop3A_699[%parallel_loop3A_700, %parallel_loop3A_701], %parallel_loop3A_636 {strides = array<i32>} : memref<128x128xf32, #tpu.memory_space<vmem>>, vector<16xf32>,
        %parallel_loop3A_703 = arith.constant 0 : i32
        %parallel_loop3A_704 = arith.constant 0 : i32
        %parallel_loop3A_705 = tpu.memref_slice %arg9[%select_n3A_91, %parallel_loop3A_703, %parallel_loop3A_704] : memref<2x128x128xf32, #tpu.memory_space<vmem>> -> memref<1x128x128xf32, #tpu.memory_space<vmem>>
        %parallel_loop3A_706 = tpu.memref_squeeze %parallel_loop3A_705 : memref<1x128x128xf32, #tpu.memory_space<vmem>> -> memref<128x128xf32, #tpu.memory_space<vmem>>
        %parallel_loop3A_707 = arith.index_cast %parallel_loop3A_674 : i32 to index
        %parallel_loop3A_708 = arith.constant 64 : index
        %parallel_loop3A_709 = tpu.vector_load %parallel_loop3A_706[%parallel_loop3A_707, %parallel_loop3A_708] {strides = array<i32>} : memref<128x128xf32, #tpu.memory_space<vmem>>, vector<16xf32>,
        tpu.vector_store %parallel_loop3A_706[%parallel_loop3A_707, %parallel_loop3A_708], %parallel_loop3A_645 {strides = array<i32>} : memref<128x128xf32, #tpu.memory_space<vmem>>, vector<16xf32>,
        %parallel_loop3A_710 = arith.constant 0 : i32
        %parallel_loop3A_711 = arith.constant 0 : i32
        %parallel_loop3A_712 = tpu.memref_slice %arg9[%select_n3A_91, %parallel_loop3A_710, %parallel_loop3A_711] : memref<2x128x128xf32, #tpu.memory_space<vmem>> -> memref<1x128x128xf32, #tpu.memory_space<vmem>>
        %parallel_loop3A_713 = tpu.memref_squeeze %parallel_loop3A_712 : memref<1x128x128xf32, #tpu.memory_space<vmem>> -> memref<128x128xf32, #tpu.memory_space<vmem>>
        %parallel_loop3A_714 = arith.index_cast %parallel_loop3A_674 : i32 to index
        %parallel_loop3A_715 = arith.constant 80 : index
        %parallel_loop3A_716 = tpu.vector_load %parallel_loop3A_713[%parallel_loop3A_714, %parallel_loop3A_715] {strides = array<i32>} : memref<128x128xf32, #tpu.memory_space<vmem>>, vector<16xf32>,
        tpu.vector_store %parallel_loop3A_713[%parallel_loop3A_714, %parallel_loop3A_715], %parallel_loop3A_654 {strides = array<i32>} : memref<128x128xf32, #tpu.memory_space<vmem>>, vector<16xf32>,
        %parallel_loop3A_717 = arith.constant 0 : i32
        %parallel_loop3A_718 = arith.constant 0 : i32
        %parallel_loop3A_719 = tpu.memref_slice %arg9[%select_n3A_91, %parallel_loop3A_717, %parallel_loop3A_718] : memref<2x128x128xf32, #tpu.memory_space<vmem>> -> memref<1x128x128xf32, #tpu.memory_space<vmem>>
        %parallel_loop3A_720 = tpu.memref_squeeze %parallel_loop3A_719 : memref<1x128x128xf32, #tpu.memory_space<vmem>> -> memref<128x128xf32, #tpu.memory_space<vmem>>
        %parallel_loop3A_721 = arith.index_cast %parallel_loop3A_674 : i32 to index
        %parallel_loop3A_722 = arith.constant 96 : index
        %parallel_loop3A_723 = tpu.vector_load %parallel_loop3A_720[%parallel_loop3A_721, %parallel_loop3A_722] {strides = array<i32>} : memref<128x128xf32, #tpu.memory_space<vmem>>, vector<16xf32>,
        tpu.vector_store %parallel_loop3A_720[%parallel_loop3A_721, %parallel_loop3A_722], %parallel_loop3A_663 {strides = array<i32>} : memref<128x128xf32, #tpu.memory_space<vmem>>, vector<16xf32>,
        %parallel_loop3A_724 = arith.constant 0 : i32
        %parallel_loop3A_725 = arith.constant 0 : i32
        %parallel_loop3A_726 = tpu.memref_slice %arg9[%select_n3A_91, %parallel_loop3A_724, %parallel_loop3A_725] : memref<2x128x128xf32, #tpu.memory_space<vmem>> -> memref<1x128x128xf32, #tpu.memory_space<vmem>>
        %parallel_loop3A_727 = tpu.memref_squeeze %parallel_loop3A_726 : memref<1x128x128xf32, #tpu.memory_space<vmem>> -> memref<128x128xf32, #tpu.memory_space<vmem>>
        %parallel_loop3A_728 = arith.index_cast %parallel_loop3A_674 : i32 to index
        %parallel_loop3A_729 = arith.constant 112 : index
        %parallel_loop3A_730 = tpu.vector_load %parallel_loop3A_727[%parallel_loop3A_728, %parallel_loop3A_729] {strides = array<i32>} : memref<128x128xf32, #tpu.memory_space<vmem>>, vector<16xf32>,
        tpu.vector_store %parallel_loop3A_727[%parallel_loop3A_728, %parallel_loop3A_729], %parallel_loop3A_672 {strides = array<i32>} : memref<128x128xf32, #tpu.memory_space<vmem>>, vector<16xf32>,
      } {sc.loop_unroll_factor = 4 : i64, sc.parallel_access}
      %mul3A_206 = arith.constant 4 : i32
      %mul3A_207 = arith.muli %scan3A_80, %mul3A_206 : i32
      %add3A_208 = arith.constant 2 : i32
      %add3A_209 = arith.addi %mul3A_207, %add3A_208 : i32
      %jit3A_210 = arith.constant 4 : i32
      %eq3A_211 = arith.constant 0 : i32
      %eq3A_212 = arith.cmpi eq, %jit3A_210, %eq3A_211 : i32
      %jit3A_213 = arith.constant 1 : i32
      %select_n3A_214 = arith.select %eq3A_212, %jit3A_213, %jit3A_210 : i32
      %rem3A_215 = arith.remsi %add3A_209, %select_n3A_214 : i32
      %ne3A_216 = arith.constant 0 : i32
      %ne3A_217 = arith.cmpi ne, %rem3A_215, %ne3A_216 : i32
      %lt3A_218 = arith.constant 0 : i32
      %lt3A_219 = arith.cmpi slt, %rem3A_215, %lt3A_218 : i32
      %lt3A_220 = arith.constant 0 : i32
      %lt3A_221 = arith.cmpi slt, %select_n3A_214, %lt3A_220 : i32
      %ne3A_222 = arith.xori %lt3A_219, %lt3A_221 : i1
      %and3A_223 = arith.andi %ne3A_222, %ne3A_217 : i1
      %add3A_224 = arith.addi %rem3A_215, %select_n3A_214 : i32
      %select_n3A_225 = arith.select %and3A_223, %add3A_224, %rem3A_215 : i32
      %dma_wait3A_226 = arith.constant 0 : i32
      %dma_wait3A_227 = arith.constant 0 : i32
      %dma_wait3A_228 = tpu.memref_slice %arg8[%select_n3A_225, %dma_wait3A_226, %dma_wait3A_227] : memref<4x128x128xf32, #tpu.memory_space<vmem>> -> memref<1x128x128xf32, #tpu.memory_space<vmem>>
      %dma_wait3A_229 = tpu.memref_squeeze %dma_wait3A_228 : memref<1x128x128xf32, #tpu.memory_space<vmem>> -> memref<128x128xf32, #tpu.memory_space<vmem>>
      %dma_wait3A_230 = arith.constant 0 : i32
      %dma_wait3A_231 = tpu.memref_slice %arg6[%add3A_209, %dma_wait3A_230] : memref<64x128xi32, #tpu.memory_space<vmem>> -> memref<1x128xi32, #tpu.memory_space<vmem>>
      %dma_wait3A_232 = tpu.memref_squeeze %dma_wait3A_231 : memref<1x128xi32, #tpu.memory_space<vmem>> -> memref<128xi32, #tpu.memory_space<vmem>>
      %dma_wait3A_233 = arith.constant 0 : i32
      %dma_wait3A_234 = arith.constant 0 : i32
      %dma_wait3A_235 = tpu.memref_slice %arg2[%dma_wait3A_233, %dma_wait3A_234] : memref<196608x128xf32, #tpu.memory_space<hbm>> -> memref<196608x128xf32, #tpu.memory_space<hbm>>
      tpu.wait_indirect_dma semaphore(%arg10 : memref<!tpu.dma_semaphore, #tpu.memory_space<semaphore_mem>>) src(%dma_wait3A_235 : memref<196608x128xf32, #tpu.memory_space<hbm>>) dst(%dma_wait3A_229 : memref<128x128xf32, #tpu.memory_space<vmem>>)
      %add3A_236 = arith.constant 4 : i32
      %add3A_237 = arith.addi %add3A_209, %add3A_236 : i32
      %sub3A_238 = arith.constant 1 : i32
      %sub3A_239 = arith.subi %add3A_237, %sub3A_238 : i32
      %lt3A_240 = arith.constant 64 : i32
      %lt3A_241 = arith.cmpi slt, %sub3A_239, %lt3A_240 : i32
      %convert_element_type3A_242 = arith.extui %lt3A_241 : i1 to i32
      %cond3A_243 = arith.constant 0 : i32
      %cond3A_244 = arith.cmpi ne, %convert_element_type3A_242, %cond3A_243 : i32
      scf.if %cond3A_244 {
        %add3A_355 = arith.constant 4 : i32
        %add3A_356 = arith.addi %add3A_209, %add3A_355 : i32
        %sub3A_357 = arith.constant 1 : i32
        %sub3A_358 = arith.subi %add3A_356, %sub3A_357 : i32
        %jit3A_359 = arith.constant 4 : i32
        %eq3A_360 = arith.constant 0 : i32
        %eq3A_361 = arith.cmpi eq, %jit3A_359, %eq3A_360 : i32
        %jit3A_362 = arith.constant 1 : i32
        %select_n3A_363 = arith.select %eq3A_361, %jit3A_362, %jit3A_359 : i32
        %rem3A_364 = arith.remsi %sub3A_358, %select_n3A_363 : i32
        %ne3A_365 = arith.constant 0 : i32
        %ne3A_366 = arith.cmpi ne, %rem3A_364, %ne3A_365 : i32
        %lt3A_367 = arith.constant 0 : i32
        %lt3A_368 = arith.cmpi slt, %rem3A_364, %lt3A_367 : i32
        %lt3A_369 = arith.constant 0 : i32
        %lt3A_370 = arith.cmpi slt, %select_n3A_363, %lt3A_369 : i32
        %ne3A_371 = arith.xori %lt3A_368, %lt3A_370 : i1
        %and3A_372 = arith.andi %ne3A_371, %ne3A_366 : i1
        %add3A_373 = arith.addi %rem3A_364, %select_n3A_363 : i32
        %select_n3A_374 = arith.select %and3A_372, %add3A_373, %rem3A_364 : i32
        %dma_start3A_375 = arith.constant 0 : i32
        %dma_start3A_376 = arith.constant 0 : i32
        %dma_start3A_377 = tpu.memref_slice %arg8[%select_n3A_374, %dma_start3A_375, %dma_start3A_376] : memref<4x128x128xf32, #tpu.memory_space<vmem>> -> memref<1x128x128xf32, #tpu.memory_space<vmem>>
        %dma_start3A_378 = tpu.memref_squeeze %dma_start3A_377 : memref<1x128x128xf32, #tpu.memory_space<vmem>> -> memref<128x128xf32, #tpu.memory_space<vmem>>
        %dma_start3A_379 = arith.constant 0 : i32
        %dma_start3A_380 = tpu.memref_slice %arg6[%sub3A_358, %dma_start3A_379] : memref<64x128xi32, #tpu.memory_space<vmem>> -> memref<1x128xi32, #tpu.memory_space<vmem>>
        %dma_start3A_381 = tpu.memref_squeeze %dma_start3A_380 : memref<1x128xi32, #tpu.memory_space<vmem>> -> memref<128xi32, #tpu.memory_space<vmem>>
        %dma_start3A_382 = arith.constant 0 : i32
        %dma_start3A_383 = arith.constant 0 : i32
        %dma_start3A_384 = tpu.memref_slice %arg2[%dma_start3A_382, %dma_start3A_383] : memref<196608x128xf32, #tpu.memory_space<hbm>> -> memref<196608x128xf32, #tpu.memory_space<hbm>>
        tpu.enqueue_indirect_dma source(%dma_start3A_384 : memref<196608x128xf32, #tpu.memory_space<hbm>>) target(%dma_start3A_378 : memref<128x128xf32, #tpu.memory_space<vmem>>) offsets(%dma_start3A_381 : memref<128xi32, #tpu.memory_space<vmem>>) semaphore(%arg10 : memref<!tpu.dma_semaphore, #tpu.memory_space<semaphore_mem>>)
      } else {
      }
      %jit3A_245 = arith.constant 4 : i32
      %eq3A_246 = arith.constant 0 : i32
      %eq3A_247 = arith.cmpi eq, %jit3A_245, %eq3A_246 : i32
      %jit3A_248 = arith.constant 1 : i32
      %select_n3A_249 = arith.select %eq3A_247, %jit3A_248, %jit3A_245 : i32
      %rem3A_250 = arith.remsi %add3A_209, %select_n3A_249 : i32
      %ne3A_251 = arith.constant 0 : i32
      %ne3A_252 = arith.cmpi ne, %rem3A_250, %ne3A_251 : i32
      %lt3A_253 = arith.constant 0 : i32
      %lt3A_254 = arith.cmpi slt, %rem3A_250, %lt3A_253 : i32
      %lt3A_255 = arith.constant 0 : i32
      %lt3A_256 = arith.cmpi slt, %select_n3A_249, %lt3A_255 : i32
      %ne3A_257 = arith.xori %lt3A_254, %lt3A_256 : i1
      %and3A_258 = arith.andi %ne3A_257, %ne3A_252 : i1
      %add3A_259 = arith.addi %rem3A_250, %select_n3A_249 : i32
      %select_n3A_260 = arith.select %and3A_258, %add3A_259, %rem3A_250 : i32
      %parallel_loop3A_261 = arith.constant 0 : i32
      %parallel_loop3A_262 = arith.constant 32 : i32
      %parallel_loop3A_263 = arith.constant 1 : i32
      scf.for %parallel_loop3A_355 = %parallel_loop3A_261 to %parallel_loop3A_262 step %parallel_loop3A_263  : i32 {
        %parallel_loop3A_356 = arith.constant 32 : i32
        %parallel_loop3A_357 = arith.muli %add3A_209, %parallel_loop3A_356 : i32
        %parallel_loop3A_358 = arith.addi %parallel_loop3A_357, %parallel_loop3A_355 : i32
        %parallel_loop3A_359 = arith.constant 4 : i32
        %parallel_loop3A_360 = arith.muli %parallel_loop3A_359, %parallel_loop3A_358 : i32
        %parallel_loop3A_361 = arith.constant 0 : i32
        %parallel_loop3A_362 = arith.addi %parallel_loop3A_360, %parallel_loop3A_361 : i32
        %parallel_loop3A_363 = vector.broadcast %parallel_loop3A_362 : i32 to vector<16xi32>
        %parallel_loop3A_364 = tpu.vector_load_idx %arg7[%parallel_loop3A_363] : memref<8192xf32, #tpu.memory_space<vmem>>[vector<16xi32>], vector<16xf32>,
        %parallel_loop3A_365 = arith.constant 4 : i32
        %parallel_loop3A_366 = arith.muli %parallel_loop3A_365, %parallel_loop3A_355 : i32
        %parallel_loop3A_367 = arith.constant 0 : i32
        %parallel_loop3A_368 = arith.addi %parallel_loop3A_366, %parallel_loop3A_367 : i32
        %parallel_loop3A_369 = arith.constant 0 : i32
        %parallel_loop3A_370 = arith.constant 0 : i32
        %parallel_loop3A_371 = tpu.memref_slice %arg8[%select_n3A_260, %parallel_loop3A_369, %parallel_loop3A_370] : memref<4x128x128xf32, #tpu.memory_space<vmem>> -> memref<1x128x128xf32, #tpu.memory_space<vmem>>
        %parallel_loop3A_372 = tpu.memref_squeeze %parallel_loop3A_371 : memref<1x128x128xf32, #tpu.memory_space<vmem>> -> memref<128x128xf32, #tpu.memory_space<vmem>>
        %parallel_loop3A_373 = arith.index_cast %parallel_loop3A_368 : i32 to index
        %parallel_loop3A_374 = arith.constant 0 : index
        %parallel_loop3A_375 = tpu.vector_load %parallel_loop3A_372[%parallel_loop3A_373, %parallel_loop3A_374] {strides = array<i32>} : memref<128x128xf32, #tpu.memory_space<vmem>>, vector<16xf32>,
        %parallel_loop3A_376 = arith.mulf %parallel_loop3A_364, %parallel_loop3A_375 : vector<16xf32>
        %parallel_loop3A_377 = arith.constant 0 : i32
        %parallel_loop3A_378 = arith.constant 0 : i32
        %parallel_loop3A_379 = tpu.memref_slice %arg8[%select_n3A_260, %parallel_loop3A_377, %parallel_loop3A_378] : memref<4x128x128xf32, #tpu.memory_space<vmem>> -> memref<1x128x128xf32, #tpu.memory_space<vmem>>
        %parallel_loop3A_380 = tpu.memref_squeeze %parallel_loop3A_379 : memref<1x128x128xf32, #tpu.memory_space<vmem>> -> memref<128x128xf32, #tpu.memory_space<vmem>>
        %parallel_loop3A_381 = arith.index_cast %parallel_loop3A_368 : i32 to index
        %parallel_loop3A_382 = arith.constant 16 : index
        %parallel_loop3A_383 = tpu.vector_load %parallel_loop3A_380[%parallel_loop3A_381, %parallel_loop3A_382] {strides = array<i32>} : memref<128x128xf32, #tpu.memory_space<vmem>>, vector<16xf32>,
        %parallel_loop3A_384 = arith.mulf %parallel_loop3A_364, %parallel_loop3A_383 : vector<16xf32>
        %parallel_loop3A_385 = arith.constant 0 : i32
        %parallel_loop3A_386 = arith.constant 0 : i32
        %parallel_loop3A_387 = tpu.memref_slice %arg8[%select_n3A_260, %parallel_loop3A_385, %parallel_loop3A_386] : memref<4x128x128xf32, #tpu.memory_space<vmem>> -> memref<1x128x128xf32, #tpu.memory_space<vmem>>
        %parallel_loop3A_388 = tpu.memref_squeeze %parallel_loop3A_387 : memref<1x128x128xf32, #tpu.memory_space<vmem>> -> memref<128x128xf32, #tpu.memory_space<vmem>>
        %parallel_loop3A_389 = arith.index_cast %parallel_loop3A_368 : i32 to index
        %parallel_loop3A_390 = arith.constant 32 : index
        %parallel_loop3A_391 = tpu.vector_load %parallel_loop3A_388[%parallel_loop3A_389, %parallel_loop3A_390] {strides = array<i32>} : memref<128x128xf32, #tpu.memory_space<vmem>>, vector<16xf32>,
        %parallel_loop3A_392 = arith.mulf %parallel_loop3A_364, %parallel_loop3A_391 : vector<16xf32>
        %parallel_loop3A_393 = arith.constant 0 : i32
        %parallel_loop3A_394 = arith.constant 0 : i32
        %parallel_loop3A_395 = tpu.memref_slice %arg8[%select_n3A_260, %parallel_loop3A_393, %parallel_loop3A_394] : memref<4x128x128xf32, #tpu.memory_space<vmem>> -> memref<1x128x128xf32, #tpu.memory_space<vmem>>
        %parallel_loop3A_396 = tpu.memref_squeeze %parallel_loop3A_395 : memref<1x128x128xf32, #tpu.memory_space<vmem>> -> memref<128x128xf32, #tpu.memory_space<vmem>>
        %parallel_loop3A_397 = arith.index_cast %parallel_loop3A_368 : i32 to index
        %parallel_loop3A_398 = arith.constant 48 : index
        %parallel_loop3A_399 = tpu.vector_load %parallel_loop3A_396[%parallel_loop3A_397, %parallel_loop3A_398] {strides = array<i32>} : memref<128x128xf32, #tpu.memory_space<vmem>>, vector<16xf32>,
        %parallel_loop3A_400 = arith.mulf %parallel_loop3A_364, %parallel_loop3A_399 : vector<16xf32>
        %parallel_loop3A_401 = arith.constant 0 : i32
        %parallel_loop3A_402 = arith.constant 0 : i32
        %parallel_loop3A_403 = tpu.memref_slice %arg8[%select_n3A_260, %parallel_loop3A_401, %parallel_loop3A_402] : memref<4x128x128xf32, #tpu.memory_space<vmem>> -> memref<1x128x128xf32, #tpu.memory_space<vmem>>
        %parallel_loop3A_404 = tpu.memref_squeeze %parallel_loop3A_403 : memref<1x128x128xf32, #tpu.memory_space<vmem>> -> memref<128x128xf32, #tpu.memory_space<vmem>>
        %parallel_loop3A_405 = arith.index_cast %parallel_loop3A_368 : i32 to index
        %parallel_loop3A_406 = arith.constant 64 : index
        %parallel_loop3A_407 = tpu.vector_load %parallel_loop3A_404[%parallel_loop3A_405, %parallel_loop3A_406] {strides = array<i32>} : memref<128x128xf32, #tpu.memory_space<vmem>>, vector<16xf32>,
        %parallel_loop3A_408 = arith.mulf %parallel_loop3A_364, %parallel_loop3A_407 : vector<16xf32>
        %parallel_loop3A_409 = arith.constant 0 : i32
        %parallel_loop3A_410 = arith.constant 0 : i32
        %parallel_loop3A_411 = tpu.memref_slice %arg8[%select_n3A_260, %parallel_loop3A_409, %parallel_loop3A_410] : memref<4x128x128xf32, #tpu.memory_space<vmem>> -> memref<1x128x128xf32, #tpu.memory_space<vmem>>
        %parallel_loop3A_412 = tpu.memref_squeeze %parallel_loop3A_411 : memref<1x128x128xf32, #tpu.memory_space<vmem>> -> memref<128x128xf32, #tpu.memory_space<vmem>>
        %parallel_loop3A_413 = arith.index_cast %parallel_loop3A_368 : i32 to index
        %parallel_loop3A_414 = arith.constant 80 : index
        %parallel_loop3A_415 = tpu.vector_load %parallel_loop3A_412[%parallel_loop3A_413, %parallel_loop3A_414] {strides = array<i32>} : memref<128x128xf32, #tpu.memory_space<vmem>>, vector<16xf32>,
        %parallel_loop3A_416 = arith.mulf %parallel_loop3A_364, %parallel_loop3A_415 : vector<16xf32>
        %parallel_loop3A_417 = arith.constant 0 : i32
        %parallel_loop3A_418 = arith.constant 0 : i32
        %parallel_loop3A_419 = tpu.memref_slice %arg8[%select_n3A_260, %parallel_loop3A_417, %parallel_loop3A_418] : memref<4x128x128xf32, #tpu.memory_space<vmem>> -> memref<1x128x128xf32, #tpu.memory_space<vmem>>
        %parallel_loop3A_420 = tpu.memref_squeeze %parallel_loop3A_419 : memref<1x128x128xf32, #tpu.memory_space<vmem>> -> memref<128x128xf32, #tpu.memory_space<vmem>>
        %parallel_loop3A_421 = arith.index_cast %parallel_loop3A_368 : i32 to index
        %parallel_loop3A_422 = arith.constant 96 : index
        %parallel_loop3A_423 = tpu.vector_load %parallel_loop3A_420[%parallel_loop3A_421, %parallel_loop3A_422] {strides = array<i32>} : memref<128x128xf32, #tpu.memory_space<vmem>>, vector<16xf32>,
        %parallel_loop3A_424 = arith.mulf %parallel_loop3A_364, %parallel_loop3A_423 : vector<16xf32>
        %parallel_loop3A_425 = arith.constant 0 : i32
        %parallel_loop3A_426 = arith.constant 0 : i32
        %parallel_loop3A_427 = tpu.memref_slice %arg8[%select_n3A_260, %parallel_loop3A_425, %parallel_loop3A_426] : memref<4x128x128xf32, #tpu.memory_space<vmem>> -> memref<1x128x128xf32, #tpu.memory_space<vmem>>
        %parallel_loop3A_428 = tpu.memref_squeeze %parallel_loop3A_427 : memref<1x128x128xf32, #tpu.memory_space<vmem>> -> memref<128x128xf32, #tpu.memory_space<vmem>>
        %parallel_loop3A_429 = arith.index_cast %parallel_loop3A_368 : i32 to index
        %parallel_loop3A_430 = arith.constant 112 : index
        %parallel_loop3A_431 = tpu.vector_load %parallel_loop3A_428[%parallel_loop3A_429, %parallel_loop3A_430] {strides = array<i32>} : memref<128x128xf32, #tpu.memory_space<vmem>>, vector<16xf32>,
        %parallel_loop3A_432 = arith.mulf %parallel_loop3A_364, %parallel_loop3A_431 : vector<16xf32>
        %parallel_loop3A_433 = arith.constant 1 : i32
        %parallel_loop3A_434 = arith.addi %parallel_loop3A_360, %parallel_loop3A_433 : i32
        %parallel_loop3A_435 = vector.broadcast %parallel_loop3A_434 : i32 to vector<16xi32>
        %parallel_loop3A_436 = tpu.vector_load_idx %arg7[%parallel_loop3A_435] : memref<8192xf32, #tpu.memory_space<vmem>>[vector<16xi32>], vector<16xf32>,
        %parallel_loop3A_437 = arith.constant 4 : i32
        %parallel_loop3A_438 = arith.muli %parallel_loop3A_437, %parallel_loop3A_355 : i32
        %parallel_loop3A_439 = arith.constant 1 : i32
        %parallel_loop3A_440 = arith.addi %parallel_loop3A_438, %parallel_loop3A_439 : i32
        %parallel_loop3A_441 = arith.constant 0 : i32
        %parallel_loop3A_442 = arith.constant 0 : i32
        %parallel_loop3A_443 = tpu.memref_slice %arg8[%select_n3A_260, %parallel_loop3A_441, %parallel_loop3A_442] : memref<4x128x128xf32, #tpu.memory_space<vmem>> -> memref<1x128x128xf32, #tpu.memory_space<vmem>>
        %parallel_loop3A_444 = tpu.memref_squeeze %parallel_loop3A_443 : memref<1x128x128xf32, #tpu.memory_space<vmem>> -> memref<128x128xf32, #tpu.memory_space<vmem>>
        %parallel_loop3A_445 = arith.index_cast %parallel_loop3A_440 : i32 to index
        %parallel_loop3A_446 = arith.constant 0 : index
        %parallel_loop3A_447 = tpu.vector_load %parallel_loop3A_444[%parallel_loop3A_445, %parallel_loop3A_446] {strides = array<i32>} : memref<128x128xf32, #tpu.memory_space<vmem>>, vector<16xf32>,
        %parallel_loop3A_448 = arith.mulf %parallel_loop3A_436, %parallel_loop3A_447 : vector<16xf32>
        %parallel_loop3A_449 = arith.addf %parallel_loop3A_376, %parallel_loop3A_448 : vector<16xf32>
        %parallel_loop3A_450 = arith.constant 0 : i32
        %parallel_loop3A_451 = arith.constant 0 : i32
        %parallel_loop3A_452 = tpu.memref_slice %arg8[%select_n3A_260, %parallel_loop3A_450, %parallel_loop3A_451] : memref<4x128x128xf32, #tpu.memory_space<vmem>> -> memref<1x128x128xf32, #tpu.memory_space<vmem>>
        %parallel_loop3A_453 = tpu.memref_squeeze %parallel_loop3A_452 : memref<1x128x128xf32, #tpu.memory_space<vmem>> -> memref<128x128xf32, #tpu.memory_space<vmem>>
        %parallel_loop3A_454 = arith.index_cast %parallel_loop3A_440 : i32 to index
        %parallel_loop3A_455 = arith.constant 16 : index
        %parallel_loop3A_456 = tpu.vector_load %parallel_loop3A_453[%parallel_loop3A_454, %parallel_loop3A_455] {strides = array<i32>} : memref<128x128xf32, #tpu.memory_space<vmem>>, vector<16xf32>,
        %parallel_loop3A_457 = arith.mulf %parallel_loop3A_436, %parallel_loop3A_456 : vector<16xf32>
        %parallel_loop3A_458 = arith.addf %parallel_loop3A_384, %parallel_loop3A_457 : vector<16xf32>
        %parallel_loop3A_459 = arith.constant 0 : i32
        %parallel_loop3A_460 = arith.constant 0 : i32
        %parallel_loop3A_461 = tpu.memref_slice %arg8[%select_n3A_260, %parallel_loop3A_459, %parallel_loop3A_460] : memref<4x128x128xf32, #tpu.memory_space<vmem>> -> memref<1x128x128xf32, #tpu.memory_space<vmem>>
        %parallel_loop3A_462 = tpu.memref_squeeze %parallel_loop3A_461 : memref<1x128x128xf32, #tpu.memory_space<vmem>> -> memref<128x128xf32, #tpu.memory_space<vmem>>
        %parallel_loop3A_463 = arith.index_cast %parallel_loop3A_440 : i32 to index
        %parallel_loop3A_464 = arith.constant 32 : index
        %parallel_loop3A_465 = tpu.vector_load %parallel_loop3A_462[%parallel_loop3A_463, %parallel_loop3A_464] {strides = array<i32>} : memref<128x128xf32, #tpu.memory_space<vmem>>, vector<16xf32>,
        %parallel_loop3A_466 = arith.mulf %parallel_loop3A_436, %parallel_loop3A_465 : vector<16xf32>
        %parallel_loop3A_467 = arith.addf %parallel_loop3A_392, %parallel_loop3A_466 : vector<16xf32>
        %parallel_loop3A_468 = arith.constant 0 : i32
        %parallel_loop3A_469 = arith.constant 0 : i32
        %parallel_loop3A_470 = tpu.memref_slice %arg8[%select_n3A_260, %parallel_loop3A_468, %parallel_loop3A_469] : memref<4x128x128xf32, #tpu.memory_space<vmem>> -> memref<1x128x128xf32, #tpu.memory_space<vmem>>
        %parallel_loop3A_471 = tpu.memref_squeeze %parallel_loop3A_470 : memref<1x128x128xf32, #tpu.memory_space<vmem>> -> memref<128x128xf32, #tpu.memory_space<vmem>>
        %parallel_loop3A_472 = arith.index_cast %parallel_loop3A_440 : i32 to index
        %parallel_loop3A_473 = arith.constant 48 : index
        %parallel_loop3A_474 = tpu.vector_load %parallel_loop3A_471[%parallel_loop3A_472, %parallel_loop3A_473] {strides = array<i32>} : memref<128x128xf32, #tpu.memory_space<vmem>>, vector<16xf32>,
        %parallel_loop3A_475 = arith.mulf %parallel_loop3A_436, %parallel_loop3A_474 : vector<16xf32>
        %parallel_loop3A_476 = arith.addf %parallel_loop3A_400, %parallel_loop3A_475 : vector<16xf32>
        %parallel_loop3A_477 = arith.constant 0 : i32
        %parallel_loop3A_478 = arith.constant 0 : i32
        %parallel_loop3A_479 = tpu.memref_slice %arg8[%select_n3A_260, %parallel_loop3A_477, %parallel_loop3A_478] : memref<4x128x128xf32, #tpu.memory_space<vmem>> -> memref<1x128x128xf32, #tpu.memory_space<vmem>>
        %parallel_loop3A_480 = tpu.memref_squeeze %parallel_loop3A_479 : memref<1x128x128xf32, #tpu.memory_space<vmem>> -> memref<128x128xf32, #tpu.memory_space<vmem>>
        %parallel_loop3A_481 = arith.index_cast %parallel_loop3A_440 : i32 to index
        %parallel_loop3A_482 = arith.constant 64 : index
        %parallel_loop3A_483 = tpu.vector_load %parallel_loop3A_480[%parallel_loop3A_481, %parallel_loop3A_482] {strides = array<i32>} : memref<128x128xf32, #tpu.memory_space<vmem>>, vector<16xf32>,
        %parallel_loop3A_484 = arith.mulf %parallel_loop3A_436, %parallel_loop3A_483 : vector<16xf32>
        %parallel_loop3A_485 = arith.addf %parallel_loop3A_408, %parallel_loop3A_484 : vector<16xf32>
        %parallel_loop3A_486 = arith.constant 0 : i32
        %parallel_loop3A_487 = arith.constant 0 : i32
        %parallel_loop3A_488 = tpu.memref_slice %arg8[%select_n3A_260, %parallel_loop3A_486, %parallel_loop3A_487] : memref<4x128x128xf32, #tpu.memory_space<vmem>> -> memref<1x128x128xf32, #tpu.memory_space<vmem>>
        %parallel_loop3A_489 = tpu.memref_squeeze %parallel_loop3A_488 : memref<1x128x128xf32, #tpu.memory_space<vmem>> -> memref<128x128xf32, #tpu.memory_space<vmem>>
        %parallel_loop3A_490 = arith.index_cast %parallel_loop3A_440 : i32 to index
        %parallel_loop3A_491 = arith.constant 80 : index
        %parallel_loop3A_492 = tpu.vector_load %parallel_loop3A_489[%parallel_loop3A_490, %parallel_loop3A_491] {strides = array<i32>} : memref<128x128xf32, #tpu.memory_space<vmem>>, vector<16xf32>,
        %parallel_loop3A_493 = arith.mulf %parallel_loop3A_436, %parallel_loop3A_492 : vector<16xf32>
        %parallel_loop3A_494 = arith.addf %parallel_loop3A_416, %parallel_loop3A_493 : vector<16xf32>
        %parallel_loop3A_495 = arith.constant 0 : i32
        %parallel_loop3A_496 = arith.constant 0 : i32
        %parallel_loop3A_497 = tpu.memref_slice %arg8[%select_n3A_260, %parallel_loop3A_495, %parallel_loop3A_496] : memref<4x128x128xf32, #tpu.memory_space<vmem>> -> memref<1x128x128xf32, #tpu.memory_space<vmem>>
        %parallel_loop3A_498 = tpu.memref_squeeze %parallel_loop3A_497 : memref<1x128x128xf32, #tpu.memory_space<vmem>> -> memref<128x128xf32, #tpu.memory_space<vmem>>
        %parallel_loop3A_499 = arith.index_cast %parallel_loop3A_440 : i32 to index
        %parallel_loop3A_500 = arith.constant 96 : index
        %parallel_loop3A_501 = tpu.vector_load %parallel_loop3A_498[%parallel_loop3A_499, %parallel_loop3A_500] {strides = array<i32>} : memref<128x128xf32, #tpu.memory_space<vmem>>, vector<16xf32>,
        %parallel_loop3A_502 = arith.mulf %parallel_loop3A_436, %parallel_loop3A_501 : vector<16xf32>
        %parallel_loop3A_503 = arith.addf %parallel_loop3A_424, %parallel_loop3A_502 : vector<16xf32>
        %parallel_loop3A_504 = arith.constant 0 : i32
        %parallel_loop3A_505 = arith.constant 0 : i32
        %parallel_loop3A_506 = tpu.memref_slice %arg8[%select_n3A_260, %parallel_loop3A_504, %parallel_loop3A_505] : memref<4x128x128xf32, #tpu.memory_space<vmem>> -> memref<1x128x128xf32, #tpu.memory_space<vmem>>
        %parallel_loop3A_507 = tpu.memref_squeeze %parallel_loop3A_506 : memref<1x128x128xf32, #tpu.memory_space<vmem>> -> memref<128x128xf32, #tpu.memory_space<vmem>>
        %parallel_loop3A_508 = arith.index_cast %parallel_loop3A_440 : i32 to index
        %parallel_loop3A_509 = arith.constant 112 : index
        %parallel_loop3A_510 = tpu.vector_load %parallel_loop3A_507[%parallel_loop3A_508, %parallel_loop3A_509] {strides = array<i32>} : memref<128x128xf32, #tpu.memory_space<vmem>>, vector<16xf32>,
        %parallel_loop3A_511 = arith.mulf %parallel_loop3A_436, %parallel_loop3A_510 : vector<16xf32>
        %parallel_loop3A_512 = arith.addf %parallel_loop3A_432, %parallel_loop3A_511 : vector<16xf32>
        %parallel_loop3A_513 = arith.constant 2 : i32
        %parallel_loop3A_514 = arith.addi %parallel_loop3A_360, %parallel_loop3A_513 : i32
        %parallel_loop3A_515 = vector.broadcast %parallel_loop3A_514 : i32 to vector<16xi32>
        %parallel_loop3A_516 = tpu.vector_load_idx %arg7[%parallel_loop3A_515] : memref<8192xf32, #tpu.memory_space<vmem>>[vector<16xi32>], vector<16xf32>,
        %parallel_loop3A_517 = arith.constant 4 : i32
        %parallel_loop3A_518 = arith.muli %parallel_loop3A_517, %parallel_loop3A_355 : i32
        %parallel_loop3A_519 = arith.constant 2 : i32
        %parallel_loop3A_520 = arith.addi %parallel_loop3A_518, %parallel_loop3A_519 : i32
        %parallel_loop3A_521 = arith.constant 0 : i32
        %parallel_loop3A_522 = arith.constant 0 : i32
        %parallel_loop3A_523 = tpu.memref_slice %arg8[%select_n3A_260, %parallel_loop3A_521, %parallel_loop3A_522] : memref<4x128x128xf32, #tpu.memory_space<vmem>> -> memref<1x128x128xf32, #tpu.memory_space<vmem>>
        %parallel_loop3A_524 = tpu.memref_squeeze %parallel_loop3A_523 : memref<1x128x128xf32, #tpu.memory_space<vmem>> -> memref<128x128xf32, #tpu.memory_space<vmem>>
        %parallel_loop3A_525 = arith.index_cast %parallel_loop3A_520 : i32 to index
        %parallel_loop3A_526 = arith.constant 0 : index
        %parallel_loop3A_527 = tpu.vector_load %parallel_loop3A_524[%parallel_loop3A_525, %parallel_loop3A_526] {strides = array<i32>} : memref<128x128xf32, #tpu.memory_space<vmem>>, vector<16xf32>,
        %parallel_loop3A_528 = arith.mulf %parallel_loop3A_516, %parallel_loop3A_527 : vector<16xf32>
        %parallel_loop3A_529 = arith.addf %parallel_loop3A_449, %parallel_loop3A_528 : vector<16xf32>
        %parallel_loop3A_530 = arith.constant 0 : i32
        %parallel_loop3A_531 = arith.constant 0 : i32
        %parallel_loop3A_532 = tpu.memref_slice %arg8[%select_n3A_260, %parallel_loop3A_530, %parallel_loop3A_531] : memref<4x128x128xf32, #tpu.memory_space<vmem>> -> memref<1x128x128xf32, #tpu.memory_space<vmem>>
        %parallel_loop3A_533 = tpu.memref_squeeze %parallel_loop3A_532 : memref<1x128x128xf32, #tpu.memory_space<vmem>> -> memref<128x128xf32, #tpu.memory_space<vmem>>
        %parallel_loop3A_534 = arith.index_cast %parallel_loop3A_520 : i32 to index
        %parallel_loop3A_535 = arith.constant 16 : index
        %parallel_loop3A_536 = tpu.vector_load %parallel_loop3A_533[%parallel_loop3A_534, %parallel_loop3A_535] {strides = array<i32>} : memref<128x128xf32, #tpu.memory_space<vmem>>, vector<16xf32>,
        %parallel_loop3A_537 = arith.mulf %parallel_loop3A_516, %parallel_loop3A_536 : vector<16xf32>
        %parallel_loop3A_538 = arith.addf %parallel_loop3A_458, %parallel_loop3A_537 : vector<16xf32>
        %parallel_loop3A_539 = arith.constant 0 : i32
        %parallel_loop3A_540 = arith.constant 0 : i32
        %parallel_loop3A_541 = tpu.memref_slice %arg8[%select_n3A_260, %parallel_loop3A_539, %parallel_loop3A_540] : memref<4x128x128xf32, #tpu.memory_space<vmem>> -> memref<1x128x128xf32, #tpu.memory_space<vmem>>
        %parallel_loop3A_542 = tpu.memref_squeeze %parallel_loop3A_541 : memref<1x128x128xf32, #tpu.memory_space<vmem>> -> memref<128x128xf32, #tpu.memory_space<vmem>>
        %parallel_loop3A_543 = arith.index_cast %parallel_loop3A_520 : i32 to index
        %parallel_loop3A_544 = arith.constant 32 : index
        %parallel_loop3A_545 = tpu.vector_load %parallel_loop3A_542[%parallel_loop3A_543, %parallel_loop3A_544] {strides = array<i32>} : memref<128x128xf32, #tpu.memory_space<vmem>>, vector<16xf32>,
        %parallel_loop3A_546 = arith.mulf %parallel_loop3A_516, %parallel_loop3A_545 : vector<16xf32>
        %parallel_loop3A_547 = arith.addf %parallel_loop3A_467, %parallel_loop3A_546 : vector<16xf32>
        %parallel_loop3A_548 = arith.constant 0 : i32
        %parallel_loop3A_549 = arith.constant 0 : i32
        %parallel_loop3A_550 = tpu.memref_slice %arg8[%select_n3A_260, %parallel_loop3A_548, %parallel_loop3A_549] : memref<4x128x128xf32, #tpu.memory_space<vmem>> -> memref<1x128x128xf32, #tpu.memory_space<vmem>>
        %parallel_loop3A_551 = tpu.memref_squeeze %parallel_loop3A_550 : memref<1x128x128xf32, #tpu.memory_space<vmem>> -> memref<128x128xf32, #tpu.memory_space<vmem>>
        %parallel_loop3A_552 = arith.index_cast %parallel_loop3A_520 : i32 to index
        %parallel_loop3A_553 = arith.constant 48 : index
        %parallel_loop3A_554 = tpu.vector_load %parallel_loop3A_551[%parallel_loop3A_552, %parallel_loop3A_553] {strides = array<i32>} : memref<128x128xf32, #tpu.memory_space<vmem>>, vector<16xf32>,
        %parallel_loop3A_555 = arith.mulf %parallel_loop3A_516, %parallel_loop3A_554 : vector<16xf32>
        %parallel_loop3A_556 = arith.addf %parallel_loop3A_476, %parallel_loop3A_555 : vector<16xf32>
        %parallel_loop3A_557 = arith.constant 0 : i32
        %parallel_loop3A_558 = arith.constant 0 : i32
        %parallel_loop3A_559 = tpu.memref_slice %arg8[%select_n3A_260, %parallel_loop3A_557, %parallel_loop3A_558] : memref<4x128x128xf32, #tpu.memory_space<vmem>> -> memref<1x128x128xf32, #tpu.memory_space<vmem>>
        %parallel_loop3A_560 = tpu.memref_squeeze %parallel_loop3A_559 : memref<1x128x128xf32, #tpu.memory_space<vmem>> -> memref<128x128xf32, #tpu.memory_space<vmem>>
        %parallel_loop3A_561 = arith.index_cast %parallel_loop3A_520 : i32 to index
        %parallel_loop3A_562 = arith.constant 64 : index
        %parallel_loop3A_563 = tpu.vector_load %parallel_loop3A_560[%parallel_loop3A_561, %parallel_loop3A_562] {strides = array<i32>} : memref<128x128xf32, #tpu.memory_space<vmem>>, vector<16xf32>,
        %parallel_loop3A_564 = arith.mulf %parallel_loop3A_516, %parallel_loop3A_563 : vector<16xf32>
        %parallel_loop3A_565 = arith.addf %parallel_loop3A_485, %parallel_loop3A_564 : vector<16xf32>
        %parallel_loop3A_566 = arith.constant 0 : i32
        %parallel_loop3A_567 = arith.constant 0 : i32
        %parallel_loop3A_568 = tpu.memref_slice %arg8[%select_n3A_260, %parallel_loop3A_566, %parallel_loop3A_567] : memref<4x128x128xf32, #tpu.memory_space<vmem>> -> memref<1x128x128xf32, #tpu.memory_space<vmem>>
        %parallel_loop3A_569 = tpu.memref_squeeze %parallel_loop3A_568 : memref<1x128x128xf32, #tpu.memory_space<vmem>> -> memref<128x128xf32, #tpu.memory_space<vmem>>
        %parallel_loop3A_570 = arith.index_cast %parallel_loop3A_520 : i32 to index
        %parallel_loop3A_571 = arith.constant 80 : index
        %parallel_loop3A_572 = tpu.vector_load %parallel_loop3A_569[%parallel_loop3A_570, %parallel_loop3A_571] {strides = array<i32>} : memref<128x128xf32, #tpu.memory_space<vmem>>, vector<16xf32>,
        %parallel_loop3A_573 = arith.mulf %parallel_loop3A_516, %parallel_loop3A_572 : vector<16xf32>
        %parallel_loop3A_574 = arith.addf %parallel_loop3A_494, %parallel_loop3A_573 : vector<16xf32>
        %parallel_loop3A_575 = arith.constant 0 : i32
        %parallel_loop3A_576 = arith.constant 0 : i32
        %parallel_loop3A_577 = tpu.memref_slice %arg8[%select_n3A_260, %parallel_loop3A_575, %parallel_loop3A_576] : memref<4x128x128xf32, #tpu.memory_space<vmem>> -> memref<1x128x128xf32, #tpu.memory_space<vmem>>
        %parallel_loop3A_578 = tpu.memref_squeeze %parallel_loop3A_577 : memref<1x128x128xf32, #tpu.memory_space<vmem>> -> memref<128x128xf32, #tpu.memory_space<vmem>>
        %parallel_loop3A_579 = arith.index_cast %parallel_loop3A_520 : i32 to index
        %parallel_loop3A_580 = arith.constant 96 : index
        %parallel_loop3A_581 = tpu.vector_load %parallel_loop3A_578[%parallel_loop3A_579, %parallel_loop3A_580] {strides = array<i32>} : memref<128x128xf32, #tpu.memory_space<vmem>>, vector<16xf32>,
        %parallel_loop3A_582 = arith.mulf %parallel_loop3A_516, %parallel_loop3A_581 : vector<16xf32>
        %parallel_loop3A_583 = arith.addf %parallel_loop3A_503, %parallel_loop3A_582 : vector<16xf32>
        %parallel_loop3A_584 = arith.constant 0 : i32
        %parallel_loop3A_585 = arith.constant 0 : i32
        %parallel_loop3A_586 = tpu.memref_slice %arg8[%select_n3A_260, %parallel_loop3A_584, %parallel_loop3A_585] : memref<4x128x128xf32, #tpu.memory_space<vmem>> -> memref<1x128x128xf32, #tpu.memory_space<vmem>>
        %parallel_loop3A_587 = tpu.memref_squeeze %parallel_loop3A_586 : memref<1x128x128xf32, #tpu.memory_space<vmem>> -> memref<128x128xf32, #tpu.memory_space<vmem>>
        %parallel_loop3A_588 = arith.index_cast %parallel_loop3A_520 : i32 to index
        %parallel_loop3A_589 = arith.constant 112 : index
        %parallel_loop3A_590 = tpu.vector_load %parallel_loop3A_587[%parallel_loop3A_588, %parallel_loop3A_589] {strides = array<i32>} : memref<128x128xf32, #tpu.memory_space<vmem>>, vector<16xf32>,
        %parallel_loop3A_591 = arith.mulf %parallel_loop3A_516, %parallel_loop3A_590 : vector<16xf32>
        %parallel_loop3A_592 = arith.addf %parallel_loop3A_512, %parallel_loop3A_591 : vector<16xf32>
        %parallel_loop3A_593 = arith.constant 3 : i32
        %parallel_loop3A_594 = arith.addi %parallel_loop3A_360, %parallel_loop3A_593 : i32
        %parallel_loop3A_595 = vector.broadcast %parallel_loop3A_594 : i32 to vector<16xi32>
        %parallel_loop3A_596 = tpu.vector_load_idx %arg7[%parallel_loop3A_595] : memref<8192xf32, #tpu.memory_space<vmem>>[vector<16xi32>], vector<16xf32>,
        %parallel_loop3A_597 = arith.constant 4 : i32
        %parallel_loop3A_598 = arith.muli %parallel_loop3A_597, %parallel_loop3A_355 : i32
        %parallel_loop3A_599 = arith.constant 3 : i32
        %parallel_loop3A_600 = arith.addi %parallel_loop3A_598, %parallel_loop3A_599 : i32
        %parallel_loop3A_601 = arith.constant 0 : i32
        %parallel_loop3A_602 = arith.constant 0 : i32
        %parallel_loop3A_603 = tpu.memref_slice %arg8[%select_n3A_260, %parallel_loop3A_601, %parallel_loop3A_602] : memref<4x128x128xf32, #tpu.memory_space<vmem>> -> memref<1x128x128xf32, #tpu.memory_space<vmem>>
        %parallel_loop3A_604 = tpu.memref_squeeze %parallel_loop3A_603 : memref<1x128x128xf32, #tpu.memory_space<vmem>> -> memref<128x128xf32, #tpu.memory_space<vmem>>
        %parallel_loop3A_605 = arith.index_cast %parallel_loop3A_600 : i32 to index
        %parallel_loop3A_606 = arith.constant 0 : index
        %parallel_loop3A_607 = tpu.vector_load %parallel_loop3A_604[%parallel_loop3A_605, %parallel_loop3A_606] {strides = array<i32>} : memref<128x128xf32, #tpu.memory_space<vmem>>, vector<16xf32>,
        %parallel_loop3A_608 = arith.mulf %parallel_loop3A_596, %parallel_loop3A_607 : vector<16xf32>
        %parallel_loop3A_609 = arith.addf %parallel_loop3A_529, %parallel_loop3A_608 : vector<16xf32>
        %parallel_loop3A_610 = arith.constant 0 : i32
        %parallel_loop3A_611 = arith.constant 0 : i32
        %parallel_loop3A_612 = tpu.memref_slice %arg8[%select_n3A_260, %parallel_loop3A_610, %parallel_loop3A_611] : memref<4x128x128xf32, #tpu.memory_space<vmem>> -> memref<1x128x128xf32, #tpu.memory_space<vmem>>
        %parallel_loop3A_613 = tpu.memref_squeeze %parallel_loop3A_612 : memref<1x128x128xf32, #tpu.memory_space<vmem>> -> memref<128x128xf32, #tpu.memory_space<vmem>>
        %parallel_loop3A_614 = arith.index_cast %parallel_loop3A_600 : i32 to index
        %parallel_loop3A_615 = arith.constant 16 : index
        %parallel_loop3A_616 = tpu.vector_load %parallel_loop3A_613[%parallel_loop3A_614, %parallel_loop3A_615] {strides = array<i32>} : memref<128x128xf32, #tpu.memory_space<vmem>>, vector<16xf32>,
        %parallel_loop3A_617 = arith.mulf %parallel_loop3A_596, %parallel_loop3A_616 : vector<16xf32>
        %parallel_loop3A_618 = arith.addf %parallel_loop3A_538, %parallel_loop3A_617 : vector<16xf32>
        %parallel_loop3A_619 = arith.constant 0 : i32
        %parallel_loop3A_620 = arith.constant 0 : i32
        %parallel_loop3A_621 = tpu.memref_slice %arg8[%select_n3A_260, %parallel_loop3A_619, %parallel_loop3A_620] : memref<4x128x128xf32, #tpu.memory_space<vmem>> -> memref<1x128x128xf32, #tpu.memory_space<vmem>>
        %parallel_loop3A_622 = tpu.memref_squeeze %parallel_loop3A_621 : memref<1x128x128xf32, #tpu.memory_space<vmem>> -> memref<128x128xf32, #tpu.memory_space<vmem>>
        %parallel_loop3A_623 = arith.index_cast %parallel_loop3A_600 : i32 to index
        %parallel_loop3A_624 = arith.constant 32 : index
        %parallel_loop3A_625 = tpu.vector_load %parallel_loop3A_622[%parallel_loop3A_623, %parallel_loop3A_624] {strides = array<i32>} : memref<128x128xf32, #tpu.memory_space<vmem>>, vector<16xf32>,
        %parallel_loop3A_626 = arith.mulf %parallel_loop3A_596, %parallel_loop3A_625 : vector<16xf32>
        %parallel_loop3A_627 = arith.addf %parallel_loop3A_547, %parallel_loop3A_626 : vector<16xf32>
        %parallel_loop3A_628 = arith.constant 0 : i32
        %parallel_loop3A_629 = arith.constant 0 : i32
        %parallel_loop3A_630 = tpu.memref_slice %arg8[%select_n3A_260, %parallel_loop3A_628, %parallel_loop3A_629] : memref<4x128x128xf32, #tpu.memory_space<vmem>> -> memref<1x128x128xf32, #tpu.memory_space<vmem>>
        %parallel_loop3A_631 = tpu.memref_squeeze %parallel_loop3A_630 : memref<1x128x128xf32, #tpu.memory_space<vmem>> -> memref<128x128xf32, #tpu.memory_space<vmem>>
        %parallel_loop3A_632 = arith.index_cast %parallel_loop3A_600 : i32 to index
        %parallel_loop3A_633 = arith.constant 48 : index
        %parallel_loop3A_634 = tpu.vector_load %parallel_loop3A_631[%parallel_loop3A_632, %parallel_loop3A_633] {strides = array<i32>} : memref<128x128xf32, #tpu.memory_space<vmem>>, vector<16xf32>,
        %parallel_loop3A_635 = arith.mulf %parallel_loop3A_596, %parallel_loop3A_634 : vector<16xf32>
        %parallel_loop3A_636 = arith.addf %parallel_loop3A_556, %parallel_loop3A_635 : vector<16xf32>
        %parallel_loop3A_637 = arith.constant 0 : i32
        %parallel_loop3A_638 = arith.constant 0 : i32
        %parallel_loop3A_639 = tpu.memref_slice %arg8[%select_n3A_260, %parallel_loop3A_637, %parallel_loop3A_638] : memref<4x128x128xf32, #tpu.memory_space<vmem>> -> memref<1x128x128xf32, #tpu.memory_space<vmem>>
        %parallel_loop3A_640 = tpu.memref_squeeze %parallel_loop3A_639 : memref<1x128x128xf32, #tpu.memory_space<vmem>> -> memref<128x128xf32, #tpu.memory_space<vmem>>
        %parallel_loop3A_641 = arith.index_cast %parallel_loop3A_600 : i32 to index
        %parallel_loop3A_642 = arith.constant 64 : index
        %parallel_loop3A_643 = tpu.vector_load %parallel_loop3A_640[%parallel_loop3A_641, %parallel_loop3A_642] {strides = array<i32>} : memref<128x128xf32, #tpu.memory_space<vmem>>, vector<16xf32>,
        %parallel_loop3A_644 = arith.mulf %parallel_loop3A_596, %parallel_loop3A_643 : vector<16xf32>
        %parallel_loop3A_645 = arith.addf %parallel_loop3A_565, %parallel_loop3A_644 : vector<16xf32>
        %parallel_loop3A_646 = arith.constant 0 : i32
        %parallel_loop3A_647 = arith.constant 0 : i32
        %parallel_loop3A_648 = tpu.memref_slice %arg8[%select_n3A_260, %parallel_loop3A_646, %parallel_loop3A_647] : memref<4x128x128xf32, #tpu.memory_space<vmem>> -> memref<1x128x128xf32, #tpu.memory_space<vmem>>
        %parallel_loop3A_649 = tpu.memref_squeeze %parallel_loop3A_648 : memref<1x128x128xf32, #tpu.memory_space<vmem>> -> memref<128x128xf32, #tpu.memory_space<vmem>>
        %parallel_loop3A_650 = arith.index_cast %parallel_loop3A_600 : i32 to index
        %parallel_loop3A_651 = arith.constant 80 : index
        %parallel_loop3A_652 = tpu.vector_load %parallel_loop3A_649[%parallel_loop3A_650, %parallel_loop3A_651] {strides = array<i32>} : memref<128x128xf32, #tpu.memory_space<vmem>>, vector<16xf32>,
        %parallel_loop3A_653 = arith.mulf %parallel_loop3A_596, %parallel_loop3A_652 : vector<16xf32>
        %parallel_loop3A_654 = arith.addf %parallel_loop3A_574, %parallel_loop3A_653 : vector<16xf32>
        %parallel_loop3A_655 = arith.constant 0 : i32
        %parallel_loop3A_656 = arith.constant 0 : i32
        %parallel_loop3A_657 = tpu.memref_slice %arg8[%select_n3A_260, %parallel_loop3A_655, %parallel_loop3A_656] : memref<4x128x128xf32, #tpu.memory_space<vmem>> -> memref<1x128x128xf32, #tpu.memory_space<vmem>>
        %parallel_loop3A_658 = tpu.memref_squeeze %parallel_loop3A_657 : memref<1x128x128xf32, #tpu.memory_space<vmem>> -> memref<128x128xf32, #tpu.memory_space<vmem>>
        %parallel_loop3A_659 = arith.index_cast %parallel_loop3A_600 : i32 to index
        %parallel_loop3A_660 = arith.constant 96 : index
        %parallel_loop3A_661 = tpu.vector_load %parallel_loop3A_658[%parallel_loop3A_659, %parallel_loop3A_660] {strides = array<i32>} : memref<128x128xf32, #tpu.memory_space<vmem>>, vector<16xf32>,
        %parallel_loop3A_662 = arith.mulf %parallel_loop3A_596, %parallel_loop3A_661 : vector<16xf32>
        %parallel_loop3A_663 = arith.addf %parallel_loop3A_583, %parallel_loop3A_662 : vector<16xf32>
        %parallel_loop3A_664 = arith.constant 0 : i32
        %parallel_loop3A_665 = arith.constant 0 : i32
        %parallel_loop3A_666 = tpu.memref_slice %arg8[%select_n3A_260, %parallel_loop3A_664, %parallel_loop3A_665] : memref<4x128x128xf32, #tpu.memory_space<vmem>> -> memref<1x128x128xf32, #tpu.memory_space<vmem>>
        %parallel_loop3A_667 = tpu.memref_squeeze %parallel_loop3A_666 : memref<1x128x128xf32, #tpu.memory_space<vmem>> -> memref<128x128xf32, #tpu.memory_space<vmem>>
        %parallel_loop3A_668 = arith.index_cast %parallel_loop3A_600 : i32 to index
        %parallel_loop3A_669 = arith.constant 112 : index
        %parallel_loop3A_670 = tpu.vector_load %parallel_loop3A_667[%parallel_loop3A_668, %parallel_loop3A_669] {strides = array<i32>} : memref<128x128xf32, #tpu.memory_space<vmem>>, vector<16xf32>,
        %parallel_loop3A_671 = arith.mulf %parallel_loop3A_596, %parallel_loop3A_670 : vector<16xf32>
        %parallel_loop3A_672 = arith.addf %parallel_loop3A_592, %parallel_loop3A_671 : vector<16xf32>
        %parallel_loop3A_673 = arith.constant 64 : i32
        %parallel_loop3A_674 = arith.addi %parallel_loop3A_673, %parallel_loop3A_355 : i32
        %parallel_loop3A_675 = arith.constant 0 : i32
        %parallel_loop3A_676 = arith.constant 0 : i32
        %parallel_loop3A_677 = tpu.memref_slice %arg9[%select_n3A_91, %parallel_loop3A_675, %parallel_loop3A_676] : memref<2x128x128xf32, #tpu.memory_space<vmem>> -> memref<1x128x128xf32, #tpu.memory_space<vmem>>
        %parallel_loop3A_678 = tpu.memref_squeeze %parallel_loop3A_677 : memref<1x128x128xf32, #tpu.memory_space<vmem>> -> memref<128x128xf32, #tpu.memory_space<vmem>>
        %parallel_loop3A_679 = arith.index_cast %parallel_loop3A_674 : i32 to index
        %parallel_loop3A_680 = arith.constant 0 : index
        %parallel_loop3A_681 = tpu.vector_load %parallel_loop3A_678[%parallel_loop3A_679, %parallel_loop3A_680] {strides = array<i32>} : memref<128x128xf32, #tpu.memory_space<vmem>>, vector<16xf32>,
        tpu.vector_store %parallel_loop3A_678[%parallel_loop3A_679, %parallel_loop3A_680], %parallel_loop3A_609 {strides = array<i32>} : memref<128x128xf32, #tpu.memory_space<vmem>>, vector<16xf32>,
        %parallel_loop3A_682 = arith.constant 0 : i32
        %parallel_loop3A_683 = arith.constant 0 : i32
        %parallel_loop3A_684 = tpu.memref_slice %arg9[%select_n3A_91, %parallel_loop3A_682, %parallel_loop3A_683] : memref<2x128x128xf32, #tpu.memory_space<vmem>> -> memref<1x128x128xf32, #tpu.memory_space<vmem>>
        %parallel_loop3A_685 = tpu.memref_squeeze %parallel_loop3A_684 : memref<1x128x128xf32, #tpu.memory_space<vmem>> -> memref<128x128xf32, #tpu.memory_space<vmem>>
        %parallel_loop3A_686 = arith.index_cast %parallel_loop3A_674 : i32 to index
        %parallel_loop3A_687 = arith.constant 16 : index
        %parallel_loop3A_688 = tpu.vector_load %parallel_loop3A_685[%parallel_loop3A_686, %parallel_loop3A_687] {strides = array<i32>} : memref<128x128xf32, #tpu.memory_space<vmem>>, vector<16xf32>,
        tpu.vector_store %parallel_loop3A_685[%parallel_loop3A_686, %parallel_loop3A_687], %parallel_loop3A_618 {strides = array<i32>} : memref<128x128xf32, #tpu.memory_space<vmem>>, vector<16xf32>,
        %parallel_loop3A_689 = arith.constant 0 : i32
        %parallel_loop3A_690 = arith.constant 0 : i32
        %parallel_loop3A_691 = tpu.memref_slice %arg9[%select_n3A_91, %parallel_loop3A_689, %parallel_loop3A_690] : memref<2x128x128xf32, #tpu.memory_space<vmem>> -> memref<1x128x128xf32, #tpu.memory_space<vmem>>
        %parallel_loop3A_692 = tpu.memref_squeeze %parallel_loop3A_691 : memref<1x128x128xf32, #tpu.memory_space<vmem>> -> memref<128x128xf32, #tpu.memory_space<vmem>>
        %parallel_loop3A_693 = arith.index_cast %parallel_loop3A_674 : i32 to index
        %parallel_loop3A_694 = arith.constant 32 : index
        %parallel_loop3A_695 = tpu.vector_load %parallel_loop3A_692[%parallel_loop3A_693, %parallel_loop3A_694] {strides = array<i32>} : memref<128x128xf32, #tpu.memory_space<vmem>>, vector<16xf32>,
        tpu.vector_store %parallel_loop3A_692[%parallel_loop3A_693, %parallel_loop3A_694], %parallel_loop3A_627 {strides = array<i32>} : memref<128x128xf32, #tpu.memory_space<vmem>>, vector<16xf32>,
        %parallel_loop3A_696 = arith.constant 0 : i32
        %parallel_loop3A_697 = arith.constant 0 : i32
        %parallel_loop3A_698 = tpu.memref_slice %arg9[%select_n3A_91, %parallel_loop3A_696, %parallel_loop3A_697] : memref<2x128x128xf32, #tpu.memory_space<vmem>> -> memref<1x128x128xf32, #tpu.memory_space<vmem>>
        %parallel_loop3A_699 = tpu.memref_squeeze %parallel_loop3A_698 : memref<1x128x128xf32, #tpu.memory_space<vmem>> -> memref<128x128xf32, #tpu.memory_space<vmem>>
        %parallel_loop3A_700 = arith.index_cast %parallel_loop3A_674 : i32 to index
        %parallel_loop3A_701 = arith.constant 48 : index
        %parallel_loop3A_702 = tpu.vector_load %parallel_loop3A_699[%parallel_loop3A_700, %parallel_loop3A_701] {strides = array<i32>} : memref<128x128xf32, #tpu.memory_space<vmem>>, vector<16xf32>,
        tpu.vector_store %parallel_loop3A_699[%parallel_loop3A_700, %parallel_loop3A_701], %parallel_loop3A_636 {strides = array<i32>} : memref<128x128xf32, #tpu.memory_space<vmem>>, vector<16xf32>,
        %parallel_loop3A_703 = arith.constant 0 : i32
        %parallel_loop3A_704 = arith.constant 0 : i32
        %parallel_loop3A_705 = tpu.memref_slice %arg9[%select_n3A_91, %parallel_loop3A_703, %parallel_loop3A_704] : memref<2x128x128xf32, #tpu.memory_space<vmem>> -> memref<1x128x128xf32, #tpu.memory_space<vmem>>
        %parallel_loop3A_706 = tpu.memref_squeeze %parallel_loop3A_705 : memref<1x128x128xf32, #tpu.memory_space<vmem>> -> memref<128x128xf32, #tpu.memory_space<vmem>>
        %parallel_loop3A_707 = arith.index_cast %parallel_loop3A_674 : i32 to index
        %parallel_loop3A_708 = arith.constant 64 : index
        %parallel_loop3A_709 = tpu.vector_load %parallel_loop3A_706[%parallel_loop3A_707, %parallel_loop3A_708] {strides = array<i32>} : memref<128x128xf32, #tpu.memory_space<vmem>>, vector<16xf32>,
        tpu.vector_store %parallel_loop3A_706[%parallel_loop3A_707, %parallel_loop3A_708], %parallel_loop3A_645 {strides = array<i32>} : memref<128x128xf32, #tpu.memory_space<vmem>>, vector<16xf32>,
        %parallel_loop3A_710 = arith.constant 0 : i32
        %parallel_loop3A_711 = arith.constant 0 : i32
        %parallel_loop3A_712 = tpu.memref_slice %arg9[%select_n3A_91, %parallel_loop3A_710, %parallel_loop3A_711] : memref<2x128x128xf32, #tpu.memory_space<vmem>> -> memref<1x128x128xf32, #tpu.memory_space<vmem>>
        %parallel_loop3A_713 = tpu.memref_squeeze %parallel_loop3A_712 : memref<1x128x128xf32, #tpu.memory_space<vmem>> -> memref<128x128xf32, #tpu.memory_space<vmem>>
        %parallel_loop3A_714 = arith.index_cast %parallel_loop3A_674 : i32 to index
        %parallel_loop3A_715 = arith.constant 80 : index
        %parallel_loop3A_716 = tpu.vector_load %parallel_loop3A_713[%parallel_loop3A_714, %parallel_loop3A_715] {strides = array<i32>} : memref<128x128xf32, #tpu.memory_space<vmem>>, vector<16xf32>,
        tpu.vector_store %parallel_loop3A_713[%parallel_loop3A_714, %parallel_loop3A_715], %parallel_loop3A_654 {strides = array<i32>} : memref<128x128xf32, #tpu.memory_space<vmem>>, vector<16xf32>,
        %parallel_loop3A_717 = arith.constant 0 : i32
        %parallel_loop3A_718 = arith.constant 0 : i32
        %parallel_loop3A_719 = tpu.memref_slice %arg9[%select_n3A_91, %parallel_loop3A_717, %parallel_loop3A_718] : memref<2x128x128xf32, #tpu.memory_space<vmem>> -> memref<1x128x128xf32, #tpu.memory_space<vmem>>
        %parallel_loop3A_720 = tpu.memref_squeeze %parallel_loop3A_719 : memref<1x128x128xf32, #tpu.memory_space<vmem>> -> memref<128x128xf32, #tpu.memory_space<vmem>>
        %parallel_loop3A_721 = arith.index_cast %parallel_loop3A_674 : i32 to index
        %parallel_loop3A_722 = arith.constant 96 : index
        %parallel_loop3A_723 = tpu.vector_load %parallel_loop3A_720[%parallel_loop3A_721, %parallel_loop3A_722] {strides = array<i32>} : memref<128x128xf32, #tpu.memory_space<vmem>>, vector<16xf32>,
        tpu.vector_store %parallel_loop3A_720[%parallel_loop3A_721, %parallel_loop3A_722], %parallel_loop3A_663 {strides = array<i32>} : memref<128x128xf32, #tpu.memory_space<vmem>>, vector<16xf32>,
        %parallel_loop3A_724 = arith.constant 0 : i32
        %parallel_loop3A_725 = arith.constant 0 : i32
        %parallel_loop3A_726 = tpu.memref_slice %arg9[%select_n3A_91, %parallel_loop3A_724, %parallel_loop3A_725] : memref<2x128x128xf32, #tpu.memory_space<vmem>> -> memref<1x128x128xf32, #tpu.memory_space<vmem>>
        %parallel_loop3A_727 = tpu.memref_squeeze %parallel_loop3A_726 : memref<1x128x128xf32, #tpu.memory_space<vmem>> -> memref<128x128xf32, #tpu.memory_space<vmem>>
        %parallel_loop3A_728 = arith.index_cast %parallel_loop3A_674 : i32 to index
        %parallel_loop3A_729 = arith.constant 112 : index
        %parallel_loop3A_730 = tpu.vector_load %parallel_loop3A_727[%parallel_loop3A_728, %parallel_loop3A_729] {strides = array<i32>} : memref<128x128xf32, #tpu.memory_space<vmem>>, vector<16xf32>,
        tpu.vector_store %parallel_loop3A_727[%parallel_loop3A_728, %parallel_loop3A_729], %parallel_loop3A_672 {strides = array<i32>} : memref<128x128xf32, #tpu.memory_space<vmem>>, vector<16xf32>,
      } {sc.loop_unroll_factor = 4 : i64, sc.parallel_access}
      %mul3A_264 = arith.constant 4 : i32
      %mul3A_265 = arith.muli %scan3A_80, %mul3A_264 : i32
      %add3A_266 = arith.constant 3 : i32
      %add3A_267 = arith.addi %mul3A_265, %add3A_266 : i32
      %jit3A_268 = arith.constant 4 : i32
      %eq3A_269 = arith.constant 0 : i32
      %eq3A_270 = arith.cmpi eq, %jit3A_268, %eq3A_269 : i32
      %jit3A_271 = arith.constant 1 : i32
      %select_n3A_272 = arith.select %eq3A_270, %jit3A_271, %jit3A_268 : i32
      %rem3A_273 = arith.remsi %add3A_267, %select_n3A_272 : i32
      %ne3A_274 = arith.constant 0 : i32
      %ne3A_275 = arith.cmpi ne, %rem3A_273, %ne3A_274 : i32
      %lt3A_276 = arith.constant 0 : i32
      %lt3A_277 = arith.cmpi slt, %rem3A_273, %lt3A_276 : i32
      %lt3A_278 = arith.constant 0 : i32
      %lt3A_279 = arith.cmpi slt, %select_n3A_272, %lt3A_278 : i32
      %ne3A_280 = arith.xori %lt3A_277, %lt3A_279 : i1
      %and3A_281 = arith.andi %ne3A_280, %ne3A_275 : i1
      %add3A_282 = arith.addi %rem3A_273, %select_n3A_272 : i32
      %select_n3A_283 = arith.select %and3A_281, %add3A_282, %rem3A_273 : i32
      %dma_wait3A_284 = arith.constant 0 : i32
      %dma_wait3A_285 = arith.constant 0 : i32
      %dma_wait3A_286 = tpu.memref_slice %arg8[%select_n3A_283, %dma_wait3A_284, %dma_wait3A_285] : memref<4x128x128xf32, #tpu.memory_space<vmem>> -> memref<1x128x128xf32, #tpu.memory_space<vmem>>
      %dma_wait3A_287 = tpu.memref_squeeze %dma_wait3A_286 : memref<1x128x128xf32, #tpu.memory_space<vmem>> -> memref<128x128xf32, #tpu.memory_space<vmem>>
      %dma_wait3A_288 = arith.constant 0 : i32
      %dma_wait3A_289 = tpu.memref_slice %arg6[%add3A_267, %dma_wait3A_288] : memref<64x128xi32, #tpu.memory_space<vmem>> -> memref<1x128xi32, #tpu.memory_space<vmem>>
      %dma_wait3A_290 = tpu.memref_squeeze %dma_wait3A_289 : memref<1x128xi32, #tpu.memory_space<vmem>> -> memref<128xi32, #tpu.memory_space<vmem>>
      %dma_wait3A_291 = arith.constant 0 : i32
      %dma_wait3A_292 = arith.constant 0 : i32
      %dma_wait3A_293 = tpu.memref_slice %arg2[%dma_wait3A_291, %dma_wait3A_292] : memref<196608x128xf32, #tpu.memory_space<hbm>> -> memref<196608x128xf32, #tpu.memory_space<hbm>>
      tpu.wait_indirect_dma semaphore(%arg10 : memref<!tpu.dma_semaphore, #tpu.memory_space<semaphore_mem>>) src(%dma_wait3A_293 : memref<196608x128xf32, #tpu.memory_space<hbm>>) dst(%dma_wait3A_287 : memref<128x128xf32, #tpu.memory_space<vmem>>)
      %add3A_294 = arith.constant 4 : i32
      %add3A_295 = arith.addi %add3A_267, %add3A_294 : i32
      %sub3A_296 = arith.constant 1 : i32
      %sub3A_297 = arith.subi %add3A_295, %sub3A_296 : i32
      %lt3A_298 = arith.constant 64 : i32
      %lt3A_299 = arith.cmpi slt, %sub3A_297, %lt3A_298 : i32
      %convert_element_type3A_300 = arith.extui %lt3A_299 : i1 to i32
      %cond3A_301 = arith.constant 0 : i32
      %cond3A_302 = arith.cmpi ne, %convert_element_type3A_300, %cond3A_301 : i32
      scf.if %cond3A_302 {
        %add3A_355 = arith.constant 4 : i32
        %add3A_356 = arith.addi %add3A_267, %add3A_355 : i32
        %sub3A_357 = arith.constant 1 : i32
        %sub3A_358 = arith.subi %add3A_356, %sub3A_357 : i32
        %jit3A_359 = arith.constant 4 : i32
        %eq3A_360 = arith.constant 0 : i32
        %eq3A_361 = arith.cmpi eq, %jit3A_359, %eq3A_360 : i32
        %jit3A_362 = arith.constant 1 : i32
        %select_n3A_363 = arith.select %eq3A_361, %jit3A_362, %jit3A_359 : i32
        %rem3A_364 = arith.remsi %sub3A_358, %select_n3A_363 : i32
        %ne3A_365 = arith.constant 0 : i32
        %ne3A_366 = arith.cmpi ne, %rem3A_364, %ne3A_365 : i32
        %lt3A_367 = arith.constant 0 : i32
        %lt3A_368 = arith.cmpi slt, %rem3A_364, %lt3A_367 : i32
        %lt3A_369 = arith.constant 0 : i32
        %lt3A_370 = arith.cmpi slt, %select_n3A_363, %lt3A_369 : i32
        %ne3A_371 = arith.xori %lt3A_368, %lt3A_370 : i1
        %and3A_372 = arith.andi %ne3A_371, %ne3A_366 : i1
        %add3A_373 = arith.addi %rem3A_364, %select_n3A_363 : i32
        %select_n3A_374 = arith.select %and3A_372, %add3A_373, %rem3A_364 : i32
        %dma_start3A_375 = arith.constant 0 : i32
        %dma_start3A_376 = arith.constant 0 : i32
        %dma_start3A_377 = tpu.memref_slice %arg8[%select_n3A_374, %dma_start3A_375, %dma_start3A_376] : memref<4x128x128xf32, #tpu.memory_space<vmem>> -> memref<1x128x128xf32, #tpu.memory_space<vmem>>
        %dma_start3A_378 = tpu.memref_squeeze %dma_start3A_377 : memref<1x128x128xf32, #tpu.memory_space<vmem>> -> memref<128x128xf32, #tpu.memory_space<vmem>>
        %dma_start3A_379 = arith.constant 0 : i32
        %dma_start3A_380 = tpu.memref_slice %arg6[%sub3A_358, %dma_start3A_379] : memref<64x128xi32, #tpu.memory_space<vmem>> -> memref<1x128xi32, #tpu.memory_space<vmem>>
        %dma_start3A_381 = tpu.memref_squeeze %dma_start3A_380 : memref<1x128xi32, #tpu.memory_space<vmem>> -> memref<128xi32, #tpu.memory_space<vmem>>
        %dma_start3A_382 = arith.constant 0 : i32
        %dma_start3A_383 = arith.constant 0 : i32
        %dma_start3A_384 = tpu.memref_slice %arg2[%dma_start3A_382, %dma_start3A_383] : memref<196608x128xf32, #tpu.memory_space<hbm>> -> memref<196608x128xf32, #tpu.memory_space<hbm>>
        tpu.enqueue_indirect_dma source(%dma_start3A_384 : memref<196608x128xf32, #tpu.memory_space<hbm>>) target(%dma_start3A_378 : memref<128x128xf32, #tpu.memory_space<vmem>>) offsets(%dma_start3A_381 : memref<128xi32, #tpu.memory_space<vmem>>) semaphore(%arg10 : memref<!tpu.dma_semaphore, #tpu.memory_space<semaphore_mem>>)
      } else {
      }
      %jit3A_303 = arith.constant 4 : i32
      %eq3A_304 = arith.constant 0 : i32
      %eq3A_305 = arith.cmpi eq, %jit3A_303, %eq3A_304 : i32
      %jit3A_306 = arith.constant 1 : i32
      %select_n3A_307 = arith.select %eq3A_305, %jit3A_306, %jit3A_303 : i32
      %rem3A_308 = arith.remsi %add3A_267, %select_n3A_307 : i32
      %ne3A_309 = arith.constant 0 : i32
      %ne3A_310 = arith.cmpi ne, %rem3A_308, %ne3A_309 : i32
      %lt3A_311 = arith.constant 0 : i32
      %lt3A_312 = arith.cmpi slt, %rem3A_308, %lt3A_311 : i32
      %lt3A_313 = arith.constant 0 : i32
      %lt3A_314 = arith.cmpi slt, %select_n3A_307, %lt3A_313 : i32
      %ne3A_315 = arith.xori %lt3A_312, %lt3A_314 : i1
      %and3A_316 = arith.andi %ne3A_315, %ne3A_310 : i1
      %add3A_317 = arith.addi %rem3A_308, %select_n3A_307 : i32
      %select_n3A_318 = arith.select %and3A_316, %add3A_317, %rem3A_308 : i32
      %parallel_loop3A_319 = arith.constant 0 : i32
      %parallel_loop3A_320 = arith.constant 32 : i32
      %parallel_loop3A_321 = arith.constant 1 : i32
      scf.for %parallel_loop3A_355 = %parallel_loop3A_319 to %parallel_loop3A_320 step %parallel_loop3A_321  : i32 {
        %parallel_loop3A_356 = arith.constant 32 : i32
        %parallel_loop3A_357 = arith.muli %add3A_267, %parallel_loop3A_356 : i32
        %parallel_loop3A_358 = arith.addi %parallel_loop3A_357, %parallel_loop3A_355 : i32
        %parallel_loop3A_359 = arith.constant 4 : i32
        %parallel_loop3A_360 = arith.muli %parallel_loop3A_359, %parallel_loop3A_358 : i32
        %parallel_loop3A_361 = arith.constant 0 : i32
        %parallel_loop3A_362 = arith.addi %parallel_loop3A_360, %parallel_loop3A_361 : i32
        %parallel_loop3A_363 = vector.broadcast %parallel_loop3A_362 : i32 to vector<16xi32>
        %parallel_loop3A_364 = tpu.vector_load_idx %arg7[%parallel_loop3A_363] : memref<8192xf32, #tpu.memory_space<vmem>>[vector<16xi32>], vector<16xf32>,
        %parallel_loop3A_365 = arith.constant 4 : i32
        %parallel_loop3A_366 = arith.muli %parallel_loop3A_365, %parallel_loop3A_355 : i32
        %parallel_loop3A_367 = arith.constant 0 : i32
        %parallel_loop3A_368 = arith.addi %parallel_loop3A_366, %parallel_loop3A_367 : i32
        %parallel_loop3A_369 = arith.constant 0 : i32
        %parallel_loop3A_370 = arith.constant 0 : i32
        %parallel_loop3A_371 = tpu.memref_slice %arg8[%select_n3A_318, %parallel_loop3A_369, %parallel_loop3A_370] : memref<4x128x128xf32, #tpu.memory_space<vmem>> -> memref<1x128x128xf32, #tpu.memory_space<vmem>>
        %parallel_loop3A_372 = tpu.memref_squeeze %parallel_loop3A_371 : memref<1x128x128xf32, #tpu.memory_space<vmem>> -> memref<128x128xf32, #tpu.memory_space<vmem>>
        %parallel_loop3A_373 = arith.index_cast %parallel_loop3A_368 : i32 to index
        %parallel_loop3A_374 = arith.constant 0 : index
        %parallel_loop3A_375 = tpu.vector_load %parallel_loop3A_372[%parallel_loop3A_373, %parallel_loop3A_374] {strides = array<i32>} : memref<128x128xf32, #tpu.memory_space<vmem>>, vector<16xf32>,
        %parallel_loop3A_376 = arith.mulf %parallel_loop3A_364, %parallel_loop3A_375 : vector<16xf32>
        %parallel_loop3A_377 = arith.constant 0 : i32
        %parallel_loop3A_378 = arith.constant 0 : i32
        %parallel_loop3A_379 = tpu.memref_slice %arg8[%select_n3A_318, %parallel_loop3A_377, %parallel_loop3A_378] : memref<4x128x128xf32, #tpu.memory_space<vmem>> -> memref<1x128x128xf32, #tpu.memory_space<vmem>>
        %parallel_loop3A_380 = tpu.memref_squeeze %parallel_loop3A_379 : memref<1x128x128xf32, #tpu.memory_space<vmem>> -> memref<128x128xf32, #tpu.memory_space<vmem>>
        %parallel_loop3A_381 = arith.index_cast %parallel_loop3A_368 : i32 to index
        %parallel_loop3A_382 = arith.constant 16 : index
        %parallel_loop3A_383 = tpu.vector_load %parallel_loop3A_380[%parallel_loop3A_381, %parallel_loop3A_382] {strides = array<i32>} : memref<128x128xf32, #tpu.memory_space<vmem>>, vector<16xf32>,
        %parallel_loop3A_384 = arith.mulf %parallel_loop3A_364, %parallel_loop3A_383 : vector<16xf32>
        %parallel_loop3A_385 = arith.constant 0 : i32
        %parallel_loop3A_386 = arith.constant 0 : i32
        %parallel_loop3A_387 = tpu.memref_slice %arg8[%select_n3A_318, %parallel_loop3A_385, %parallel_loop3A_386] : memref<4x128x128xf32, #tpu.memory_space<vmem>> -> memref<1x128x128xf32, #tpu.memory_space<vmem>>
        %parallel_loop3A_388 = tpu.memref_squeeze %parallel_loop3A_387 : memref<1x128x128xf32, #tpu.memory_space<vmem>> -> memref<128x128xf32, #tpu.memory_space<vmem>>
        %parallel_loop3A_389 = arith.index_cast %parallel_loop3A_368 : i32 to index
        %parallel_loop3A_390 = arith.constant 32 : index
        %parallel_loop3A_391 = tpu.vector_load %parallel_loop3A_388[%parallel_loop3A_389, %parallel_loop3A_390] {strides = array<i32>} : memref<128x128xf32, #tpu.memory_space<vmem>>, vector<16xf32>,
        %parallel_loop3A_392 = arith.mulf %parallel_loop3A_364, %parallel_loop3A_391 : vector<16xf32>
        %parallel_loop3A_393 = arith.constant 0 : i32
        %parallel_loop3A_394 = arith.constant 0 : i32
        %parallel_loop3A_395 = tpu.memref_slice %arg8[%select_n3A_318, %parallel_loop3A_393, %parallel_loop3A_394] : memref<4x128x128xf32, #tpu.memory_space<vmem>> -> memref<1x128x128xf32, #tpu.memory_space<vmem>>
        %parallel_loop3A_396 = tpu.memref_squeeze %parallel_loop3A_395 : memref<1x128x128xf32, #tpu.memory_space<vmem>> -> memref<128x128xf32, #tpu.memory_space<vmem>>
        %parallel_loop3A_397 = arith.index_cast %parallel_loop3A_368 : i32 to index
        %parallel_loop3A_398 = arith.constant 48 : index
        %parallel_loop3A_399 = tpu.vector_load %parallel_loop3A_396[%parallel_loop3A_397, %parallel_loop3A_398] {strides = array<i32>} : memref<128x128xf32, #tpu.memory_space<vmem>>, vector<16xf32>,
        %parallel_loop3A_400 = arith.mulf %parallel_loop3A_364, %parallel_loop3A_399 : vector<16xf32>
        %parallel_loop3A_401 = arith.constant 0 : i32
        %parallel_loop3A_402 = arith.constant 0 : i32
        %parallel_loop3A_403 = tpu.memref_slice %arg8[%select_n3A_318, %parallel_loop3A_401, %parallel_loop3A_402] : memref<4x128x128xf32, #tpu.memory_space<vmem>> -> memref<1x128x128xf32, #tpu.memory_space<vmem>>
        %parallel_loop3A_404 = tpu.memref_squeeze %parallel_loop3A_403 : memref<1x128x128xf32, #tpu.memory_space<vmem>> -> memref<128x128xf32, #tpu.memory_space<vmem>>
        %parallel_loop3A_405 = arith.index_cast %parallel_loop3A_368 : i32 to index
        %parallel_loop3A_406 = arith.constant 64 : index
        %parallel_loop3A_407 = tpu.vector_load %parallel_loop3A_404[%parallel_loop3A_405, %parallel_loop3A_406] {strides = array<i32>} : memref<128x128xf32, #tpu.memory_space<vmem>>, vector<16xf32>,
        %parallel_loop3A_408 = arith.mulf %parallel_loop3A_364, %parallel_loop3A_407 : vector<16xf32>
        %parallel_loop3A_409 = arith.constant 0 : i32
        %parallel_loop3A_410 = arith.constant 0 : i32
        %parallel_loop3A_411 = tpu.memref_slice %arg8[%select_n3A_318, %parallel_loop3A_409, %parallel_loop3A_410] : memref<4x128x128xf32, #tpu.memory_space<vmem>> -> memref<1x128x128xf32, #tpu.memory_space<vmem>>
        %parallel_loop3A_412 = tpu.memref_squeeze %parallel_loop3A_411 : memref<1x128x128xf32, #tpu.memory_space<vmem>> -> memref<128x128xf32, #tpu.memory_space<vmem>>
        %parallel_loop3A_413 = arith.index_cast %parallel_loop3A_368 : i32 to index
        %parallel_loop3A_414 = arith.constant 80 : index
        %parallel_loop3A_415 = tpu.vector_load %parallel_loop3A_412[%parallel_loop3A_413, %parallel_loop3A_414] {strides = array<i32>} : memref<128x128xf32, #tpu.memory_space<vmem>>, vector<16xf32>,
        %parallel_loop3A_416 = arith.mulf %parallel_loop3A_364, %parallel_loop3A_415 : vector<16xf32>
        %parallel_loop3A_417 = arith.constant 0 : i32
        %parallel_loop3A_418 = arith.constant 0 : i32
        %parallel_loop3A_419 = tpu.memref_slice %arg8[%select_n3A_318, %parallel_loop3A_417, %parallel_loop3A_418] : memref<4x128x128xf32, #tpu.memory_space<vmem>> -> memref<1x128x128xf32, #tpu.memory_space<vmem>>
        %parallel_loop3A_420 = tpu.memref_squeeze %parallel_loop3A_419 : memref<1x128x128xf32, #tpu.memory_space<vmem>> -> memref<128x128xf32, #tpu.memory_space<vmem>>
        %parallel_loop3A_421 = arith.index_cast %parallel_loop3A_368 : i32 to index
        %parallel_loop3A_422 = arith.constant 96 : index
        %parallel_loop3A_423 = tpu.vector_load %parallel_loop3A_420[%parallel_loop3A_421, %parallel_loop3A_422] {strides = array<i32>} : memref<128x128xf32, #tpu.memory_space<vmem>>, vector<16xf32>,
        %parallel_loop3A_424 = arith.mulf %parallel_loop3A_364, %parallel_loop3A_423 : vector<16xf32>
        %parallel_loop3A_425 = arith.constant 0 : i32
        %parallel_loop3A_426 = arith.constant 0 : i32
        %parallel_loop3A_427 = tpu.memref_slice %arg8[%select_n3A_318, %parallel_loop3A_425, %parallel_loop3A_426] : memref<4x128x128xf32, #tpu.memory_space<vmem>> -> memref<1x128x128xf32, #tpu.memory_space<vmem>>
        %parallel_loop3A_428 = tpu.memref_squeeze %parallel_loop3A_427 : memref<1x128x128xf32, #tpu.memory_space<vmem>> -> memref<128x128xf32, #tpu.memory_space<vmem>>
        %parallel_loop3A_429 = arith.index_cast %parallel_loop3A_368 : i32 to index
        %parallel_loop3A_430 = arith.constant 112 : index
        %parallel_loop3A_431 = tpu.vector_load %parallel_loop3A_428[%parallel_loop3A_429, %parallel_loop3A_430] {strides = array<i32>} : memref<128x128xf32, #tpu.memory_space<vmem>>, vector<16xf32>,
        %parallel_loop3A_432 = arith.mulf %parallel_loop3A_364, %parallel_loop3A_431 : vector<16xf32>
        %parallel_loop3A_433 = arith.constant 1 : i32
        %parallel_loop3A_434 = arith.addi %parallel_loop3A_360, %parallel_loop3A_433 : i32
        %parallel_loop3A_435 = vector.broadcast %parallel_loop3A_434 : i32 to vector<16xi32>
        %parallel_loop3A_436 = tpu.vector_load_idx %arg7[%parallel_loop3A_435] : memref<8192xf32, #tpu.memory_space<vmem>>[vector<16xi32>], vector<16xf32>,
        %parallel_loop3A_437 = arith.constant 4 : i32
        %parallel_loop3A_438 = arith.muli %parallel_loop3A_437, %parallel_loop3A_355 : i32
        %parallel_loop3A_439 = arith.constant 1 : i32
        %parallel_loop3A_440 = arith.addi %parallel_loop3A_438, %parallel_loop3A_439 : i32
        %parallel_loop3A_441 = arith.constant 0 : i32
        %parallel_loop3A_442 = arith.constant 0 : i32
        %parallel_loop3A_443 = tpu.memref_slice %arg8[%select_n3A_318, %parallel_loop3A_441, %parallel_loop3A_442] : memref<4x128x128xf32, #tpu.memory_space<vmem>> -> memref<1x128x128xf32, #tpu.memory_space<vmem>>
        %parallel_loop3A_444 = tpu.memref_squeeze %parallel_loop3A_443 : memref<1x128x128xf32, #tpu.memory_space<vmem>> -> memref<128x128xf32, #tpu.memory_space<vmem>>
        %parallel_loop3A_445 = arith.index_cast %parallel_loop3A_440 : i32 to index
        %parallel_loop3A_446 = arith.constant 0 : index
        %parallel_loop3A_447 = tpu.vector_load %parallel_loop3A_444[%parallel_loop3A_445, %parallel_loop3A_446] {strides = array<i32>} : memref<128x128xf32, #tpu.memory_space<vmem>>, vector<16xf32>,
        %parallel_loop3A_448 = arith.mulf %parallel_loop3A_436, %parallel_loop3A_447 : vector<16xf32>
        %parallel_loop3A_449 = arith.addf %parallel_loop3A_376, %parallel_loop3A_448 : vector<16xf32>
        %parallel_loop3A_450 = arith.constant 0 : i32
        %parallel_loop3A_451 = arith.constant 0 : i32
        %parallel_loop3A_452 = tpu.memref_slice %arg8[%select_n3A_318, %parallel_loop3A_450, %parallel_loop3A_451] : memref<4x128x128xf32, #tpu.memory_space<vmem>> -> memref<1x128x128xf32, #tpu.memory_space<vmem>>
        %parallel_loop3A_453 = tpu.memref_squeeze %parallel_loop3A_452 : memref<1x128x128xf32, #tpu.memory_space<vmem>> -> memref<128x128xf32, #tpu.memory_space<vmem>>
        %parallel_loop3A_454 = arith.index_cast %parallel_loop3A_440 : i32 to index
        %parallel_loop3A_455 = arith.constant 16 : index
        %parallel_loop3A_456 = tpu.vector_load %parallel_loop3A_453[%parallel_loop3A_454, %parallel_loop3A_455] {strides = array<i32>} : memref<128x128xf32, #tpu.memory_space<vmem>>, vector<16xf32>,
        %parallel_loop3A_457 = arith.mulf %parallel_loop3A_436, %parallel_loop3A_456 : vector<16xf32>
        %parallel_loop3A_458 = arith.addf %parallel_loop3A_384, %parallel_loop3A_457 : vector<16xf32>
        %parallel_loop3A_459 = arith.constant 0 : i32
        %parallel_loop3A_460 = arith.constant 0 : i32
        %parallel_loop3A_461 = tpu.memref_slice %arg8[%select_n3A_318, %parallel_loop3A_459, %parallel_loop3A_460] : memref<4x128x128xf32, #tpu.memory_space<vmem>> -> memref<1x128x128xf32, #tpu.memory_space<vmem>>
        %parallel_loop3A_462 = tpu.memref_squeeze %parallel_loop3A_461 : memref<1x128x128xf32, #tpu.memory_space<vmem>> -> memref<128x128xf32, #tpu.memory_space<vmem>>
        %parallel_loop3A_463 = arith.index_cast %parallel_loop3A_440 : i32 to index
        %parallel_loop3A_464 = arith.constant 32 : index
        %parallel_loop3A_465 = tpu.vector_load %parallel_loop3A_462[%parallel_loop3A_463, %parallel_loop3A_464] {strides = array<i32>} : memref<128x128xf32, #tpu.memory_space<vmem>>, vector<16xf32>,
        %parallel_loop3A_466 = arith.mulf %parallel_loop3A_436, %parallel_loop3A_465 : vector<16xf32>
        %parallel_loop3A_467 = arith.addf %parallel_loop3A_392, %parallel_loop3A_466 : vector<16xf32>
        %parallel_loop3A_468 = arith.constant 0 : i32
        %parallel_loop3A_469 = arith.constant 0 : i32
        %parallel_loop3A_470 = tpu.memref_slice %arg8[%select_n3A_318, %parallel_loop3A_468, %parallel_loop3A_469] : memref<4x128x128xf32, #tpu.memory_space<vmem>> -> memref<1x128x128xf32, #tpu.memory_space<vmem>>
        %parallel_loop3A_471 = tpu.memref_squeeze %parallel_loop3A_470 : memref<1x128x128xf32, #tpu.memory_space<vmem>> -> memref<128x128xf32, #tpu.memory_space<vmem>>
        %parallel_loop3A_472 = arith.index_cast %parallel_loop3A_440 : i32 to index
        %parallel_loop3A_473 = arith.constant 48 : index
        %parallel_loop3A_474 = tpu.vector_load %parallel_loop3A_471[%parallel_loop3A_472, %parallel_loop3A_473] {strides = array<i32>} : memref<128x128xf32, #tpu.memory_space<vmem>>, vector<16xf32>,
        %parallel_loop3A_475 = arith.mulf %parallel_loop3A_436, %parallel_loop3A_474 : vector<16xf32>
        %parallel_loop3A_476 = arith.addf %parallel_loop3A_400, %parallel_loop3A_475 : vector<16xf32>
        %parallel_loop3A_477 = arith.constant 0 : i32
        %parallel_loop3A_478 = arith.constant 0 : i32
        %parallel_loop3A_479 = tpu.memref_slice %arg8[%select_n3A_318, %parallel_loop3A_477, %parallel_loop3A_478] : memref<4x128x128xf32, #tpu.memory_space<vmem>> -> memref<1x128x128xf32, #tpu.memory_space<vmem>>
        %parallel_loop3A_480 = tpu.memref_squeeze %parallel_loop3A_479 : memref<1x128x128xf32, #tpu.memory_space<vmem>> -> memref<128x128xf32, #tpu.memory_space<vmem>>
        %parallel_loop3A_481 = arith.index_cast %parallel_loop3A_440 : i32 to index
        %parallel_loop3A_482 = arith.constant 64 : index
        %parallel_loop3A_483 = tpu.vector_load %parallel_loop3A_480[%parallel_loop3A_481, %parallel_loop3A_482] {strides = array<i32>} : memref<128x128xf32, #tpu.memory_space<vmem>>, vector<16xf32>,
        %parallel_loop3A_484 = arith.mulf %parallel_loop3A_436, %parallel_loop3A_483 : vector<16xf32>
        %parallel_loop3A_485 = arith.addf %parallel_loop3A_408, %parallel_loop3A_484 : vector<16xf32>
        %parallel_loop3A_486 = arith.constant 0 : i32
        %parallel_loop3A_487 = arith.constant 0 : i32
        %parallel_loop3A_488 = tpu.memref_slice %arg8[%select_n3A_318, %parallel_loop3A_486, %parallel_loop3A_487] : memref<4x128x128xf32, #tpu.memory_space<vmem>> -> memref<1x128x128xf32, #tpu.memory_space<vmem>>
        %parallel_loop3A_489 = tpu.memref_squeeze %parallel_loop3A_488 : memref<1x128x128xf32, #tpu.memory_space<vmem>> -> memref<128x128xf32, #tpu.memory_space<vmem>>
        %parallel_loop3A_490 = arith.index_cast %parallel_loop3A_440 : i32 to index
        %parallel_loop3A_491 = arith.constant 80 : index
        %parallel_loop3A_492 = tpu.vector_load %parallel_loop3A_489[%parallel_loop3A_490, %parallel_loop3A_491] {strides = array<i32>} : memref<128x128xf32, #tpu.memory_space<vmem>>, vector<16xf32>,
        %parallel_loop3A_493 = arith.mulf %parallel_loop3A_436, %parallel_loop3A_492 : vector<16xf32>
        %parallel_loop3A_494 = arith.addf %parallel_loop3A_416, %parallel_loop3A_493 : vector<16xf32>
        %parallel_loop3A_495 = arith.constant 0 : i32
        %parallel_loop3A_496 = arith.constant 0 : i32
        %parallel_loop3A_497 = tpu.memref_slice %arg8[%select_n3A_318, %parallel_loop3A_495, %parallel_loop3A_496] : memref<4x128x128xf32, #tpu.memory_space<vmem>> -> memref<1x128x128xf32, #tpu.memory_space<vmem>>
        %parallel_loop3A_498 = tpu.memref_squeeze %parallel_loop3A_497 : memref<1x128x128xf32, #tpu.memory_space<vmem>> -> memref<128x128xf32, #tpu.memory_space<vmem>>
        %parallel_loop3A_499 = arith.index_cast %parallel_loop3A_440 : i32 to index
        %parallel_loop3A_500 = arith.constant 96 : index
        %parallel_loop3A_501 = tpu.vector_load %parallel_loop3A_498[%parallel_loop3A_499, %parallel_loop3A_500] {strides = array<i32>} : memref<128x128xf32, #tpu.memory_space<vmem>>, vector<16xf32>,
        %parallel_loop3A_502 = arith.mulf %parallel_loop3A_436, %parallel_loop3A_501 : vector<16xf32>
        %parallel_loop3A_503 = arith.addf %parallel_loop3A_424, %parallel_loop3A_502 : vector<16xf32>
        %parallel_loop3A_504 = arith.constant 0 : i32
        %parallel_loop3A_505 = arith.constant 0 : i32
        %parallel_loop3A_506 = tpu.memref_slice %arg8[%select_n3A_318, %parallel_loop3A_504, %parallel_loop3A_505] : memref<4x128x128xf32, #tpu.memory_space<vmem>> -> memref<1x128x128xf32, #tpu.memory_space<vmem>>
        %parallel_loop3A_507 = tpu.memref_squeeze %parallel_loop3A_506 : memref<1x128x128xf32, #tpu.memory_space<vmem>> -> memref<128x128xf32, #tpu.memory_space<vmem>>
        %parallel_loop3A_508 = arith.index_cast %parallel_loop3A_440 : i32 to index
        %parallel_loop3A_509 = arith.constant 112 : index
        %parallel_loop3A_510 = tpu.vector_load %parallel_loop3A_507[%parallel_loop3A_508, %parallel_loop3A_509] {strides = array<i32>} : memref<128x128xf32, #tpu.memory_space<vmem>>, vector<16xf32>,
        %parallel_loop3A_511 = arith.mulf %parallel_loop3A_436, %parallel_loop3A_510 : vector<16xf32>
        %parallel_loop3A_512 = arith.addf %parallel_loop3A_432, %parallel_loop3A_511 : vector<16xf32>
        %parallel_loop3A_513 = arith.constant 2 : i32
        %parallel_loop3A_514 = arith.addi %parallel_loop3A_360, %parallel_loop3A_513 : i32
        %parallel_loop3A_515 = vector.broadcast %parallel_loop3A_514 : i32 to vector<16xi32>
        %parallel_loop3A_516 = tpu.vector_load_idx %arg7[%parallel_loop3A_515] : memref<8192xf32, #tpu.memory_space<vmem>>[vector<16xi32>], vector<16xf32>,
        %parallel_loop3A_517 = arith.constant 4 : i32
        %parallel_loop3A_518 = arith.muli %parallel_loop3A_517, %parallel_loop3A_355 : i32
        %parallel_loop3A_519 = arith.constant 2 : i32
        %parallel_loop3A_520 = arith.addi %parallel_loop3A_518, %parallel_loop3A_519 : i32
        %parallel_loop3A_521 = arith.constant 0 : i32
        %parallel_loop3A_522 = arith.constant 0 : i32
        %parallel_loop3A_523 = tpu.memref_slice %arg8[%select_n3A_318, %parallel_loop3A_521, %parallel_loop3A_522] : memref<4x128x128xf32, #tpu.memory_space<vmem>> -> memref<1x128x128xf32, #tpu.memory_space<vmem>>
        %parallel_loop3A_524 = tpu.memref_squeeze %parallel_loop3A_523 : memref<1x128x128xf32, #tpu.memory_space<vmem>> -> memref<128x128xf32, #tpu.memory_space<vmem>>
        %parallel_loop3A_525 = arith.index_cast %parallel_loop3A_520 : i32 to index
        %parallel_loop3A_526 = arith.constant 0 : index
        %parallel_loop3A_527 = tpu.vector_load %parallel_loop3A_524[%parallel_loop3A_525, %parallel_loop3A_526] {strides = array<i32>} : memref<128x128xf32, #tpu.memory_space<vmem>>, vector<16xf32>,
        %parallel_loop3A_528 = arith.mulf %parallel_loop3A_516, %parallel_loop3A_527 : vector<16xf32>
        %parallel_loop3A_529 = arith.addf %parallel_loop3A_449, %parallel_loop3A_528 : vector<16xf32>
        %parallel_loop3A_530 = arith.constant 0 : i32
        %parallel_loop3A_531 = arith.constant 0 : i32
        %parallel_loop3A_532 = tpu.memref_slice %arg8[%select_n3A_318, %parallel_loop3A_530, %parallel_loop3A_531] : memref<4x128x128xf32, #tpu.memory_space<vmem>> -> memref<1x128x128xf32, #tpu.memory_space<vmem>>
        %parallel_loop3A_533 = tpu.memref_squeeze %parallel_loop3A_532 : memref<1x128x128xf32, #tpu.memory_space<vmem>> -> memref<128x128xf32, #tpu.memory_space<vmem>>
        %parallel_loop3A_534 = arith.index_cast %parallel_loop3A_520 : i32 to index
        %parallel_loop3A_535 = arith.constant 16 : index
        %parallel_loop3A_536 = tpu.vector_load %parallel_loop3A_533[%parallel_loop3A_534, %parallel_loop3A_535] {strides = array<i32>} : memref<128x128xf32, #tpu.memory_space<vmem>>, vector<16xf32>,
        %parallel_loop3A_537 = arith.mulf %parallel_loop3A_516, %parallel_loop3A_536 : vector<16xf32>
        %parallel_loop3A_538 = arith.addf %parallel_loop3A_458, %parallel_loop3A_537 : vector<16xf32>
        %parallel_loop3A_539 = arith.constant 0 : i32
        %parallel_loop3A_540 = arith.constant 0 : i32
        %parallel_loop3A_541 = tpu.memref_slice %arg8[%select_n3A_318, %parallel_loop3A_539, %parallel_loop3A_540] : memref<4x128x128xf32, #tpu.memory_space<vmem>> -> memref<1x128x128xf32, #tpu.memory_space<vmem>>
        %parallel_loop3A_542 = tpu.memref_squeeze %parallel_loop3A_541 : memref<1x128x128xf32, #tpu.memory_space<vmem>> -> memref<128x128xf32, #tpu.memory_space<vmem>>
        %parallel_loop3A_543 = arith.index_cast %parallel_loop3A_520 : i32 to index
        %parallel_loop3A_544 = arith.constant 32 : index
        %parallel_loop3A_545 = tpu.vector_load %parallel_loop3A_542[%parallel_loop3A_543, %parallel_loop3A_544] {strides = array<i32>} : memref<128x128xf32, #tpu.memory_space<vmem>>, vector<16xf32>,
        %parallel_loop3A_546 = arith.mulf %parallel_loop3A_516, %parallel_loop3A_545 : vector<16xf32>
        %parallel_loop3A_547 = arith.addf %parallel_loop3A_467, %parallel_loop3A_546 : vector<16xf32>
        %parallel_loop3A_548 = arith.constant 0 : i32
        %parallel_loop3A_549 = arith.constant 0 : i32
        %parallel_loop3A_550 = tpu.memref_slice %arg8[%select_n3A_318, %parallel_loop3A_548, %parallel_loop3A_549] : memref<4x128x128xf32, #tpu.memory_space<vmem>> -> memref<1x128x128xf32, #tpu.memory_space<vmem>>
        %parallel_loop3A_551 = tpu.memref_squeeze %parallel_loop3A_550 : memref<1x128x128xf32, #tpu.memory_space<vmem>> -> memref<128x128xf32, #tpu.memory_space<vmem>>
        %parallel_loop3A_552 = arith.index_cast %parallel_loop3A_520 : i32 to index
        %parallel_loop3A_553 = arith.constant 48 : index
        %parallel_loop3A_554 = tpu.vector_load %parallel_loop3A_551[%parallel_loop3A_552, %parallel_loop3A_553] {strides = array<i32>} : memref<128x128xf32, #tpu.memory_space<vmem>>, vector<16xf32>,
        %parallel_loop3A_555 = arith.mulf %parallel_loop3A_516, %parallel_loop3A_554 : vector<16xf32>
        %parallel_loop3A_556 = arith.addf %parallel_loop3A_476, %parallel_loop3A_555 : vector<16xf32>
        %parallel_loop3A_557 = arith.constant 0 : i32
        %parallel_loop3A_558 = arith.constant 0 : i32
        %parallel_loop3A_559 = tpu.memref_slice %arg8[%select_n3A_318, %parallel_loop3A_557, %parallel_loop3A_558] : memref<4x128x128xf32, #tpu.memory_space<vmem>> -> memref<1x128x128xf32, #tpu.memory_space<vmem>>
        %parallel_loop3A_560 = tpu.memref_squeeze %parallel_loop3A_559 : memref<1x128x128xf32, #tpu.memory_space<vmem>> -> memref<128x128xf32, #tpu.memory_space<vmem>>
        %parallel_loop3A_561 = arith.index_cast %parallel_loop3A_520 : i32 to index
        %parallel_loop3A_562 = arith.constant 64 : index
        %parallel_loop3A_563 = tpu.vector_load %parallel_loop3A_560[%parallel_loop3A_561, %parallel_loop3A_562] {strides = array<i32>} : memref<128x128xf32, #tpu.memory_space<vmem>>, vector<16xf32>,
        %parallel_loop3A_564 = arith.mulf %parallel_loop3A_516, %parallel_loop3A_563 : vector<16xf32>
        %parallel_loop3A_565 = arith.addf %parallel_loop3A_485, %parallel_loop3A_564 : vector<16xf32>
        %parallel_loop3A_566 = arith.constant 0 : i32
        %parallel_loop3A_567 = arith.constant 0 : i32
        %parallel_loop3A_568 = tpu.memref_slice %arg8[%select_n3A_318, %parallel_loop3A_566, %parallel_loop3A_567] : memref<4x128x128xf32, #tpu.memory_space<vmem>> -> memref<1x128x128xf32, #tpu.memory_space<vmem>>
        %parallel_loop3A_569 = tpu.memref_squeeze %parallel_loop3A_568 : memref<1x128x128xf32, #tpu.memory_space<vmem>> -> memref<128x128xf32, #tpu.memory_space<vmem>>
        %parallel_loop3A_570 = arith.index_cast %parallel_loop3A_520 : i32 to index
        %parallel_loop3A_571 = arith.constant 80 : index
        %parallel_loop3A_572 = tpu.vector_load %parallel_loop3A_569[%parallel_loop3A_570, %parallel_loop3A_571] {strides = array<i32>} : memref<128x128xf32, #tpu.memory_space<vmem>>, vector<16xf32>,
        %parallel_loop3A_573 = arith.mulf %parallel_loop3A_516, %parallel_loop3A_572 : vector<16xf32>
        %parallel_loop3A_574 = arith.addf %parallel_loop3A_494, %parallel_loop3A_573 : vector<16xf32>
        %parallel_loop3A_575 = arith.constant 0 : i32
        %parallel_loop3A_576 = arith.constant 0 : i32
        %parallel_loop3A_577 = tpu.memref_slice %arg8[%select_n3A_318, %parallel_loop3A_575, %parallel_loop3A_576] : memref<4x128x128xf32, #tpu.memory_space<vmem>> -> memref<1x128x128xf32, #tpu.memory_space<vmem>>
        %parallel_loop3A_578 = tpu.memref_squeeze %parallel_loop3A_577 : memref<1x128x128xf32, #tpu.memory_space<vmem>> -> memref<128x128xf32, #tpu.memory_space<vmem>>
        %parallel_loop3A_579 = arith.index_cast %parallel_loop3A_520 : i32 to index
        %parallel_loop3A_580 = arith.constant 96 : index
        %parallel_loop3A_581 = tpu.vector_load %parallel_loop3A_578[%parallel_loop3A_579, %parallel_loop3A_580] {strides = array<i32>} : memref<128x128xf32, #tpu.memory_space<vmem>>, vector<16xf32>,
        %parallel_loop3A_582 = arith.mulf %parallel_loop3A_516, %parallel_loop3A_581 : vector<16xf32>
        %parallel_loop3A_583 = arith.addf %parallel_loop3A_503, %parallel_loop3A_582 : vector<16xf32>
        %parallel_loop3A_584 = arith.constant 0 : i32
        %parallel_loop3A_585 = arith.constant 0 : i32
        %parallel_loop3A_586 = tpu.memref_slice %arg8[%select_n3A_318, %parallel_loop3A_584, %parallel_loop3A_585] : memref<4x128x128xf32, #tpu.memory_space<vmem>> -> memref<1x128x128xf32, #tpu.memory_space<vmem>>
        %parallel_loop3A_587 = tpu.memref_squeeze %parallel_loop3A_586 : memref<1x128x128xf32, #tpu.memory_space<vmem>> -> memref<128x128xf32, #tpu.memory_space<vmem>>
        %parallel_loop3A_588 = arith.index_cast %parallel_loop3A_520 : i32 to index
        %parallel_loop3A_589 = arith.constant 112 : index
        %parallel_loop3A_590 = tpu.vector_load %parallel_loop3A_587[%parallel_loop3A_588, %parallel_loop3A_589] {strides = array<i32>} : memref<128x128xf32, #tpu.memory_space<vmem>>, vector<16xf32>,
        %parallel_loop3A_591 = arith.mulf %parallel_loop3A_516, %parallel_loop3A_590 : vector<16xf32>
        %parallel_loop3A_592 = arith.addf %parallel_loop3A_512, %parallel_loop3A_591 : vector<16xf32>
        %parallel_loop3A_593 = arith.constant 3 : i32
        %parallel_loop3A_594 = arith.addi %parallel_loop3A_360, %parallel_loop3A_593 : i32
        %parallel_loop3A_595 = vector.broadcast %parallel_loop3A_594 : i32 to vector<16xi32>
        %parallel_loop3A_596 = tpu.vector_load_idx %arg7[%parallel_loop3A_595] : memref<8192xf32, #tpu.memory_space<vmem>>[vector<16xi32>], vector<16xf32>,
        %parallel_loop3A_597 = arith.constant 4 : i32
        %parallel_loop3A_598 = arith.muli %parallel_loop3A_597, %parallel_loop3A_355 : i32
        %parallel_loop3A_599 = arith.constant 3 : i32
        %parallel_loop3A_600 = arith.addi %parallel_loop3A_598, %parallel_loop3A_599 : i32
        %parallel_loop3A_601 = arith.constant 0 : i32
        %parallel_loop3A_602 = arith.constant 0 : i32
        %parallel_loop3A_603 = tpu.memref_slice %arg8[%select_n3A_318, %parallel_loop3A_601, %parallel_loop3A_602] : memref<4x128x128xf32, #tpu.memory_space<vmem>> -> memref<1x128x128xf32, #tpu.memory_space<vmem>>
        %parallel_loop3A_604 = tpu.memref_squeeze %parallel_loop3A_603 : memref<1x128x128xf32, #tpu.memory_space<vmem>> -> memref<128x128xf32, #tpu.memory_space<vmem>>
        %parallel_loop3A_605 = arith.index_cast %parallel_loop3A_600 : i32 to index
        %parallel_loop3A_606 = arith.constant 0 : index
        %parallel_loop3A_607 = tpu.vector_load %parallel_loop3A_604[%parallel_loop3A_605, %parallel_loop3A_606] {strides = array<i32>} : memref<128x128xf32, #tpu.memory_space<vmem>>, vector<16xf32>,
        %parallel_loop3A_608 = arith.mulf %parallel_loop3A_596, %parallel_loop3A_607 : vector<16xf32>
        %parallel_loop3A_609 = arith.addf %parallel_loop3A_529, %parallel_loop3A_608 : vector<16xf32>
        %parallel_loop3A_610 = arith.constant 0 : i32
        %parallel_loop3A_611 = arith.constant 0 : i32
        %parallel_loop3A_612 = tpu.memref_slice %arg8[%select_n3A_318, %parallel_loop3A_610, %parallel_loop3A_611] : memref<4x128x128xf32, #tpu.memory_space<vmem>> -> memref<1x128x128xf32, #tpu.memory_space<vmem>>
        %parallel_loop3A_613 = tpu.memref_squeeze %parallel_loop3A_612 : memref<1x128x128xf32, #tpu.memory_space<vmem>> -> memref<128x128xf32, #tpu.memory_space<vmem>>
        %parallel_loop3A_614 = arith.index_cast %parallel_loop3A_600 : i32 to index
        %parallel_loop3A_615 = arith.constant 16 : index
        %parallel_loop3A_616 = tpu.vector_load %parallel_loop3A_613[%parallel_loop3A_614, %parallel_loop3A_615] {strides = array<i32>} : memref<128x128xf32, #tpu.memory_space<vmem>>, vector<16xf32>,
        %parallel_loop3A_617 = arith.mulf %parallel_loop3A_596, %parallel_loop3A_616 : vector<16xf32>
        %parallel_loop3A_618 = arith.addf %parallel_loop3A_538, %parallel_loop3A_617 : vector<16xf32>
        %parallel_loop3A_619 = arith.constant 0 : i32
        %parallel_loop3A_620 = arith.constant 0 : i32
        %parallel_loop3A_621 = tpu.memref_slice %arg8[%select_n3A_318, %parallel_loop3A_619, %parallel_loop3A_620] : memref<4x128x128xf32, #tpu.memory_space<vmem>> -> memref<1x128x128xf32, #tpu.memory_space<vmem>>
        %parallel_loop3A_622 = tpu.memref_squeeze %parallel_loop3A_621 : memref<1x128x128xf32, #tpu.memory_space<vmem>> -> memref<128x128xf32, #tpu.memory_space<vmem>>
        %parallel_loop3A_623 = arith.index_cast %parallel_loop3A_600 : i32 to index
        %parallel_loop3A_624 = arith.constant 32 : index
        %parallel_loop3A_625 = tpu.vector_load %parallel_loop3A_622[%parallel_loop3A_623, %parallel_loop3A_624] {strides = array<i32>} : memref<128x128xf32, #tpu.memory_space<vmem>>, vector<16xf32>,
        %parallel_loop3A_626 = arith.mulf %parallel_loop3A_596, %parallel_loop3A_625 : vector<16xf32>
        %parallel_loop3A_627 = arith.addf %parallel_loop3A_547, %parallel_loop3A_626 : vector<16xf32>
        %parallel_loop3A_628 = arith.constant 0 : i32
        %parallel_loop3A_629 = arith.constant 0 : i32
        %parallel_loop3A_630 = tpu.memref_slice %arg8[%select_n3A_318, %parallel_loop3A_628, %parallel_loop3A_629] : memref<4x128x128xf32, #tpu.memory_space<vmem>> -> memref<1x128x128xf32, #tpu.memory_space<vmem>>
        %parallel_loop3A_631 = tpu.memref_squeeze %parallel_loop3A_630 : memref<1x128x128xf32, #tpu.memory_space<vmem>> -> memref<128x128xf32, #tpu.memory_space<vmem>>
        %parallel_loop3A_632 = arith.index_cast %parallel_loop3A_600 : i32 to index
        %parallel_loop3A_633 = arith.constant 48 : index
        %parallel_loop3A_634 = tpu.vector_load %parallel_loop3A_631[%parallel_loop3A_632, %parallel_loop3A_633] {strides = array<i32>} : memref<128x128xf32, #tpu.memory_space<vmem>>, vector<16xf32>,
        %parallel_loop3A_635 = arith.mulf %parallel_loop3A_596, %parallel_loop3A_634 : vector<16xf32>
        %parallel_loop3A_636 = arith.addf %parallel_loop3A_556, %parallel_loop3A_635 : vector<16xf32>
        %parallel_loop3A_637 = arith.constant 0 : i32
        %parallel_loop3A_638 = arith.constant 0 : i32
        %parallel_loop3A_639 = tpu.memref_slice %arg8[%select_n3A_318, %parallel_loop3A_637, %parallel_loop3A_638] : memref<4x128x128xf32, #tpu.memory_space<vmem>> -> memref<1x128x128xf32, #tpu.memory_space<vmem>>
        %parallel_loop3A_640 = tpu.memref_squeeze %parallel_loop3A_639 : memref<1x128x128xf32, #tpu.memory_space<vmem>> -> memref<128x128xf32, #tpu.memory_space<vmem>>
        %parallel_loop3A_641 = arith.index_cast %parallel_loop3A_600 : i32 to index
        %parallel_loop3A_642 = arith.constant 64 : index
        %parallel_loop3A_643 = tpu.vector_load %parallel_loop3A_640[%parallel_loop3A_641, %parallel_loop3A_642] {strides = array<i32>} : memref<128x128xf32, #tpu.memory_space<vmem>>, vector<16xf32>,
        %parallel_loop3A_644 = arith.mulf %parallel_loop3A_596, %parallel_loop3A_643 : vector<16xf32>
        %parallel_loop3A_645 = arith.addf %parallel_loop3A_565, %parallel_loop3A_644 : vector<16xf32>
        %parallel_loop3A_646 = arith.constant 0 : i32
        %parallel_loop3A_647 = arith.constant 0 : i32
        %parallel_loop3A_648 = tpu.memref_slice %arg8[%select_n3A_318, %parallel_loop3A_646, %parallel_loop3A_647] : memref<4x128x128xf32, #tpu.memory_space<vmem>> -> memref<1x128x128xf32, #tpu.memory_space<vmem>>
        %parallel_loop3A_649 = tpu.memref_squeeze %parallel_loop3A_648 : memref<1x128x128xf32, #tpu.memory_space<vmem>> -> memref<128x128xf32, #tpu.memory_space<vmem>>
        %parallel_loop3A_650 = arith.index_cast %parallel_loop3A_600 : i32 to index
        %parallel_loop3A_651 = arith.constant 80 : index
        %parallel_loop3A_652 = tpu.vector_load %parallel_loop3A_649[%parallel_loop3A_650, %parallel_loop3A_651] {strides = array<i32>} : memref<128x128xf32, #tpu.memory_space<vmem>>, vector<16xf32>,
        %parallel_loop3A_653 = arith.mulf %parallel_loop3A_596, %parallel_loop3A_652 : vector<16xf32>
        %parallel_loop3A_654 = arith.addf %parallel_loop3A_574, %parallel_loop3A_653 : vector<16xf32>
        %parallel_loop3A_655 = arith.constant 0 : i32
        %parallel_loop3A_656 = arith.constant 0 : i32
        %parallel_loop3A_657 = tpu.memref_slice %arg8[%select_n3A_318, %parallel_loop3A_655, %parallel_loop3A_656] : memref<4x128x128xf32, #tpu.memory_space<vmem>> -> memref<1x128x128xf32, #tpu.memory_space<vmem>>
        %parallel_loop3A_658 = tpu.memref_squeeze %parallel_loop3A_657 : memref<1x128x128xf32, #tpu.memory_space<vmem>> -> memref<128x128xf32, #tpu.memory_space<vmem>>
        %parallel_loop3A_659 = arith.index_cast %parallel_loop3A_600 : i32 to index
        %parallel_loop3A_660 = arith.constant 96 : index
        %parallel_loop3A_661 = tpu.vector_load %parallel_loop3A_658[%parallel_loop3A_659, %parallel_loop3A_660] {strides = array<i32>} : memref<128x128xf32, #tpu.memory_space<vmem>>, vector<16xf32>,
        %parallel_loop3A_662 = arith.mulf %parallel_loop3A_596, %parallel_loop3A_661 : vector<16xf32>
        %parallel_loop3A_663 = arith.addf %parallel_loop3A_583, %parallel_loop3A_662 : vector<16xf32>
        %parallel_loop3A_664 = arith.constant 0 : i32
        %parallel_loop3A_665 = arith.constant 0 : i32
        %parallel_loop3A_666 = tpu.memref_slice %arg8[%select_n3A_318, %parallel_loop3A_664, %parallel_loop3A_665] : memref<4x128x128xf32, #tpu.memory_space<vmem>> -> memref<1x128x128xf32, #tpu.memory_space<vmem>>
        %parallel_loop3A_667 = tpu.memref_squeeze %parallel_loop3A_666 : memref<1x128x128xf32, #tpu.memory_space<vmem>> -> memref<128x128xf32, #tpu.memory_space<vmem>>
        %parallel_loop3A_668 = arith.index_cast %parallel_loop3A_600 : i32 to index
        %parallel_loop3A_669 = arith.constant 112 : index
        %parallel_loop3A_670 = tpu.vector_load %parallel_loop3A_667[%parallel_loop3A_668, %parallel_loop3A_669] {strides = array<i32>} : memref<128x128xf32, #tpu.memory_space<vmem>>, vector<16xf32>,
        %parallel_loop3A_671 = arith.mulf %parallel_loop3A_596, %parallel_loop3A_670 : vector<16xf32>
        %parallel_loop3A_672 = arith.addf %parallel_loop3A_592, %parallel_loop3A_671 : vector<16xf32>
        %parallel_loop3A_673 = arith.constant 96 : i32
        %parallel_loop3A_674 = arith.addi %parallel_loop3A_673, %parallel_loop3A_355 : i32
        %parallel_loop3A_675 = arith.constant 0 : i32
        %parallel_loop3A_676 = arith.constant 0 : i32
        %parallel_loop3A_677 = tpu.memref_slice %arg9[%select_n3A_91, %parallel_loop3A_675, %parallel_loop3A_676] : memref<2x128x128xf32, #tpu.memory_space<vmem>> -> memref<1x128x128xf32, #tpu.memory_space<vmem>>
        %parallel_loop3A_678 = tpu.memref_squeeze %parallel_loop3A_677 : memref<1x128x128xf32, #tpu.memory_space<vmem>> -> memref<128x128xf32, #tpu.memory_space<vmem>>
        %parallel_loop3A_679 = arith.index_cast %parallel_loop3A_674 : i32 to index
        %parallel_loop3A_680 = arith.constant 0 : index
        %parallel_loop3A_681 = tpu.vector_load %parallel_loop3A_678[%parallel_loop3A_679, %parallel_loop3A_680] {strides = array<i32>} : memref<128x128xf32, #tpu.memory_space<vmem>>, vector<16xf32>,
        tpu.vector_store %parallel_loop3A_678[%parallel_loop3A_679, %parallel_loop3A_680], %parallel_loop3A_609 {strides = array<i32>} : memref<128x128xf32, #tpu.memory_space<vmem>>, vector<16xf32>,
        %parallel_loop3A_682 = arith.constant 0 : i32
        %parallel_loop3A_683 = arith.constant 0 : i32
        %parallel_loop3A_684 = tpu.memref_slice %arg9[%select_n3A_91, %parallel_loop3A_682, %parallel_loop3A_683] : memref<2x128x128xf32, #tpu.memory_space<vmem>> -> memref<1x128x128xf32, #tpu.memory_space<vmem>>
        %parallel_loop3A_685 = tpu.memref_squeeze %parallel_loop3A_684 : memref<1x128x128xf32, #tpu.memory_space<vmem>> -> memref<128x128xf32, #tpu.memory_space<vmem>>
        %parallel_loop3A_686 = arith.index_cast %parallel_loop3A_674 : i32 to index
        %parallel_loop3A_687 = arith.constant 16 : index
        %parallel_loop3A_688 = tpu.vector_load %parallel_loop3A_685[%parallel_loop3A_686, %parallel_loop3A_687] {strides = array<i32>} : memref<128x128xf32, #tpu.memory_space<vmem>>, vector<16xf32>,
        tpu.vector_store %parallel_loop3A_685[%parallel_loop3A_686, %parallel_loop3A_687], %parallel_loop3A_618 {strides = array<i32>} : memref<128x128xf32, #tpu.memory_space<vmem>>, vector<16xf32>,
        %parallel_loop3A_689 = arith.constant 0 : i32
        %parallel_loop3A_690 = arith.constant 0 : i32
        %parallel_loop3A_691 = tpu.memref_slice %arg9[%select_n3A_91, %parallel_loop3A_689, %parallel_loop3A_690] : memref<2x128x128xf32, #tpu.memory_space<vmem>> -> memref<1x128x128xf32, #tpu.memory_space<vmem>>
        %parallel_loop3A_692 = tpu.memref_squeeze %parallel_loop3A_691 : memref<1x128x128xf32, #tpu.memory_space<vmem>> -> memref<128x128xf32, #tpu.memory_space<vmem>>
        %parallel_loop3A_693 = arith.index_cast %parallel_loop3A_674 : i32 to index
        %parallel_loop3A_694 = arith.constant 32 : index
        %parallel_loop3A_695 = tpu.vector_load %parallel_loop3A_692[%parallel_loop3A_693, %parallel_loop3A_694] {strides = array<i32>} : memref<128x128xf32, #tpu.memory_space<vmem>>, vector<16xf32>,
        tpu.vector_store %parallel_loop3A_692[%parallel_loop3A_693, %parallel_loop3A_694], %parallel_loop3A_627 {strides = array<i32>} : memref<128x128xf32, #tpu.memory_space<vmem>>, vector<16xf32>,
        %parallel_loop3A_696 = arith.constant 0 : i32
        %parallel_loop3A_697 = arith.constant 0 : i32
        %parallel_loop3A_698 = tpu.memref_slice %arg9[%select_n3A_91, %parallel_loop3A_696, %parallel_loop3A_697] : memref<2x128x128xf32, #tpu.memory_space<vmem>> -> memref<1x128x128xf32, #tpu.memory_space<vmem>>
        %parallel_loop3A_699 = tpu.memref_squeeze %parallel_loop3A_698 : memref<1x128x128xf32, #tpu.memory_space<vmem>> -> memref<128x128xf32, #tpu.memory_space<vmem>>
        %parallel_loop3A_700 = arith.index_cast %parallel_loop3A_674 : i32 to index
        %parallel_loop3A_701 = arith.constant 48 : index
        %parallel_loop3A_702 = tpu.vector_load %parallel_loop3A_699[%parallel_loop3A_700, %parallel_loop3A_701] {strides = array<i32>} : memref<128x128xf32, #tpu.memory_space<vmem>>, vector<16xf32>,
        tpu.vector_store %parallel_loop3A_699[%parallel_loop3A_700, %parallel_loop3A_701], %parallel_loop3A_636 {strides = array<i32>} : memref<128x128xf32, #tpu.memory_space<vmem>>, vector<16xf32>,
        %parallel_loop3A_703 = arith.constant 0 : i32
        %parallel_loop3A_704 = arith.constant 0 : i32
        %parallel_loop3A_705 = tpu.memref_slice %arg9[%select_n3A_91, %parallel_loop3A_703, %parallel_loop3A_704] : memref<2x128x128xf32, #tpu.memory_space<vmem>> -> memref<1x128x128xf32, #tpu.memory_space<vmem>>
        %parallel_loop3A_706 = tpu.memref_squeeze %parallel_loop3A_705 : memref<1x128x128xf32, #tpu.memory_space<vmem>> -> memref<128x128xf32, #tpu.memory_space<vmem>>
        %parallel_loop3A_707 = arith.index_cast %parallel_loop3A_674 : i32 to index
        %parallel_loop3A_708 = arith.constant 64 : index
        %parallel_loop3A_709 = tpu.vector_load %parallel_loop3A_706[%parallel_loop3A_707, %parallel_loop3A_708] {strides = array<i32>} : memref<128x128xf32, #tpu.memory_space<vmem>>, vector<16xf32>,
        tpu.vector_store %parallel_loop3A_706[%parallel_loop3A_707, %parallel_loop3A_708], %parallel_loop3A_645 {strides = array<i32>} : memref<128x128xf32, #tpu.memory_space<vmem>>, vector<16xf32>,
        %parallel_loop3A_710 = arith.constant 0 : i32
        %parallel_loop3A_711 = arith.constant 0 : i32
        %parallel_loop3A_712 = tpu.memref_slice %arg9[%select_n3A_91, %parallel_loop3A_710, %parallel_loop3A_711] : memref<2x128x128xf32, #tpu.memory_space<vmem>> -> memref<1x128x128xf32, #tpu.memory_space<vmem>>
        %parallel_loop3A_713 = tpu.memref_squeeze %parallel_loop3A_712 : memref<1x128x128xf32, #tpu.memory_space<vmem>> -> memref<128x128xf32, #tpu.memory_space<vmem>>
        %parallel_loop3A_714 = arith.index_cast %parallel_loop3A_674 : i32 to index
        %parallel_loop3A_715 = arith.constant 80 : index
        %parallel_loop3A_716 = tpu.vector_load %parallel_loop3A_713[%parallel_loop3A_714, %parallel_loop3A_715] {strides = array<i32>} : memref<128x128xf32, #tpu.memory_space<vmem>>, vector<16xf32>,
        tpu.vector_store %parallel_loop3A_713[%parallel_loop3A_714, %parallel_loop3A_715], %parallel_loop3A_654 {strides = array<i32>} : memref<128x128xf32, #tpu.memory_space<vmem>>, vector<16xf32>,
        %parallel_loop3A_717 = arith.constant 0 : i32
        %parallel_loop3A_718 = arith.constant 0 : i32
        %parallel_loop3A_719 = tpu.memref_slice %arg9[%select_n3A_91, %parallel_loop3A_717, %parallel_loop3A_718] : memref<2x128x128xf32, #tpu.memory_space<vmem>> -> memref<1x128x128xf32, #tpu.memory_space<vmem>>
        %parallel_loop3A_720 = tpu.memref_squeeze %parallel_loop3A_719 : memref<1x128x128xf32, #tpu.memory_space<vmem>> -> memref<128x128xf32, #tpu.memory_space<vmem>>
        %parallel_loop3A_721 = arith.index_cast %parallel_loop3A_674 : i32 to index
        %parallel_loop3A_722 = arith.constant 96 : index
        %parallel_loop3A_723 = tpu.vector_load %parallel_loop3A_720[%parallel_loop3A_721, %parallel_loop3A_722] {strides = array<i32>} : memref<128x128xf32, #tpu.memory_space<vmem>>, vector<16xf32>,
        tpu.vector_store %parallel_loop3A_720[%parallel_loop3A_721, %parallel_loop3A_722], %parallel_loop3A_663 {strides = array<i32>} : memref<128x128xf32, #tpu.memory_space<vmem>>, vector<16xf32>,
        %parallel_loop3A_724 = arith.constant 0 : i32
        %parallel_loop3A_725 = arith.constant 0 : i32
        %parallel_loop3A_726 = tpu.memref_slice %arg9[%select_n3A_91, %parallel_loop3A_724, %parallel_loop3A_725] : memref<2x128x128xf32, #tpu.memory_space<vmem>> -> memref<1x128x128xf32, #tpu.memory_space<vmem>>
        %parallel_loop3A_727 = tpu.memref_squeeze %parallel_loop3A_726 : memref<1x128x128xf32, #tpu.memory_space<vmem>> -> memref<128x128xf32, #tpu.memory_space<vmem>>
        %parallel_loop3A_728 = arith.index_cast %parallel_loop3A_674 : i32 to index
        %parallel_loop3A_729 = arith.constant 112 : index
        %parallel_loop3A_730 = tpu.vector_load %parallel_loop3A_727[%parallel_loop3A_728, %parallel_loop3A_729] {strides = array<i32>} : memref<128x128xf32, #tpu.memory_space<vmem>>, vector<16xf32>,
        tpu.vector_store %parallel_loop3A_727[%parallel_loop3A_728, %parallel_loop3A_729], %parallel_loop3A_672 {strides = array<i32>} : memref<128x128xf32, #tpu.memory_space<vmem>>, vector<16xf32>,
      } {sc.loop_unroll_factor = 4 : i64, sc.parallel_access}
      %mul3A_322 = arith.constant 2048 : i32
      %mul3A_323 = arith.muli %add3A, %mul3A_322 : i32
      %mul3A_324 = arith.constant 128 : i32
      %mul3A_325 = arith.muli %scan3A_80, %mul3A_324 : i32
      %add3A_326 = arith.addi %mul3A_323, %mul3A_325 : i32
      %jit3A_327 = arith.constant 2 : i32
      %eq3A_328 = arith.constant 0 : i32
      %eq3A_329 = arith.cmpi eq, %jit3A_327, %eq3A_328 : i32
      %jit3A_330 = arith.constant 1 : i32
      %select_n3A_331 = arith.select %eq3A_329, %jit3A_330, %jit3A_327 : i32
      %rem3A_332 = arith.remsi %scan3A_80, %select_n3A_331 : i32
      %ne3A_333 = arith.constant 0 : i32
      %ne3A_334 = arith.cmpi ne, %rem3A_332, %ne3A_333 : i32
      %lt3A_335 = arith.constant 0 : i32
      %lt3A_336 = arith.cmpi slt, %rem3A_332, %lt3A_335 : i32
      %lt3A_337 = arith.constant 0 : i32
      %lt3A_338 = arith.cmpi slt, %select_n3A_331, %lt3A_337 : i32
      %ne3A_339 = arith.xori %lt3A_336, %lt3A_338 : i1
      %and3A_340 = arith.andi %ne3A_339, %ne3A_334 : i1
      %add3A_341 = arith.addi %rem3A_332, %select_n3A_331 : i32
      %select_n3A_342 = arith.select %and3A_340, %add3A_341, %rem3A_332 : i32
      %dma_start3A_343 = arith.constant 0 : i32
      %dma_start3A_344 = arith.constant 0 : i32
      %dma_start3A_345 = tpu.memref_slice %arg9[%select_n3A_342, %dma_start3A_343, %dma_start3A_344] : memref<2x128x128xf32, #tpu.memory_space<vmem>> -> memref<1x128x128xf32, #tpu.memory_space<vmem>>
      %dma_start3A_346 = tpu.memref_squeeze %dma_start3A_345 : memref<1x128x128xf32, #tpu.memory_space<vmem>> -> memref<128x128xf32, #tpu.memory_space<vmem>>
      %dma_start3A_347 = arith.constant 0 : i32
      %dma_start3A_348 = tpu.memref_slice %arg5[%add3A_326, %dma_start3A_347] : memref<65536x128xf32, #tpu.memory_space<hbm>> -> memref<128x128xf32, #tpu.memory_space<hbm>>
      %dma_start3A_349 = arith.constant 0 : i32
      %dma_start3A_350 = tpu.memref_slice %arg5[%add3A_326, %dma_start3A_349] : memref<65536x128xf32, #tpu.memory_space<hbm>> -> memref<128x128xf32, #tpu.memory_space<hbm>>
      %dma_start3A_351 = arith.constant 0 : i32
      %dma_start3A_352 = arith.constant 0 : i32
      %dma_start3A_353 = tpu.memref_slice %arg9[%select_n3A_342, %dma_start3A_351, %dma_start3A_352] : memref<2x128x128xf32, #tpu.memory_space<vmem>> -> memref<1x128x128xf32, #tpu.memory_space<vmem>>
      %dma_start3A_354 = tpu.memref_squeeze %dma_start3A_353 : memref<1x128x128xf32, #tpu.memory_space<vmem>> -> memref<128x128xf32, #tpu.memory_space<vmem>>
      tpu.enqueue_dma source(%dma_start3A_354 : memref<128x128xf32, #tpu.memory_space<vmem>>) target(%dma_start3A_350 : memref<128x128xf32, #tpu.memory_space<hbm>>) target_semaphore(%arg11 : memref<!tpu.dma_semaphore, #tpu.memory_space<semaphore_mem>>)
    }
    %scan3A_46 = arith.constant 16 : i32
    %mul3A_47 = arith.constant 2048 : i32
    %mul3A_48 = arith.muli %add3A, %mul3A_47 : i32
    %add3A_49 = arith.constant 1792 : i32
    %add3A_50 = arith.addi %mul3A_48, %add3A_49 : i32
    %dma_wait3A = arith.constant 0 : i32
    %dma_wait3A_51 = arith.constant 0 : i32
    %dma_wait3A_52 = arith.constant 0 : i32
    %dma_wait3A_53 = tpu.memref_slice %arg9[%dma_wait3A, %dma_wait3A_51, %dma_wait3A_52] : memref<2x128x128xf32, #tpu.memory_space<vmem>> -> memref<1x128x128xf32, #tpu.memory_space<vmem>>
    %dma_wait3A_54 = tpu.memref_squeeze %dma_wait3A_53 : memref<1x128x128xf32, #tpu.memory_space<vmem>> -> memref<128x128xf32, #tpu.memory_space<vmem>>
    %dma_wait3A_55 = arith.constant 0 : i32
    %dma_wait3A_56 = tpu.memref_slice %arg5[%add3A_50, %dma_wait3A_55] : memref<65536x128xf32, #tpu.memory_space<hbm>> -> memref<128x128xf32, #tpu.memory_space<hbm>>
    %dma_wait3A_57 = arith.constant 0 : i32
    %dma_wait3A_58 = tpu.memref_slice %arg5[%add3A_50, %dma_wait3A_57] : memref<65536x128xf32, #tpu.memory_space<hbm>> -> memref<128x128xf32, #tpu.memory_space<hbm>>
    %dma_wait3A_59 = arith.constant 0 : i32
    %dma_wait3A_60 = arith.constant 0 : i32
    %dma_wait3A_61 = tpu.memref_slice %arg9[%dma_wait3A, %dma_wait3A_59, %dma_wait3A_60] : memref<2x128x128xf32, #tpu.memory_space<vmem>> -> memref<1x128x128xf32, #tpu.memory_space<vmem>>
    %dma_wait3A_62 = tpu.memref_squeeze %dma_wait3A_61 : memref<1x128x128xf32, #tpu.memory_space<vmem>> -> memref<128x128xf32, #tpu.memory_space<vmem>>
    tpu.wait_dma2 semaphore(%arg11 : memref<!tpu.dma_semaphore, #tpu.memory_space<semaphore_mem>>) src(%dma_wait3A_62 : memref<128x128xf32, #tpu.memory_space<vmem>>) dst(%dma_wait3A_58 : memref<128x128xf32, #tpu.memory_space<hbm>>)
    %mul3A_63 = arith.constant 2048 : i32
    %mul3A_64 = arith.muli %add3A, %mul3A_63 : i32
    %add3A_65 = arith.constant 1920 : i32
    %add3A_66 = arith.addi %mul3A_64, %add3A_65 : i32
    %dma_wait3A_67 = arith.constant 1 : i32
    %dma_wait3A_68 = arith.constant 0 : i32
    %dma_wait3A_69 = arith.constant 0 : i32
    %dma_wait3A_70 = tpu.memref_slice %arg9[%dma_wait3A_67, %dma_wait3A_68, %dma_wait3A_69] : memref<2x128x128xf32, #tpu.memory_space<vmem>> -> memref<1x128x128xf32, #tpu.memory_space<vmem>>
    %dma_wait3A_71 = tpu.memref_squeeze %dma_wait3A_70 : memref<1x128x128xf32, #tpu.memory_space<vmem>> -> memref<128x128xf32, #tpu.memory_space<vmem>>
    %dma_wait3A_72 = arith.constant 0 : i32
    %dma_wait3A_73 = tpu.memref_slice %arg5[%add3A_66, %dma_wait3A_72] : memref<65536x128xf32, #tpu.memory_space<hbm>> -> memref<128x128xf32, #tpu.memory_space<hbm>>
    %dma_wait3A_74 = arith.constant 0 : i32
    %dma_wait3A_75 = tpu.memref_slice %arg5[%add3A_66, %dma_wait3A_74] : memref<65536x128xf32, #tpu.memory_space<hbm>> -> memref<128x128xf32, #tpu.memory_space<hbm>>
    %dma_wait3A_76 = arith.constant 0 : i32
    %dma_wait3A_77 = arith.constant 0 : i32
    %dma_wait3A_78 = tpu.memref_slice %arg9[%dma_wait3A_67, %dma_wait3A_76, %dma_wait3A_77] : memref<2x128x128xf32, #tpu.memory_space<vmem>> -> memref<1x128x128xf32, #tpu.memory_space<vmem>>
    %dma_wait3A_79 = tpu.memref_squeeze %dma_wait3A_78 : memref<1x128x128xf32, #tpu.memory_space<vmem>> -> memref<128x128xf32, #tpu.memory_space<vmem>>
    tpu.wait_dma2 semaphore(%arg11 : memref<!tpu.dma_semaphore, #tpu.memory_space<semaphore_mem>>) src(%dma_wait3A_79 : memref<128x128xf32, #tpu.memory_space<vmem>>) dst(%dma_wait3A_75 : memref<128x128xf32, #tpu.memory_space<hbm>>)
    return
  }
}

</mosaic_0001>

<sc_bundles>
// kernel: kernel.3.cloned.1.call-start
scs
__scs_entry_jumppad:
0x0: {  	(pc) =	sbr.rel $0x88, $3  }
0x1: {  	(tag) =	ssettag $0x0;
	lr =	simm.s32 $0x1  }
0x2: {  	[smem:$0x3F9E] =	sst lr;
	_ =	strace $0xD0000000  }
0x3: {  	_ = 	snop  }
0x4: {  	_ = 	snop  }
0x5: {  	_ = 	snop  }
0x6: {  	_ = 	snop  }
0x7: {  	_ = 	snop  }
__scs_overlays_trampoline_lowered:
0x8: {  	[smem:$0x3FAD] =	sst s0  }
0x9: {  	[smem:$0x3FAE] =	sst s1  }
0xa: {  	[smem:$0x3FAF] =	sst s2  }
0xb: {  	[smem:$0x3FB0] =	sst s3  }
0xc: {  	[smem:$0x3FB1] =	sst s4  }
0xd: {  	[smem:$0x3FB2] =	sst s5  }
0xe: {  	[smem:$0x3FB3] =	sst s6  }
0xf: {  	[smem:$0x3FB4] =	sst s7  }
0x10: {  	[smem:$0x3FB5] =	sst s8  }
0x11: {  	[smem:$0x3FB6] =	sst s9;
	s0 =	simm.s32 @!p0 $0x0  }
0x12: {  	s1 =	sld [smem:$0x3F9C];
	s0 =	simm.s32 @p0 $0x1  }
0x13: {  	[smem:$0x3FB7] =	sst s0;
	s0 =	simm.s32 @!p1 $0x0  }
0x14: {  	s2 =	sld [smem:$0x3F9B];
	s0 =	simm.s32 @p1 $0x1  }
0x15: {  	[smem:$0x3FB8] =	sst s0;
	s0 =	simm.s32 @!p2 $0x0  }
0x16: {  	s3 =	sld [smem:$0x3FDB];
	s0 =	simm.s32 @p2 $0x1  }
0x17: {  	s4 =	simm.s32 $0x1BF5;
	[smem:$0x3FBA] =	sst s0  }
0x18: {  	s0 =	sld [smem:$0x3F9D];
	_ =	swait.ge [sflag:s4], $0x0  }
0x19: {  	s7 =	sld [smem:$0x3F9E]  }
0x1a: {  	s8 =	sadd.s32 $0xFFFFE003, lr  }
0x1b: {  	s9 =	sadd.s32 $0xFFFFFEF7, lr;
	s5 =	simm.s32 $0xFFFFFFFF;
	p2 =	slt.u32 s8, $0xFFFFF086  }
0x1c: {  	p1 =	slt.u32 s9, $0xF7A;
	s5 =	simm.s32 @!p2 $0x0  }
0x1d: {  	s5 =	simm.s32 @p1 $0x1;
	p0 =	seq.s32 s7, s2  }
0x1e: {  	s7 =	smul.u32 @!p0 $0xF7A, s2;
	p2 =	seq.s32 @!p0 s5, $0x0  }
0x1f: {  	s9 =	smul.u32 $0xF7A, s1;
	s8 =	simm.s32 @!p0 $0x1BF5;
	p2 =	por !p2, p0  }
0x20: {  	[sflag:s8] =	ssyncset.s32 @!p0 $0xFFFFF086;
	s6 =	sadd.s32 @!p0 s3, s7;
	s7 =	simm.s32 @!p0 $0x108  }
0x21: {  	s3 =	sadd.s32 s3, s9;
	s6 =	sadd.s32 @!p0 $0x88, s6;
	s7 =	simm.s32 @p2 $0x1082  }
0x22: {  	[simem:s7], [sflag:s8] =	dma.local @!p0 [hbm:s6], $0xF7A  }
0x23: {  	s9 =	sor.u32 $0xD0000000, s2;
	s6 =	simm.s32 $0x108;
	_ =	swait.ge @!p0 [sflag:s8], $0x0  }
0x24: {  	s3 =	sadd.s32 $0x88, s3;
	s6 =	simm.s32 @!p1 $0x1082;
	[sflag:s4] =	ssyncset.s32 $0xFFFFF086  }
0x25: {  	[simem:s6], [sflag:s4] =	dma.local [hbm:s3], $0xF7A  }
0x26: {  	[smem:$0x3F9E] =	sst s1;
	(tag) =	ssettag s2;
	_ =	strace s9  }
0x27: {  	s1 =	sld [smem:$0x3FAE]  }
0x28: {  	s2 =	sld [smem:$0x3FAF]  }
0x29: {  	s4 =	sld [smem:$0x3FB1]  }
0x2a: {  	p0 =	seq.s32 s5, $0x0;
	s5 =	sld [smem:$0x3FB2]  }
0x2b: {  	s6 =	sld [smem:$0x3FB3]  }
0x2c: {  	s7 =	sld [smem:$0x3FB4]  }
0x2d: {  	s3 =	simm.s32 $0x108;
	s8 =	sld [smem:$0x3FB5]  }
0x2e: {  	s3 =	simm.s32 @!p0 $0x1082;
	s9 =	sld [smem:$0x3FB6]  }
0x2f: {  	lr =	sadd.s32 s0, s3;
	s0 =	sld [smem:$0x3FAD]  }
0x30: {  	s3 =	sld [smem:$0x3FB0]  }
0x31: {  	[smem:$0x3FB9] =	sst s10  }
0x32: {  	s10 =	sld [smem:$0x3FB7];
	_ =	sdelay $0x3  }
0x33: {  	p0 =	seq.s32 s10, $0x1;
	s10 =	sld [smem:$0x3FB9];
	_ =	sdelay $0x3  }
0x34: {  	[smem:$0x3FB9] =	sst s10  }
0x35: {  	s10 =	sld [smem:$0x3FB8];
	_ =	sdelay $0x3  }
0x36: {  	p1 =	seq.s32 s10, $0x1;
	s10 =	sld [smem:$0x3FB9];
	_ =	sdelay $0x3  }
0x37: {  	[smem:$0x3FB9] =	sst s10  }
0x38: {  	s10 =	sld [smem:$0x3FBA]  }
0x39: {  	_ = 	snop;
	(pc) =	sbr.ind lr, $3  }
0x3a: {  	_ = 	snop  }
0x3b: {  	_ = 	snop  }
0x3c: {  	p2 =	seq.s32 s10, $0x1;
	s10 =	sld [smem:$0x3FB9]  }
0x3d: {  	_ =	shalt  }
0x3e: {  	_ =	shalt  }
0x3f: {  	_ =	shalt  }
0x40: {  	_ =	shalt  }
0x41: {  	_ =	shalt  }
0x42: {  	_ =	shalt  }
0x43: {  	_ =	shalt  }
0x44: {  	_ =	shalt  }
0x45: {  	_ =	shalt  }
0x46: {  	_ =	shalt  }
0x47: {  	_ =	shalt  }
0x48: {  	_ =	shalt  }
0x49: {  	_ =	shalt  }
0x4a: {  	_ =	shalt  }
0x4b: {  	_ =	shalt  }
0x4c: {  	_ =	shalt  }
0x4d: {  	_ =	shalt  }
0x4e: {  	_ =	shalt  }
0x4f: {  	_ =	shalt  }
0x50: {  	_ =	shalt  }
0x51: {  	_ =	shalt  }
0x52: {  	_ =	shalt  }
0x53: {  	_ =	shalt  }
0x54: {  	_ =	shalt  }
0x55: {  	_ =	shalt  }
0x56: {  	_ =	shalt  }
0x57: {  	_ =	shalt  }
0x58: {  	_ =	shalt  }
0x59: {  	_ =	shalt  }
0x5a: {  	_ =	shalt  }
0x5b: {  	_ =	shalt  }
0x5c: {  	_ =	shalt  }
0x5d: {  	_ =	shalt  }
0x5e: {  	_ =	shalt  }
0x5f: {  	_ =	shalt  }
0x60: {  	_ =	shalt  }
0x61: {  	_ =	shalt  }
0x62: {  	_ =	shalt  }
0x63: {  	_ =	shalt  }
0x64: {  	_ =	shalt  }
0x65: {  	_ =	shalt  }
0x66: {  	_ =	shalt  }
0x67: {  	_ =	shalt  }
0x68: {  	_ =	shalt  }
0x69: {  	_ =	shalt  }
0x6a: {  	_ =	shalt  }
0x6b: {  	_ =	shalt  }
0x6c: {  	_ =	shalt  }
0x6d: {  	_ =	shalt  }
0x6e: {  	_ =	shalt  }
0x6f: {  	_ =	shalt  }
0x70: {  	_ =	shalt  }
0x71: {  	_ =	shalt  }
0x72: {  	_ =	shalt  }
0x73: {  	_ =	shalt  }
0x74: {  	_ =	shalt  }
0x75: {  	_ =	shalt  }
0x76: {  	_ =	shalt  }
0x77: {  	_ =	shalt  }
0x78: {  	_ =	shalt  }
0x79: {  	_ =	shalt  }
0x7a: {  	_ =	shalt  }
0x7b: {  	_ =	shalt  }
0x7c: {  	_ =	shalt  }
0x7d: {  	_ =	shalt  }
0x7e: {  	_ =	shalt  }
0x7f: {  	_ =	shalt  }
0x80: {  	_ =	shalt  }
0x81: {  	_ =	shalt  }
0x82: {  	_ =	shalt  }
0x83: {  	_ =	shalt  }
0x84: {  	_ =	shalt  }
0x85: {  	_ =	shalt  }
0x86: {  	_ =	shalt  }
0x87: {  	_ =	shalt  }
.Lfunc_end0:
.L_simem_size_0:
called_computation.1_lowered:
.L_overlay_start_0:
0x88: {  	s2 =	sld [smem:$0x3FD9]  }
0x89: {  	s3 =	sld [smem:$0x3FFE];
	_ =	sdelay $0x1  }
0x8a: {  	s1 =	srdreg.scid  }
0x8b: {  	s0 =	sand.u32 $0x1, s1  }
0x8c: {  	s16 =	sshll.u32 s0, $0xA;
	s2 =	sadd.s32 s3, s2  }
0x8d: {  	s2 =	sadd.s32 s2, s16  }
0x8e: {  	[smem:$0x3FC5] =	sst s2  }
0x8f: {  	_ = 	snop  }
0x90: {  	(tm) =	ssettm $0x1  }
0x91: {  	s17 =	sld [smem:$0x3FFB];
	_ =	sdelay $0x3  }
0x92: {  	_ =	strace s17  }
0x93: {  	s2 =	sld [smem:$0x3FFC];
	_ =	sdelay $0x3  }
0x94: {  	_ =	strace s2  }
0x95: {  	s2 =	sld [smem:$0x3FFD];
	_ =	sdelay $0x3  }
0x96: {  	_ =	strace s2  }
0x97: {  	_ =	strace $0x8FFFFFFF  }
0x98: {  	s18 =	sld [smem:$0x3FDB];
	_ =	sdelay $0x1  }
0x99: {  	s19 =	simm.s32 $_scs_section_size  }
0x9a: {  	s4 =	simm.s32 $_size__tile_overlayer_lowered;
	s5 =	simm.s32 $_tile_overlayer_lowered  }
0x9b: {  	s22 =	simm.s32 $0x1BFF;
	s21 =	sshll.u32 s5, $0x1;
	s2 =	sadd.s32 s19, s18  }
0x9c: {  	s6 =	simm.s32 $0x0;
	s20 =	sshll.u32 s4, $0x1;
	s4 =	sadd.s32 s21, s2  }
0x9d: {  	[timem:s6], [sflag:s22] =	dma.local [hbm:s4], s20  }
0x9e: {  	_ =	swait.ge [sflag:s22], s20  }
0x9f: {  	s3 =	ssub.s32 $0x0, s20;
	[sflag:s22] =	ssyncset.done $0x0  }
0xa0: {  	[sflag:s22] =	ssyncadd.s32 s3;
	_ =	sdelay $0x1  }
0xa1: {  	s23 =	simm.s32 $0x1B8B  }
0xa2: {  	_ =	swait.ge [sflag:s23], $0x1  }
0xa3: {  	[sflag:s23] =	ssyncset.done $0x0  }
0xa4: {  	s25 =	simm.s32 $0x1B8E;
	s24 =	sld [smem:$0x3FFE];
	[sflag:s23] =	ssyncadd.s32 $0xFFFFFFFF  }
0xa5: {  	s26 =	simm.s32 $execute0_lowered;
	[smem:$0x3FD2] =	sst s25  }
0xa6: {  	s4 =	sshll.u32 s26, $0x1;
	_ =	strace $0x80000046;
	[dreg:$0x1] =	wrdreg $0xFFFFFFFF  }
0xa7: {  	s28 =	simm.s32 $_size_execute0_lowered;
	s2 =	sadd.s32 s2, s4;
	[dreg:$0x0] =	wrdreg $0x0  }
0xa8: {  	s4 =	sshll.u32 s28, $0x1;
	[dreg:$0x2] =	wrdreg s2  }
0xa9: {  	[dreg:$0x3] =	wrdreg s4  }
0xaa: {  	[dreg:$0x4] =	wrdreg $0xC0  }
0xab: {  	_ =	task [dreg:s6], $0x5FFFF  }
0xac: {  	[dreg:$0x1] =	wrdreg $0xFFFFFFFF  }
0xad: {  	[dreg:$0x0] =	wrdreg $0x60  }
0xae: {  	[dreg:$0x2] =	wrdreg s24  }
0xaf: {  	[dreg:$0x3] =	wrdreg $0x9  }
0xb0: {  	_ =	task.clear_ibuf [dreg:s6], $0x4FFFF;
	_ =	strace $0x90000046  }
0xb1: {  	s29 =	simm.s32 $0x9;
	_ =	strace $0x80000048  }
0xb2: {  	_ =	swait.ge [sflag:s29], $0x1  }
0xb3: {  	[sflag:s29] =	ssyncadd.s32 $0xFFFFFFFF  }
0xb4: {  	_ =	strace $0x90000048  }
0xb5: {  	_ =	sfence  }
0xb6: {  	s30 =	sld [smem:$0x0];
	_ =	sdelay $0x2  }
0xb7: {  	s31 =	sshll.u32 s1, $0xD;
	s1 =	sshrl.u32 s1, $0x2  }
0xb8: {  	s3 =	sand.u32 $0x4000, s31;
	s1 =	sadd.s32 s1, s30  }
0xb9: {  	s0 =	sor.u32 s3, s0;
	s1 =	sshll.u32 s1, $0x11  }
0xba: {  	s0 =	sor.u32 s1, s0  }
0xbb: {  	s0 =	sadd.s32 $0x8F2B, s0  }
0xbc: {  	[sflag:s0] =	ssyncadd.remote.s32 $0x1  }
0xbd: {  	_ =	sfence.sel $0xFFFF  }
0xbe: {  	[dreg:$0x0] =	wrdreg $0xFFFFFFFF;
	(pc) =	sbr.abs _section_cstart, $3  }
0xbf: {  	[dreg:$0x1] =	wrdreg $0xFFFFFFFF  }
0xc0: {  	_ =	task.clear_ibuf [dreg:s6], $0x2FFFF;
	_ =	strace $0x9FFFFFFF  }
0xc1: {  	(tm) =	ssettm $0x7FFFFFFF  }
tec
execute0_lowered:
.L_overlay_start_1:
0x0: {  	(tag) =	ssettag $0x1  }
0x1: {  	s0 =	rddreg [dreg:$0x0];
	s2 =	simm.s32 $0x0  }
0x2: {  	s3 =	srdreg.scid;
	s1 =	stileid.u32;
	s8 =	simm.s32 $0x3  }
0x3: {  	s9 =	simm.s32 $0x2000;
	s10 =	simm.s32 $0x80;
	s15 =	simm.s32 $0x1  }
0x4: {  	s16 =	simm.s32 $0x10000;
	s17 =	simm.s32 $0x2;
	s18 =	simm.s32 $0x0  }
0x5: {  	[smem:$0x7FF] =	sst s2;
	s4 =	sand.u32 $0x1, s3;
	s5 =	sshll.u32 s1, $0x1  }
0x6: {  	s3 =	sadd.s32 $0x10A00, s0;
	_ =	strace $0x80000047;
	s5 =	sor.u32 s4, s5  }
0x7: {  	s4 =	ssub.s32 $0x2, s4;
	s6 =	sshll.u32 s5, $0xA;
	s5 =	sshll.u32 s5, $0xF  }
0x8: {  	s7 =	sshrl.u32 s4, $0x1;
	s6 =	sadd.s32 s6, s0;
	s0 =	sadd.s32 s5, s0  }
0x9: {  	s7 =	ssub.s32 s4, s7;
	s31 =	sadd.s32 $0xA00, s6;
	s5 =	sadd.s32 $0x8A00, s6  }
0xa: {  	s6 =	sadd.s32 $0x310A00, s0;
	s7 =	smax.u32 s7, $0x1;
	[dreg:$0x2] =	wrdreg s31  }
.LBB2_1:
0xb: {  	s0 =	rddreg [dreg:$0x2]  }
0xc: {  	[tilespmem:s2], [sflag:$0x3] =	stream.linear.gather [hbm4b:s0+s2], $0x2000, $0x38;
	[tilespmem:$0x1C000] =	vst v63  }
0xd: {  	_ =	swait.ge [sflag:s8], $0x2000  }
0xe: {  	[sflag:s8] =	ssyncset.done $0x0  }
0xf: {  	[sflag:s8] =	ssyncadd.s32 $0xFFFFE000  }
0x10: {  	[tilespmem:s9], [sflag:$0x3] =	stream.linear.gather [hbm4b:s5+s2], $0x2000, $0x38;
	[tilespmem:$0x1C000] =	vst v63  }
0x11: {  	_ =	swait.ge [sflag:s8], $0x2000  }
0x12: {  	s29 =	simm.s32 $0x4000;
	s30 =	simm.s32 $0x8000;
	[sflag:s8] =	ssyncset.done $0x0  }
0x13: {  	s31 =	simm.s32 $0x100;
	s1 =	simm.s32 $0xC000;
	[sflag:s8] =	ssyncadd.s32 $0xFFFFE000  }
0x14: {  	[tilespmem:s29], [sflag:$0x1] =	stream.indirect.gather [hbm4b:s3+s10], $0x80, s2, s10, $0xb8;
	[tilespmem:$0x1C000] =	vst v63  }
0x15: {  	p0 =	por $0x0, $0x0;
	s20 =	simm.s32 $0x8F;
	s21 =	simm.s32 $0x10F  }
0x16: {  	[tilespmem:s30], [sflag:$0x1] =	stream.indirect.gather [hbm4b:s3+s10], $0x80, s10, s10, $0xb8;
	[tilespmem:$0x1C000] =	vst v63  }
0x17: {  	s22 =	simm.s32 $0x18F;
	s23 =	simm.s32 $0x0;
	s0 =	simm.s32 $0xF  }
0x18: {  	[tilespmem:s1], [sflag:$0x1] =	stream.indirect.gather [hbm4b:s3+s10], $0x80, s31, s10, $0xb8;
	[tilespmem:$0x1C000] =	vst v63  }
.LBB2_2:
0x19: {  	p1 =	slt.u32 s23, $0x2  }
0x1a: {  	s19 =	simm.s32 @!p1 $0x2  }
0x1b: {  	_ =	swait.ge @!p1 [sflag:s19], $0x4000  }
0x1c: {  	[sflag:s19] =	ssyncset.done @!p1 $0x0  }
0x1d: {  	[sflag:s19] =	ssyncadd.s32 @!p1 $0xFFFFC000  }
0x1e: {  	s25 =	sshll.u32 s23, $0x9;
	_ =	swait.ge [sflag:s15], $0x4000  }
0x1f: {  	s19 =	sor.u32 $0x180, s25;
	[sflag:s15] =	ssyncset.done $0x0  }
0x20: {  	s19 =	sand.u32 $0x3FFFFF80, s19;
	[sflag:s15] =	ssyncadd.s32 $0xFFFFC000  }
0x21: {  	[tilespmem:s16], [sflag:$0x1] =	stream.indirect.gather [hbm4b:s3+s10], $0x80, s19, s10, $0xb8;
	[tilespmem:$0x1C000] =	vst v63  }
0x22: {  	s19 =	simm.s32 $0x4400  }
0x23: {  	v0 =	vld [tilespmem:s19+$0x380];
	_ =	sdelay $0x4  }
0x24: {  	[tilespmem:$0x1FF70] =	vst v0  }
0x25: {  	v0 =	vld [tilespmem:s19+$0x390];
	_ =	sdelay $0x4  }
0x26: {  	[tilespmem:$0x1FF80] =	vst v0  }
0x27: {  	v0 =	vld [tilespmem:s19+$0x3A0];
	_ =	sdelay $0x4  }
0x28: {  	[tilespmem:$0x1FF90] =	vst v0  }
0x29: {  	v0 =	vld [tilespmem:s19+$0x3C0];
	_ =	sdelay $0x4  }
0x2a: {  	v7 =	vld [tilespmem:s19+$0x3B0];
	[tilespmem:$0x1FFA0] =	vst v0  }
0x2b: {  	v0 =	vld [tilespmem:s19+$0x3D0];
	_ =	sdelay $0x4  }
0x2c: {  	[tilespmem:$0x1FFB0] =	vst v0  }
0x2d: {  	v0 =	vld [tilespmem:s19+$0x3E0];
	_ =	sdelay $0x4  }
0x2e: {  	[tilespmem:$0x1FFC0] =	vst v0  }
0x2f: {  	v0 =	vld [tilespmem:s19+$0x330];
	_ =	sdelay $0x1  }
0x30: {  	v15 =	vld [tilespmem:s19+$0x3F0]  }
0x31: {  	v23 =	vld [tilespmem:s19+$0x300]  }
0x32: {  	v22 =	vld [tilespmem:s19+$0x310]  }
0x33: {  	v18 =	vld [tilespmem:s19+$0x320];
	[tilespmem:$0x1FF50] =	vst v0  }
0x34: {  	v1 =	vld [tilespmem:s19+$0x340];
	_ =	sdelay $0x4  }
0x35: {  	s1 =	sadd.s32 $0xFFFFFFFF, s0;
	[tilespmem:$0x1FF60] =	vst v1  }
0x36: {  	v2 =	vmov s1;
	v17 =	vld [tilespmem:s19+$0x350]  }
0x37: {  	v2 =	vand.u32 $0xFFFFFFFE, v2;
	v21 =	vld [tilespmem:s19+$0x360]  }
0x38: {  	v2 =	vbroadcast v2, $0x0;
	v26 =	vld [tilespmem:s19+$0x370]  }
0x39: {  	v27 =	vld [tilespmem:s19+$0x200]  }
0x3a: {  	v28 =	vld [tilespmem:s19+$0x210]  }
0x3b: {  	v29 =	vld [tilespmem:s19+$0x220]  }
0x3c: {  	v30 =	vld [tilespmem:s19+$0x270]  }
0x3d: {  	v33 =	vld [tilespmem:s19+$0x2F0]  }
0x3e: {  	s24 =	sadd.s32 $0xFFFFFFFD, s0;
	v25 =	vld.idx.msk [tilespmem:v2+s9+$0x0], $0xffff  }
0x3f: {  	v0 =	vmov s24;
	v34 =	vld [tilespmem:s19+$0x230]  }
0x40: {  	v0 =	vand.u32 $0xFFFFFFFC, v0;
	v35 =	vld [tilespmem:s19+$0x240]  }
0x41: {  	v0 =	vbroadcast v0, $0x0;
	v36 =	vld [tilespmem:s19+$0x250]  }
0x42: {  	s12 =	sadd.s32 $0xFFFFFFF6, s0;
	v37 =	vld [tilespmem:s19+$0x260]  }
0x43: {  	v3 =	vmov s12;
	v38 =	vld [tilespmem:s19+$0x280]  }
0x44: {  	s13 =	sadd.s32 $0xFFFFFFF9, s0;
	v3 =	vand.u32 $0xFFFFFFFD, v3;
	v39 =	vld [tilespmem:s19+$0x290]  }
0x45: {  	s14 =	sadd.s32 $0xFFFFFFFA, s0;
	v4 =	vmov s13;
	v3 =	vbroadcast v3, $0x0;
	v40 =	vld [tilespmem:s19+$0x2A0]  }
0x46: {  	v8 =	vmov s14;
	v4 =	vand.u32 $0xFFFFFFF8, v4;
	v41 =	vld [tilespmem:s19+$0x2B0]  }
0x47: {  	v8 =	vand.u32 $0xFFFFFFFD, v8;
	v4 =	vbroadcast v4, $0x0;
	v31 =	vld.idx.msk [tilespmem:v0+s9+$0x0], $0xffff;
	v0 =	vmov s0  }
0x48: {  	v44 =	vbroadcast v8, $0x0;
	v42 =	vld [tilespmem:s19+$0x2C0]  }
0x49: {  	s26 =	sadd.s32 $0xFFFFFFFE, s0;
	v43 =	vld [tilespmem:s19+$0x2D0]  }
0x4a: {  	v1 =	vmov s26;
	v45 =	vld [tilespmem:s19+$0x2E0]  }
0x4b: {  	s4 =	sadd.s32 $0xFFFFFFF1, s0;
	v1 =	vand.u32 $0xFFFFFFFD, v1;
	v8 =	vld.idx.msk [tilespmem:v3+s9+$0x0], $0xffff  }
0x4c: {  	v1 =	vbroadcast v1, $0x0;
	v19 =	vld.idx.msk [tilespmem:v0+s9+$0x0], $0xffff;
	v0 =	vmov s4  }
0x4d: {  	v4 =	vld.idx.msk [tilespmem:v4+s9+$0x0], $0xffff;
	v0 =	vand.u32 $0xFFFFFFF0, v0  }
0x4e: {  	v5 =	vld.idx.msk [tilespmem:v44+s9+$0x0], $0xffff;
	v0 =	vbroadcast v0, $0x0  }
0x4f: {  	v44 =	vld [tilespmem:s19+$0xFFFFFC00]  }
0x50: {  	s11 =	sadd.s32 $0xFFFFFFF5, s0;
	v46 =	vld [tilespmem:s19+$0xFFFFFC10]  }
0x51: {  	s25 =	sadd.s32 $0xFFFFFFF2, s0;
	v2 =	vmov s11;
	v47 =	vld [tilespmem:s19+$0xFFFFFC20]  }
0x52: {  	v2 =	vand.u32 $0xFFFFFFF4, v2;
	v32 =	vld.idx.msk [tilespmem:v1+s9+$0x0], $0xffff;
	v1 =	vmov s25  }
0x53: {  	v48 =	vld [tilespmem:s19+$0xFFFFFC30];
	v2 =	vbroadcast v2, $0x0;
	v1 =	vand.u32 $0xFFFFFFF1, v1  }
0x54: {  	v1 =	vbroadcast v1, $0x0;
	v24 =	vld.idx.msk [tilespmem:v0+s9+$0x0], $0xffff  }
0x55: {  	v0 =	vld [tilespmem:s19+$0xFFFFFC70]  }
0x56: {  	v49 =	vld [tilespmem:s19+$0xFFFFFC40]  }
0x57: {  	v50 =	vld [tilespmem:s19+$0xFFFFFC50]  }
0x58: {  	v52 =	vld [tilespmem:s19+$0xFFFFFC60]  }
0x59: {  	v14 =	vld.idx.msk [tilespmem:v2+s9+$0x0], $0xffff  }
0x5a: {  	v20 =	vld.idx.msk [tilespmem:v1+s9+$0x0], $0xffff;
	[tilespmem:$0x1FFD0] =	vst v0  }
0x5b: {  	v53 =	vld [tilespmem:s19+$0xFFFFFC80]  }
0x5c: {  	v54 =	vld [tilespmem:s19+$0xFFFFFC90]  }
0x5d: {  	s25 =	sadd.s32 $0xFFFFFFF3, s0;
	v55 =	vld [tilespmem:s19+$0xFFFFFCA0]  }
0x5e: {  	v0 =	vmov s25;
	v56 =	vld [tilespmem:s19+$0xFFFFFCB0]  }
0x5f: {  	s26 =	sadd.s32 $0xFFFFFFF7, s0;
	v0 =	vand.u32 $0xFFFFFFF2, v0;
	v57 =	vld [tilespmem:s19+$0xFFFFFCC0]  }
0x60: {  	s1 =	sadd.s32 $0xFFFFFFFB, s0;
	v2 =	vmov s26;
	v58 =	vld [tilespmem:s19+$0xFFFFFCD0];
	v0 =	vbroadcast v0, $0x0  }
0x61: {  	v3 =	vmov s1;
	v2 =	vand.u32 $0xFFFFFFFE, v2;
	v59 =	vld [tilespmem:s19+$0xFFFFFCE0]  }
0x62: {  	v3 =	vand.u32 $0xFFFFFFFE, v3;
	v2 =	vbroadcast v2, $0x0;
	v61 =	vld [tilespmem:s19+$0xFFFFFCF0]  }
0x63: {  	v60 =	vbroadcast v3, $0x0;
	v62 =	vld [tilespmem:s19+$0xFFFFFE00]  }
0x64: {  	v63 =	vld [tilespmem:s19+$0xFFFFFE10]  }
0x65: {  	v13 =	vld [tilespmem:s19+$0xFFFFFE20]  }
0x66: {  	v3 =	vld.idx.msk [tilespmem:v0+s9+$0x0], $0xffff  }
0x67: {  	v30 =	vmul.f32 v30, v31;
	v33 =	vmul.f32 v33, v32;
	v0 =	vld [tilespmem:s19+$0xFFFFFE60]  }
0x68: {  	v2 =	vld.idx.msk [tilespmem:v2+s9+$0x0], $0xffff  }
0x69: {  	v26 =	vmul.f32 v26, v25;
	v30 =	vadd.f32 v33, v30;
	v6 =	vld.idx.msk [tilespmem:v60+s9+$0x0], $0xffff  }
0x6a: {  	v27 =	vmul.f32 v27, v31;
	v28 =	vmul.f32 v28, v31;
	v60 =	vld [tilespmem:s19+$0xFFFFFE30]  }
0x6b: {  	v29 =	vmul.f32 v29, v31;
	v15 =	vmul.f32 v15, v19;
	v26 =	vadd.f32 v26, v30;
	v12 =	vld [tilespmem:s19+$0xFFFFFE40]  }
0x6c: {  	v34 =	vmul.f32 v34, v31;
	v35 =	vmul.f32 v35, v31;
	v51 =	vld [tilespmem:s19+$0xFFFFFE50];
	[tilespmem:$0x1FFE0] =	vst v0  }
0x6d: {  	v30 =	vmul.f32 v36, v31;
	v26 =	vadd.f32 v15, v26;
	v15 =	vmul.f32 v39, v32;
	v0 =	vld [tilespmem:s19+$0xFFFFFE70]  }
0x6e: {  	v31 =	vmul.f32 v37, v31;
	v37 =	vmul.f32 v38, v32  }
0x6f: {  	v22 =	vmul.f32 v22, v25;
	v42 =	vmul.f32 v42, v32;
	v15 =	vadd.f32 v15, v28  }
0x70: {  	v39 =	vmul.f32 v40, v32;
	v27 =	vadd.f32 v37, v27;
	v37 =	vmul.f32 v41, v32  }
0x71: {  	v15 =	vadd.f32 v22, v15;
	v22 =	vmul.f32 v43, v32;
	v32 =	vmul.f32 v45, v32  }
0x72: {  	[tilespmem:$0x1FFF0] =	vst v0;
	v0 =	vld [tilespmem:$0x1FF50]  }
0x73: {  	v21 =	vmul.f32 v21, v25;
	v22 =	vadd.f32 v22, v30;
	v30 =	vadd.f32 v32, v31  }
0x74: {  	v23 =	vmul.f32 v23, v25;
	v1 =	vld [tilespmem:$0x1FFB0]  }
0x75: {  	v30 =	vadd.f32 v21, v30;
	v21 =	vld [tilespmem:$0x1FFC0]  }
0x76: {  	v23 =	vadd.f32 v23, v27;
	v10 =	vld [tilespmem:s19+$0xFFFFFE80]  }
0x77: {  	v27 =	vadd.f32 v37, v34;
	v34 =	vadd.f32 v42, v35;
	v35 =	vmul.f32 v0, v25;
	v0 =	vld [tilespmem:$0x1FF60]  }
0x78: {  	v11 =	vld [tilespmem:s19+$0xFFFFFE90]  }
0x79: {  	v9 =	vld [tilespmem:s19+$0xFFFFFEA0]  }
0x7a: {  	v33 =	vld [tilespmem:s19+$0xFFFFFEB0]  }
0x7b: {  	v16 =	vld [tilespmem:s19+$0xFFFFFEC0]  }
0x7c: {  	v45 =	vmul.f32 v0, v25;
	v0 =	vld [tilespmem:$0x1FF70]  }
0x7d: {  	v36 =	vld [tilespmem:s19+$0xFFFFFED0]  }
0x7e: {  	v38 =	vld [tilespmem:s19+$0xFFFFFEE0]  }
0x7f: {  	v40 =	vld [tilespmem:s19+$0xFFFFFEF0]  }
0x80: {  	v41 =	vld [tilespmem:s19+$0x0]  }
0x81: {  	v31 =	vmul.f32 v0, v19;
	v0 =	vld [tilespmem:$0x1FF80]  }
0x82: {  	v28 =	vadd.f32 v39, v29;
	v29 =	vld [tilespmem:s19+$0x10]  }
0x83: {  	v18 =	vmul.f32 v18, v25;
	v37 =	vld [tilespmem:s19+$0x20]  }
0x84: {  	v17 =	vmul.f32 v17, v25;
	v39 =	vld [tilespmem:s19+$0x30]  }
0x85: {  	v18 =	vadd.f32 v18, v28;
	v42 =	vld [tilespmem:s19+$0x40]  }
0x86: {  	v28 =	vadd.f32 v45, v34;
	v34 =	vadd.f32 v17, v22;
	v17 =	vmul.f32 v0, v19;
	v0 =	vld [tilespmem:$0x1FF90]  }
0x87: {  	v13 =	vmul.f32 v13, v14;
	v43 =	vld [tilespmem:s19+$0x50];
	v9 =	vmul.f32 v9, v8  }
0x88: {  	v12 =	vmul.f32 v12, v14;
	v32 =	vld [tilespmem:s19+$0x70];
	v16 =	vmul.f32 v16, v8  }
0x89: {  	v9 =	vadd.f32 v9, v13;
	v13 =	vld [tilespmem:s19+$0xFFFFFF10]  }
0x8a: {  	v12 =	vadd.f32 v16, v12;
	v16 =	vmul.f32 v41, v4;
	v41 =	vld [tilespmem:s19+$0xFFFFFF40]  }
0x8b: {  	v25 =	vadd.f32 v35, v27;
	v35 =	vmul.f32 v0, v19;
	v0 =	vld [tilespmem:$0x1FFA0]  }
0x8c: {  	v27 =	vld [tilespmem:s19+$0x60]  }
0x8d: {  	v45 =	vld [tilespmem:s19+$0x80];
	v22 =	vmul.f32 v7, v19  }
0x8e: {  	v1 =	vmul.f32 v1, v19;
	v7 =	vld [tilespmem:s19+$0x90]  }
0x8f: {  	v22 =	vadd.f32 v22, v25;
	v25 =	vmul.f32 v46, v24;
	v46 =	vmul.f32 v47, v24;
	v47 =	vld [tilespmem:s19+$0xC0]  }
0x90: {  	v18 =	vadd.f32 v35, v18;
	v35 =	vmul.f32 v44, v24;
	v44 =	vld [tilespmem:s19+$0xB0];
	v0 =	vmul.f32 v0, v19  }
0x91: {  	v19 =	vmul.f32 v21, v19;
	v21 =	vadd.f32 v31, v23;
	v23 =	vld [tilespmem:s19+$0xA0];
	v31 =	vadd.f32 v17, v15  }
0x92: {  	v17 =	vadd.f32 v0, v28;
	v28 =	vmul.f32 v48, v24;
	v48 =	vmul.f32 v49, v24;
	v49 =	vld [tilespmem:s19+$0xD0]  }
0x93: {  	v0 =	vadd.f32 v1, v34;
	v1 =	vmul.f32 v50, v24;
	v50 =	vld [tilespmem:s19+$0xE0]  }
0x94: {  	v15 =	vadd.f32 v19, v30;
	v19 =	vmul.f32 v52, v24;
	v52 =	vld [tilespmem:s19+$0xF0]  }
0x95: {  	v34 =	vmul.f32 v53, v20;
	v53 =	vld [tilespmem:$0x1FFD0]  }
0x96: {  	v30 =	vmul.f32 v54, v20;
	v54 =	vmul.f32 v57, v20;
	v57 =	vld [tilespmem:s19+$0xFFFFFD20]  }
0x97: {  	v34 =	vadd.f32 v34, v35;
	v35 =	vmul.f32 v55, v20;
	v55 =	vld [tilespmem:s19+$0xFFFFFD10]  }
0x98: {  	v25 =	vadd.f32 v30, v25;
	v30 =	vmul.f32 v56, v20;
	v56 =	vmul.f32 v59, v20;
	v59 =	vld [tilespmem:s19+$0xFFFFFD40]  }
0x99: {  	v48 =	vadd.f32 v54, v48;
	v54 =	vmul.f32 v63, v14;
	v63 =	vmul.f32 v47, v5;
	v47 =	vld [tilespmem:s19+$0x120]  }
0x9a: {  	v35 =	vadd.f32 v35, v46;
	v46 =	vmul.f32 v58, v20;
	v58 =	vld [tilespmem:s19+$0xFFFFFD30]  }
0x9b: {  	v29 =	vmul.f32 v29, v4;
	v42 =	vmul.f32 v42, v4;
	v19 =	vadd.f32 v56, v19;
	v56 =	vld [tilespmem:s19+$0xFFFFFD60]  }
0x9c: {  	v7 =	vmul.f32 v7, v5;
	v20 =	vmul.f32 v61, v20;
	v61 =	vld [tilespmem:$0x1FFE0]  }
0x9d: {  	v28 =	vadd.f32 v30, v28;
	v30 =	vmul.f32 v62, v14;
	v62 =	vld [tilespmem:$0x1FFF0]  }
0x9e: {  	v51 =	vmul.f32 v51, v14;
	v7 =	vadd.f32 v7, v29;
	v29 =	vadd.f32 v63, v42;
	v42 =	vld [tilespmem:s19+$0x140]  }
0x9f: {  	v10 =	vmul.f32 v10, v8;
	v24 =	vmul.f32 v53, v24;
	v53 =	vld [tilespmem:s19+$0xFFFFFD00]  }
0xa0: {  	v11 =	vmul.f32 v11, v8;
	v46 =	vadd.f32 v46, v1;
	v1 =	vmul.f32 v60, v14;
	v60 =	vld [tilespmem:s19+$0xFFFFFD50]  }
0xa1: {  	v38 =	vmul.f32 v38, v8;
	v10 =	vadd.f32 v10, v30;
	v30 =	vmul.f32 v33, v8;
	v33 =	vld [tilespmem:s19+$0xFFFFFF00]  }
0xa2: {  	s4 =	sadd.s32 $0xFFFFFFF4, s0;
	v43 =	vmul.f32 v43, v4;
	v13 =	vmul.f32 v13, v2;
	v20 =	vadd.f32 v20, v24;
	v24 =	vld [tilespmem:s19+$0xFFFFFD70]  }
0xa3: {  	v11 =	vadd.f32 v11, v54;
	v54 =	vmov s4;
	v63 =	vmul.f32 v55, v3;
	v55 =	vld [tilespmem:s19+$0x160]  }
0xa4: {  	v59 =	vmul.f32 v59, v3;
	v30 =	vadd.f32 v30, v1;
	v1 =	vmul.f32 v36, v8;
	v36 =	vld [tilespmem:s19+$0xFFFFFF20]  }
0xa5: {  	v54 =	vand.u32 $0xFFFFFFF3, v54;
	v8 =	vmul.f32 v40, v8;
	v40 =	vld [tilespmem:s19+$0xFFFFFF30];
	v61 =	vmul.f32 v61, v14  }
0xa6: {  	v14 =	vmul.f32 v62, v14;
	v25 =	vadd.f32 v63, v25;
	v63 =	vmul.f32 v56, v3;
	v56 =	vld [tilespmem:s19+$0xFFFFFD90]  }
0xa7: {  	v51 =	vadd.f32 v1, v51;
	v1 =	vmul.f32 v37, v4;
	v37 =	vmul.f32 v39, v4;
	v39 =	vld [tilespmem:s19+$0xFFFFFF50]  }
0xa8: {  	v38 =	vadd.f32 v38, v61;
	v61 =	vld [tilespmem:s19+$0xFFFFFF60];
	v62 =	vadd.f32 v8, v14;
	v14 =	vmul.f32 v45, v5  }
0xa9: {  	v11 =	vadd.f32 v13, v11;
	v8 =	vmul.f32 v27, v4;
	v27 =	vld [tilespmem:s19+$0xFFFFFF70];
	v4 =	vmul.f32 v32, v4  }
0xaa: {  	s24 =	simm.s32 $0x1;
	v32 =	vld [tilespmem:s19+$0x100];
	v45 =	vbroadcast v54, $0x0;
	v16 =	vadd.f32 v14, v16;
	v14 =	vmul.f32 v23, v5  }
0xab: {  	s24 =	simm.s32 @!p0 $0x0;
	v60 =	vmul.f32 v60, v3;
	v19 =	vadd.f32 v63, v19;
	v63 =	vld [tilespmem:s19+$0xFFFFFDC0];
	v23 =	vmul.f32 v44, v5  }
0xac: {  	s13 =	sshll.u32 s24, $0xE;
	v44 =	vld [tilespmem:s19+$0x110];
	v13 =	vmul.f32 v40, v2;
	v54 =	vadd.f32 v14, v1;
	v1 =	vmul.f32 v49, v5  }
0xad: {  	s28 =	sadd.s32 $0x14100, s13;
	v48 =	vadd.f32 v59, v48;
	v40 =	vld [tilespmem:s19+$0xFFFFFDE0];
	v14 =	vmul.f32 v50, v5;
	v5 =	vmul.f32 v52, v5  }
0xae: {  	s11 =	sadd.s32 $0xFFFFFFF8, s0;
	[tilespmem:s28+$0xA0] =	vst v18;
	v23 =	vadd.f32 v23, v37;
	v37 =	vld [tilespmem:s19+$0x130];
	v52 =	vmul.f32 v53, v3;
	v59 =	vmul.f32 v39, v2  }
0xaf: {  	[tilespmem:s28+$0xD0] =	vst v0;
	v49 =	vmov s11;
	v39 =	vld [tilespmem:s19+$0xFFFFFDD0];
	v18 =	vmul.f32 v61, v2;
	v0 =	vmul.f32 v32, v6  }
0xb0: {  	v14 =	vadd.f32 v14, v8;
	v8 =	vadd.f32 v5, v4;
	v4 =	vmul.f32 v57, v3;
	v45 =	vld.idx.msk [tilespmem:v45+s9+$0x0], $0xffff  }
0xb1: {  	s12 =	sadd.s32 $0xFFFFFFFC, s0;
	v43 =	vadd.f32 v1, v43;
	v5 =	vmul.f32 v58, v3;
	v3 =	vmul.f32 v24, v3;
	v58 =	vld [tilespmem:s19+$0xFFFFFDA0]  }
0xb2: {  	v1 =	vmov s12;
	v34 =	vadd.f32 v52, v34;
	v24 =	vadd.f32 v60, v46;
	v60 =	vld [tilespmem:s19+$0xFFFFFDB0]  }
0xb3: {  	[tilespmem:s28+$0xC0] =	vst v17;
	v50 =	vld [tilespmem:s19+$0x150];
	v52 =	vmul.f32 v33, v2;
	v20 =	vadd.f32 v3, v20;
	v3 =	vmul.f32 v36, v2  }
0xb4: {  	[tilespmem:s28+$0xE0] =	vst v15;
	v53 =	vld [tilespmem:s19+$0xFFFFFD80];
	v17 =	vadd.f32 v18, v38;
	v15 =	vmul.f32 v44, v6;
	v32 =	vadd.f32 v0, v16  }
0xb5: {  	[tilespmem:s28+$0xF0] =	vst v26;
	v57 =	vld [tilespmem:s19+$0x170];
	v4 =	vadd.f32 v4, v35;
	v9 =	vadd.f32 v3, v9;
	v3 =	vmul.f32 v41, v2  }
0xb6: {  	[tilespmem:s28+$0x80] =	vst v21;
	v16 =	vld [tilespmem:s19+$0xFFFFFF90];
	v5 =	vadd.f32 v5, v28;
	v2 =	vmul.f32 v27, v2;
	v21 =	vmul.f32 v58, v45  }
0xb7: {  	v36 =	vadd.f32 v59, v51;
	v35 =	vld.idx.msk [tilespmem:v49+s9+$0x0], $0xffff;
	v46 =	vmul.f32 v60, v45;
	v51 =	vmul.f32 v39, v45  }
0xb8: {  	[tilespmem:s28+$0x90] =	vst v31;
	v41 =	vld [tilespmem:s19+$0xFFFFFDF0];
	v18 =	vadd.f32 v2, v62;
	v2 =	vmul.f32 v56, v45;
	v0 =	vadd.f32 v21, v4  }
0xb9: {  	[tilespmem:s28+$0xB0] =	vst v22;
	v49 =	vld [tilespmem:s19+$0xFFFFFF80];
	v12 =	vadd.f32 v3, v12;
	v3 =	vmul.f32 v53, v45;
	v5 =	vadd.f32 v46, v5  }
0xba: {  	v10 =	vadd.f32 v52, v10;
	v1 =	vld.idx.msk [tilespmem:v1+s9+$0x0], $0xffff;
	v2 =	vadd.f32 v2, v25;
	[tilespmem:s28+$0xFFFFFF20] =	vst v0  }
0xbb: {  	v52 =	vld [tilespmem:s19+$0xFFFFFFA0];
	v4 =	vmul.f32 v63, v45;
	v21 =	vadd.f32 v51, v24;
	v3 =	vadd.f32 v3, v34;
	[tilespmem:s28+$0xFFFFFF30] =	vst v5  }
0xbc: {  	v16 =	vmul.f32 v16, v35;
	v0 =	vld [tilespmem:s19+$0xFFFFFFB0];
	[tilespmem:s28+$0xFFFFFF10] =	vst v2;
	v2 =	vadd.f32 v15, v7;
	v7 =	vmul.f32 v40, v45  }
0xbd: {  	v56 =	vld [tilespmem:s19+$0xFFFFFFC0];
	v4 =	vadd.f32 v4, v48;
	v53 =	vmul.f32 v41, v45;
	[tilespmem:s28+$0xFFFFFF50] =	vst v21;
	v15 =	vmul.f32 v37, v6  }
0xbe: {  	[tilespmem:s28+$0xFFFFFF00] =	vst v3;
	v11 =	vadd.f32 v16, v11;
	v5 =	vadd.f32 v7, v19;
	v7 =	vmul.f32 v49, v35;
	v19 =	vld [tilespmem:s19+$0xFFFFFFD0]  }
0xbf: {  	v59 =	vld [tilespmem:s19+$0xFFFFFFE0];
	v58 =	vmul.f32 v42, v6;
	v60 =	vmul.f32 v50, v6;
	[tilespmem:s28+$0xFFFFFF40] =	vst v4;
	v20 =	vadd.f32 v53, v20  }
0xc0: {  	v4 =	vadd.f32 v15, v23;
	v15 =	vld [tilespmem:s19+$0xFFFFFFF0];
	[tilespmem:s28+$0xFFFFFF90] =	vst v11;
	v7 =	vadd.f32 v7, v10;
	v10 =	vmul.f32 v52, v35  }
0xc1: {  	v13 =	vadd.f32 v13, v30;
	v62 =	vmul.f32 v55, v6;
	v16 =	vld [tilespmem:s19+$0x180];
	[tilespmem:s28+$0xFFFFFF70] =	vst v20;
	v0 =	vmul.f32 v0, v35  }
0xc2: {  	v61 =	vld [tilespmem:s19+$0x190];
	v3 =	vmul.f32 v47, v6;
	[tilespmem:s28+$0xFFFFFF60] =	vst v5;
	v9 =	vadd.f32 v10, v9;
	v10 =	vmul.f32 v56, v35  }
0xc3: {  	v6 =	vmul.f32 v57, v6;
	[tilespmem:s28+$0xFFFFFF80] =	vst v7;
	v0 =	vadd.f32 v0, v13;
	v13 =	vmul.f32 v19, v35;
	v19 =	vld [tilespmem:s19+$0x1A0]  }
0xc4: {  	v3 =	vadd.f32 v3, v54;
	v7 =	vld [tilespmem:s19+$0x1B0];
	v10 =	vadd.f32 v10, v12;
	v12 =	vmul.f32 v59, v35;
	[tilespmem:s28+$0xFFFFFFA0] =	vst v9  }
0xc5: {  	s30 =	sshll.u32 s23, $0xE;
	v11 =	vadd.f32 v60, v43;
	v15 =	vmul.f32 v15, v35;
	[tilespmem:s28+$0xFFFFFFB0] =	vst v0;
	v9 =	vld [tilespmem:s19+$0x1C0];
	v63 =	vadd.f32 v13, v36  }
0xc6: {  	s31 =	simm.s32 $0x4C00;
	s14 =	sand.u32 $0x4000, s30;
	v0 =	vadd.f32 v62, v14;
	v14 =	vadd.f32 v12, v17;
	[tilespmem:s28+$0xFFFFFFC0] =	vst v10;
	v17 =	vmul.f32 v16, v1;
	v10 =	vld [tilespmem:s19+$0x1D0]  }
0xc7: {  	s30 =	simm.s32 $0x0;
	s24 =	sadd.s32 $0x171F0, s13;
	s29 =	sadd.s32 $0x151F0, s13;
	v13 =	vadd.f32 v6, v8;
	v8 =	vadd.f32 v15, v18;
	v12 =	vld [tilespmem:s19+$0x1E0];
	v16 =	vmul.f32 v61, v1;
	[tilespmem:s28+$0xFFFFFFD0] =	vst v63  }
0xc8: {  	s26 =	sadd.s32 $0x161F0, s13;
	s25 =	sadd.s32 $0x14000, s14;
	v5 =	vadd.f32 v58, v29;
	[tilespmem:s28+$0xFFFFFFE0] =	vst v14;
	v15 =	vadd.f32 v17, v32;
	v17 =	vmul.f32 v19, v1;
	v14 =	vld [tilespmem:s19+$0x1F0];
	s19 =	smov.u32 s0  }
.LBB2_3:
0xc9: {  	v6 =	vld [tilespmem:s31+$0x380];
	[tilespmem:s28+$0xFFFFFFF0] =	vst v8;
	v2 =	vadd.f32 v16, v2;
	v16 =	vmul.f32 v7, v1  }
0xca: {  	v7 =	vld [tilespmem:s31+$0x390];
	v3 =	vadd.f32 v17, v3;
	v17 =	vmul.f32 v9, v1;
	[tilespmem:s28+$0x0] =	vst v15  }
0xcb: {  	v8 =	vld [tilespmem:s31+$0x3A0];
	v4 =	vadd.f32 v16, v4;
	v15 =	vmul.f32 v10, v1;
	[tilespmem:s28+$0x10] =	vst v2  }
0xcc: {  	v9 =	vld [tilespmem:s31+$0x3B0];
	v2 =	vadd.f32 v17, v5;
	v5 =	vmul.f32 v12, v1;
	[tilespmem:s28+$0x20] =	vst v3  }
0xcd: {  	v10 =	vld [tilespmem:s31+$0x3C0];
	v3 =	vadd.f32 v15, v11;
	v1 =	vmul.f32 v14, v1;
	[tilespmem:s28+$0x30] =	vst v4  }
0xce: {  	v11 =	vld [tilespmem:s31+$0x3D0];
	v0 =	vadd.f32 v5, v0;
	[tilespmem:s28+$0x40] =	vst v2  }
0xcf: {  	v12 =	vld [tilespmem:s31+$0x3E0];
	v1 =	vadd.f32 v1, v13;
	[tilespmem:s28+$0x50] =	vst v3  }
0xd0: {  	v13 =	vld [tilespmem:s31+$0x3F0];
	[tilespmem:s28+$0x60] =	vst v0  }
0xd1: {  	v14 =	vld [tilespmem:s31+$0x300];
	[tilespmem:s28+$0x70] =	vst v1  }
0xd2: {  	v15 =	vld [tilespmem:s31+$0x310]  }
0xd3: {  	s19 =	sadd.s32 $0x10, s19;
	v16 =	vld [tilespmem:s31+$0x320]  }
0xd4: {  	s1 =	sadd.s32 $0xFFFFFFF2, s19;
	s11 =	sadd.s32 $0xFFFFFFF5, s19;
	s12 =	sadd.s32 $0xFFFFFFFD, s19;
	v17 =	vld [tilespmem:s31+$0x330]  }
0xd5: {  	s30 =	sadd.s32 $0x4, s30;
	v2 =	vmov s12;
	v0 =	vmov s1;
	s1 =	sadd.s32 $0xFFFFFFF6, s19;
	v1 =	vmov s11;
	s11 =	sadd.s32 $0xFFFFFFFE, s19;
	v18 =	vld [tilespmem:s31+$0x340]  }
0xd6: {  	p1 =	slt.u32 s30, $0x1C;
	s12 =	sadd.s32 $0xFFFFFFFA, s19;
	v2 =	vand.u32 $0xFFFFFFFC, v2;
	v3 =	vmov s1;
	s1 =	sadd.s32 $0xFFFFFFF9, s19;
	v4 =	vmov s11;
	v19 =	vld [tilespmem:s31+$0x350]  }
0xd7: {  	s13 =	sadd.s32 $0xFFFFFFF3, s19;
	v2 =	vbroadcast v2, $0x0;
	s11 =	sadd.s32 $0xFFFFFFF1, s19;
	v5 =	vmov s1;
	s1 =	sadd.s32 $0xFFFFFFFF, s19;
	v4 =	vand.u32 $0xFFFFFFFD, v4;
	v20 =	vld [tilespmem:s31+$0x360]  }
0xd8: {  	s14 =	sadd.s32 $0xFFFFFFF7, s19;
	s4 =	sadd.s32 $0xFFFFFFFB, s19;
	v21 =	vmov s11;
	s11 =	sadd.s32 $0xFFFFFFF4, s19;
	v22 =	vmov s1;
	v4 =	vbroadcast v4, $0x0;
	v23 =	vld [tilespmem:s31+$0x370]  }
0xd9: {  	v24 =	vmov s12;
	s12 =	sadd.s32 $0xFFFFFFFC, s19;
	s1 =	sadd.s32 $0xFFFFFFF8, s19;
	v21 =	vand.u32 $0xFFFFFFF0, v21;
	v22 =	vand.u32 $0xFFFFFFFE, v22;
	v25 =	vld [tilespmem:s31+$0x200]  }
0xda: {  	v0 =	vand.u32 $0xFFFFFFF1, v0;
	v1 =	vand.u32 $0xFFFFFFF4, v1;
	v22 =	vbroadcast v22, $0x0;
	v26 =	vld [tilespmem:s31+$0x210]  }
0xdb: {  	v24 =	vand.u32 $0xFFFFFFFD, v24;
	v3 =	vand.u32 $0xFFFFFFFD, v3;
	v5 =	vand.u32 $0xFFFFFFF8, v5;
	v27 =	vld [tilespmem:s31+$0x220]  }
0xdc: {  	v28 =	vbroadcast v0, $0x0;
	v0 =	vmov s13;
	v21 =	vbroadcast v21, $0x0;
	v29 =	vld [tilespmem:s31+$0x270]  }
0xdd: {  	v30 =	vbroadcast v1, $0x0;
	v31 =	vbroadcast v3, $0x0;
	v32 =	vld.idx.msk [tilespmem:v2+s9+$0x0], $0xffff;
	v2 =	vmov s19  }
0xde: {  	v24 =	vbroadcast v24, $0x0;
	v1 =	vmov s14;
	v33 =	vbroadcast v5, $0x0;
	v34 =	vld.idx.msk [tilespmem:v4+s9+$0x0], $0xffff  }
0xdf: {  	v0 =	vand.u32 $0xFFFFFFF2, v0;
	v1 =	vand.u32 $0xFFFFFFFE, v1;
	v4 =	vmov s4;
	v35 =	vld [tilespmem:s31+$0x2F0]  }
0xe0: {  	v5 =	vbroadcast v0, $0x0;
	v3 =	vbroadcast v1, $0x0;
	v0 =	vand.u32 $0xFFFFFFFE, v4;
	v22 =	vld.idx.msk [tilespmem:v22+s9+$0x0], $0xffff  }
0xe1: {  	v36 =	vmov s11;
	v1 =	vmov s1;
	v4 =	vbroadcast v0, $0x0;
	v37 =	vld [tilespmem:s31+$0x230]  }
0xe2: {  	v36 =	vand.u32 $0xFFFFFFF3, v36;
	v0 =	vmov s12;
	v38 =	vld.idx.msk [tilespmem:v2+s9+$0x0], $0xffff  }
0xe3: {  	v2 =	vbroadcast v36, $0x0;
	v25 =	vmul.f32 v25, v32;
	v36 =	vld [tilespmem:s31+$0x240]  }
0xe4: {  	v29 =	vmul.f32 v29, v32;
	v39 =	vld [tilespmem:s31+$0x250];
	v35 =	vmul.f32 v35, v34  }
0xe5: {  	v26 =	vmul.f32 v26, v32;
	v27 =	vmul.f32 v27, v32;
	v40 =	vld [tilespmem:s31+$0x260]  }
0xe6: {  	v23 =	vmul.f32 v23, v22;
	v37 =	vmul.f32 v37, v32;
	v41 =	vld [tilespmem:s31+$0x280];
	v29 =	vadd.f32 v35, v29  }
0xe7: {  	v14 =	vmul.f32 v14, v22;
	v15 =	vmul.f32 v15, v22;
	v35 =	vld [tilespmem:s31+$0x290]  }
0xe8: {  	v13 =	vmul.f32 v13, v38;
	v36 =	vmul.f32 v36, v32;
	v42 =	vld [tilespmem:s31+$0x2A0];
	v23 =	vadd.f32 v23, v29  }
0xe9: {  	v16 =	vmul.f32 v16, v22;
	v29 =	vmul.f32 v39, v32;
	v39 =	vld [tilespmem:s31+$0x2B0]  }
0xea: {  	v43 =	vmul.f32 v17, v22;
	v32 =	vmul.f32 v40, v32;
	v40 =	vld [tilespmem:s31+$0x2C0];
	v13 =	vadd.f32 v13, v23  }
0xeb: {  	s28 =	sadd.s32 $0x200, s28;
	v18 =	vmul.f32 v18, v22;
	v17 =	vmul.f32 v41, v34;
	v23 =	vld [tilespmem:s31+$0x2D0]  }
0xec: {  	v19 =	vmul.f32 v19, v22;
	v35 =	vmul.f32 v35, v34;
	v41 =	vld [tilespmem:s31+$0x2E0];
	[tilespmem:s28+$0xF0] =	vst v13  }
0xed: {  	v20 =	vmul.f32 v20, v22;
	v21 =	vld.idx.msk [tilespmem:v21+s9+$0x0], $0xffff;
	v13 =	vadd.f32 v17, v25;
	v25 =	vmul.f32 v42, v34  }
0xee: {  	v22 =	vld.idx.msk [tilespmem:v28+s9+$0x0], $0xffff;
	v26 =	vadd.f32 v35, v26;
	v28 =	vmul.f32 v39, v34;
	v35 =	vmul.f32 v6, v38  }
0xef: {  	v17 =	vld.idx.msk [tilespmem:v30+s9+$0x0], $0xffff;
	v6 =	vadd.f32 v25, v27;
	v25 =	vmul.f32 v40, v34;
	v27 =	vadd.f32 v14, v13  }
0xf0: {  	v14 =	vld.idx.msk [tilespmem:v31+s9+$0x0], $0xffff;
	v28 =	vadd.f32 v28, v37;
	v23 =	vmul.f32 v23, v34;
	v15 =	vadd.f32 v15, v26  }
0xf1: {  	v13 =	vld.idx.msk [tilespmem:v33+s9+$0x0], $0xffff;
	v25 =	vadd.f32 v25, v36;
	v26 =	vmul.f32 v41, v34;
	v16 =	vadd.f32 v16, v6  }
0xf2: {  	v7 =	vmul.f32 v7, v38;
	v6 =	vld.idx.msk [tilespmem:v24+s9+$0x0], $0xffff;
	v23 =	vadd.f32 v23, v29;
	v24 =	vadd.f32 v43, v28  }
0xf3: {  	v8 =	vmul.f32 v8, v38;
	v28 =	vld [tilespmem:s31+$0xFFFFFC00];
	v26 =	vadd.f32 v26, v32;
	v18 =	vadd.f32 v18, v25  }
0xf4: {  	v9 =	vmul.f32 v9, v38;
	v10 =	vmul.f32 v10, v38;
	v25 =	vld [tilespmem:s31+$0xFFFFFC10];
	v19 =	vadd.f32 v19, v23  }
0xf5: {  	v11 =	vmul.f32 v11, v38;
	v12 =	vmul.f32 v12, v38;
	v23 =	vld [tilespmem:s31+$0xFFFFFC20];
	v20 =	vadd.f32 v20, v26  }
0xf6: {  	v27 =	vadd.f32 v35, v27;
	v7 =	vadd.f32 v7, v15;
	v26 =	vld [tilespmem:s31+$0xFFFFFC30]  }
0xf7: {  	v8 =	vadd.f32 v8, v16;
	v9 =	vadd.f32 v9, v24;
	v15 =	vld [tilespmem:s31+$0xFFFFFC40]  }
0xf8: {  	v10 =	vadd.f32 v10, v18;
	v11 =	vadd.f32 v11, v19;
	v16 =	vmul.f32 v28, v21;
	v24 =	vld [tilespmem:s31+$0xFFFFFC50];
	[tilespmem:s28+$0x80] =	vst v27  }
0xf9: {  	v12 =	vadd.f32 v12, v20;
	v18 =	vmul.f32 v25, v21;
	v19 =	vld [tilespmem:s31+$0xFFFFFC60];
	[tilespmem:s28+$0x90] =	vst v7  }
0xfa: {  	v20 =	vmul.f32 v23, v21;
	v7 =	vld [tilespmem:s31+$0xFFFFFC70];
	[tilespmem:s28+$0xA0] =	vst v8  }
0xfb: {  	v23 =	vmul.f32 v26, v21;
	v8 =	vld [tilespmem:s31+$0xFFFFFC80];
	[tilespmem:s28+$0xB0] =	vst v9  }
0xfc: {  	v15 =	vmul.f32 v15, v21;
	v9 =	vld [tilespmem:s31+$0xFFFFFC90];
	[tilespmem:s28+$0xC0] =	vst v10  }
0xfd: {  	v24 =	vmul.f32 v24, v21;
	v10 =	vld [tilespmem:s31+$0xFFFFFCA0];
	[tilespmem:s28+$0xD0] =	vst v11  }
0xfe: {  	v19 =	vmul.f32 v19, v21;
	v11 =	vld [tilespmem:s31+$0xFFFFFCB0];
	[tilespmem:s28+$0xE0] =	vst v12  }
0xff: {  	v21 =	vmul.f32 v7, v21;
	v12 =	vld [tilespmem:s31+$0xFFFFFCC0]  }
0x100: {  	v7 =	vmul.f32 v8, v22;
	v25 =	vld [tilespmem:s31+$0xFFFFFCD0]  }
0x101: {  	v8 =	vmul.f32 v9, v22;
	v26 =	vld [tilespmem:s31+$0xFFFFFCE0]  }
0x102: {  	v7 =	vadd.f32 v7, v16;
	v9 =	vmul.f32 v10, v22;
	v16 =	vld [tilespmem:s31+$0xFFFFFCF0]  }
0x103: {  	v8 =	vadd.f32 v8, v18;
	v10 =	vmul.f32 v11, v22;
	v18 =	vld [tilespmem:s31+$0xFFFFFE00]  }
0x104: {  	v9 =	vadd.f32 v9, v20;
	v11 =	vmul.f32 v12, v22;
	v20 =	vld [tilespmem:s31+$0xFFFFFE10]  }
0x105: {  	v10 =	vadd.f32 v10, v23;
	v12 =	vmul.f32 v25, v22;
	v23 =	vld [tilespmem:s31+$0xFFFFFE20]  }
0x106: {  	v11 =	vadd.f32 v11, v15;
	v15 =	vmul.f32 v26, v22;
	v25 =	vld [tilespmem:s31+$0xFFFFFE30]  }
0x107: {  	v12 =	vadd.f32 v12, v24;
	v16 =	vmul.f32 v16, v22;
	v22 =	vld [tilespmem:s31+$0xFFFFFE40]  }
0x108: {  	v15 =	vadd.f32 v15, v19;
	v18 =	vmul.f32 v18, v17;
	v19 =	vld [tilespmem:s31+$0xFFFFFE50]  }
0x109: {  	v16 =	vadd.f32 v16, v21;
	v20 =	vmul.f32 v20, v17;
	v21 =	vld [tilespmem:s31+$0xFFFFFE60]  }
0x10a: {  	v23 =	vmul.f32 v23, v17;
	v24 =	vld [tilespmem:s31+$0xFFFFFE70]  }
0x10b: {  	v25 =	vmul.f32 v25, v17;
	v26 =	vld [tilespmem:s31+$0xFFFFFE80]  }
0x10c: {  	v22 =	vmul.f32 v22, v17;
	v27 =	vld [tilespmem:s31+$0xFFFFFE90]  }
0x10d: {  	v19 =	vmul.f32 v19, v17;
	v28 =	vld [tilespmem:s31+$0xFFFFFEA0]  }
0x10e: {  	v21 =	vmul.f32 v21, v17;
	v29 =	vld [tilespmem:s31+$0xFFFFFEB0]  }
0x10f: {  	v17 =	vmul.f32 v24, v17;
	v24 =	vld [tilespmem:s31+$0xFFFFFEC0]  }
0x110: {  	v26 =	vmul.f32 v26, v14;
	v30 =	vld [tilespmem:s31+$0xFFFFFED0]  }
0x111: {  	v27 =	vmul.f32 v27, v14;
	v31 =	vld [tilespmem:s31+$0xFFFFFEE0]  }
0x112: {  	v18 =	vadd.f32 v26, v18;
	v26 =	vmul.f32 v28, v14;
	v28 =	vld [tilespmem:s31+$0xFFFFFEF0]  }
0x113: {  	v20 =	vadd.f32 v27, v20;
	v27 =	vmul.f32 v29, v14;
	v29 =	vld [tilespmem:s31+$0x0]  }
0x114: {  	v23 =	vadd.f32 v26, v23;
	v24 =	vmul.f32 v24, v14;
	v26 =	vld [tilespmem:s31+$0x10]  }
0x115: {  	v25 =	vadd.f32 v27, v25;
	v27 =	vmul.f32 v30, v14;
	v30 =	vld [tilespmem:s31+$0x20]  }
0x116: {  	v22 =	vadd.f32 v24, v22;
	v24 =	vmul.f32 v31, v14;
	v31 =	vld [tilespmem:s31+$0x30]  }
0x117: {  	v19 =	vadd.f32 v27, v19;
	v14 =	vmul.f32 v28, v14;
	v27 =	vld [tilespmem:s31+$0x40]  }
0x118: {  	v21 =	vadd.f32 v24, v21;
	v24 =	vmul.f32 v29, v13;
	v28 =	vld [tilespmem:s31+$0x50]  }
0x119: {  	v14 =	vadd.f32 v14, v17;
	v17 =	vmul.f32 v26, v13;
	v26 =	vld [tilespmem:s31+$0x60]  }
0x11a: {  	v29 =	vmul.f32 v30, v13;
	v30 =	vld [tilespmem:s31+$0x70]  }
0x11b: {  	v31 =	vmul.f32 v31, v13;
	v32 =	vld [tilespmem:s31+$0x80]  }
0x11c: {  	v27 =	vmul.f32 v27, v13;
	v33 =	vld [tilespmem:s31+$0x90]  }
0x11d: {  	v28 =	vmul.f32 v28, v13;
	v34 =	vld [tilespmem:s31+$0xA0]  }
0x11e: {  	v26 =	vmul.f32 v26, v13;
	v35 =	vld [tilespmem:s31+$0xB0]  }
0x11f: {  	v13 =	vmul.f32 v30, v13;
	v30 =	vld [tilespmem:s31+$0xC0]  }
0x120: {  	v32 =	vmul.f32 v32, v6;
	v36 =	vld [tilespmem:s31+$0xD0]  }
0x121: {  	v33 =	vmul.f32 v33, v6;
	v37 =	vld [tilespmem:s31+$0xE0]  }
0x122: {  	v24 =	vadd.f32 v32, v24;
	v32 =	vmul.f32 v34, v6;
	v34 =	vld [tilespmem:s31+$0xF0]  }
0x123: {  	v5 =	vld.idx.msk [tilespmem:v5+s9+$0x0], $0xffff;
	v17 =	vadd.f32 v33, v17;
	v33 =	vmul.f32 v35, v6  }
0x124: {  	v3 =	vld.idx.msk [tilespmem:v3+s9+$0x0], $0xffff;
	v29 =	vadd.f32 v32, v29;
	v30 =	vmul.f32 v30, v6  }
0x125: {  	v31 =	vadd.f32 v33, v31;
	v32 =	vmul.f32 v36, v6;
	v33 =	vld.idx.msk [tilespmem:v4+s9+$0x0], $0xffff  }
0x126: {  	v4 =	vld [tilespmem:s31+$0xFFFFFD00];
	v27 =	vadd.f32 v30, v27;
	v30 =	vmul.f32 v37, v6  }
0x127: {  	v35 =	vld [tilespmem:s31+$0xFFFFFD10];
	v28 =	vadd.f32 v32, v28;
	v6 =	vmul.f32 v34, v6  }
0x128: {  	v32 =	vld [tilespmem:s31+$0xFFFFFD20];
	v26 =	vadd.f32 v30, v26  }
0x129: {  	v30 =	vld [tilespmem:s31+$0xFFFFFD30];
	v6 =	vadd.f32 v6, v13  }
0x12a: {  	v13 =	vld [tilespmem:s31+$0xFFFFFD40]  }
0x12b: {  	v4 =	vmul.f32 v4, v5;
	v34 =	vld [tilespmem:s31+$0xFFFFFD50]  }
0x12c: {  	v35 =	vmul.f32 v35, v5;
	v36 =	vld [tilespmem:s31+$0xFFFFFD60]  }
0x12d: {  	v7 =	vadd.f32 v4, v7;
	v4 =	vmul.f32 v32, v5;
	v32 =	vld [tilespmem:s31+$0xFFFFFD70]  }
0x12e: {  	v8 =	vadd.f32 v35, v8;
	v30 =	vmul.f32 v30, v5;
	v35 =	vld [tilespmem:s31+$0xFFFFFF00]  }
0x12f: {  	v9 =	vadd.f32 v4, v9;
	v4 =	vmul.f32 v13, v5;
	v13 =	vld [tilespmem:s31+$0xFFFFFF10]  }
0x130: {  	v10 =	vadd.f32 v30, v10;
	v30 =	vmul.f32 v34, v5;
	v34 =	vld [tilespmem:s31+$0xFFFFFF20]  }
0x131: {  	v37 =	vadd.f32 v4, v11;
	v4 =	vmul.f32 v36, v5;
	v11 =	vld [tilespmem:s31+$0xFFFFFF30]  }
0x132: {  	v12 =	vadd.f32 v30, v12;
	v5 =	vmul.f32 v32, v5;
	v30 =	vld [tilespmem:s31+$0xFFFFFF40]  }
0x133: {  	v15 =	vadd.f32 v4, v15;
	v4 =	vmul.f32 v35, v3;
	v32 =	vld [tilespmem:s31+$0xFFFFFF50]  }
0x134: {  	v16 =	vadd.f32 v5, v16;
	v5 =	vmul.f32 v13, v3;
	v13 =	vld [tilespmem:s31+$0xFFFFFF60]  }
0x135: {  	v18 =	vadd.f32 v4, v18;
	v4 =	vmul.f32 v34, v3;
	v34 =	vld [tilespmem:s31+$0xFFFFFF70]  }
0x136: {  	v20 =	vadd.f32 v5, v20;
	v5 =	vmul.f32 v11, v3;
	v11 =	vld [tilespmem:s31+$0x100]  }
0x137: {  	v23 =	vadd.f32 v4, v23;
	v4 =	vmul.f32 v30, v3;
	v30 =	vld [tilespmem:s31+$0x110]  }
0x138: {  	v25 =	vadd.f32 v5, v25;
	v5 =	vmul.f32 v32, v3;
	v32 =	vld [tilespmem:s31+$0x120]  }
0x139: {  	v22 =	vadd.f32 v4, v22;
	v4 =	vmul.f32 v13, v3;
	v13 =	vld [tilespmem:s31+$0x130]  }
0x13a: {  	v19 =	vadd.f32 v5, v19;
	v3 =	vmul.f32 v34, v3;
	v5 =	vld [tilespmem:s31+$0x140]  }
0x13b: {  	v21 =	vadd.f32 v4, v21;
	v4 =	vmul.f32 v11, v33;
	v11 =	vld [tilespmem:s31+$0x150]  }
0x13c: {  	v14 =	vadd.f32 v3, v14;
	v3 =	vmul.f32 v30, v33;
	v30 =	vld [tilespmem:s31+$0x160]  }
0x13d: {  	v24 =	vadd.f32 v4, v24;
	v4 =	vmul.f32 v32, v33;
	v32 =	vld [tilespmem:s31+$0x170]  }
0x13e: {  	v34 =	vld.idx.msk [tilespmem:v2+s9+$0x0], $0xffff;
	v2 =	vadd.f32 v3, v17;
	v13 =	vmul.f32 v13, v33  }
0x13f: {  	v17 =	vld.idx.msk [tilespmem:v1+s9+$0x0], $0xffff;
	v3 =	vadd.f32 v4, v29;
	v5 =	vmul.f32 v5, v33  }
0x140: {  	v4 =	vadd.f32 v13, v31;
	v11 =	vmul.f32 v11, v33;
	v1 =	vld.idx.msk [tilespmem:v0+s9+$0x0], $0xffff  }
0x141: {  	v29 =	vld [tilespmem:s31+$0xFFFFFD80];
	v5 =	vadd.f32 v5, v27;
	v0 =	vmul.f32 v30, v33  }
0x142: {  	v27 =	vld [tilespmem:s31+$0xFFFFFD90];
	v11 =	vadd.f32 v11, v28;
	v13 =	vmul.f32 v32, v33  }
0x143: {  	v28 =	vld [tilespmem:s31+$0xFFFFFDA0];
	v0 =	vadd.f32 v0, v26  }
0x144: {  	v26 =	vld [tilespmem:s31+$0xFFFFFDB0];
	v13 =	vadd.f32 v13, v6  }
0x145: {  	v6 =	vld [tilespmem:s31+$0xFFFFFDC0]  }
0x146: {  	v29 =	vmul.f32 v29, v34;
	v30 =	vld [tilespmem:s31+$0xFFFFFDD0]  }
0x147: {  	v27 =	vmul.f32 v27, v34;
	v31 =	vld [tilespmem:s31+$0xFFFFFDE0]  }
0x148: {  	v7 =	vadd.f32 v29, v7;
	v28 =	vmul.f32 v28, v34;
	v29 =	vld [tilespmem:s31+$0xFFFFFDF0]  }
0x149: {  	v8 =	vadd.f32 v27, v8;
	v26 =	vmul.f32 v26, v34;
	v27 =	vld [tilespmem:s31+$0xFFFFFF80]  }
0x14a: {  	v9 =	vadd.f32 v28, v9;
	v6 =	vmul.f32 v6, v34;
	[tilespmem:s28+$0xFFFFFF00] =	vst v7;
	v7 =	vld [tilespmem:s31+$0xFFFFFF90]  }
0x14b: {  	v10 =	vadd.f32 v26, v10;
	v26 =	vmul.f32 v30, v34;
	[tilespmem:s28+$0xFFFFFF10] =	vst v8;
	v8 =	vld [tilespmem:s31+$0xFFFFFFA0]  }
0x14c: {  	v6 =	vadd.f32 v6, v37;
	v28 =	vmul.f32 v31, v34;
	[tilespmem:s28+$0xFFFFFF20] =	vst v9;
	v9 =	vld [tilespmem:s31+$0xFFFFFFB0]  }
0x14d: {  	v12 =	vadd.f32 v26, v12;
	v26 =	vmul.f32 v29, v34;
	[tilespmem:s28+$0xFFFFFF30] =	vst v10;
	v10 =	vld [tilespmem:s31+$0xFFFFFFC0]  }
0x14e: {  	v15 =	vadd.f32 v28, v15;
	[tilespmem:s28+$0xFFFFFF40] =	vst v6;
	v6 =	vmul.f32 v27, v17;
	v27 =	vld [tilespmem:s31+$0xFFFFFFD0]  }
0x14f: {  	v16 =	vadd.f32 v26, v16;
	[tilespmem:s28+$0xFFFFFF50] =	vst v12;
	v7 =	vmul.f32 v7, v17;
	v12 =	vld [tilespmem:s31+$0xFFFFFFE0]  }
0x150: {  	[tilespmem:s28+$0xFFFFFF60] =	vst v15;
	v6 =	vadd.f32 v6, v18;
	v8 =	vmul.f32 v8, v17;
	v15 =	vld [tilespmem:s31+$0xFFFFFFF0]  }
0x151: {  	[tilespmem:s28+$0xFFFFFF70] =	vst v16;
	v7 =	vadd.f32 v7, v20;
	v9 =	vmul.f32 v9, v17;
	v16 =	vld [tilespmem:s31+$0x180]  }
0x152: {  	v8 =	vadd.f32 v8, v23;
	v10 =	vmul.f32 v10, v17;
	[tilespmem:s28+$0xFFFFFF80] =	vst v6;
	v6 =	vld [tilespmem:s31+$0x190]  }
0x153: {  	v9 =	vadd.f32 v9, v25;
	v18 =	vmul.f32 v27, v17;
	[tilespmem:s28+$0xFFFFFF90] =	vst v7;
	v20 =	vld [tilespmem:s31+$0x1A0]  }
.Ltmp0:
0x154: {  	v10 =	vadd.f32 v10, v22;
	v12 =	vmul.f32 v12, v17;
	[tilespmem:s28+$0xFFFFFFA0] =	vst v8;
	v7 =	vld [tilespmem:s31+$0x1B0];
	(pc) =	sbr.rel @p1 .LBB2_3-.Ltmp0, $4  }
0x155: {  	v18 =	vadd.f32 v18, v19;
	v8 =	vmul.f32 v15, v17;
	[tilespmem:s28+$0xFFFFFFB0] =	vst v9;
	v9 =	vld [tilespmem:s31+$0x1C0]  }
0x156: {  	v15 =	vadd.f32 v12, v21;
	[tilespmem:s28+$0xFFFFFFC0] =	vst v10;
	v17 =	vmul.f32 v16, v1;
	v10 =	vld [tilespmem:s31+$0x1D0]  }
0x157: {  	v8 =	vadd.f32 v8, v14;
	[tilespmem:s28+$0xFFFFFFD0] =	vst v18;
	v16 =	vmul.f32 v6, v1;
	v12 =	vld [tilespmem:s31+$0x1E0]  }
0x158: {  	[tilespmem:s28+$0xFFFFFFE0] =	vst v15;
	v15 =	vadd.f32 v17, v24;
	v17 =	vmul.f32 v20, v1;
	v14 =	vld [tilespmem:s31+$0x1F0];
	s31 =	sadd.s32 $0x800, s31  }
0x159: {  	[tilespmem:s28+$0xFFFFFFF0] =	vst v8;
	v2 =	vadd.f32 v16, v2;
	v6 =	vmul.f32 v7, v1  }
0x15a: {  	v3 =	vadd.f32 v17, v3;
	v7 =	vmul.f32 v9, v1;
	[tilespmem:s28+$0x0] =	vst v15  }
0x15b: {  	v4 =	vadd.f32 v6, v4;
	v6 =	vmul.f32 v10, v1;
	[tilespmem:s28+$0x10] =	vst v2  }
0x15c: {  	v2 =	vadd.f32 v7, v5;
	v5 =	vmul.f32 v12, v1;
	[tilespmem:s28+$0x20] =	vst v3  }
0x15d: {  	v3 =	vadd.f32 v6, v11;
	v1 =	vmul.f32 v14, v1;
	[tilespmem:s28+$0x30] =	vst v4  }
0x15e: {  	v0 =	vadd.f32 v5, v0;
	[tilespmem:s28+$0x40] =	vst v2  }
0x15f: {  	v1 =	vadd.f32 v1, v13;
	[tilespmem:s28+$0x50] =	vst v3  }
0x160: {  	[tilespmem:s28+$0x60] =	vst v0  }
0x161: {  	p1 =	seq.s32 s23, $0xF;
	[tilespmem:s28+$0x70] =	vst v1  }
0x162: {  	s19 =	simm.s32 $0x87F0;
	s1 =	sshll.u32 @!p1 s23, $0x9;
	_ =	swait.ge [sflag:s15], $0x4000  }
0x163: {  	s4 =	simm.s32 @!p1 $0x80;
	s28 =	sand.u32 @!p1 $0x3FFFFE00, s1;
	[sflag:s15] =	ssyncset.done $0x0  }
0x164: {  	s11 =	simm.s32 @!p1 $0x4000;
	s1 =	sadd.s32 @!p1 $0x200, s28;
	[sflag:s15] =	ssyncadd.s32 $0xFFFFC000  }
0x165: {  	[tilespmem:s11], [sflag:$0x1] =	stream.indirect.gather @!p1 [hbm4b:s3+s4], $0x80, s1, s4, $0xb8;
	[tilespmem:$0x1C000] =	vst v63  }
0x166: {  	v0 =	vld [tilespmem:s19+$0xFFFFFF90];
	_ =	sdelay $0x4  }
0x167: {  	[tilespmem:$0x1FEC0] =	vst v0  }
0x168: {  	v0 =	vld [tilespmem:s19+$0xFFFFFFA0];
	_ =	sdelay $0x4  }
0x169: {  	[tilespmem:$0x1FED0] =	vst v0  }
0x16a: {  	v0 =	vld [tilespmem:s19+$0xFFFFFFC0];
	_ =	sdelay $0x4  }
0x16b: {  	v5 =	vld [tilespmem:s19+$0xFFFFFFB0];
	[tilespmem:$0x1FEE0] =	vst v0  }
0x16c: {  	v0 =	vld [tilespmem:s19+$0xFFFFFFE0];
	_ =	sdelay $0x4  }
0x16d: {  	v7 =	vld [tilespmem:s19+$0xFFFFFFD0];
	[tilespmem:$0x1FEF0] =	vst v0  }
0x16e: {  	v0 =	vld [tilespmem:s19+$0xFFFFFFF0];
	_ =	sdelay $0x4  }
0x16f: {  	[tilespmem:$0x1FF00] =	vst v0  }
0x170: {  	v0 =	vld [tilespmem:s19+$0xFFFFFF40];
	_ =	sdelay $0x1  }
0x171: {  	v16 =	vld [tilespmem:s19+$0x0]  }
0x172: {  	v23 =	vld [tilespmem:s19+$0xFFFFFF10]  }
0x173: {  	v22 =	vld [tilespmem:s19+$0xFFFFFF20]  }
0x174: {  	v20 =	vld [tilespmem:s19+$0xFFFFFF30];
	[tilespmem:$0x1FE90] =	vst v0  }
0x175: {  	v1 =	vld [tilespmem:s19+$0xFFFFFF50];
	_ =	sdelay $0x4  }
0x176: {  	[tilespmem:$0x1FEA0] =	vst v1  }
0x177: {  	v2 =	vld [tilespmem:s19+$0xFFFFFF60];
	_ =	sdelay $0x2  }
0x178: {  	s14 =	sadd.s32 $0xFFFFFFFD, s20  }
0x179: {  	v0 =	vmov s14  }
0x17a: {  	v0 =	vand.u32 $0xFFFFFFFC, v0;
	[tilespmem:$0x1FEB0] =	vst v2  }
0x17b: {  	v0 =	vbroadcast v0, $0x0;
	v18 =	vld [tilespmem:s19+$0xFFFFFF70]  }
0x17c: {  	v26 =	vld [tilespmem:s19+$0xFFFFFF80]  }
0x17d: {  	v27 =	vld [tilespmem:s19+$0xFFFFFE10]  }
0x17e: {  	v28 =	vld [tilespmem:s19+$0xFFFFFE20]  }
0x17f: {  	v29 =	vld [tilespmem:s19+$0xFFFFFE30]  }
0x180: {  	v30 =	vld [tilespmem:s19+$0xFFFFFE80]  }
0x181: {  	v31 =	vld.idx.msk [tilespmem:v0+s9+$0x0], $0xffff  }
0x182: {  	v33 =	vld [tilespmem:s19+$0xFFFFFF00]  }
0x183: {  	v34 =	vld [tilespmem:s19+$0xFFFFFE40]  }
0x184: {  	v35 =	vld [tilespmem:s19+$0xFFFFFE50]  }
0x185: {  	v36 =	vld [tilespmem:s19+$0xFFFFFE60]  }
0x186: {  	v37 =	vld [tilespmem:s19+$0xFFFFFE70]  }
0x187: {  	v38 =	vld [tilespmem:s19+$0xFFFFFE90]  }
0x188: {  	v39 =	vld [tilespmem:s19+$0xFFFFFEA0]  }
0x189: {  	v40 =	vld [tilespmem:s19+$0xFFFFFEB0]  }
0x18a: {  	s4 =	sadd.s32 $0xFFFFFFFE, s20;
	v41 =	vld [tilespmem:s19+$0xFFFFFEC0]  }
0x18b: {  	v1 =	vmov s4;
	v0 =	vmov s20;
	v42 =	vld [tilespmem:s19+$0xFFFFFED0]  }
0x18c: {  	v1 =	vand.u32 $0xFFFFFFFD, v1;
	v43 =	vld [tilespmem:s19+$0xFFFFFEE0]  }
0x18d: {  	s11 =	sadd.s32 $0xFFFFFFFF, s20;
	v1 =	vbroadcast v1, $0x0;
	v45 =	vld [tilespmem:s19+$0xFFFFFEF0]  }
0x18e: {  	s4 =	sadd.s32 $0xFFFFFFF6, s20;
	v2 =	vmov s11;
	v46 =	vld [tilespmem:s19+$0xFFFFF820]  }
0x18f: {  	s12 =	sadd.s32 $0xFFFFFFF1, s20;
	v3 =	vmov s4;
	v2 =	vand.u32 $0xFFFFFFFE, v2;
	v47 =	vld [tilespmem:s19+$0xFFFFF830]  }
0x190: {  	v3 =	vand.u32 $0xFFFFFFFD, v3;
	v2 =	vbroadcast v2, $0x0;
	v19 =	vld.idx.msk [tilespmem:v0+s9+$0x0], $0xffff;
	v0 =	vmov s12  }
0x191: {  	v3 =	vbroadcast v3, $0x0;
	s11 =	sadd.s32 $0xFFFFFFF9, s20;
	v48 =	vld [tilespmem:s19+$0xFFFFF840];
	v0 =	vand.u32 $0xFFFFFFF0, v0  }
0x192: {  	s13 =	sadd.s32 $0xFFFFFFF2, s20;
	v4 =	vmov s11;
	v49 =	vld [tilespmem:s19+$0xFFFFF850];
	v0 =	vbroadcast v0, $0x0  }
0x193: {  	v32 =	vld.idx.msk [tilespmem:v1+s9+$0x0], $0xffff;
	v1 =	vmov s13;
	v4 =	vand.u32 $0xFFFFFFF8, v4;
	s12 =	sadd.s32 $0xFFFFFFFA, s20  }
0x194: {  	v50 =	vld [tilespmem:s19+$0xFFFFF860];
	v1 =	vand.u32 $0xFFFFFFFD, v1;
	v4 =	vbroadcast v4, $0x0;
	v11 =	vmov s12  }
0x195: {  	s14 =	sadd.s32 $0xFFFFFFF5, s20;
	v51 =	vld [tilespmem:s19+$0xFFFFF870];
	v1 =	vbroadcast v1, $0x0;
	v11 =	vand.u32 $0xFFFFFFFD, v11  }
0x196: {  	v24 =	vld.idx.msk [tilespmem:v2+s9+$0x0], $0xffff;
	v2 =	vmov s14;
	v44 =	vbroadcast v11, $0x0  }
0x197: {  	v2 =	vand.u32 $0xFFFFFFF4, v2;
	v11 =	vld.idx.msk [tilespmem:v3+s9+$0x0], $0xffff  }
0x198: {  	v2 =	vbroadcast v2, $0x0;
	v25 =	vld.idx.msk [tilespmem:v0+s9+$0x0], $0xffff  }
0x199: {  	v0 =	vld [tilespmem:s19+$0xFFFFF880]  }
0x19a: {  	v4 =	vld.idx.msk [tilespmem:v4+s9+$0x0], $0xffff  }
0x19b: {  	v21 =	vld.idx.msk [tilespmem:v1+s9+$0x0], $0xffff  }
0x19c: {  	v1 =	vld.idx.msk [tilespmem:v44+s9+$0x0], $0xffff  }
0x19d: {  	v44 =	vld [tilespmem:s19+$0xFFFFF810]  }
0x19e: {  	v14 =	vld.idx.msk [tilespmem:v2+s9+$0x0], $0xffff;
	[tilespmem:$0x1FF10] =	vst v0  }
0x19f: {  	v0 =	vld [tilespmem:s19+$0xFFFFF8B0];
	_ =	sdelay $0x3  }
0x1a0: {  	v53 =	vld [tilespmem:s19+$0xFFFFF890]  }
0x1a1: {  	s14 =	sadd.s32 $0xFFFFFFF7, s20;
	v54 =	vld [tilespmem:s19+$0xFFFFF8A0];
	[tilespmem:$0x1FF20] =	vst v0  }
0x1a2: {  	s13 =	sadd.s32 $0xFFFFFFF3, s20;
	v2 =	vmov s14;
	v56 =	vld [tilespmem:s19+$0xFFFFF8C0]  }
0x1a3: {  	v2 =	vand.u32 $0xFFFFFFFE, v2;
	v0 =	vmov s13;
	v57 =	vld [tilespmem:s19+$0xFFFFF8D0]  }
0x1a4: {  	s11 =	sadd.s32 $0xFFFFFFFB, s20;
	v2 =	vbroadcast v2, $0x0;
	v0 =	vand.u32 $0xFFFFFFFE, v0;
	v58 =	vld [tilespmem:s19+$0xFFFFF8E0]  }
0x1a5: {  	v3 =	vmov s11;
	v59 =	vld [tilespmem:s19+$0xFFFFF8F0];
	v0 =	vbroadcast v0, $0x0  }
0x1a6: {  	v3 =	vand.u32 $0xFFFFFFFE, v3;
	v61 =	vld [tilespmem:s19+$0xFFFFF900]  }
0x1a7: {  	v60 =	vbroadcast v3, $0x0;
	v62 =	vld [tilespmem:s19+$0xFFFFFA10]  }
0x1a8: {  	v63 =	vld [tilespmem:s19+$0xFFFFFA20]  }
0x1a9: {  	v15 =	vld [tilespmem:s19+$0xFFFFFA30]  }
0x1aa: {  	v2 =	vld.idx.msk [tilespmem:v2+s9+$0x0], $0xffff  }
0x1ab: {  	v3 =	vld.idx.msk [tilespmem:v0+s9+$0x0], $0xffff  }
0x1ac: {  	v0 =	vld [tilespmem:s19+$0xFFFFFA80]  }
0x1ad: {  	v6 =	vld.idx.msk [tilespmem:v60+s9+$0x0], $0xffff  }
0x1ae: {  	v60 =	vld [tilespmem:s19+$0xFFFFFA40]  }
0x1af: {  	v9 =	vld [tilespmem:s19+$0xFFFFFA50]  }
0x1b0: {  	v10 =	vld [tilespmem:s19+$0xFFFFFA60]  }
0x1b1: {  	v17 =	vld [tilespmem:s19+$0xFFFFFA70];
	[tilespmem:$0x1FF30] =	vst v0  }
0x1b2: {  	v30 =	vmul.f32 v30, v31;
	v33 =	vmul.f32 v33, v32;
	v12 =	vld [tilespmem:s19+$0xFFFFFA90]  }
0x1b3: {  	v55 =	vld [tilespmem:s19+$0xFFFFFAA0]  }
0x1b4: {  	v30 =	vadd.f32 v33, v30;
	v26 =	vmul.f32 v26, v24;
	v52 =	vld [tilespmem:s19+$0xFFFFFAB0]  }
0x1b5: {  	v27 =	vmul.f32 v27, v31;
	v28 =	vmul.f32 v28, v31;
	v13 =	vld [tilespmem:s19+$0xFFFFFAC0]  }
0x1b6: {  	v33 =	vmul.f32 v34, v31;
	v16 =	vmul.f32 v16, v19;
	v26 =	vadd.f32 v26, v30;
	v34 =	vld [tilespmem:s19+$0xFFFFFAD0]  }
0x1b7: {  	v29 =	vmul.f32 v29, v31;
	v35 =	vmul.f32 v35, v31;
	v8 =	vld [tilespmem:s19+$0xFFFFFAE0]  }
0x1b8: {  	v30 =	vmul.f32 v36, v31;
	v36 =	vmul.f32 v38, v32;
	v0 =	vadd.f32 v16, v26;
	v38 =	vld [tilespmem:s19+$0xFFFFFAF0]  }
0x1b9: {  	v31 =	vmul.f32 v37, v31;
	v37 =	vmul.f32 v39, v32;
	v39 =	vld [tilespmem:s19+$0xFFFFFB00]  }
0x1ba: {  	[tilespmem:$0x1FF40] =	vst v0;
	v0 =	vld [tilespmem:$0x1FE90]  }
0x1bb: {  	v16 =	vadd.f32 v36, v27;
	v27 =	vmul.f32 v40, v32;
	_ =	sdelay $0x1  }
0x1bc: {  	v20 =	vmul.f32 v20, v24;
	v27 =	vadd.f32 v27, v29;
	_ =	sdelay $0x1  }
0x1bd: {  	v27 =	vadd.f32 v20, v27;
	v20 =	vmul.f32 v0, v24;
	v0 =	vld [tilespmem:$0x1FEA0];
	_ =	sdelay $0x2  }
0x1be: {  	v22 =	vmul.f32 v22, v24;
	v28 =	vadd.f32 v37, v28;
	v26 =	vmul.f32 v42, v32;
	_ =	sdelay $0x1  }
0x1bf: {  	v28 =	vadd.f32 v22, v28;
	v22 =	vadd.f32 v26, v35;
	v26 =	vmul.f32 v0, v24;
	v0 =	vld [tilespmem:$0x1FEB0];
	_ =	sdelay $0x1  }
0x1c0: {  	v36 =	vld [tilespmem:s19+$0xFFFFFC10]  }
0x1c1: {  	v43 =	vmul.f32 v43, v32;
	v40 =	vld [tilespmem:s19+$0xFFFFFC20]  }
0x1c2: {  	v23 =	vmul.f32 v23, v24;
	v37 =	vmul.f32 v41, v32;
	v41 =	vld [tilespmem:s19+$0xFFFFFC30]  }
0x1c3: {  	v32 =	vmul.f32 v45, v32;
	v45 =	vmul.f32 v0, v24;
	v0 =	vld [tilespmem:$0x1FEC0]  }
0x1c4: {  	v35 =	vld [tilespmem:s19+$0xFFFFFC50]  }
0x1c5: {  	v18 =	vmul.f32 v18, v24;
	v16 =	vadd.f32 v23, v16;
	v23 =	vadd.f32 v37, v33;
	v37 =	vld [tilespmem:s19+$0xFFFFFC60]  }
0x1c6: {  	v9 =	vmul.f32 v9, v14;
	v10 =	vmul.f32 v10, v14;
	v29 =	vadd.f32 v43, v30;
	v43 =	vld [tilespmem:s19+$0xFFFFFC70]  }
0x1c7: {  	v17 =	vmul.f32 v17, v14;
	v42 =	vmul.f32 v5, v19;
	v33 =	vld [tilespmem:s19+$0xFFFFFC40]  }
0x1c8: {  	v8 =	vmul.f32 v8, v11;
	v24 =	vadd.f32 v26, v22;
	v22 =	vmul.f32 v0, v19;
	v0 =	vld [tilespmem:$0x1FED0]  }
0x1c9: {  	v5 =	vld [tilespmem:s19+$0xFFFFFCA0];
	v34 =	vmul.f32 v34, v11;
	v38 =	vmul.f32 v38, v11  }
0x1ca: {  	v8 =	vadd.f32 v8, v10;
	v10 =	vmul.f32 v35, v4;
	v35 =	vmul.f32 v37, v4;
	v37 =	vld [tilespmem:s19+$0xFFFFFB70]  }
0x1cb: {  	v17 =	vadd.f32 v38, v17;
	v38 =	vmul.f32 v43, v4;
	v43 =	vld [tilespmem:s19+$0xFFFFFB80]  }
0x1cc: {  	v9 =	vadd.f32 v34, v9;
	v34 =	vld [tilespmem:s19+$0xFFFFFD40]  }
0x1cd: {  	v30 =	vmul.f32 v0, v19;
	v0 =	vld [tilespmem:$0x1FEE0]  }
0x1ce: {  	v23 =	vadd.f32 v20, v23;
	v20 =	vadd.f32 v32, v31;
	v31 =	vld [tilespmem:s19+$0xFFFFFC80]  }
0x1cf: {  	v32 =	vld [tilespmem:s19+$0xFFFFFC90]  }
0x1d0: {  	v18 =	vadd.f32 v18, v20;
	v20 =	vmul.f32 v7, v19;
	v7 =	vld [tilespmem:s19+$0xFFFFFCB0];
	v28 =	vadd.f32 v30, v28  }
0x1d1: {  	v30 =	vadd.f32 v42, v27;
	v42 =	vmul.f32 v44, v25;
	v44 =	vmul.f32 v46, v25;
	v46 =	vld [tilespmem:s19+$0xFFFFFCD0]  }
0x1d2: {  	v29 =	vadd.f32 v45, v29;
	v45 =	vmul.f32 v0, v19;
	v0 =	vld [tilespmem:$0x1FEF0]  }
0x1d3: {  	v15 =	vmul.f32 v15, v14;
	v52 =	vmul.f32 v52, v11;
	v26 =	vld [tilespmem:$0x1FF00]  }
0x1d4: {  	v24 =	vadd.f32 v20, v24;
	v20 =	vmul.f32 v49, v25;
	v49 =	vmul.f32 v50, v25;
	v50 =	vld [tilespmem:s19+$0xFFFFFCF0]  }
0x1d5: {  	v22 =	vadd.f32 v22, v16;
	v16 =	vld [tilespmem:s19+$0xFFFFFCC0];
	v27 =	vadd.f32 v45, v23;
	v45 =	vmul.f32 v47, v25  }
0x1d6: {  	v15 =	vadd.f32 v52, v15;
	v47 =	vmul.f32 v48, v25;
	v48 =	vld [tilespmem:s19+$0xFFFFFCE0];
	v52 =	vmul.f32 v46, v1  }
0x1d7: {  	v46 =	vld [tilespmem:s19+$0xFFFFFD30];
	v0 =	vmul.f32 v0, v19  }
0x1d8: {  	v10 =	vadd.f32 v52, v10;
	v52 =	vld [tilespmem:s19+$0xFFFFFD60];
	v19 =	vmul.f32 v26, v19  }
0x1d9: {  	v0 =	vadd.f32 v0, v29;
	v29 =	vmul.f32 v51, v25;
	v51 =	vmul.f32 v53, v21;
	v53 =	vld [tilespmem:s19+$0xFFFFFD00]  }
0x1da: {  	v23 =	vadd.f32 v19, v18;
	v18 =	vld [tilespmem:$0x1FF10];
	v19 =	vmul.f32 v54, v21  }
0x1db: {  	v54 =	vld [tilespmem:$0x1FF20]  }
0x1dc: {  	v19 =	vadd.f32 v19, v44;
	v44 =	vmul.f32 v57, v21;
	v57 =	vmul.f32 v58, v21;
	v58 =	vld [tilespmem:s19+$0xFFFFF930]  }
0x1dd: {  	v42 =	vadd.f32 v51, v42;
	v51 =	vld [tilespmem:s19+$0xFFFFF980]  }
0x1de: {  	v20 =	vadd.f32 v44, v20;
	v44 =	vmul.f32 v60, v14;
	v60 =	vld [tilespmem:s19+$0xFFFFF960]  }
0x1df: {  	v13 =	vmul.f32 v13, v11;
	v49 =	vadd.f32 v57, v49;
	v57 =	vld [tilespmem:s19+$0xFFFFF970]  }
0x1e0: {  	v18 =	vmul.f32 v18, v25;
	v25 =	vld [tilespmem:s19+$0xFFFFF910];
	v26 =	vmul.f32 v54, v21  }
0x1e1: {  	v12 =	vmul.f32 v12, v11;
	v54 =	vmul.f32 v56, v21;
	v56 =	vld [tilespmem:s19+$0xFFFFF920]  }
0x1e2: {  	v13 =	vadd.f32 v13, v44;
	v44 =	vld [tilespmem:s19+$0xFFFFFB50];
	v45 =	vadd.f32 v26, v45;
	v26 =	vmul.f32 v59, v21  }
0x1e3: {  	v21 =	vmul.f32 v61, v21;
	v59 =	vld [tilespmem:s19+$0xFFFFF940];
	v47 =	vadd.f32 v54, v47;
	v54 =	vmul.f32 v62, v14  }
0x1e4: {  	v61 =	vmul.f32 v63, v14;
	v62 =	vld [tilespmem:s19+$0xFFFFF950];
	v63 =	vmul.f32 v55, v11  }
0x1e5: {  	v33 =	vmul.f32 v33, v4;
	v16 =	vmul.f32 v16, v1;
	v55 =	vld [tilespmem:s19+$0xFFFFFB10];
	v29 =	vadd.f32 v26, v29  }
0x1e6: {  	v18 =	vadd.f32 v21, v18;
	v26 =	vld [tilespmem:$0x1FF30];
	v21 =	vadd.f32 v63, v61;
	v63 =	vmul.f32 v48, v1  }
0x1e7: {  	v36 =	vmul.f32 v36, v4;
	v16 =	vadd.f32 v16, v33;
	v11 =	vmul.f32 v39, v11;
	v39 =	vld [tilespmem:s19+$0xFFFFFB40]  }
0x1e8: {  	v12 =	vadd.f32 v12, v54;
	v54 =	vld [tilespmem:s19+$0xFFFFFB20];
	v33 =	vadd.f32 v63, v35;
	v63 =	vmul.f32 v56, v3  }
0x1e9: {  	v40 =	vmul.f32 v40, v4;
	v5 =	vmul.f32 v5, v1;
	v61 =	vld [tilespmem:s19+$0xFFFFFB30]  }
0x1ea: {  	v32 =	vmul.f32 v32, v1;
	v19 =	vadd.f32 v63, v19;
	v63 =	vmul.f32 v55, v2;
	v55 =	vld [tilespmem:s19+$0xFFFFF990]  }
0x1eb: {  	v14 =	vmul.f32 v26, v14;
	v26 =	vmul.f32 v41, v4;
	v41 =	vld [tilespmem:s19+$0xFFFFFB60]  }
0x1ec: {  	v4 =	vmul.f32 v31, v4;
	v31 =	vadd.f32 v32, v36;
	v32 =	vld [tilespmem:s19+$0xFFFFFD20]  }
0x1ed: {  	s12 =	sadd.s32 $0xFFFFFFF4, s20;
	s14 =	sadd.s32 $0xFFFFFFFC, s20;
	v5 =	vadd.f32 v5, v40;
	v7 =	vmul.f32 v7, v1;
	v12 =	vadd.f32 v63, v12;
	v63 =	vld [tilespmem:s19+$0xFFFFF9C0]  }
0x1ee: {  	v35 =	vmov s14;
	v36 =	vmov s12;
	v11 =	vadd.f32 v11, v14;
	v14 =	vld [tilespmem:s19+$0xFFFFFD10]  }
0x1ef: {  	s13 =	sadd.s32 $0xFFFFFFF8, s20;
	v7 =	vadd.f32 v7, v26;
	v26 =	vmul.f32 v50, v1;
	v50 =	vld [tilespmem:s19+$0xFFFFFD50];
	v1 =	vmul.f32 v53, v1  }
0x1f0: {  	v48 =	vmov s13;
	v60 =	vmul.f32 v60, v3;
	v25 =	vmul.f32 v25, v3;
	v53 =	vld [tilespmem:s19+$0xFFFFFD70]  }
0x1f1: {  	v56 =	vadd.f32 v1, v4;
	v1 =	vmul.f32 v58, v3;
	v4 =	vmul.f32 v59, v3;
	v58 =	vld [tilespmem:s19+$0xFFFFFD80]  }
0x1f2: {  	v25 =	vadd.f32 v25, v42;
	v59 =	vmul.f32 v62, v3;
	v62 =	vmul.f32 v57, v3;
	v57 =	vld [tilespmem:$0x1FF40]  }
0x1f3: {  	v54 =	vmul.f32 v54, v2;
	v38 =	vadd.f32 v26, v38;
	v3 =	vmul.f32 v51, v3;
	v36 =	vld.idx.msk [tilespmem:v36+s9+$0x0], $0xffff  }
0x1f4: {  	[tilespmem:s29+$0xFFFFFF90] =	vst v22;
	v42 =	vadd.f32 v1, v45;
	v4 =	vadd.f32 v4, v47;
	v1 =	vld.idx.msk [tilespmem:v35+s9+$0x0], $0xffff  }
0x1f5: {  	[tilespmem:s29+$0xFFFFFFA0] =	vst v28;
	v20 =	vadd.f32 v59, v20;
	v18 =	vadd.f32 v3, v18;
	v3 =	vmul.f32 v61, v2;
	v59 =	vld [tilespmem:s19+$0xFFFFF9A0]  }
0x1f6: {  	[tilespmem:s29+$0xFFFFFFB0] =	vst v30;
	v35 =	vadd.f32 v60, v49;
	v26 =	vadd.f32 v62, v29;
	v60 =	vmul.f32 v39, v2;
	v61 =	vld [tilespmem:s19+$0xFFFFF9B0]  }
0x1f7: {  	v47 =	vld.idx.msk [tilespmem:v48+s9+$0x0], $0xffff;
	v62 =	vmul.f32 v41, v2;
	v15 =	vadd.f32 v3, v15;
	v3 =	vmul.f32 v44, v2  }
0x1f8: {  	v21 =	vadd.f32 v54, v21;
	[tilespmem:s29+$0xFFFFFFC0] =	vst v27;
	v41 =	vmul.f32 v37, v2;
	v2 =	vmul.f32 v43, v2;
	v43 =	vld [tilespmem:s19+$0xFFFFF9D0]  }
0x1f9: {  	[tilespmem:s29+$0xFFFFFFD0] =	vst v24;
	v49 =	vmul.f32 v32, v6;
	v44 =	vld [tilespmem:s19+$0xFFFFF9E0];
	v9 =	vadd.f32 v3, v9;
	v3 =	vmul.f32 v55, v36  }
0x1fa: {  	[tilespmem:s29+$0xFFFFFFE0] =	vst v0;
	v0 =	vmul.f32 v14, v6;
	v45 =	vadd.f32 v2, v11;
	v11 =	vld [tilespmem:s19+$0xFFFFF9F0];
	v2 =	vmul.f32 v59, v36  }
0x1fb: {  	[tilespmem:s29+$0xFFFFFFF0] =	vst v23;
	v48 =	vld [tilespmem:s19+$0xFFFFFA00];
	v13 =	vadd.f32 v60, v13;
	v14 =	vmul.f32 v61, v36;
	v3 =	vadd.f32 v3, v25  }
0x1fc: {  	v51 =	vld [tilespmem:s19+$0xFFFFFB90];
	v8 =	vadd.f32 v62, v8;
	[tilespmem:s29+$0x0] =	vst v57;
	v2 =	vadd.f32 v2, v19;
	v19 =	vmul.f32 v63, v36  }
0x1fd: {  	v54 =	vadd.f32 v0, v31;
	v55 =	vld [tilespmem:s19+$0xFFFFFBA0];
	v0 =	vadd.f32 v14, v42;
	v14 =	vmul.f32 v43, v36;
	[tilespmem:s29+$0xFFFFFE10] =	vst v3  }
0x1fe: {  	v57 =	vld [tilespmem:s19+$0xFFFFFBB0];
	v3 =	vmul.f32 v46, v6;
	v4 =	vadd.f32 v19, v4;
	v19 =	vmul.f32 v44, v36;
	[tilespmem:s29+$0xFFFFFE20] =	vst v2  }
0x1ff: {  	v2 =	vadd.f32 v49, v5;
	v5 =	vadd.f32 v14, v20;
	v11 =	vmul.f32 v11, v36;
	[tilespmem:s29+$0xFFFFFE30] =	vst v0;
	v0 =	vld [tilespmem:s19+$0xFFFFFBC0]  }
0x200: {  	v60 =	vld [tilespmem:s19+$0xFFFFFBD0];
	v59 =	vmul.f32 v48, v36;
	v14 =	vmul.f32 v34, v6;
	v19 =	vadd.f32 v19, v35;
	[tilespmem:s29+$0xFFFFFE40] =	vst v4  }
0x201: {  	v3 =	vadd.f32 v3, v7;
	v7 =	vadd.f32 v11, v26;
	[tilespmem:s29+$0xFFFFFE50] =	vst v5;
	v5 =	vmul.f32 v51, v47;
	v11 =	vld [tilespmem:s19+$0xFFFFFBE0]  }
0x202: {  	v62 =	vld [tilespmem:s19+$0xFFFFFBF0];
	v61 =	vmul.f32 v50, v6;
	v18 =	vadd.f32 v59, v18;
	[tilespmem:s29+$0xFFFFFE60] =	vst v19;
	v19 =	vmul.f32 v55, v47  }
0x203: {  	v4 =	vadd.f32 v14, v16;
	v14 =	vld [tilespmem:s19+$0xFFFFFC00];
	[tilespmem:s29+$0xFFFFFE70] =	vst v7;
	v7 =	vadd.f32 v5, v12;
	v12 =	vmul.f32 v57, v47  }
0x204: {  	v17 =	vadd.f32 v41, v17;
	[tilespmem:s29+$0xFFFFFE80] =	vst v18;
	v0 =	vmul.f32 v0, v47;
	v18 =	vadd.f32 v19, v21;
	v19 =	vld [tilespmem:s19+$0xFFFFFD90]  }
0x205: {  	v5 =	vadd.f32 v61, v10;
	v10 =	vadd.f32 v12, v15;
	v12 =	vmul.f32 v60, v47;
	[tilespmem:s29+$0xFFFFFE90] =	vst v7;
	v15 =	vld [tilespmem:s19+$0xFFFFFDA0]  }
0x206: {  	v63 =	vmul.f32 v53, v6;
	v0 =	vadd.f32 v0, v13;
	v13 =	vmul.f32 v11, v47;
	[tilespmem:s29+$0xFFFFFEA0] =	vst v18;
	v18 =	vld [tilespmem:s19+$0xFFFFFDB0]  }
0x207: {  	v16 =	vmul.f32 v52, v6;
	v7 =	vld [tilespmem:s19+$0xFFFFFDC0];
	v9 =	vadd.f32 v12, v9;
	v12 =	vmul.f32 v62, v47;
	[tilespmem:s29+$0xFFFFFEB0] =	vst v10  }
0x208: {  	v6 =	vmul.f32 v58, v6;
	v14 =	vmul.f32 v14, v47;
	v10 =	vadd.f32 v13, v8;
	[tilespmem:s29+$0xFFFFFEC0] =	vst v0;
	v8 =	vld [tilespmem:s19+$0xFFFFFDD0]  }
0x209: {  	v11 =	vadd.f32 v16, v33;
	v12 =	vadd.f32 v12, v17;
	[tilespmem:s29+$0xFFFFFED0] =	vst v9;
	v9 =	vld [tilespmem:s19+$0xFFFFFDE0];
	v17 =	vmul.f32 v19, v1  }
0x20a: {  	v0 =	vadd.f32 v63, v38;
	v14 =	vadd.f32 v14, v45;
	[tilespmem:s29+$0xFFFFFEE0] =	vst v10;
	v10 =	vld [tilespmem:s19+$0xFFFFFDF0];
	v16 =	vmul.f32 v15, v1  }
0x20b: {  	s30 =	simm.s32 $0x0;
	s31 =	smov.u32 s20;
	v13 =	vadd.f32 v6, v56;
	[tilespmem:s29+$0xFFFFFEF0] =	vst v12;
	v12 =	vld [tilespmem:s19+$0xFFFFFE00];
	s19 =	simm.s32 $0x8FF0;
	v15 =	vadd.f32 v17, v54;
	v17 =	vmul.f32 v18, v1  }
.LBB2_5:
0x20c: {  	v6 =	vld [tilespmem:s19+$0xFFFFFF90];
	[tilespmem:s29+$0xFFFFFF00] =	vst v14;
	v2 =	vadd.f32 v16, v2;
	v14 =	vmul.f32 v7, v1  }
0x20d: {  	v7 =	vld [tilespmem:s19+$0xFFFFFFA0];
	v3 =	vadd.f32 v17, v3;
	v16 =	vmul.f32 v8, v1;
	[tilespmem:s29+$0xFFFFFF10] =	vst v15  }
0x20e: {  	v8 =	vld [tilespmem:s19+$0xFFFFFFB0];
	v4 =	vadd.f32 v14, v4;
	v14 =	vmul.f32 v9, v1;
	[tilespmem:s29+$0xFFFFFF20] =	vst v2  }
0x20f: {  	v9 =	vld [tilespmem:s19+$0xFFFFFFC0];
	v2 =	vadd.f32 v16, v5;
	v5 =	vmul.f32 v10, v1;
	[tilespmem:s29+$0xFFFFFF30] =	vst v3  }
0x210: {  	v10 =	vld [tilespmem:s19+$0xFFFFFFD0];
	v3 =	vadd.f32 v14, v11;
	v1 =	vmul.f32 v12, v1;
	[tilespmem:s29+$0xFFFFFF40] =	vst v4  }
0x211: {  	v11 =	vld [tilespmem:s19+$0xFFFFFFE0];
	v0 =	vadd.f32 v5, v0;
	[tilespmem:s29+$0xFFFFFF50] =	vst v2  }
0x212: {  	v12 =	vld [tilespmem:s19+$0xFFFFFFF0];
	v1 =	vadd.f32 v1, v13;
	[tilespmem:s29+$0xFFFFFF60] =	vst v3  }
0x213: {  	v13 =	vld [tilespmem:s19+$0x0];
	[tilespmem:s29+$0xFFFFFF70] =	vst v0  }
0x214: {  	v14 =	vld [tilespmem:s19+$0xFFFFFF10];
	[tilespmem:s29+$0xFFFFFF80] =	vst v1  }
0x215: {  	v15 =	vld [tilespmem:s19+$0xFFFFFF20]  }
0x216: {  	s31 =	sadd.s32 $0x10, s31;
	v16 =	vld [tilespmem:s19+$0xFFFFFF30]  }
0x217: {  	s1 =	sadd.s32 $0xFFFFFFF2, s31;
	s4 =	sadd.s32 $0xFFFFFFF5, s31;
	s11 =	sadd.s32 $0xFFFFFFFD, s31;
	v17 =	vld [tilespmem:s19+$0xFFFFFF40]  }
0x218: {  	s30 =	sadd.s32 $0x4, s30;
	v2 =	vmov s11;
	v0 =	vmov s1;
	s1 =	sadd.s32 $0xFFFFFFF6, s31;
	v1 =	vmov s4;
	s4 =	sadd.s32 $0xFFFFFFFE, s31;
	v18 =	vld [tilespmem:s19+$0xFFFFFF50]  }
0x219: {  	p2 =	slt.u32 s30, $0x1C;
	s11 =	sadd.s32 $0xFFFFFFFA, s31;
	v2 =	vand.u32 $0xFFFFFFFC, v2;
	v3 =	vmov s1;
	s1 =	sadd.s32 $0xFFFFFFF9, s31;
	v4 =	vmov s4;
	v19 =	vld [tilespmem:s19+$0xFFFFFF60]  }
0x21a: {  	s12 =	sadd.s32 $0xFFFFFFF3, s31;
	v2 =	vbroadcast v2, $0x0;
	s4 =	sadd.s32 $0xFFFFFFF1, s31;
	v5 =	vmov s1;
	s1 =	sadd.s32 $0xFFFFFFFF, s31;
	v4 =	vand.u32 $0xFFFFFFFD, v4;
	v20 =	vld [tilespmem:s19+$0xFFFFFF70]  }
0x21b: {  	s13 =	sadd.s32 $0xFFFFFFF7, s31;
	s14 =	sadd.s32 $0xFFFFFFFB, s31;
	v21 =	vmov s4;
	s4 =	sadd.s32 $0xFFFFFFF4, s31;
	v22 =	vmov s1;
	v4 =	vbroadcast v4, $0x0;
	v23 =	vld [tilespmem:s19+$0xFFFFFF80]  }
0x21c: {  	v24 =	vmov s11;
	s11 =	sadd.s32 $0xFFFFFFFC, s31;
	s1 =	sadd.s32 $0xFFFFFFF8, s31;
	v21 =	vand.u32 $0xFFFFFFF0, v21;
	v22 =	vand.u32 $0xFFFFFFFE, v22;
	v25 =	vld [tilespmem:s19+$0xFFFFFE10]  }
0x21d: {  	v0 =	vand.u32 $0xFFFFFFFD, v0;
	v1 =	vand.u32 $0xFFFFFFF4, v1;
	v22 =	vbroadcast v22, $0x0;
	v26 =	vld [tilespmem:s19+$0xFFFFFE20]  }
0x21e: {  	v24 =	vand.u32 $0xFFFFFFFD, v24;
	v3 =	vand.u32 $0xFFFFFFFD, v3;
	v5 =	vand.u32 $0xFFFFFFF8, v5;
	v27 =	vld [tilespmem:s19+$0xFFFFFE30]  }
0x21f: {  	v28 =	vbroadcast v0, $0x0;
	v0 =	vmov s12;
	v21 =	vbroadcast v21, $0x0;
	v29 =	vld [tilespmem:s19+$0xFFFFFE80]  }
0x220: {  	v33 =	vmov s31;
	v30 =	vbroadcast v1, $0x0;
	v31 =	vbroadcast v3, $0x0;
	v32 =	vld.idx.msk [tilespmem:v2+s9+$0x0], $0xffff  }
0x221: {  	v24 =	vbroadcast v24, $0x0;
	v1 =	vmov s13;
	v34 =	vbroadcast v5, $0x0;
	v35 =	vld.idx.msk [tilespmem:v4+s9+$0x0], $0xffff  }
0x222: {  	v0 =	vand.u32 $0xFFFFFFFE, v0;
	v1 =	vand.u32 $0xFFFFFFFE, v1;
	v2 =	vmov s14;
	v36 =	vld [tilespmem:s19+$0xFFFFFF00]  }
0x223: {  	v5 =	vbroadcast v0, $0x0;
	v3 =	vbroadcast v1, $0x0;
	v0 =	vand.u32 $0xFFFFFFFE, v2;
	v22 =	vld.idx.msk [tilespmem:v22+s9+$0x0], $0xffff  }
0x224: {  	v1 =	vmov s1;
	v2 =	vmov s4;
	v4 =	vbroadcast v0, $0x0;
	v37 =	vld [tilespmem:s19+$0xFFFFFE40]  }
0x225: {  	v0 =	vmov s11;
	v33 =	vld.idx.msk [tilespmem:v33+s9+$0x0], $0xffff  }
0x226: {  	v25 =	vmul.f32 v25, v32;
	v26 =	vmul.f32 v26, v32;
	v38 =	vld [tilespmem:s19+$0xFFFFFE50]  }
0x227: {  	v29 =	vmul.f32 v29, v32;
	v39 =	vld [tilespmem:s19+$0xFFFFFE60];
	v36 =	vmul.f32 v36, v35  }
0x228: {  	v27 =	vmul.f32 v27, v32;
	v40 =	vld [tilespmem:s19+$0xFFFFFE70]  }
0x229: {  	v23 =	vmul.f32 v23, v22;
	v37 =	vmul.f32 v37, v32;
	v41 =	vld [tilespmem:s19+$0xFFFFFE90];
	v29 =	vadd.f32 v36, v29  }
0x22a: {  	v14 =	vmul.f32 v14, v22;
	v15 =	vmul.f32 v15, v22;
	v36 =	vld [tilespmem:s19+$0xFFFFFEA0]  }
0x22b: {  	v13 =	vmul.f32 v13, v33;
	v38 =	vmul.f32 v38, v32;
	v42 =	vld [tilespmem:s19+$0xFFFFFEB0];
	v23 =	vadd.f32 v23, v29  }
0x22c: {  	v16 =	vmul.f32 v16, v22;
	v29 =	vmul.f32 v39, v32;
	v39 =	vld [tilespmem:s19+$0xFFFFFEC0]  }
0x22d: {  	v43 =	vmul.f32 v17, v22;
	v32 =	vmul.f32 v40, v32;
	v40 =	vld [tilespmem:s19+$0xFFFFFED0];
	v13 =	vadd.f32 v13, v23  }
0x22e: {  	s29 =	sadd.s32 $0x200, s29;
	v18 =	vmul.f32 v18, v22;
	v17 =	vmul.f32 v41, v35;
	v23 =	vld [tilespmem:s19+$0xFFFFFEE0]  }
0x22f: {  	v19 =	vmul.f32 v19, v22;
	v36 =	vmul.f32 v36, v35;
	v41 =	vld [tilespmem:s19+$0xFFFFFEF0];
	[tilespmem:s29+$0x0] =	vst v13  }
0x230: {  	v20 =	vmul.f32 v20, v22;
	v21 =	vld.idx.msk [tilespmem:v21+s9+$0x0], $0xffff;
	v13 =	vadd.f32 v17, v25;
	v25 =	vmul.f32 v42, v35  }
0x231: {  	v22 =	vld.idx.msk [tilespmem:v28+s9+$0x0], $0xffff;
	v26 =	vadd.f32 v36, v26;
	v28 =	vmul.f32 v39, v35;
	v36 =	vmul.f32 v6, v33  }
0x232: {  	v17 =	vld.idx.msk [tilespmem:v30+s9+$0x0], $0xffff;
	v6 =	vadd.f32 v25, v27;
	v25 =	vmul.f32 v40, v35;
	v27 =	vadd.f32 v14, v13  }
0x233: {  	v14 =	vld.idx.msk [tilespmem:v31+s9+$0x0], $0xffff;
	v28 =	vadd.f32 v28, v37;
	v23 =	vmul.f32 v23, v35;
	v15 =	vadd.f32 v15, v26  }
0x234: {  	v13 =	vld.idx.msk [tilespmem:v34+s9+$0x0], $0xffff;
	v25 =	vadd.f32 v25, v38;
	v26 =	vmul.f32 v41, v35;
	v16 =	vadd.f32 v16, v6  }
0x235: {  	v7 =	vmul.f32 v7, v33;
	v6 =	vld.idx.msk [tilespmem:v24+s9+$0x0], $0xffff;
	v23 =	vadd.f32 v23, v29;
	v24 =	vadd.f32 v43, v28  }
0x236: {  	v8 =	vmul.f32 v8, v33;
	v28 =	vld [tilespmem:s19+$0xFFFFF810];
	v26 =	vadd.f32 v26, v32;
	v18 =	vadd.f32 v18, v25  }
0x237: {  	v9 =	vmul.f32 v9, v33;
	v10 =	vmul.f32 v10, v33;
	v25 =	vld [tilespmem:s19+$0xFFFFF820];
	v19 =	vadd.f32 v19, v23  }
0x238: {  	v11 =	vmul.f32 v11, v33;
	v12 =	vmul.f32 v12, v33;
	v23 =	vld [tilespmem:s19+$0xFFFFF830];
	v20 =	vadd.f32 v20, v26  }
0x239: {  	v27 =	vadd.f32 v36, v27;
	v7 =	vadd.f32 v7, v15;
	v26 =	vld [tilespmem:s19+$0xFFFFF840]  }
0x23a: {  	v8 =	vadd.f32 v8, v16;
	v9 =	vadd.f32 v9, v24;
	v15 =	vld [tilespmem:s19+$0xFFFFF850]  }
0x23b: {  	v10 =	vadd.f32 v10, v18;
	v11 =	vadd.f32 v11, v19;
	v16 =	vmul.f32 v28, v21;
	v24 =	vld [tilespmem:s19+$0xFFFFF860];
	[tilespmem:s29+$0xFFFFFF90] =	vst v27  }
0x23c: {  	v12 =	vadd.f32 v12, v20;
	v18 =	vmul.f32 v25, v21;
	v19 =	vld [tilespmem:s19+$0xFFFFF870];
	[tilespmem:s29+$0xFFFFFFA0] =	vst v7  }
0x23d: {  	v20 =	vmul.f32 v23, v21;
	v7 =	vld [tilespmem:s19+$0xFFFFF880];
	[tilespmem:s29+$0xFFFFFFB0] =	vst v8  }
0x23e: {  	v23 =	vmul.f32 v26, v21;
	v8 =	vld [tilespmem:s19+$0xFFFFF890];
	[tilespmem:s29+$0xFFFFFFC0] =	vst v9  }
0x23f: {  	v15 =	vmul.f32 v15, v21;
	v9 =	vld [tilespmem:s19+$0xFFFFF8A0];
	[tilespmem:s29+$0xFFFFFFD0] =	vst v10  }
0x240: {  	v24 =	vmul.f32 v24, v21;
	v10 =	vld [tilespmem:s19+$0xFFFFF8B0];
	[tilespmem:s29+$0xFFFFFFE0] =	vst v11  }
0x241: {  	v19 =	vmul.f32 v19, v21;
	v11 =	vld [tilespmem:s19+$0xFFFFF8C0];
	[tilespmem:s29+$0xFFFFFFF0] =	vst v12  }
0x242: {  	v21 =	vmul.f32 v7, v21;
	v12 =	vld [tilespmem:s19+$0xFFFFF8D0]  }
0x243: {  	v7 =	vmul.f32 v8, v22;
	v25 =	vld [tilespmem:s19+$0xFFFFF8E0]  }
0x244: {  	v8 =	vmul.f32 v9, v22;
	v26 =	vld [tilespmem:s19+$0xFFFFF8F0]  }
0x245: {  	v7 =	vadd.f32 v7, v16;
	v9 =	vmul.f32 v10, v22;
	v16 =	vld [tilespmem:s19+$0xFFFFF900]  }
0x246: {  	v8 =	vadd.f32 v8, v18;
	v10 =	vmul.f32 v11, v22;
	v18 =	vld [tilespmem:s19+$0xFFFFFA10]  }
0x247: {  	v9 =	vadd.f32 v9, v20;
	v11 =	vmul.f32 v12, v22;
	v20 =	vld [tilespmem:s19+$0xFFFFFA20]  }
0x248: {  	v10 =	vadd.f32 v10, v23;
	v12 =	vmul.f32 v25, v22;
	v23 =	vld [tilespmem:s19+$0xFFFFFA30]  }
0x249: {  	v11 =	vadd.f32 v11, v15;
	v15 =	vmul.f32 v26, v22;
	v25 =	vld [tilespmem:s19+$0xFFFFFA40]  }
0x24a: {  	v12 =	vadd.f32 v12, v24;
	v16 =	vmul.f32 v16, v22;
	v22 =	vld [tilespmem:s19+$0xFFFFFA50]  }
0x24b: {  	v15 =	vadd.f32 v15, v19;
	v18 =	vmul.f32 v18, v17;
	v19 =	vld [tilespmem:s19+$0xFFFFFA60]  }
0x24c: {  	v16 =	vadd.f32 v16, v21;
	v20 =	vmul.f32 v20, v17;
	v21 =	vld [tilespmem:s19+$0xFFFFFA70]  }
0x24d: {  	v23 =	vmul.f32 v23, v17;
	v24 =	vld [tilespmem:s19+$0xFFFFFA80]  }
0x24e: {  	v25 =	vmul.f32 v25, v17;
	v26 =	vld [tilespmem:s19+$0xFFFFFA90]  }
0x24f: {  	v22 =	vmul.f32 v22, v17;
	v27 =	vld [tilespmem:s19+$0xFFFFFAA0]  }
0x250: {  	v19 =	vmul.f32 v19, v17;
	v28 =	vld [tilespmem:s19+$0xFFFFFAB0]  }
0x251: {  	v21 =	vmul.f32 v21, v17;
	v29 =	vld [tilespmem:s19+$0xFFFFFAC0]  }
0x252: {  	v17 =	vmul.f32 v24, v17;
	v24 =	vld [tilespmem:s19+$0xFFFFFAD0]  }
0x253: {  	v26 =	vmul.f32 v26, v14;
	v30 =	vld [tilespmem:s19+$0xFFFFFAE0]  }
0x254: {  	v27 =	vmul.f32 v27, v14;
	v31 =	vld [tilespmem:s19+$0xFFFFFAF0]  }
0x255: {  	v18 =	vadd.f32 v26, v18;
	v26 =	vmul.f32 v28, v14;
	v28 =	vld [tilespmem:s19+$0xFFFFFB00]  }
0x256: {  	v20 =	vadd.f32 v27, v20;
	v27 =	vmul.f32 v29, v14;
	v29 =	vld [tilespmem:s19+$0xFFFFFC10]  }
0x257: {  	v23 =	vadd.f32 v26, v23;
	v24 =	vmul.f32 v24, v14;
	v26 =	vld [tilespmem:s19+$0xFFFFFC20]  }
0x258: {  	v25 =	vadd.f32 v27, v25;
	v27 =	vmul.f32 v30, v14;
	v30 =	vld [tilespmem:s19+$0xFFFFFC30]  }
0x259: {  	v22 =	vadd.f32 v24, v22;
	v24 =	vmul.f32 v31, v14;
	v31 =	vld [tilespmem:s19+$0xFFFFFC40]  }
0x25a: {  	v19 =	vadd.f32 v27, v19;
	v14 =	vmul.f32 v28, v14;
	v27 =	vld [tilespmem:s19+$0xFFFFFC50]  }
0x25b: {  	v21 =	vadd.f32 v24, v21;
	v24 =	vmul.f32 v29, v13;
	v28 =	vld [tilespmem:s19+$0xFFFFFC60]  }
0x25c: {  	v14 =	vadd.f32 v14, v17;
	v17 =	vmul.f32 v26, v13;
	v26 =	vld [tilespmem:s19+$0xFFFFFC70]  }
0x25d: {  	v29 =	vmul.f32 v30, v13;
	v30 =	vld [tilespmem:s19+$0xFFFFFC80]  }
0x25e: {  	v31 =	vmul.f32 v31, v13;
	v32 =	vld [tilespmem:s19+$0xFFFFFC90]  }
0x25f: {  	v27 =	vmul.f32 v27, v13;
	v33 =	vld [tilespmem:s19+$0xFFFFFCA0]  }
0x260: {  	v28 =	vmul.f32 v28, v13;
	v34 =	vld [tilespmem:s19+$0xFFFFFCB0]  }
0x261: {  	v26 =	vmul.f32 v26, v13;
	v35 =	vld [tilespmem:s19+$0xFFFFFCC0]  }
0x262: {  	v13 =	vmul.f32 v30, v13;
	v30 =	vld [tilespmem:s19+$0xFFFFFCD0]  }
0x263: {  	v32 =	vmul.f32 v32, v6;
	v36 =	vld [tilespmem:s19+$0xFFFFFCE0]  }
0x264: {  	v33 =	vmul.f32 v33, v6;
	v37 =	vld [tilespmem:s19+$0xFFFFFCF0]  }
0x265: {  	v24 =	vadd.f32 v32, v24;
	v32 =	vmul.f32 v34, v6;
	v34 =	vld [tilespmem:s19+$0xFFFFFD00]  }
0x266: {  	v5 =	vld.idx.msk [tilespmem:v5+s9+$0x0], $0xffff;
	v17 =	vadd.f32 v33, v17;
	v33 =	vmul.f32 v35, v6  }
0x267: {  	v3 =	vld.idx.msk [tilespmem:v3+s9+$0x0], $0xffff;
	v29 =	vadd.f32 v32, v29;
	v30 =	vmul.f32 v30, v6  }
0x268: {  	v31 =	vadd.f32 v33, v31;
	v32 =	vmul.f32 v36, v6;
	v33 =	vld.idx.msk [tilespmem:v4+s9+$0x0], $0xffff  }
0x269: {  	v4 =	vld [tilespmem:s19+$0xFFFFF910];
	v27 =	vadd.f32 v30, v27;
	v30 =	vmul.f32 v37, v6  }
0x26a: {  	v35 =	vld [tilespmem:s19+$0xFFFFF920];
	v28 =	vadd.f32 v32, v28;
	v6 =	vmul.f32 v34, v6  }
0x26b: {  	v32 =	vld [tilespmem:s19+$0xFFFFF930];
	v26 =	vadd.f32 v30, v26  }
0x26c: {  	v30 =	vld [tilespmem:s19+$0xFFFFF940];
	v6 =	vadd.f32 v6, v13  }
0x26d: {  	v13 =	vld [tilespmem:s19+$0xFFFFF950]  }
0x26e: {  	v4 =	vmul.f32 v4, v5;
	v34 =	vld [tilespmem:s19+$0xFFFFF960]  }
0x26f: {  	v35 =	vmul.f32 v35, v5;
	v36 =	vld [tilespmem:s19+$0xFFFFF970]  }
0x270: {  	v7 =	vadd.f32 v4, v7;
	v4 =	vmul.f32 v32, v5;
	v32 =	vld [tilespmem:s19+$0xFFFFF980]  }
0x271: {  	v8 =	vadd.f32 v35, v8;
	v30 =	vmul.f32 v30, v5;
	v35 =	vld [tilespmem:s19+$0xFFFFFB10]  }
0x272: {  	v9 =	vadd.f32 v4, v9;
	v4 =	vmul.f32 v13, v5;
	v13 =	vld [tilespmem:s19+$0xFFFFFB20]  }
0x273: {  	v10 =	vadd.f32 v30, v10;
	v30 =	vmul.f32 v34, v5;
	v34 =	vld [tilespmem:s19+$0xFFFFFB30]  }
0x274: {  	v37 =	vadd.f32 v4, v11;
	v4 =	vmul.f32 v36, v5;
	v11 =	vld [tilespmem:s19+$0xFFFFFB40]  }
0x275: {  	v12 =	vadd.f32 v30, v12;
	v5 =	vmul.f32 v32, v5;
	v30 =	vld [tilespmem:s19+$0xFFFFFB50]  }
0x276: {  	v15 =	vadd.f32 v4, v15;
	v4 =	vmul.f32 v35, v3;
	v32 =	vld [tilespmem:s19+$0xFFFFFB60]  }
0x277: {  	v16 =	vadd.f32 v5, v16;
	v5 =	vmul.f32 v13, v3;
	v13 =	vld [tilespmem:s19+$0xFFFFFB70]  }
0x278: {  	v18 =	vadd.f32 v4, v18;
	v4 =	vmul.f32 v34, v3;
	v34 =	vld [tilespmem:s19+$0xFFFFFB80]  }
0x279: {  	v20 =	vadd.f32 v5, v20;
	v5 =	vmul.f32 v11, v3;
	v11 =	vld [tilespmem:s19+$0xFFFFFD10]  }
0x27a: {  	v23 =	vadd.f32 v4, v23;
	v4 =	vmul.f32 v30, v3;
	v30 =	vld [tilespmem:s19+$0xFFFFFD20]  }
0x27b: {  	v25 =	vadd.f32 v5, v25;
	v5 =	vmul.f32 v32, v3;
	v32 =	vld [tilespmem:s19+$0xFFFFFD30]  }
0x27c: {  	v22 =	vadd.f32 v4, v22;
	v4 =	vmul.f32 v13, v3;
	v13 =	vld [tilespmem:s19+$0xFFFFFD40]  }
0x27d: {  	v19 =	vadd.f32 v5, v19;
	v3 =	vmul.f32 v34, v3;
	v5 =	vld [tilespmem:s19+$0xFFFFFD50]  }
0x27e: {  	v21 =	vadd.f32 v4, v21;
	v4 =	vmul.f32 v11, v33;
	v11 =	vld [tilespmem:s19+$0xFFFFFD60]  }
0x27f: {  	v14 =	vadd.f32 v3, v14;
	v3 =	vmul.f32 v30, v33;
	v30 =	vld [tilespmem:s19+$0xFFFFFD70]  }
0x280: {  	v24 =	vadd.f32 v4, v24;
	v4 =	vmul.f32 v32, v33;
	v32 =	vld [tilespmem:s19+$0xFFFFFD80]  }
0x281: {  	v34 =	vld.idx.msk [tilespmem:v2+s9+$0x0], $0xffff;
	v2 =	vadd.f32 v3, v17;
	v13 =	vmul.f32 v13, v33  }
0x282: {  	v17 =	vld.idx.msk [tilespmem:v1+s9+$0x0], $0xffff;
	v3 =	vadd.f32 v4, v29;
	v5 =	vmul.f32 v5, v33  }
0x283: {  	v4 =	vadd.f32 v13, v31;
	v11 =	vmul.f32 v11, v33;
	v1 =	vld.idx.msk [tilespmem:v0+s9+$0x0], $0xffff  }
0x284: {  	v29 =	vld [tilespmem:s19+$0xFFFFF990];
	v5 =	vadd.f32 v5, v27;
	v0 =	vmul.f32 v30, v33  }
0x285: {  	v27 =	vld [tilespmem:s19+$0xFFFFF9A0];
	v11 =	vadd.f32 v11, v28;
	v13 =	vmul.f32 v32, v33  }
0x286: {  	v28 =	vld [tilespmem:s19+$0xFFFFF9B0];
	v0 =	vadd.f32 v0, v26  }
0x287: {  	v26 =	vld [tilespmem:s19+$0xFFFFF9C0];
	v13 =	vadd.f32 v13, v6  }
0x288: {  	v6 =	vld [tilespmem:s19+$0xFFFFF9D0]  }
0x289: {  	v29 =	vmul.f32 v29, v34;
	v30 =	vld [tilespmem:s19+$0xFFFFF9E0]  }
0x28a: {  	v27 =	vmul.f32 v27, v34;
	v31 =	vld [tilespmem:s19+$0xFFFFF9F0]  }
0x28b: {  	v7 =	vadd.f32 v29, v7;
	v28 =	vmul.f32 v28, v34;
	v29 =	vld [tilespmem:s19+$0xFFFFFA00]  }
0x28c: {  	v8 =	vadd.f32 v27, v8;
	v26 =	vmul.f32 v26, v34;
	v27 =	vld [tilespmem:s19+$0xFFFFFB90]  }
0x28d: {  	v9 =	vadd.f32 v28, v9;
	v6 =	vmul.f32 v6, v34;
	[tilespmem:s29+$0xFFFFFE10] =	vst v7;
	v7 =	vld [tilespmem:s19+$0xFFFFFBA0]  }
0x28e: {  	v10 =	vadd.f32 v26, v10;
	v26 =	vmul.f32 v30, v34;
	[tilespmem:s29+$0xFFFFFE20] =	vst v8;
	v8 =	vld [tilespmem:s19+$0xFFFFFBB0]  }
0x28f: {  	v6 =	vadd.f32 v6, v37;
	v28 =	vmul.f32 v31, v34;
	[tilespmem:s29+$0xFFFFFE30] =	vst v9;
	v9 =	vld [tilespmem:s19+$0xFFFFFBC0]  }
0x290: {  	v12 =	vadd.f32 v26, v12;
	v26 =	vmul.f32 v29, v34;
	[tilespmem:s29+$0xFFFFFE40] =	vst v10;
	v10 =	vld [tilespmem:s19+$0xFFFFFBD0]  }
0x291: {  	v15 =	vadd.f32 v28, v15;
	[tilespmem:s29+$0xFFFFFE50] =	vst v6;
	v6 =	vmul.f32 v27, v17;
	v27 =	vld [tilespmem:s19+$0xFFFFFBE0]  }
0x292: {  	v16 =	vadd.f32 v26, v16;
	[tilespmem:s29+$0xFFFFFE60] =	vst v12;
	v7 =	vmul.f32 v7, v17;
	v12 =	vld [tilespmem:s19+$0xFFFFFBF0]  }
0x293: {  	[tilespmem:s29+$0xFFFFFE70] =	vst v15;
	v6 =	vadd.f32 v6, v18;
	v8 =	vmul.f32 v8, v17;
	v15 =	vld [tilespmem:s19+$0xFFFFFC00]  }
0x294: {  	[tilespmem:s29+$0xFFFFFE80] =	vst v16;
	v7 =	vadd.f32 v7, v20;
	v9 =	vmul.f32 v9, v17;
	v16 =	vld [tilespmem:s19+$0xFFFFFD90]  }
0x295: {  	v8 =	vadd.f32 v8, v23;
	v10 =	vmul.f32 v10, v17;
	[tilespmem:s29+$0xFFFFFE90] =	vst v6;
	v6 =	vld [tilespmem:s19+$0xFFFFFDA0]  }
0x296: {  	v9 =	vadd.f32 v9, v25;
	v18 =	vmul.f32 v27, v17;
	[tilespmem:s29+$0xFFFFFEA0] =	vst v7;
	v20 =	vld [tilespmem:s19+$0xFFFFFDB0]  }
.Ltmp1:
0x297: {  	v10 =	vadd.f32 v10, v22;
	v12 =	vmul.f32 v12, v17;
	[tilespmem:s29+$0xFFFFFEB0] =	vst v8;
	v7 =	vld [tilespmem:s19+$0xFFFFFDC0];
	(pc) =	sbr.rel @p2 .LBB2_5-.Ltmp1, $4  }
0x298: {  	v18 =	vadd.f32 v18, v19;
	v15 =	vmul.f32 v15, v17;
	[tilespmem:s29+$0xFFFFFEC0] =	vst v9;
	v8 =	vld [tilespmem:s19+$0xFFFFFDD0]  }
0x299: {  	v12 =	vadd.f32 v12, v21;
	[tilespmem:s29+$0xFFFFFED0] =	vst v10;
	v17 =	vmul.f32 v16, v1;
	v9 =	vld [tilespmem:s19+$0xFFFFFDE0]  }
0x29a: {  	v14 =	vadd.f32 v15, v14;
	[tilespmem:s29+$0xFFFFFEE0] =	vst v18;
	v16 =	vmul.f32 v6, v1;
	v10 =	vld [tilespmem:s19+$0xFFFFFDF0]  }
0x29b: {  	[tilespmem:s29+$0xFFFFFEF0] =	vst v12;
	v15 =	vadd.f32 v17, v24;
	v17 =	vmul.f32 v20, v1;
	v12 =	vld [tilespmem:s19+$0xFFFFFE00];
	s19 =	sadd.s32 $0x800, s19  }
0x29c: {  	[tilespmem:s29+$0xFFFFFF00] =	vst v14;
	v2 =	vadd.f32 v16, v2;
	v6 =	vmul.f32 v7, v1  }
0x29d: {  	v3 =	vadd.f32 v17, v3;
	v7 =	vmul.f32 v8, v1;
	[tilespmem:s29+$0xFFFFFF10] =	vst v15  }
0x29e: {  	v4 =	vadd.f32 v6, v4;
	v6 =	vmul.f32 v9, v1;
	[tilespmem:s29+$0xFFFFFF20] =	vst v2  }
0x29f: {  	v2 =	vadd.f32 v7, v5;
	v5 =	vmul.f32 v10, v1;
	[tilespmem:s29+$0xFFFFFF30] =	vst v3  }
0x2a0: {  	v3 =	vadd.f32 v6, v11;
	v1 =	vmul.f32 v12, v1;
	[tilespmem:s29+$0xFFFFFF40] =	vst v4  }
0x2a1: {  	v0 =	vadd.f32 v5, v0;
	[tilespmem:s29+$0xFFFFFF50] =	vst v2  }
0x2a2: {  	v1 =	vadd.f32 v1, v13;
	[tilespmem:s29+$0xFFFFFF60] =	vst v3  }
0x2a3: {  	[tilespmem:s29+$0xFFFFFF70] =	vst v0  }
0x2a4: {  	[tilespmem:s29+$0xFFFFFF80] =	vst v1  }
0x2a5: {  	_ =	swait.ge [sflag:s15], $0x4000  }
0x2a6: {  	s1 =	sadd.s32 @!p1 $0x280, s28;
	s4 =	simm.s32 @!p1 $0x80;
	[sflag:s15] =	ssyncset.done $0x0  }
0x2a7: {  	s11 =	simm.s32 @!p1 $0x8000;
	s19 =	simm.s32 $0xC7F0;
	[sflag:s15] =	ssyncadd.s32 $0xFFFFC000  }
0x2a8: {  	[tilespmem:s11], [sflag:$0x1] =	stream.indirect.gather @!p1 [hbm4b:s3+s4], $0x80, s1, s4, $0xb8;
	[tilespmem:$0x1C000] =	vst v63  }
0x2a9: {  	v0 =	vld [tilespmem:s19+$0xFFFFFF90];
	_ =	sdelay $0x4  }
0x2aa: {  	[tilespmem:$0x1FE00] =	vst v0  }
0x2ab: {  	v0 =	vld [tilespmem:s19+$0xFFFFFFA0];
	_ =	sdelay $0x4  }
0x2ac: {  	[tilespmem:$0x1FE10] =	vst v0  }
0x2ad: {  	v0 =	vld [tilespmem:s19+$0xFFFFFFC0];
	_ =	sdelay $0x4  }
0x2ae: {  	v5 =	vld [tilespmem:s19+$0xFFFFFFB0];
	[tilespmem:$0x1FE20] =	vst v0  }
0x2af: {  	v0 =	vld [tilespmem:s19+$0xFFFFFFE0];
	_ =	sdelay $0x4  }
0x2b0: {  	v7 =	vld [tilespmem:s19+$0xFFFFFFD0];
	[tilespmem:$0x1FE30] =	vst v0  }
0x2b1: {  	v0 =	vld [tilespmem:s19+$0xFFFFFFF0];
	_ =	sdelay $0x4  }
0x2b2: {  	[tilespmem:$0x1FE40] =	vst v0  }
0x2b3: {  	v0 =	vld [tilespmem:s19+$0xFFFFFF40];
	_ =	sdelay $0x1  }
0x2b4: {  	v16 =	vld [tilespmem:s19+$0x0]  }
0x2b5: {  	v23 =	vld [tilespmem:s19+$0xFFFFFF10]  }
0x2b6: {  	v22 =	vld [tilespmem:s19+$0xFFFFFF20]  }
0x2b7: {  	v20 =	vld [tilespmem:s19+$0xFFFFFF30];
	[tilespmem:$0x1FDD0] =	vst v0  }
0x2b8: {  	v1 =	vld [tilespmem:s19+$0xFFFFFF50];
	_ =	sdelay $0x4  }
0x2b9: {  	[tilespmem:$0x1FDE0] =	vst v1  }
0x2ba: {  	v2 =	vld [tilespmem:s19+$0xFFFFFF60];
	_ =	sdelay $0x2  }
0x2bb: {  	s13 =	sadd.s32 $0xFFFFFFFD, s21  }
0x2bc: {  	v0 =	vmov s13  }
0x2bd: {  	v0 =	vand.u32 $0xFFFFFFFC, v0;
	[tilespmem:$0x1FDF0] =	vst v2  }
0x2be: {  	v0 =	vbroadcast v0, $0x0;
	v18 =	vld [tilespmem:s19+$0xFFFFFF70]  }
0x2bf: {  	v26 =	vld [tilespmem:s19+$0xFFFFFF80]  }
0x2c0: {  	v27 =	vld [tilespmem:s19+$0xFFFFFE10]  }
0x2c1: {  	v28 =	vld [tilespmem:s19+$0xFFFFFE20]  }
0x2c2: {  	v29 =	vld [tilespmem:s19+$0xFFFFFE30]  }
0x2c3: {  	v30 =	vld [tilespmem:s19+$0xFFFFFE80]  }
0x2c4: {  	v31 =	vld.idx.msk [tilespmem:v0+s9+$0x0], $0xffff  }
0x2c5: {  	v33 =	vld [tilespmem:s19+$0xFFFFFF00]  }
0x2c6: {  	v34 =	vld [tilespmem:s19+$0xFFFFFE40]  }
0x2c7: {  	v35 =	vld [tilespmem:s19+$0xFFFFFE50]  }
0x2c8: {  	v36 =	vld [tilespmem:s19+$0xFFFFFE60]  }
0x2c9: {  	v37 =	vld [tilespmem:s19+$0xFFFFFE70]  }
0x2ca: {  	v38 =	vld [tilespmem:s19+$0xFFFFFE90]  }
0x2cb: {  	v39 =	vld [tilespmem:s19+$0xFFFFFEA0]  }
0x2cc: {  	v40 =	vld [tilespmem:s19+$0xFFFFFEB0]  }
0x2cd: {  	s14 =	sadd.s32 $0xFFFFFFFE, s21;
	v41 =	vld [tilespmem:s19+$0xFFFFFEC0]  }
0x2ce: {  	v1 =	vmov s14;
	v0 =	vmov s21;
	v42 =	vld [tilespmem:s19+$0xFFFFFED0]  }
0x2cf: {  	v1 =	vand.u32 $0xFFFFFFFD, v1;
	v43 =	vld [tilespmem:s19+$0xFFFFFEE0]  }
0x2d0: {  	s31 =	sadd.s32 $0xFFFFFFFF, s21;
	v1 =	vbroadcast v1, $0x0;
	v45 =	vld [tilespmem:s19+$0xFFFFFEF0]  }
0x2d1: {  	s13 =	sadd.s32 $0xFFFFFFF6, s21;
	v2 =	vmov s31;
	v46 =	vld [tilespmem:s19+$0xFFFFF820]  }
0x2d2: {  	s4 =	sadd.s32 $0xFFFFFFF1, s21;
	v3 =	vmov s13;
	v2 =	vand.u32 $0xFFFFFFFE, v2;
	v47 =	vld [tilespmem:s19+$0xFFFFF830]  }
0x2d3: {  	v3 =	vand.u32 $0xFFFFFFFD, v3;
	v2 =	vbroadcast v2, $0x0;
	v19 =	vld.idx.msk [tilespmem:v0+s9+$0x0], $0xffff;
	v0 =	vmov s4  }
0x2d4: {  	v3 =	vbroadcast v3, $0x0;
	s14 =	sadd.s32 $0xFFFFFFF9, s21;
	v48 =	vld [tilespmem:s19+$0xFFFFF840];
	v0 =	vand.u32 $0xFFFFFFF0, v0  }
0x2d5: {  	s11 =	sadd.s32 $0xFFFFFFF2, s21;
	v4 =	vmov s14;
	v49 =	vld [tilespmem:s19+$0xFFFFF850];
	v0 =	vbroadcast v0, $0x0  }
0x2d6: {  	v4 =	vand.u32 $0xFFFFFFF8, v4;
	s31 =	sadd.s32 $0xFFFFFFFA, s21;
	v32 =	vld.idx.msk [tilespmem:v1+s9+$0x0], $0xffff;
	v1 =	vmov s11  }
0x2d7: {  	v4 =	vbroadcast v4, $0x0;
	v11 =	vmov s31;
	v50 =	vld [tilespmem:s19+$0xFFFFF860];
	v1 =	vand.u32 $0xFFFFFFFD, v1  }
0x2d8: {  	s12 =	sadd.s32 $0xFFFFFFF5, s21;
	v51 =	vld [tilespmem:s19+$0xFFFFF870];
	v11 =	vand.u32 $0xFFFFFFFD, v11;
	v1 =	vbroadcast v1, $0x0  }
0x2d9: {  	v44 =	vbroadcast v11, $0x0;
	v24 =	vld.idx.msk [tilespmem:v2+s9+$0x0], $0xffff;
	v2 =	vmov s12  }
0x2da: {  	v11 =	vld.idx.msk [tilespmem:v3+s9+$0x0], $0xffff;
	v2 =	vand.u32 $0xFFFFFFF4, v2  }
0x2db: {  	v2 =	vbroadcast v2, $0x0;
	v25 =	vld.idx.msk [tilespmem:v0+s9+$0x0], $0xffff  }
0x2dc: {  	v0 =	vld [tilespmem:s19+$0xFFFFF880]  }
0x2dd: {  	v4 =	vld.idx.msk [tilespmem:v4+s9+$0x0], $0xffff  }
0x2de: {  	v21 =	vld.idx.msk [tilespmem:v1+s9+$0x0], $0xffff  }
0x2df: {  	v1 =	vld.idx.msk [tilespmem:v44+s9+$0x0], $0xffff  }
0x2e0: {  	v44 =	vld [tilespmem:s19+$0xFFFFF810]  }
0x2e1: {  	v14 =	vld.idx.msk [tilespmem:v2+s9+$0x0], $0xffff;
	[tilespmem:$0x1FE50] =	vst v0  }
0x2e2: {  	v0 =	vld [tilespmem:s19+$0xFFFFF8B0];
	_ =	sdelay $0x3  }
0x2e3: {  	v53 =	vld [tilespmem:s19+$0xFFFFF890]  }
0x2e4: {  	s11 =	sadd.s32 $0xFFFFFFF7, s21;
	v54 =	vld [tilespmem:s19+$0xFFFFF8A0];
	[tilespmem:$0x1FE60] =	vst v0  }
0x2e5: {  	s4 =	sadd.s32 $0xFFFFFFF3, s21;
	v2 =	vmov s11;
	v56 =	vld [tilespmem:s19+$0xFFFFF8C0]  }
0x2e6: {  	v2 =	vand.u32 $0xFFFFFFFE, v2;
	v0 =	vmov s4;
	v57 =	vld [tilespmem:s19+$0xFFFFF8D0]  }
0x2e7: {  	s12 =	sadd.s32 $0xFFFFFFFB, s21;
	v2 =	vbroadcast v2, $0x0;
	v0 =	vand.u32 $0xFFFFFFFE, v0;
	v58 =	vld [tilespmem:s19+$0xFFFFF8E0]  }
0x2e8: {  	v3 =	vmov s12;
	v59 =	vld [tilespmem:s19+$0xFFFFF8F0];
	v0 =	vbroadcast v0, $0x0  }
0x2e9: {  	v3 =	vand.u32 $0xFFFFFFFE, v3;
	v61 =	vld [tilespmem:s19+$0xFFFFF900]  }
0x2ea: {  	v60 =	vbroadcast v3, $0x0;
	v62 =	vld [tilespmem:s19+$0xFFFFFA10]  }
0x2eb: {  	v63 =	vld [tilespmem:s19+$0xFFFFFA20]  }
0x2ec: {  	v15 =	vld [tilespmem:s19+$0xFFFFFA30]  }
0x2ed: {  	v2 =	vld.idx.msk [tilespmem:v2+s9+$0x0], $0xffff  }
0x2ee: {  	v3 =	vld.idx.msk [tilespmem:v0+s9+$0x0], $0xffff  }
0x2ef: {  	v0 =	vld [tilespmem:s19+$0xFFFFFA80]  }
0x2f0: {  	v6 =	vld.idx.msk [tilespmem:v60+s9+$0x0], $0xffff  }
0x2f1: {  	v60 =	vld [tilespmem:s19+$0xFFFFFA40]  }
0x2f2: {  	v9 =	vld [tilespmem:s19+$0xFFFFFA50]  }
0x2f3: {  	v10 =	vld [tilespmem:s19+$0xFFFFFA60]  }
0x2f4: {  	v17 =	vld [tilespmem:s19+$0xFFFFFA70];
	[tilespmem:$0x1FE70] =	vst v0  }
0x2f5: {  	v30 =	vmul.f32 v30, v31;
	v33 =	vmul.f32 v33, v32;
	v12 =	vld [tilespmem:s19+$0xFFFFFA90]  }
0x2f6: {  	v55 =	vld [tilespmem:s19+$0xFFFFFAA0]  }
0x2f7: {  	v30 =	vadd.f32 v33, v30;
	v26 =	vmul.f32 v26, v24;
	v52 =	vld [tilespmem:s19+$0xFFFFFAB0]  }
0x2f8: {  	v27 =	vmul.f32 v27, v31;
	v28 =	vmul.f32 v28, v31;
	v13 =	vld [tilespmem:s19+$0xFFFFFAC0]  }
0x2f9: {  	v33 =	vmul.f32 v34, v31;
	v16 =	vmul.f32 v16, v19;
	v26 =	vadd.f32 v26, v30;
	v34 =	vld [tilespmem:s19+$0xFFFFFAD0]  }
0x2fa: {  	v29 =	vmul.f32 v29, v31;
	v35 =	vmul.f32 v35, v31;
	v8 =	vld [tilespmem:s19+$0xFFFFFAE0]  }
0x2fb: {  	v30 =	vmul.f32 v36, v31;
	v36 =	vmul.f32 v38, v32;
	v0 =	vadd.f32 v16, v26;
	v38 =	vld [tilespmem:s19+$0xFFFFFAF0]  }
0x2fc: {  	v31 =	vmul.f32 v37, v31;
	v37 =	vmul.f32 v39, v32;
	v39 =	vld [tilespmem:s19+$0xFFFFFB00]  }
0x2fd: {  	[tilespmem:$0x1FE80] =	vst v0;
	v0 =	vld [tilespmem:$0x1FDD0]  }
0x2fe: {  	v16 =	vadd.f32 v36, v27;
	v27 =	vmul.f32 v40, v32;
	_ =	sdelay $0x1  }
0x2ff: {  	v20 =	vmul.f32 v20, v24;
	v27 =	vadd.f32 v27, v29;
	_ =	sdelay $0x1  }
0x300: {  	v27 =	vadd.f32 v20, v27;
	v20 =	vmul.f32 v0, v24;
	v0 =	vld [tilespmem:$0x1FDE0];
	_ =	sdelay $0x2  }
0x301: {  	v22 =	vmul.f32 v22, v24;
	v28 =	vadd.f32 v37, v28;
	v26 =	vmul.f32 v42, v32;
	_ =	sdelay $0x1  }
0x302: {  	v28 =	vadd.f32 v22, v28;
	v22 =	vadd.f32 v26, v35;
	v26 =	vmul.f32 v0, v24;
	v0 =	vld [tilespmem:$0x1FDF0];
	_ =	sdelay $0x1  }
0x303: {  	v36 =	vld [tilespmem:s19+$0xFFFFFC10]  }
0x304: {  	v43 =	vmul.f32 v43, v32;
	v40 =	vld [tilespmem:s19+$0xFFFFFC20]  }
0x305: {  	v23 =	vmul.f32 v23, v24;
	v37 =	vmul.f32 v41, v32;
	v41 =	vld [tilespmem:s19+$0xFFFFFC30]  }
0x306: {  	v32 =	vmul.f32 v45, v32;
	v45 =	vmul.f32 v0, v24;
	v0 =	vld [tilespmem:$0x1FE00]  }
0x307: {  	v35 =	vld [tilespmem:s19+$0xFFFFFC50]  }
0x308: {  	v18 =	vmul.f32 v18, v24;
	v16 =	vadd.f32 v23, v16;
	v23 =	vadd.f32 v37, v33;
	v37 =	vld [tilespmem:s19+$0xFFFFFC60]  }
0x309: {  	v9 =	vmul.f32 v9, v14;
	v10 =	vmul.f32 v10, v14;
	v29 =	vadd.f32 v43, v30;
	v43 =	vld [tilespmem:s19+$0xFFFFFC70]  }
0x30a: {  	v17 =	vmul.f32 v17, v14;
	v42 =	vmul.f32 v5, v19;
	v33 =	vld [tilespmem:s19+$0xFFFFFC40]  }
0x30b: {  	v8 =	vmul.f32 v8, v11;
	v24 =	vadd.f32 v26, v22;
	v22 =	vmul.f32 v0, v19;
	v0 =	vld [tilespmem:$0x1FE10]  }
0x30c: {  	v5 =	vld [tilespmem:s19+$0xFFFFFCA0];
	v34 =	vmul.f32 v34, v11;
	v38 =	vmul.f32 v38, v11  }
0x30d: {  	v8 =	vadd.f32 v8, v10;
	v10 =	vmul.f32 v35, v4;
	v35 =	vmul.f32 v37, v4;
	v37 =	vld [tilespmem:s19+$0xFFFFFB70]  }
0x30e: {  	v17 =	vadd.f32 v38, v17;
	v38 =	vmul.f32 v43, v4;
	v43 =	vld [tilespmem:s19+$0xFFFFFB80]  }
0x30f: {  	v9 =	vadd.f32 v34, v9;
	v34 =	vld [tilespmem:s19+$0xFFFFFD40]  }
0x310: {  	v30 =	vmul.f32 v0, v19;
	v0 =	vld [tilespmem:$0x1FE20]  }
0x311: {  	v23 =	vadd.f32 v20, v23;
	v20 =	vadd.f32 v32, v31;
	v31 =	vld [tilespmem:s19+$0xFFFFFC80]  }
0x312: {  	v32 =	vld [tilespmem:s19+$0xFFFFFC90]  }
0x313: {  	v18 =	vadd.f32 v18, v20;
	v20 =	vmul.f32 v7, v19;
	v7 =	vld [tilespmem:s19+$0xFFFFFCB0];
	v28 =	vadd.f32 v30, v28  }
0x314: {  	v30 =	vadd.f32 v42, v27;
	v42 =	vmul.f32 v44, v25;
	v44 =	vmul.f32 v46, v25;
	v46 =	vld [tilespmem:s19+$0xFFFFFCD0]  }
0x315: {  	v29 =	vadd.f32 v45, v29;
	v45 =	vmul.f32 v0, v19;
	v0 =	vld [tilespmem:$0x1FE30]  }
0x316: {  	v15 =	vmul.f32 v15, v14;
	v52 =	vmul.f32 v52, v11;
	v26 =	vld [tilespmem:$0x1FE40]  }
0x317: {  	v24 =	vadd.f32 v20, v24;
	v20 =	vmul.f32 v49, v25;
	v49 =	vmul.f32 v50, v25;
	v50 =	vld [tilespmem:s19+$0xFFFFFCF0]  }
0x318: {  	v22 =	vadd.f32 v22, v16;
	v16 =	vld [tilespmem:s19+$0xFFFFFCC0];
	v27 =	vadd.f32 v45, v23;
	v45 =	vmul.f32 v47, v25  }
0x319: {  	v15 =	vadd.f32 v52, v15;
	v47 =	vmul.f32 v48, v25;
	v48 =	vld [tilespmem:s19+$0xFFFFFCE0];
	v52 =	vmul.f32 v46, v1  }
0x31a: {  	v46 =	vld [tilespmem:s19+$0xFFFFFD30];
	v0 =	vmul.f32 v0, v19  }
0x31b: {  	v10 =	vadd.f32 v52, v10;
	v52 =	vld [tilespmem:s19+$0xFFFFFD60];
	v19 =	vmul.f32 v26, v19  }
0x31c: {  	v0 =	vadd.f32 v0, v29;
	v29 =	vmul.f32 v51, v25;
	v51 =	vmul.f32 v53, v21;
	v53 =	vld [tilespmem:s19+$0xFFFFFD00]  }
0x31d: {  	v23 =	vadd.f32 v19, v18;
	v18 =	vld [tilespmem:$0x1FE50];
	v19 =	vmul.f32 v54, v21  }
0x31e: {  	v54 =	vld [tilespmem:$0x1FE60]  }
0x31f: {  	v19 =	vadd.f32 v19, v44;
	v44 =	vmul.f32 v57, v21;
	v57 =	vmul.f32 v58, v21;
	v58 =	vld [tilespmem:s19+$0xFFFFF930]  }
0x320: {  	v42 =	vadd.f32 v51, v42;
	v51 =	vld [tilespmem:s19+$0xFFFFF980]  }
0x321: {  	v20 =	vadd.f32 v44, v20;
	v44 =	vmul.f32 v60, v14;
	v60 =	vld [tilespmem:s19+$0xFFFFF960]  }
0x322: {  	v13 =	vmul.f32 v13, v11;
	v49 =	vadd.f32 v57, v49;
	v57 =	vld [tilespmem:s19+$0xFFFFF970]  }
0x323: {  	v18 =	vmul.f32 v18, v25;
	v25 =	vld [tilespmem:s19+$0xFFFFF910];
	v26 =	vmul.f32 v54, v21  }
0x324: {  	v12 =	vmul.f32 v12, v11;
	v54 =	vmul.f32 v56, v21;
	v56 =	vld [tilespmem:s19+$0xFFFFF920]  }
0x325: {  	v13 =	vadd.f32 v13, v44;
	v44 =	vld [tilespmem:s19+$0xFFFFFB50];
	v45 =	vadd.f32 v26, v45;
	v26 =	vmul.f32 v59, v21  }
0x326: {  	v21 =	vmul.f32 v61, v21;
	v59 =	vld [tilespmem:s19+$0xFFFFF940];
	v47 =	vadd.f32 v54, v47;
	v54 =	vmul.f32 v62, v14  }
0x327: {  	v61 =	vmul.f32 v63, v14;
	v62 =	vld [tilespmem:s19+$0xFFFFF950];
	v63 =	vmul.f32 v55, v11  }
0x328: {  	v33 =	vmul.f32 v33, v4;
	v16 =	vmul.f32 v16, v1;
	v55 =	vld [tilespmem:s19+$0xFFFFFB10];
	v29 =	vadd.f32 v26, v29  }
0x329: {  	v18 =	vadd.f32 v21, v18;
	v26 =	vld [tilespmem:$0x1FE70];
	v21 =	vadd.f32 v63, v61;
	v63 =	vmul.f32 v48, v1  }
0x32a: {  	v36 =	vmul.f32 v36, v4;
	v16 =	vadd.f32 v16, v33;
	v11 =	vmul.f32 v39, v11;
	v39 =	vld [tilespmem:s19+$0xFFFFFB40]  }
0x32b: {  	v12 =	vadd.f32 v12, v54;
	v54 =	vld [tilespmem:s19+$0xFFFFFB20];
	v33 =	vadd.f32 v63, v35;
	v63 =	vmul.f32 v56, v3  }
0x32c: {  	v40 =	vmul.f32 v40, v4;
	v5 =	vmul.f32 v5, v1;
	v61 =	vld [tilespmem:s19+$0xFFFFFB30]  }
0x32d: {  	v32 =	vmul.f32 v32, v1;
	v19 =	vadd.f32 v63, v19;
	v63 =	vmul.f32 v55, v2;
	v55 =	vld [tilespmem:s19+$0xFFFFF990]  }
0x32e: {  	v14 =	vmul.f32 v26, v14;
	v26 =	vmul.f32 v41, v4;
	v41 =	vld [tilespmem:s19+$0xFFFFFB60]  }
0x32f: {  	v4 =	vmul.f32 v31, v4;
	v31 =	vadd.f32 v32, v36;
	v32 =	vld [tilespmem:s19+$0xFFFFFD20]  }
0x330: {  	s13 =	sadd.s32 $0xFFFFFFF4, s21;
	s31 =	sadd.s32 $0xFFFFFFFC, s21;
	v5 =	vadd.f32 v5, v40;
	v7 =	vmul.f32 v7, v1;
	v12 =	vadd.f32 v63, v12;
	v63 =	vld [tilespmem:s19+$0xFFFFF9C0]  }
0x331: {  	v35 =	vmov s31;
	v36 =	vmov s13;
	v11 =	vadd.f32 v11, v14;
	v14 =	vld [tilespmem:s19+$0xFFFFFD10]  }
0x332: {  	s14 =	sadd.s32 $0xFFFFFFF8, s21;
	v7 =	vadd.f32 v7, v26;
	v26 =	vmul.f32 v50, v1;
	v50 =	vld [tilespmem:s19+$0xFFFFFD50];
	v1 =	vmul.f32 v53, v1  }
0x333: {  	v48 =	vmov s14;
	v60 =	vmul.f32 v60, v3;
	v25 =	vmul.f32 v25, v3;
	v53 =	vld [tilespmem:s19+$0xFFFFFD70]  }
0x334: {  	v56 =	vadd.f32 v1, v4;
	v1 =	vmul.f32 v58, v3;
	v4 =	vmul.f32 v59, v3;
	v58 =	vld [tilespmem:s19+$0xFFFFFD80]  }
0x335: {  	v25 =	vadd.f32 v25, v42;
	v59 =	vmul.f32 v62, v3;
	v62 =	vmul.f32 v57, v3;
	v57 =	vld [tilespmem:$0x1FE80]  }
0x336: {  	v54 =	vmul.f32 v54, v2;
	v38 =	vadd.f32 v26, v38;
	v3 =	vmul.f32 v51, v3;
	v36 =	vld.idx.msk [tilespmem:v36+s9+$0x0], $0xffff  }
0x337: {  	[tilespmem:s26+$0xFFFFFF90] =	vst v22;
	v42 =	vadd.f32 v1, v45;
	v4 =	vadd.f32 v4, v47;
	v1 =	vld.idx.msk [tilespmem:v35+s9+$0x0], $0xffff  }
0x338: {  	[tilespmem:s26+$0xFFFFFFA0] =	vst v28;
	v20 =	vadd.f32 v59, v20;
	v18 =	vadd.f32 v3, v18;
	v3 =	vmul.f32 v61, v2;
	v59 =	vld [tilespmem:s19+$0xFFFFF9A0]  }
0x339: {  	[tilespmem:s26+$0xFFFFFFB0] =	vst v30;
	v35 =	vadd.f32 v60, v49;
	v26 =	vadd.f32 v62, v29;
	v60 =	vmul.f32 v39, v2;
	v61 =	vld [tilespmem:s19+$0xFFFFF9B0]  }
0x33a: {  	v47 =	vld.idx.msk [tilespmem:v48+s9+$0x0], $0xffff;
	v62 =	vmul.f32 v41, v2;
	v15 =	vadd.f32 v3, v15;
	v3 =	vmul.f32 v44, v2  }
0x33b: {  	v21 =	vadd.f32 v54, v21;
	[tilespmem:s26+$0xFFFFFFC0] =	vst v27;
	v41 =	vmul.f32 v37, v2;
	v2 =	vmul.f32 v43, v2;
	v43 =	vld [tilespmem:s19+$0xFFFFF9D0]  }
0x33c: {  	[tilespmem:s26+$0xFFFFFFD0] =	vst v24;
	v49 =	vmul.f32 v32, v6;
	v44 =	vld [tilespmem:s19+$0xFFFFF9E0];
	v9 =	vadd.f32 v3, v9;
	v3 =	vmul.f32 v55, v36  }
0x33d: {  	[tilespmem:s26+$0xFFFFFFE0] =	vst v0;
	v0 =	vmul.f32 v14, v6;
	v45 =	vadd.f32 v2, v11;
	v11 =	vld [tilespmem:s19+$0xFFFFF9F0];
	v2 =	vmul.f32 v59, v36  }
0x33e: {  	[tilespmem:s26+$0xFFFFFFF0] =	vst v23;
	v48 =	vld [tilespmem:s19+$0xFFFFFA00];
	v13 =	vadd.f32 v60, v13;
	v14 =	vmul.f32 v61, v36;
	v3 =	vadd.f32 v3, v25  }
0x33f: {  	v51 =	vld [tilespmem:s19+$0xFFFFFB90];
	v8 =	vadd.f32 v62, v8;
	[tilespmem:s26+$0x0] =	vst v57;
	v2 =	vadd.f32 v2, v19;
	v19 =	vmul.f32 v63, v36  }
0x340: {  	v54 =	vadd.f32 v0, v31;
	v55 =	vld [tilespmem:s19+$0xFFFFFBA0];
	v0 =	vadd.f32 v14, v42;
	v14 =	vmul.f32 v43, v36;
	[tilespmem:s26+$0xFFFFFE10] =	vst v3  }
0x341: {  	v57 =	vld [tilespmem:s19+$0xFFFFFBB0];
	v3 =	vmul.f32 v46, v6;
	v4 =	vadd.f32 v19, v4;
	v19 =	vmul.f32 v44, v36;
	[tilespmem:s26+$0xFFFFFE20] =	vst v2  }
0x342: {  	v2 =	vadd.f32 v49, v5;
	v5 =	vadd.f32 v14, v20;
	v11 =	vmul.f32 v11, v36;
	[tilespmem:s26+$0xFFFFFE30] =	vst v0;
	v0 =	vld [tilespmem:s19+$0xFFFFFBC0]  }
0x343: {  	v60 =	vld [tilespmem:s19+$0xFFFFFBD0];
	v59 =	vmul.f32 v48, v36;
	v14 =	vmul.f32 v34, v6;
	v19 =	vadd.f32 v19, v35;
	[tilespmem:s26+$0xFFFFFE40] =	vst v4  }
0x344: {  	v3 =	vadd.f32 v3, v7;
	v7 =	vadd.f32 v11, v26;
	[tilespmem:s26+$0xFFFFFE50] =	vst v5;
	v5 =	vmul.f32 v51, v47;
	v11 =	vld [tilespmem:s19+$0xFFFFFBE0]  }
0x345: {  	v62 =	vld [tilespmem:s19+$0xFFFFFBF0];
	v61 =	vmul.f32 v50, v6;
	v18 =	vadd.f32 v59, v18;
	[tilespmem:s26+$0xFFFFFE60] =	vst v19;
	v19 =	vmul.f32 v55, v47  }
0x346: {  	v4 =	vadd.f32 v14, v16;
	v14 =	vld [tilespmem:s19+$0xFFFFFC00];
	[tilespmem:s26+$0xFFFFFE70] =	vst v7;
	v7 =	vadd.f32 v5, v12;
	v12 =	vmul.f32 v57, v47  }
0x347: {  	v17 =	vadd.f32 v41, v17;
	[tilespmem:s26+$0xFFFFFE80] =	vst v18;
	v0 =	vmul.f32 v0, v47;
	v18 =	vadd.f32 v19, v21;
	v19 =	vld [tilespmem:s19+$0xFFFFFD90]  }
0x348: {  	v5 =	vadd.f32 v61, v10;
	v10 =	vadd.f32 v12, v15;
	v12 =	vmul.f32 v60, v47;
	[tilespmem:s26+$0xFFFFFE90] =	vst v7;
	v15 =	vld [tilespmem:s19+$0xFFFFFDA0]  }
0x349: {  	v63 =	vmul.f32 v53, v6;
	v0 =	vadd.f32 v0, v13;
	v13 =	vmul.f32 v11, v47;
	[tilespmem:s26+$0xFFFFFEA0] =	vst v18;
	v18 =	vld [tilespmem:s19+$0xFFFFFDB0]  }
0x34a: {  	v16 =	vmul.f32 v52, v6;
	v7 =	vld [tilespmem:s19+$0xFFFFFDC0];
	v9 =	vadd.f32 v12, v9;
	v12 =	vmul.f32 v62, v47;
	[tilespmem:s26+$0xFFFFFEB0] =	vst v10  }
0x34b: {  	v6 =	vmul.f32 v58, v6;
	v14 =	vmul.f32 v14, v47;
	v10 =	vadd.f32 v13, v8;
	[tilespmem:s26+$0xFFFFFEC0] =	vst v0;
	v8 =	vld [tilespmem:s19+$0xFFFFFDD0]  }
0x34c: {  	v11 =	vadd.f32 v16, v33;
	v12 =	vadd.f32 v12, v17;
	[tilespmem:s26+$0xFFFFFED0] =	vst v9;
	v9 =	vld [tilespmem:s19+$0xFFFFFDE0];
	v17 =	vmul.f32 v19, v1  }
0x34d: {  	v0 =	vadd.f32 v63, v38;
	v14 =	vadd.f32 v14, v45;
	[tilespmem:s26+$0xFFFFFEE0] =	vst v10;
	v10 =	vld [tilespmem:s19+$0xFFFFFDF0];
	v16 =	vmul.f32 v15, v1  }
0x34e: {  	s30 =	smov.u32 s21;
	s29 =	simm.s32 $0x0;
	v13 =	vadd.f32 v6, v56;
	[tilespmem:s26+$0xFFFFFEF0] =	vst v12;
	v12 =	vld [tilespmem:s19+$0xFFFFFE00];
	s19 =	simm.s32 $0xCFF0;
	v15 =	vadd.f32 v17, v54;
	v17 =	vmul.f32 v18, v1  }
.LBB2_7:
0x34f: {  	v6 =	vld [tilespmem:s19+$0xFFFFFF90];
	[tilespmem:s26+$0xFFFFFF00] =	vst v14;
	v2 =	vadd.f32 v16, v2;
	v14 =	vmul.f32 v7, v1  }
0x350: {  	v7 =	vld [tilespmem:s19+$0xFFFFFFA0];
	v3 =	vadd.f32 v17, v3;
	v16 =	vmul.f32 v8, v1;
	[tilespmem:s26+$0xFFFFFF10] =	vst v15  }
0x351: {  	v8 =	vld [tilespmem:s19+$0xFFFFFFB0];
	v4 =	vadd.f32 v14, v4;
	v14 =	vmul.f32 v9, v1;
	[tilespmem:s26+$0xFFFFFF20] =	vst v2  }
0x352: {  	v9 =	vld [tilespmem:s19+$0xFFFFFFC0];
	v2 =	vadd.f32 v16, v5;
	v5 =	vmul.f32 v10, v1;
	[tilespmem:s26+$0xFFFFFF30] =	vst v3  }
0x353: {  	v10 =	vld [tilespmem:s19+$0xFFFFFFD0];
	v3 =	vadd.f32 v14, v11;
	v1 =	vmul.f32 v12, v1;
	[tilespmem:s26+$0xFFFFFF40] =	vst v4  }
0x354: {  	v11 =	vld [tilespmem:s19+$0xFFFFFFE0];
	v0 =	vadd.f32 v5, v0;
	[tilespmem:s26+$0xFFFFFF50] =	vst v2  }
0x355: {  	v12 =	vld [tilespmem:s19+$0xFFFFFFF0];
	v1 =	vadd.f32 v1, v13;
	[tilespmem:s26+$0xFFFFFF60] =	vst v3  }
0x356: {  	v13 =	vld [tilespmem:s19+$0x0];
	[tilespmem:s26+$0xFFFFFF70] =	vst v0  }
0x357: {  	v14 =	vld [tilespmem:s19+$0xFFFFFF10];
	[tilespmem:s26+$0xFFFFFF80] =	vst v1  }
0x358: {  	v15 =	vld [tilespmem:s19+$0xFFFFFF20]  }
0x359: {  	s30 =	sadd.s32 $0x10, s30;
	v16 =	vld [tilespmem:s19+$0xFFFFFF30]  }
0x35a: {  	s1 =	sadd.s32 $0xFFFFFFF2, s30;
	s4 =	sadd.s32 $0xFFFFFFF5, s30;
	s11 =	sadd.s32 $0xFFFFFFFD, s30;
	v17 =	vld [tilespmem:s19+$0xFFFFFF40]  }
0x35b: {  	s29 =	sadd.s32 $0x4, s29;
	v2 =	vmov s11;
	v0 =	vmov s1;
	s1 =	sadd.s32 $0xFFFFFFF6, s30;
	v1 =	vmov s4;
	s4 =	sadd.s32 $0xFFFFFFFE, s30;
	v18 =	vld [tilespmem:s19+$0xFFFFFF50]  }
0x35c: {  	p2 =	slt.u32 s29, $0x1C;
	s11 =	sadd.s32 $0xFFFFFFFA, s30;
	v2 =	vand.u32 $0xFFFFFFFC, v2;
	v3 =	vmov s1;
	s1 =	sadd.s32 $0xFFFFFFF9, s30;
	v4 =	vmov s4;
	v19 =	vld [tilespmem:s19+$0xFFFFFF60]  }
0x35d: {  	s12 =	sadd.s32 $0xFFFFFFF3, s30;
	v2 =	vbroadcast v2, $0x0;
	s4 =	sadd.s32 $0xFFFFFFF1, s30;
	v5 =	vmov s1;
	s1 =	sadd.s32 $0xFFFFFFFF, s30;
	v4 =	vand.u32 $0xFFFFFFFD, v4;
	v20 =	vld [tilespmem:s19+$0xFFFFFF70]  }
0x35e: {  	s13 =	sadd.s32 $0xFFFFFFF7, s30;
	s14 =	sadd.s32 $0xFFFFFFFB, s30;
	v21 =	vmov s4;
	s4 =	sadd.s32 $0xFFFFFFF4, s30;
	v22 =	vmov s1;
	v4 =	vbroadcast v4, $0x0;
	v23 =	vld [tilespmem:s19+$0xFFFFFF80]  }
0x35f: {  	v24 =	vmov s11;
	s11 =	sadd.s32 $0xFFFFFFFC, s30;
	s1 =	sadd.s32 $0xFFFFFFF8, s30;
	v21 =	vand.u32 $0xFFFFFFF0, v21;
	v22 =	vand.u32 $0xFFFFFFFE, v22;
	v25 =	vld [tilespmem:s19+$0xFFFFFE10]  }
0x360: {  	v0 =	vand.u32 $0xFFFFFFFD, v0;
	v1 =	vand.u32 $0xFFFFFFF4, v1;
	v22 =	vbroadcast v22, $0x0;
	v26 =	vld [tilespmem:s19+$0xFFFFFE20]  }
0x361: {  	v24 =	vand.u32 $0xFFFFFFFD, v24;
	v3 =	vand.u32 $0xFFFFFFFD, v3;
	v5 =	vand.u32 $0xFFFFFFF8, v5;
	v27 =	vld [tilespmem:s19+$0xFFFFFE30]  }
0x362: {  	v28 =	vbroadcast v0, $0x0;
	v0 =	vmov s12;
	v21 =	vbroadcast v21, $0x0;
	v29 =	vld [tilespmem:s19+$0xFFFFFE80]  }
0x363: {  	v33 =	vmov s30;
	v30 =	vbroadcast v1, $0x0;
	v31 =	vbroadcast v3, $0x0;
	v32 =	vld.idx.msk [tilespmem:v2+s9+$0x0], $0xffff  }
0x364: {  	v24 =	vbroadcast v24, $0x0;
	v1 =	vmov s13;
	v34 =	vbroadcast v5, $0x0;
	v35 =	vld.idx.msk [tilespmem:v4+s9+$0x0], $0xffff  }
0x365: {  	v0 =	vand.u32 $0xFFFFFFFE, v0;
	v1 =	vand.u32 $0xFFFFFFFE, v1;
	v2 =	vmov s14;
	v36 =	vld [tilespmem:s19+$0xFFFFFF00]  }
0x366: {  	v5 =	vbroadcast v0, $0x0;
	v3 =	vbroadcast v1, $0x0;
	v0 =	vand.u32 $0xFFFFFFFE, v2;
	v22 =	vld.idx.msk [tilespmem:v22+s9+$0x0], $0xffff  }
0x367: {  	v1 =	vmov s1;
	v2 =	vmov s4;
	v4 =	vbroadcast v0, $0x0;
	v37 =	vld [tilespmem:s19+$0xFFFFFE40]  }
0x368: {  	v0 =	vmov s11;
	v33 =	vld.idx.msk [tilespmem:v33+s9+$0x0], $0xffff  }
0x369: {  	v25 =	vmul.f32 v25, v32;
	v26 =	vmul.f32 v26, v32;
	v38 =	vld [tilespmem:s19+$0xFFFFFE50]  }
0x36a: {  	v29 =	vmul.f32 v29, v32;
	v39 =	vld [tilespmem:s19+$0xFFFFFE60];
	v36 =	vmul.f32 v36, v35  }
0x36b: {  	v27 =	vmul.f32 v27, v32;
	v40 =	vld [tilespmem:s19+$0xFFFFFE70]  }
0x36c: {  	v23 =	vmul.f32 v23, v22;
	v37 =	vmul.f32 v37, v32;
	v41 =	vld [tilespmem:s19+$0xFFFFFE90];
	v29 =	vadd.f32 v36, v29  }
0x36d: {  	v14 =	vmul.f32 v14, v22;
	v15 =	vmul.f32 v15, v22;
	v36 =	vld [tilespmem:s19+$0xFFFFFEA0]  }
0x36e: {  	v13 =	vmul.f32 v13, v33;
	v38 =	vmul.f32 v38, v32;
	v42 =	vld [tilespmem:s19+$0xFFFFFEB0];
	v23 =	vadd.f32 v23, v29  }
0x36f: {  	v16 =	vmul.f32 v16, v22;
	v29 =	vmul.f32 v39, v32;
	v39 =	vld [tilespmem:s19+$0xFFFFFEC0]  }
0x370: {  	v43 =	vmul.f32 v17, v22;
	v32 =	vmul.f32 v40, v32;
	v40 =	vld [tilespmem:s19+$0xFFFFFED0];
	v13 =	vadd.f32 v13, v23  }
0x371: {  	s26 =	sadd.s32 $0x200, s26;
	v18 =	vmul.f32 v18, v22;
	v17 =	vmul.f32 v41, v35;
	v23 =	vld [tilespmem:s19+$0xFFFFFEE0]  }
0x372: {  	v19 =	vmul.f32 v19, v22;
	v36 =	vmul.f32 v36, v35;
	v41 =	vld [tilespmem:s19+$0xFFFFFEF0];
	[tilespmem:s26+$0x0] =	vst v13  }
0x373: {  	v20 =	vmul.f32 v20, v22;
	v21 =	vld.idx.msk [tilespmem:v21+s9+$0x0], $0xffff;
	v13 =	vadd.f32 v17, v25;
	v25 =	vmul.f32 v42, v35  }
0x374: {  	v22 =	vld.idx.msk [tilespmem:v28+s9+$0x0], $0xffff;
	v26 =	vadd.f32 v36, v26;
	v28 =	vmul.f32 v39, v35;
	v36 =	vmul.f32 v6, v33  }
0x375: {  	v17 =	vld.idx.msk [tilespmem:v30+s9+$0x0], $0xffff;
	v6 =	vadd.f32 v25, v27;
	v25 =	vmul.f32 v40, v35;
	v27 =	vadd.f32 v14, v13  }
0x376: {  	v14 =	vld.idx.msk [tilespmem:v31+s9+$0x0], $0xffff;
	v28 =	vadd.f32 v28, v37;
	v23 =	vmul.f32 v23, v35;
	v15 =	vadd.f32 v15, v26  }
0x377: {  	v13 =	vld.idx.msk [tilespmem:v34+s9+$0x0], $0xffff;
	v25 =	vadd.f32 v25, v38;
	v26 =	vmul.f32 v41, v35;
	v16 =	vadd.f32 v16, v6  }
0x378: {  	v7 =	vmul.f32 v7, v33;
	v6 =	vld.idx.msk [tilespmem:v24+s9+$0x0], $0xffff;
	v23 =	vadd.f32 v23, v29;
	v24 =	vadd.f32 v43, v28  }
0x379: {  	v8 =	vmul.f32 v8, v33;
	v28 =	vld [tilespmem:s19+$0xFFFFF810];
	v26 =	vadd.f32 v26, v32;
	v18 =	vadd.f32 v18, v25  }
0x37a: {  	v9 =	vmul.f32 v9, v33;
	v10 =	vmul.f32 v10, v33;
	v25 =	vld [tilespmem:s19+$0xFFFFF820];
	v19 =	vadd.f32 v19, v23  }
0x37b: {  	v11 =	vmul.f32 v11, v33;
	v12 =	vmul.f32 v12, v33;
	v23 =	vld [tilespmem:s19+$0xFFFFF830];
	v20 =	vadd.f32 v20, v26  }
0x37c: {  	v27 =	vadd.f32 v36, v27;
	v7 =	vadd.f32 v7, v15;
	v26 =	vld [tilespmem:s19+$0xFFFFF840]  }
0x37d: {  	v8 =	vadd.f32 v8, v16;
	v9 =	vadd.f32 v9, v24;
	v15 =	vld [tilespmem:s19+$0xFFFFF850]  }
0x37e: {  	v10 =	vadd.f32 v10, v18;
	v11 =	vadd.f32 v11, v19;
	v16 =	vmul.f32 v28, v21;
	v24 =	vld [tilespmem:s19+$0xFFFFF860];
	[tilespmem:s26+$0xFFFFFF90] =	vst v27  }
0x37f: {  	v12 =	vadd.f32 v12, v20;
	v18 =	vmul.f32 v25, v21;
	v19 =	vld [tilespmem:s19+$0xFFFFF870];
	[tilespmem:s26+$0xFFFFFFA0] =	vst v7  }
0x380: {  	v20 =	vmul.f32 v23, v21;
	v7 =	vld [tilespmem:s19+$0xFFFFF880];
	[tilespmem:s26+$0xFFFFFFB0] =	vst v8  }
0x381: {  	v23 =	vmul.f32 v26, v21;
	v8 =	vld [tilespmem:s19+$0xFFFFF890];
	[tilespmem:s26+$0xFFFFFFC0] =	vst v9  }
0x382: {  	v15 =	vmul.f32 v15, v21;
	v9 =	vld [tilespmem:s19+$0xFFFFF8A0];
	[tilespmem:s26+$0xFFFFFFD0] =	vst v10  }
0x383: {  	v24 =	vmul.f32 v24, v21;
	v10 =	vld [tilespmem:s19+$0xFFFFF8B0];
	[tilespmem:s26+$0xFFFFFFE0] =	vst v11  }
0x384: {  	v19 =	vmul.f32 v19, v21;
	v11 =	vld [tilespmem:s19+$0xFFFFF8C0];
	[tilespmem:s26+$0xFFFFFFF0] =	vst v12  }
0x385: {  	v21 =	vmul.f32 v7, v21;
	v12 =	vld [tilespmem:s19+$0xFFFFF8D0]  }
0x386: {  	v7 =	vmul.f32 v8, v22;
	v25 =	vld [tilespmem:s19+$0xFFFFF8E0]  }
0x387: {  	v8 =	vmul.f32 v9, v22;
	v26 =	vld [tilespmem:s19+$0xFFFFF8F0]  }
0x388: {  	v7 =	vadd.f32 v7, v16;
	v9 =	vmul.f32 v10, v22;
	v16 =	vld [tilespmem:s19+$0xFFFFF900]  }
0x389: {  	v8 =	vadd.f32 v8, v18;
	v10 =	vmul.f32 v11, v22;
	v18 =	vld [tilespmem:s19+$0xFFFFFA10]  }
0x38a: {  	v9 =	vadd.f32 v9, v20;
	v11 =	vmul.f32 v12, v22;
	v20 =	vld [tilespmem:s19+$0xFFFFFA20]  }
0x38b: {  	v10 =	vadd.f32 v10, v23;
	v12 =	vmul.f32 v25, v22;
	v23 =	vld [tilespmem:s19+$0xFFFFFA30]  }
0x38c: {  	v11 =	vadd.f32 v11, v15;
	v15 =	vmul.f32 v26, v22;
	v25 =	vld [tilespmem:s19+$0xFFFFFA40]  }
0x38d: {  	v12 =	vadd.f32 v12, v24;
	v16 =	vmul.f32 v16, v22;
	v22 =	vld [tilespmem:s19+$0xFFFFFA50]  }
0x38e: {  	v15 =	vadd.f32 v15, v19;
	v18 =	vmul.f32 v18, v17;
	v19 =	vld [tilespmem:s19+$0xFFFFFA60]  }
0x38f: {  	v16 =	vadd.f32 v16, v21;
	v20 =	vmul.f32 v20, v17;
	v21 =	vld [tilespmem:s19+$0xFFFFFA70]  }
0x390: {  	v23 =	vmul.f32 v23, v17;
	v24 =	vld [tilespmem:s19+$0xFFFFFA80]  }
0x391: {  	v25 =	vmul.f32 v25, v17;
	v26 =	vld [tilespmem:s19+$0xFFFFFA90]  }
0x392: {  	v22 =	vmul.f32 v22, v17;
	v27 =	vld [tilespmem:s19+$0xFFFFFAA0]  }
0x393: {  	v19 =	vmul.f32 v19, v17;
	v28 =	vld [tilespmem:s19+$0xFFFFFAB0]  }
0x394: {  	v21 =	vmul.f32 v21, v17;
	v29 =	vld [tilespmem:s19+$0xFFFFFAC0]  }
0x395: {  	v17 =	vmul.f32 v24, v17;
	v24 =	vld [tilespmem:s19+$0xFFFFFAD0]  }
0x396: {  	v26 =	vmul.f32 v26, v14;
	v30 =	vld [tilespmem:s19+$0xFFFFFAE0]  }
0x397: {  	v27 =	vmul.f32 v27, v14;
	v31 =	vld [tilespmem:s19+$0xFFFFFAF0]  }
0x398: {  	v18 =	vadd.f32 v26, v18;
	v26 =	vmul.f32 v28, v14;
	v28 =	vld [tilespmem:s19+$0xFFFFFB00]  }
0x399: {  	v20 =	vadd.f32 v27, v20;
	v27 =	vmul.f32 v29, v14;
	v29 =	vld [tilespmem:s19+$0xFFFFFC10]  }
0x39a: {  	v23 =	vadd.f32 v26, v23;
	v24 =	vmul.f32 v24, v14;
	v26 =	vld [tilespmem:s19+$0xFFFFFC20]  }
0x39b: {  	v25 =	vadd.f32 v27, v25;
	v27 =	vmul.f32 v30, v14;
	v30 =	vld [tilespmem:s19+$0xFFFFFC30]  }
0x39c: {  	v22 =	vadd.f32 v24, v22;
	v24 =	vmul.f32 v31, v14;
	v31 =	vld [tilespmem:s19+$0xFFFFFC40]  }
0x39d: {  	v19 =	vadd.f32 v27, v19;
	v14 =	vmul.f32 v28, v14;
	v27 =	vld [tilespmem:s19+$0xFFFFFC50]  }
0x39e: {  	v21 =	vadd.f32 v24, v21;
	v24 =	vmul.f32 v29, v13;
	v28 =	vld [tilespmem:s19+$0xFFFFFC60]  }
0x39f: {  	v14 =	vadd.f32 v14, v17;
	v17 =	vmul.f32 v26, v13;
	v26 =	vld [tilespmem:s19+$0xFFFFFC70]  }
0x3a0: {  	v29 =	vmul.f32 v30, v13;
	v30 =	vld [tilespmem:s19+$0xFFFFFC80]  }
0x3a1: {  	v31 =	vmul.f32 v31, v13;
	v32 =	vld [tilespmem:s19+$0xFFFFFC90]  }
0x3a2: {  	v27 =	vmul.f32 v27, v13;
	v33 =	vld [tilespmem:s19+$0xFFFFFCA0]  }
0x3a3: {  	v28 =	vmul.f32 v28, v13;
	v34 =	vld [tilespmem:s19+$0xFFFFFCB0]  }
0x3a4: {  	v26 =	vmul.f32 v26, v13;
	v35 =	vld [tilespmem:s19+$0xFFFFFCC0]  }
0x3a5: {  	v13 =	vmul.f32 v30, v13;
	v30 =	vld [tilespmem:s19+$0xFFFFFCD0]  }
0x3a6: {  	v32 =	vmul.f32 v32, v6;
	v36 =	vld [tilespmem:s19+$0xFFFFFCE0]  }
0x3a7: {  	v33 =	vmul.f32 v33, v6;
	v37 =	vld [tilespmem:s19+$0xFFFFFCF0]  }
0x3a8: {  	v24 =	vadd.f32 v32, v24;
	v32 =	vmul.f32 v34, v6;
	v34 =	vld [tilespmem:s19+$0xFFFFFD00]  }
0x3a9: {  	v5 =	vld.idx.msk [tilespmem:v5+s9+$0x0], $0xffff;
	v17 =	vadd.f32 v33, v17;
	v33 =	vmul.f32 v35, v6  }
0x3aa: {  	v3 =	vld.idx.msk [tilespmem:v3+s9+$0x0], $0xffff;
	v29 =	vadd.f32 v32, v29;
	v30 =	vmul.f32 v30, v6  }
0x3ab: {  	v31 =	vadd.f32 v33, v31;
	v32 =	vmul.f32 v36, v6;
	v33 =	vld.idx.msk [tilespmem:v4+s9+$0x0], $0xffff  }
0x3ac: {  	v4 =	vld [tilespmem:s19+$0xFFFFF910];
	v27 =	vadd.f32 v30, v27;
	v30 =	vmul.f32 v37, v6  }
0x3ad: {  	v35 =	vld [tilespmem:s19+$0xFFFFF920];
	v28 =	vadd.f32 v32, v28;
	v6 =	vmul.f32 v34, v6  }
0x3ae: {  	v32 =	vld [tilespmem:s19+$0xFFFFF930];
	v26 =	vadd.f32 v30, v26  }
0x3af: {  	v30 =	vld [tilespmem:s19+$0xFFFFF940];
	v6 =	vadd.f32 v6, v13  }
0x3b0: {  	v13 =	vld [tilespmem:s19+$0xFFFFF950]  }
0x3b1: {  	v4 =	vmul.f32 v4, v5;
	v34 =	vld [tilespmem:s19+$0xFFFFF960]  }
0x3b2: {  	v35 =	vmul.f32 v35, v5;
	v36 =	vld [tilespmem:s19+$0xFFFFF970]  }
0x3b3: {  	v7 =	vadd.f32 v4, v7;
	v4 =	vmul.f32 v32, v5;
	v32 =	vld [tilespmem:s19+$0xFFFFF980]  }
0x3b4: {  	v8 =	vadd.f32 v35, v8;
	v30 =	vmul.f32 v30, v5;
	v35 =	vld [tilespmem:s19+$0xFFFFFB10]  }
0x3b5: {  	v9 =	vadd.f32 v4, v9;
	v4 =	vmul.f32 v13, v5;
	v13 =	vld [tilespmem:s19+$0xFFFFFB20]  }
0x3b6: {  	v10 =	vadd.f32 v30, v10;
	v30 =	vmul.f32 v34, v5;
	v34 =	vld [tilespmem:s19+$0xFFFFFB30]  }
0x3b7: {  	v37 =	vadd.f32 v4, v11;
	v4 =	vmul.f32 v36, v5;
	v11 =	vld [tilespmem:s19+$0xFFFFFB40]  }
0x3b8: {  	v12 =	vadd.f32 v30, v12;
	v5 =	vmul.f32 v32, v5;
	v30 =	vld [tilespmem:s19+$0xFFFFFB50]  }
0x3b9: {  	v15 =	vadd.f32 v4, v15;
	v4 =	vmul.f32 v35, v3;
	v32 =	vld [tilespmem:s19+$0xFFFFFB60]  }
0x3ba: {  	v16 =	vadd.f32 v5, v16;
	v5 =	vmul.f32 v13, v3;
	v13 =	vld [tilespmem:s19+$0xFFFFFB70]  }
0x3bb: {  	v18 =	vadd.f32 v4, v18;
	v4 =	vmul.f32 v34, v3;
	v34 =	vld [tilespmem:s19+$0xFFFFFB80]  }
0x3bc: {  	v20 =	vadd.f32 v5, v20;
	v5 =	vmul.f32 v11, v3;
	v11 =	vld [tilespmem:s19+$0xFFFFFD10]  }
0x3bd: {  	v23 =	vadd.f32 v4, v23;
	v4 =	vmul.f32 v30, v3;
	v30 =	vld [tilespmem:s19+$0xFFFFFD20]  }
0x3be: {  	v25 =	vadd.f32 v5, v25;
	v5 =	vmul.f32 v32, v3;
	v32 =	vld [tilespmem:s19+$0xFFFFFD30]  }
0x3bf: {  	v22 =	vadd.f32 v4, v22;
	v4 =	vmul.f32 v13, v3;
	v13 =	vld [tilespmem:s19+$0xFFFFFD40]  }
0x3c0: {  	v19 =	vadd.f32 v5, v19;
	v3 =	vmul.f32 v34, v3;
	v5 =	vld [tilespmem:s19+$0xFFFFFD50]  }
0x3c1: {  	v21 =	vadd.f32 v4, v21;
	v4 =	vmul.f32 v11, v33;
	v11 =	vld [tilespmem:s19+$0xFFFFFD60]  }
0x3c2: {  	v14 =	vadd.f32 v3, v14;
	v3 =	vmul.f32 v30, v33;
	v30 =	vld [tilespmem:s19+$0xFFFFFD70]  }
0x3c3: {  	v24 =	vadd.f32 v4, v24;
	v4 =	vmul.f32 v32, v33;
	v32 =	vld [tilespmem:s19+$0xFFFFFD80]  }
0x3c4: {  	v34 =	vld.idx.msk [tilespmem:v2+s9+$0x0], $0xffff;
	v2 =	vadd.f32 v3, v17;
	v13 =	vmul.f32 v13, v33  }
0x3c5: {  	v17 =	vld.idx.msk [tilespmem:v1+s9+$0x0], $0xffff;
	v3 =	vadd.f32 v4, v29;
	v5 =	vmul.f32 v5, v33  }
0x3c6: {  	v4 =	vadd.f32 v13, v31;
	v11 =	vmul.f32 v11, v33;
	v1 =	vld.idx.msk [tilespmem:v0+s9+$0x0], $0xffff  }
0x3c7: {  	v29 =	vld [tilespmem:s19+$0xFFFFF990];
	v5 =	vadd.f32 v5, v27;
	v0 =	vmul.f32 v30, v33  }
0x3c8: {  	v27 =	vld [tilespmem:s19+$0xFFFFF9A0];
	v11 =	vadd.f32 v11, v28;
	v13 =	vmul.f32 v32, v33  }
0x3c9: {  	v28 =	vld [tilespmem:s19+$0xFFFFF9B0];
	v0 =	vadd.f32 v0, v26  }
0x3ca: {  	v26 =	vld [tilespmem:s19+$0xFFFFF9C0];
	v13 =	vadd.f32 v13, v6  }
0x3cb: {  	v6 =	vld [tilespmem:s19+$0xFFFFF9D0]  }
0x3cc: {  	v29 =	vmul.f32 v29, v34;
	v30 =	vld [tilespmem:s19+$0xFFFFF9E0]  }
0x3cd: {  	v27 =	vmul.f32 v27, v34;
	v31 =	vld [tilespmem:s19+$0xFFFFF9F0]  }
0x3ce: {  	v7 =	vadd.f32 v29, v7;
	v28 =	vmul.f32 v28, v34;
	v29 =	vld [tilespmem:s19+$0xFFFFFA00]  }
0x3cf: {  	v8 =	vadd.f32 v27, v8;
	v26 =	vmul.f32 v26, v34;
	v27 =	vld [tilespmem:s19+$0xFFFFFB90]  }
0x3d0: {  	v9 =	vadd.f32 v28, v9;
	v6 =	vmul.f32 v6, v34;
	[tilespmem:s26+$0xFFFFFE10] =	vst v7;
	v7 =	vld [tilespmem:s19+$0xFFFFFBA0]  }
0x3d1: {  	v10 =	vadd.f32 v26, v10;
	v26 =	vmul.f32 v30, v34;
	[tilespmem:s26+$0xFFFFFE20] =	vst v8;
	v8 =	vld [tilespmem:s19+$0xFFFFFBB0]  }
0x3d2: {  	v6 =	vadd.f32 v6, v37;
	v28 =	vmul.f32 v31, v34;
	[tilespmem:s26+$0xFFFFFE30] =	vst v9;
	v9 =	vld [tilespmem:s19+$0xFFFFFBC0]  }
0x3d3: {  	v12 =	vadd.f32 v26, v12;
	v26 =	vmul.f32 v29, v34;
	[tilespmem:s26+$0xFFFFFE40] =	vst v10;
	v10 =	vld [tilespmem:s19+$0xFFFFFBD0]  }
0x3d4: {  	v15 =	vadd.f32 v28, v15;
	[tilespmem:s26+$0xFFFFFE50] =	vst v6;
	v6 =	vmul.f32 v27, v17;
	v27 =	vld [tilespmem:s19+$0xFFFFFBE0]  }
0x3d5: {  	v16 =	vadd.f32 v26, v16;
	[tilespmem:s26+$0xFFFFFE60] =	vst v12;
	v7 =	vmul.f32 v7, v17;
	v12 =	vld [tilespmem:s19+$0xFFFFFBF0]  }
0x3d6: {  	[tilespmem:s26+$0xFFFFFE70] =	vst v15;
	v6 =	vadd.f32 v6, v18;
	v8 =	vmul.f32 v8, v17;
	v15 =	vld [tilespmem:s19+$0xFFFFFC00]  }
0x3d7: {  	[tilespmem:s26+$0xFFFFFE80] =	vst v16;
	v7 =	vadd.f32 v7, v20;
	v9 =	vmul.f32 v9, v17;
	v16 =	vld [tilespmem:s19+$0xFFFFFD90]  }
0x3d8: {  	v8 =	vadd.f32 v8, v23;
	v10 =	vmul.f32 v10, v17;
	[tilespmem:s26+$0xFFFFFE90] =	vst v6;
	v6 =	vld [tilespmem:s19+$0xFFFFFDA0]  }
0x3d9: {  	v9 =	vadd.f32 v9, v25;
	v18 =	vmul.f32 v27, v17;
	[tilespmem:s26+$0xFFFFFEA0] =	vst v7;
	v20 =	vld [tilespmem:s19+$0xFFFFFDB0]  }
.Ltmp2:
0x3da: {  	v10 =	vadd.f32 v10, v22;
	v12 =	vmul.f32 v12, v17;
	[tilespmem:s26+$0xFFFFFEB0] =	vst v8;
	v7 =	vld [tilespmem:s19+$0xFFFFFDC0];
	(pc) =	sbr.rel @p2 .LBB2_7-.Ltmp2, $4  }
0x3db: {  	v18 =	vadd.f32 v18, v19;
	v15 =	vmul.f32 v15, v17;
	[tilespmem:s26+$0xFFFFFEC0] =	vst v9;
	v8 =	vld [tilespmem:s19+$0xFFFFFDD0]  }
0x3dc: {  	v12 =	vadd.f32 v12, v21;
	[tilespmem:s26+$0xFFFFFED0] =	vst v10;
	v17 =	vmul.f32 v16, v1;
	v9 =	vld [tilespmem:s19+$0xFFFFFDE0]  }
0x3dd: {  	v14 =	vadd.f32 v15, v14;
	[tilespmem:s26+$0xFFFFFEE0] =	vst v18;
	v16 =	vmul.f32 v6, v1;
	v10 =	vld [tilespmem:s19+$0xFFFFFDF0]  }
0x3de: {  	[tilespmem:s26+$0xFFFFFEF0] =	vst v12;
	v15 =	vadd.f32 v17, v24;
	v17 =	vmul.f32 v20, v1;
	v12 =	vld [tilespmem:s19+$0xFFFFFE00];
	s19 =	sadd.s32 $0x800, s19  }
0x3df: {  	[tilespmem:s26+$0xFFFFFF00] =	vst v14;
	v2 =	vadd.f32 v16, v2;
	v6 =	vmul.f32 v7, v1  }
0x3e0: {  	v3 =	vadd.f32 v17, v3;
	v7 =	vmul.f32 v8, v1;
	[tilespmem:s26+$0xFFFFFF10] =	vst v15  }
0x3e1: {  	v4 =	vadd.f32 v6, v4;
	v6 =	vmul.f32 v9, v1;
	[tilespmem:s26+$0xFFFFFF20] =	vst v2  }
0x3e2: {  	v2 =	vadd.f32 v7, v5;
	v5 =	vmul.f32 v10, v1;
	[tilespmem:s26+$0xFFFFFF30] =	vst v3  }
0x3e3: {  	v3 =	vadd.f32 v6, v11;
	v1 =	vmul.f32 v12, v1;
	[tilespmem:s26+$0xFFFFFF40] =	vst v4  }
0x3e4: {  	v0 =	vadd.f32 v5, v0;
	[tilespmem:s26+$0xFFFFFF50] =	vst v2  }
0x3e5: {  	v1 =	vadd.f32 v1, v13;
	[tilespmem:s26+$0xFFFFFF60] =	vst v3  }
0x3e6: {  	[tilespmem:s26+$0xFFFFFF70] =	vst v0  }
0x3e7: {  	[tilespmem:s26+$0xFFFFFF80] =	vst v1  }
0x3e8: {  	_ =	swait.ge [sflag:s15], $0x4000  }
0x3e9: {  	s1 =	sadd.s32 @!p1 $0x300, s28;
	s4 =	simm.s32 @!p1 $0x80;
	[sflag:s15] =	ssyncset.done $0x0  }
0x3ea: {  	s11 =	simm.s32 @!p1 $0xC000;
	s19 =	simm.s32 $0x107F0;
	[sflag:s15] =	ssyncadd.s32 $0xFFFFC000  }
0x3eb: {  	[tilespmem:s11], [sflag:$0x1] =	stream.indirect.gather @!p1 [hbm4b:s3+s4], $0x80, s1, s4, $0xb8;
	[tilespmem:$0x1C000] =	vst v63  }
0x3ec: {  	v0 =	vld [tilespmem:s19+$0xFFFFFF90];
	_ =	sdelay $0x4  }
0x3ed: {  	[tilespmem:$0x1FD40] =	vst v0  }
0x3ee: {  	v0 =	vld [tilespmem:s19+$0xFFFFFFA0];
	_ =	sdelay $0x4  }
0x3ef: {  	[tilespmem:$0x1FD50] =	vst v0  }
0x3f0: {  	v0 =	vld [tilespmem:s19+$0xFFFFFFB0];
	_ =	sdelay $0x4  }
0x3f1: {  	[tilespmem:$0x1FD60] =	vst v0  }
0x3f2: {  	v0 =	vld [tilespmem:s19+$0xFFFFFFD0];
	_ =	sdelay $0x4  }
0x3f3: {  	v7 =	vld [tilespmem:s19+$0xFFFFFFC0];
	[tilespmem:$0x1FD70] =	vst v0  }
0x3f4: {  	v0 =	vld [tilespmem:s19+$0xFFFFFFE0];
	_ =	sdelay $0x4  }
0x3f5: {  	[tilespmem:$0x1FD80] =	vst v0  }
0x3f6: {  	v0 =	vld [tilespmem:s19+$0xFFFFFFF0];
	_ =	sdelay $0x4  }
0x3f7: {  	[tilespmem:$0x1FD90] =	vst v0  }
0x3f8: {  	v0 =	vld [tilespmem:s19+$0xFFFFFF40];
	_ =	sdelay $0x1  }
0x3f9: {  	v15 =	vld [tilespmem:s19+$0x0]  }
0x3fa: {  	v23 =	vld [tilespmem:s19+$0xFFFFFF10]  }
0x3fb: {  	v22 =	vld [tilespmem:s19+$0xFFFFFF20]  }
0x3fc: {  	v18 =	vld [tilespmem:s19+$0xFFFFFF30];
	[tilespmem:$0x1FD20] =	vst v0  }
0x3fd: {  	v1 =	vld [tilespmem:s19+$0xFFFFFF50];
	_ =	sdelay $0x4  }
0x3fe: {  	s26 =	sadd.s32 $0xFFFFFFFF, s22;
	[tilespmem:$0x1FD30] =	vst v1  }
0x3ff: {  	v2 =	vmov s26;
	v17 =	vld [tilespmem:s19+$0xFFFFFF60]  }
0x400: {  	v2 =	vand.u32 $0xFFFFFFFE, v2;
	v21 =	vld [tilespmem:s19+$0xFFFFFF70]  }
0x401: {  	v2 =	vbroadcast v2, $0x0;
	v26 =	vld [tilespmem:s19+$0xFFFFFF80]  }
0x402: {  	v27 =	vld [tilespmem:s19+$0xFFFFFE10]  }
0x403: {  	v28 =	vld [tilespmem:s19+$0xFFFFFE20]  }
0x404: {  	v29 =	vld [tilespmem:s19+$0xFFFFFE30]  }
0x405: {  	v30 =	vld [tilespmem:s19+$0xFFFFFE80]  }
0x406: {  	v33 =	vld [tilespmem:s19+$0xFFFFFF00]  }
0x407: {  	s13 =	sadd.s32 $0xFFFFFFFD, s22;
	v25 =	vld.idx.msk [tilespmem:v2+s9+$0x0], $0xffff  }
0x408: {  	v0 =	vmov s13;
	v34 =	vld [tilespmem:s19+$0xFFFFFE40]  }
0x409: {  	v0 =	vand.u32 $0xFFFFFFFC, v0;
	v35 =	vld [tilespmem:s19+$0xFFFFFE50]  }
0x40a: {  	v0 =	vbroadcast v0, $0x0;
	v36 =	vld [tilespmem:s19+$0xFFFFFE60]  }
0x40b: {  	s4 =	sadd.s32 $0xFFFFFFF6, s22;
	v37 =	vld [tilespmem:s19+$0xFFFFFE70]  }
0x40c: {  	v3 =	vmov s4;
	v38 =	vld [tilespmem:s19+$0xFFFFFE90]  }
0x40d: {  	s11 =	sadd.s32 $0xFFFFFFF9, s22;
	v3 =	vand.u32 $0xFFFFFFFD, v3;
	v39 =	vld [tilespmem:s19+$0xFFFFFEA0]  }
0x40e: {  	s12 =	sadd.s32 $0xFFFFFFFA, s22;
	v4 =	vmov s11;
	v3 =	vbroadcast v3, $0x0;
	v40 =	vld [tilespmem:s19+$0xFFFFFEB0]  }
0x40f: {  	v8 =	vmov s12;
	v4 =	vand.u32 $0xFFFFFFF8, v4;
	v41 =	vld [tilespmem:s19+$0xFFFFFEC0]  }
0x410: {  	v8 =	vand.u32 $0xFFFFFFFD, v8;
	v4 =	vbroadcast v4, $0x0;
	v31 =	vld.idx.msk [tilespmem:v0+s9+$0x0], $0xffff;
	v0 =	vmov s22  }
0x411: {  	v44 =	vbroadcast v8, $0x0;
	v42 =	vld [tilespmem:s19+$0xFFFFFED0]  }
0x412: {  	s14 =	sadd.s32 $0xFFFFFFFE, s22;
	v43 =	vld [tilespmem:s19+$0xFFFFFEE0]  }
0x413: {  	v1 =	vmov s14;
	v45 =	vld [tilespmem:s19+$0xFFFFFEF0]  }
0x414: {  	s29 =	sadd.s32 $0xFFFFFFF1, s22;
	v1 =	vand.u32 $0xFFFFFFFD, v1;
	v8 =	vld.idx.msk [tilespmem:v3+s9+$0x0], $0xffff  }
0x415: {  	v1 =	vbroadcast v1, $0x0;
	v19 =	vld.idx.msk [tilespmem:v0+s9+$0x0], $0xffff;
	v0 =	vmov s29  }
0x416: {  	v4 =	vld.idx.msk [tilespmem:v4+s9+$0x0], $0xffff;
	v0 =	vand.u32 $0xFFFFFFF0, v0  }
0x417: {  	v5 =	vld.idx.msk [tilespmem:v44+s9+$0x0], $0xffff;
	v0 =	vbroadcast v0, $0x0  }
0x418: {  	v44 =	vld [tilespmem:s19+$0xFFFFF810]  }
0x419: {  	s31 =	sadd.s32 $0xFFFFFFF5, s22;
	v46 =	vld [tilespmem:s19+$0xFFFFF820]  }
0x41a: {  	s30 =	sadd.s32 $0xFFFFFFF2, s22;
	v2 =	vmov s31;
	v47 =	vld [tilespmem:s19+$0xFFFFF830]  }
0x41b: {  	v2 =	vand.u32 $0xFFFFFFF4, v2;
	v32 =	vld.idx.msk [tilespmem:v1+s9+$0x0], $0xffff;
	v1 =	vmov s30  }
0x41c: {  	v48 =	vld [tilespmem:s19+$0xFFFFF840];
	v2 =	vbroadcast v2, $0x0;
	v1 =	vand.u32 $0xFFFFFFF1, v1  }
0x41d: {  	v1 =	vbroadcast v1, $0x0;
	v24 =	vld.idx.msk [tilespmem:v0+s9+$0x0], $0xffff  }
0x41e: {  	v0 =	vld [tilespmem:s19+$0xFFFFF880]  }
0x41f: {  	v49 =	vld [tilespmem:s19+$0xFFFFF850]  }
0x420: {  	v50 =	vld [tilespmem:s19+$0xFFFFF860]  }
0x421: {  	v52 =	vld [tilespmem:s19+$0xFFFFF870]  }
0x422: {  	v14 =	vld.idx.msk [tilespmem:v2+s9+$0x0], $0xffff  }
0x423: {  	v20 =	vld.idx.msk [tilespmem:v1+s9+$0x0], $0xffff;
	[tilespmem:$0x1FDA0] =	vst v0  }
0x424: {  	v53 =	vld [tilespmem:s19+$0xFFFFF890]  }
0x425: {  	v54 =	vld [tilespmem:s19+$0xFFFFF8A0]  }
0x426: {  	s13 =	sadd.s32 $0xFFFFFFF3, s22;
	v55 =	vld [tilespmem:s19+$0xFFFFF8B0]  }
0x427: {  	v0 =	vmov s13;
	v56 =	vld [tilespmem:s19+$0xFFFFF8C0]  }
0x428: {  	s14 =	sadd.s32 $0xFFFFFFF7, s22;
	v0 =	vand.u32 $0xFFFFFFF2, v0;
	v57 =	vld [tilespmem:s19+$0xFFFFF8D0]  }
0x429: {  	s26 =	sadd.s32 $0xFFFFFFFB, s22;
	v2 =	vmov s14;
	v58 =	vld [tilespmem:s19+$0xFFFFF8E0];
	v0 =	vbroadcast v0, $0x0  }
0x42a: {  	v3 =	vmov s26;
	v2 =	vand.u32 $0xFFFFFFFE, v2;
	v59 =	vld [tilespmem:s19+$0xFFFFF8F0]  }
0x42b: {  	v3 =	vand.u32 $0xFFFFFFFE, v3;
	v2 =	vbroadcast v2, $0x0;
	v61 =	vld [tilespmem:s19+$0xFFFFF900]  }
0x42c: {  	v60 =	vbroadcast v3, $0x0;
	v62 =	vld [tilespmem:s19+$0xFFFFFA10]  }
0x42d: {  	v63 =	vld [tilespmem:s19+$0xFFFFFA20]  }
0x42e: {  	v13 =	vld [tilespmem:s19+$0xFFFFFA30]  }
0x42f: {  	v3 =	vld.idx.msk [tilespmem:v0+s9+$0x0], $0xffff  }
0x430: {  	v30 =	vmul.f32 v30, v31;
	v33 =	vmul.f32 v33, v32;
	v0 =	vld [tilespmem:s19+$0xFFFFFA70]  }
0x431: {  	v2 =	vld.idx.msk [tilespmem:v2+s9+$0x0], $0xffff  }
0x432: {  	v26 =	vmul.f32 v26, v25;
	v30 =	vadd.f32 v33, v30;
	v6 =	vld.idx.msk [tilespmem:v60+s9+$0x0], $0xffff  }
0x433: {  	v27 =	vmul.f32 v27, v31;
	v28 =	vmul.f32 v28, v31;
	v60 =	vld [tilespmem:s19+$0xFFFFFA40]  }
0x434: {  	v29 =	vmul.f32 v29, v31;
	v15 =	vmul.f32 v15, v19;
	v26 =	vadd.f32 v26, v30;
	v12 =	vld [tilespmem:s19+$0xFFFFFA50]  }
0x435: {  	v34 =	vmul.f32 v34, v31;
	v35 =	vmul.f32 v35, v31;
	v51 =	vld [tilespmem:s19+$0xFFFFFA60];
	[tilespmem:$0x1FDB0] =	vst v0  }
0x436: {  	v30 =	vmul.f32 v36, v31;
	v26 =	vadd.f32 v15, v26;
	v15 =	vmul.f32 v39, v32;
	v0 =	vld [tilespmem:s19+$0xFFFFFA80]  }
0x437: {  	v31 =	vmul.f32 v37, v31;
	v37 =	vmul.f32 v38, v32  }
0x438: {  	v22 =	vmul.f32 v22, v25;
	v42 =	vmul.f32 v42, v32;
	v15 =	vadd.f32 v15, v28  }
0x439: {  	v39 =	vmul.f32 v40, v32;
	v27 =	vadd.f32 v37, v27;
	v37 =	vmul.f32 v41, v32  }
0x43a: {  	v15 =	vadd.f32 v22, v15;
	v22 =	vmul.f32 v43, v32;
	v32 =	vmul.f32 v45, v32  }
0x43b: {  	[tilespmem:$0x1FDC0] =	vst v0;
	v0 =	vld [tilespmem:$0x1FD20]  }
0x43c: {  	v21 =	vmul.f32 v21, v25;
	v22 =	vadd.f32 v22, v30;
	v30 =	vadd.f32 v32, v31  }
0x43d: {  	v23 =	vmul.f32 v23, v25;
	v1 =	vld [tilespmem:$0x1FD80]  }
0x43e: {  	v30 =	vadd.f32 v21, v30;
	v21 =	vld [tilespmem:$0x1FD90]  }
0x43f: {  	v23 =	vadd.f32 v23, v27;
	v10 =	vld [tilespmem:s19+$0xFFFFFA90]  }
0x440: {  	v27 =	vadd.f32 v37, v34;
	v34 =	vadd.f32 v42, v35;
	v35 =	vmul.f32 v0, v25;
	v0 =	vld [tilespmem:$0x1FD30]  }
0x441: {  	v11 =	vld [tilespmem:s19+$0xFFFFFAA0]  }
0x442: {  	v9 =	vld [tilespmem:s19+$0xFFFFFAB0]  }
0x443: {  	v33 =	vld [tilespmem:s19+$0xFFFFFAC0]  }
0x444: {  	v16 =	vld [tilespmem:s19+$0xFFFFFAD0]  }
0x445: {  	v45 =	vmul.f32 v0, v25;
	v0 =	vld [tilespmem:$0x1FD40]  }
0x446: {  	v36 =	vld [tilespmem:s19+$0xFFFFFAE0]  }
0x447: {  	v38 =	vld [tilespmem:s19+$0xFFFFFAF0]  }
0x448: {  	v40 =	vld [tilespmem:s19+$0xFFFFFB00]  }
0x449: {  	v41 =	vld [tilespmem:s19+$0xFFFFFC10]  }
0x44a: {  	v31 =	vmul.f32 v0, v19;
	v0 =	vld [tilespmem:$0x1FD50]  }
0x44b: {  	v28 =	vadd.f32 v39, v29;
	v29 =	vld [tilespmem:s19+$0xFFFFFC20]  }
0x44c: {  	v18 =	vmul.f32 v18, v25;
	v37 =	vld [tilespmem:s19+$0xFFFFFC30]  }
0x44d: {  	v17 =	vmul.f32 v17, v25;
	v39 =	vld [tilespmem:s19+$0xFFFFFC40]  }
0x44e: {  	v18 =	vadd.f32 v18, v28;
	v42 =	vld [tilespmem:s19+$0xFFFFFC50]  }
0x44f: {  	v28 =	vadd.f32 v45, v34;
	v34 =	vadd.f32 v17, v22;
	v17 =	vmul.f32 v0, v19;
	v0 =	vld [tilespmem:$0x1FD60]  }
0x450: {  	v13 =	vmul.f32 v13, v14;
	v43 =	vld [tilespmem:s19+$0xFFFFFC60];
	v9 =	vmul.f32 v9, v8  }
0x451: {  	v12 =	vmul.f32 v12, v14;
	v32 =	vld [tilespmem:s19+$0xFFFFFC80];
	v16 =	vmul.f32 v16, v8  }
0x452: {  	v9 =	vadd.f32 v9, v13;
	v13 =	vld [tilespmem:s19+$0xFFFFFB20]  }
0x453: {  	v12 =	vadd.f32 v16, v12;
	v16 =	vmul.f32 v41, v4;
	v41 =	vld [tilespmem:s19+$0xFFFFFB50]  }
0x454: {  	v25 =	vadd.f32 v35, v27;
	v35 =	vmul.f32 v0, v19;
	v0 =	vld [tilespmem:$0x1FD70]  }
0x455: {  	v27 =	vld [tilespmem:s19+$0xFFFFFC70]  }
0x456: {  	v45 =	vld [tilespmem:s19+$0xFFFFFC90];
	v22 =	vmul.f32 v7, v19  }
0x457: {  	v1 =	vmul.f32 v1, v19;
	v7 =	vld [tilespmem:s19+$0xFFFFFCA0]  }
0x458: {  	v22 =	vadd.f32 v22, v25;
	v25 =	vmul.f32 v46, v24;
	v46 =	vmul.f32 v47, v24;
	v47 =	vld [tilespmem:s19+$0xFFFFFCD0]  }
0x459: {  	v18 =	vadd.f32 v35, v18;
	v35 =	vmul.f32 v44, v24;
	v44 =	vld [tilespmem:s19+$0xFFFFFCC0];
	v0 =	vmul.f32 v0, v19  }
0x45a: {  	v19 =	vmul.f32 v21, v19;
	v21 =	vadd.f32 v31, v23;
	v23 =	vld [tilespmem:s19+$0xFFFFFCB0];
	v31 =	vadd.f32 v17, v15  }
0x45b: {  	v17 =	vadd.f32 v0, v28;
	v28 =	vmul.f32 v48, v24;
	v48 =	vmul.f32 v49, v24;
	v49 =	vld [tilespmem:s19+$0xFFFFFCE0]  }
0x45c: {  	v0 =	vadd.f32 v1, v34;
	v1 =	vmul.f32 v50, v24;
	v50 =	vld [tilespmem:s19+$0xFFFFFCF0]  }
0x45d: {  	v15 =	vadd.f32 v19, v30;
	v19 =	vmul.f32 v52, v24;
	v52 =	vld [tilespmem:s19+$0xFFFFFD00]  }
0x45e: {  	v34 =	vmul.f32 v53, v20;
	v53 =	vld [tilespmem:$0x1FDA0]  }
0x45f: {  	v30 =	vmul.f32 v54, v20;
	v54 =	vmul.f32 v57, v20;
	v57 =	vld [tilespmem:s19+$0xFFFFF930]  }
0x460: {  	v34 =	vadd.f32 v34, v35;
	v35 =	vmul.f32 v55, v20;
	v55 =	vld [tilespmem:s19+$0xFFFFF920]  }
0x461: {  	v25 =	vadd.f32 v30, v25;
	v30 =	vmul.f32 v56, v20;
	v56 =	vmul.f32 v59, v20;
	v59 =	vld [tilespmem:s19+$0xFFFFF950]  }
0x462: {  	v48 =	vadd.f32 v54, v48;
	v54 =	vmul.f32 v63, v14;
	v63 =	vmul.f32 v44, v5;
	v44 =	vld [tilespmem:s19+$0xFFFFFD20]  }
0x463: {  	v35 =	vadd.f32 v35, v46;
	v46 =	vmul.f32 v58, v20;
	v58 =	vld [tilespmem:s19+$0xFFFFF940]  }
0x464: {  	v51 =	vmul.f32 v51, v14;
	v10 =	vmul.f32 v10, v8;
	v19 =	vadd.f32 v56, v19;
	v56 =	vld [tilespmem:s19+$0xFFFFF970]  }
0x465: {  	v11 =	vmul.f32 v11, v8;
	v20 =	vmul.f32 v61, v20;
	v61 =	vld [tilespmem:$0x1FDB0]  }
0x466: {  	v38 =	vmul.f32 v38, v8;
	v28 =	vadd.f32 v30, v28;
	v30 =	vmul.f32 v62, v14;
	v62 =	vld [tilespmem:$0x1FDC0]  }
0x467: {  	v29 =	vmul.f32 v29, v4;
	v24 =	vmul.f32 v53, v24;
	v53 =	vld [tilespmem:s19+$0xFFFFF910]  }
0x468: {  	v42 =	vmul.f32 v42, v4;
	v46 =	vadd.f32 v46, v1;
	v1 =	vmul.f32 v60, v14;
	v60 =	vld [tilespmem:s19+$0xFFFFF960]  }
0x469: {  	v43 =	vmul.f32 v43, v4;
	v10 =	vadd.f32 v10, v30;
	v30 =	vmul.f32 v33, v8;
	v33 =	vld [tilespmem:s19+$0xFFFFFB10]  }
0x46a: {  	v13 =	vmul.f32 v13, v2;
	v7 =	vmul.f32 v7, v5;
	v20 =	vadd.f32 v20, v24;
	v24 =	vld [tilespmem:s19+$0xFFFFF980]  }
0x46b: {  	v23 =	vmul.f32 v23, v5;
	v30 =	vadd.f32 v30, v1;
	v1 =	vmul.f32 v36, v8;
	v36 =	vld [tilespmem:s19+$0xFFFFFB30]  }
0x46c: {  	v8 =	vmul.f32 v40, v8;
	v40 =	vld [tilespmem:s19+$0xFFFFFB40];
	v61 =	vmul.f32 v61, v14  }
0x46d: {  	v7 =	vadd.f32 v7, v29;
	v14 =	vmul.f32 v62, v14;
	v62 =	vmul.f32 v45, v5;
	v45 =	vld [tilespmem:s19+$0xFFFFFB80]  }
0x46e: {  	s29 =	sadd.s32 $0xFFFFFFF4, s22;
	v51 =	vadd.f32 v1, v51;
	v1 =	vmul.f32 v37, v4;
	v37 =	vmul.f32 v39, v4;
	v39 =	vld [tilespmem:s19+$0xFFFFFB60]  }
0x46f: {  	v11 =	vadd.f32 v11, v54;
	v54 =	vmov s29;
	v38 =	vadd.f32 v38, v61;
	v61 =	vld [tilespmem:s19+$0xFFFFFB70]  }
0x470: {  	v8 =	vadd.f32 v8, v14;
	v14 =	vmul.f32 v27, v4;
	v4 =	vmul.f32 v32, v4;
	v32 =	vld [tilespmem:s19+$0xFFFFFD10]  }
0x471: {  	v54 =	vand.u32 $0xFFFFFFF3, v54;
	v16 =	vadd.f32 v62, v16;
	v62 =	vmul.f32 v47, v5;
	v47 =	vld [tilespmem:s19+$0xFFFFFD30]  }
0x472: {  	v54 =	vbroadcast v54, $0x0;
	v59 =	vmul.f32 v59, v3;
	v27 =	vadd.f32 v63, v37;
	v37 =	vld [tilespmem:s19+$0xFFFFFD40]  }
0x473: {  	[tilespmem:s24+$0xFFFFFFF0] =	vst v15;
	v11 =	vadd.f32 v13, v11;
	v15 =	vmul.f32 v44, v6;
	v63 =	vmul.f32 v50, v5;
	v50 =	vld [tilespmem:s19+$0xFFFFFD50]  }
0x474: {  	v23 =	vadd.f32 v23, v1;
	v1 =	vmul.f32 v49, v5;
	v5 =	vmul.f32 v52, v5;
	v52 =	vld [tilespmem:s19+$0xFFFFFD60]  }
0x475: {  	s30 =	sadd.s32 $0xFFFFFFF8, s22;
	v29 =	vadd.f32 v62, v42;
	v42 =	vmul.f32 v53, v3;
	v53 =	vmul.f32 v55, v3;
	v55 =	vld [tilespmem:s19+$0xFFFFFD70]  }
0x476: {  	v49 =	vmov s30;
	v13 =	vmul.f32 v40, v2;
	v40 =	vld [tilespmem:s19+$0xFFFFF9D0];
	v43 =	vadd.f32 v1, v43  }
0x477: {  	v14 =	vadd.f32 v63, v14;
	v62 =	vadd.f32 v5, v4;
	v4 =	vmul.f32 v57, v3;
	v57 =	vld [tilespmem:s19+$0xFFFFFD80]  }
0x478: {  	v5 =	vmul.f32 v58, v3;
	v63 =	vmul.f32 v60, v3;
	v60 =	vld [tilespmem:s19+$0xFFFFF9A0];
	v34 =	vadd.f32 v42, v34  }
0x479: {  	s31 =	sadd.s32 $0xFFFFFFFC, s22;
	v25 =	vadd.f32 v53, v25;
	v53 =	vld.idx.msk [tilespmem:v54+s9+$0x0], $0xffff;
	v54 =	vmul.f32 v56, v3;
	v3 =	vmul.f32 v24, v3  }
0x47a: {  	v1 =	vmov s31;
	v42 =	vadd.f32 v59, v48;
	v59 =	vld [tilespmem:s19+$0xFFFFF990];
	v13 =	vadd.f32 v13, v30  }
0x47b: {  	[tilespmem:s24+$0x0] =	vst v26;
	v56 =	vadd.f32 v63, v46;
	v63 =	vld [tilespmem:s19+$0xFFFFF9B0];
	v20 =	vadd.f32 v3, v20;
	v3 =	vmul.f32 v36, v2  }
0x47c: {  	[tilespmem:s24+$0xFFFFFF90] =	vst v21;
	v58 =	vmul.f32 v33, v2;
	v4 =	vadd.f32 v4, v35;
	v5 =	vadd.f32 v5, v28;
	v46 =	vld [tilespmem:s19+$0xFFFFFA00]  }
0x47d: {  	[tilespmem:s24+$0xFFFFFFB0] =	vst v18;
	v36 =	vmul.f32 v39, v2;
	v39 =	vld [tilespmem:s19+$0xFFFFF9C0];
	v9 =	vadd.f32 v3, v9;
	v3 =	vmul.f32 v41, v2  }
0x47e: {  	v10 =	vadd.f32 v58, v10;
	v18 =	vmul.f32 v61, v2;
	v35 =	vld.idx.msk [tilespmem:v49+s9+$0x0], $0xffff;
	v2 =	vmul.f32 v45, v2  }
0x47f: {  	[tilespmem:s24+$0xFFFFFFE0] =	vst v0;
	v0 =	vmul.f32 v32, v6;
	v45 =	vld [tilespmem:s19+$0xFFFFF9E0];
	v12 =	vadd.f32 v3, v12;
	v3 =	vmul.f32 v59, v53  }
0x480: {  	[tilespmem:s24+$0xFFFFFFD0] =	vst v17;
	v17 =	vadd.f32 v18, v38;
	v18 =	vadd.f32 v2, v8;
	v2 =	vmul.f32 v60, v53;
	v8 =	vld [tilespmem:s19+$0xFFFFF9F0]  }
0x481: {  	[tilespmem:s24+$0xFFFFFFA0] =	vst v31;
	v19 =	vadd.f32 v54, v19;
	v49 =	vld [tilespmem:s19+$0xFFFFFB90];
	v21 =	vmul.f32 v63, v53;
	v3 =	vadd.f32 v3, v34  }
0x482: {  	[tilespmem:s24+$0xFFFFFFC0] =	vst v22;
	v32 =	vadd.f32 v0, v16;
	v16 =	vld [tilespmem:s19+$0xFFFFFBA0];
	v48 =	vmul.f32 v39, v53;
	v2 =	vadd.f32 v2, v25  }
0x483: {  	v1 =	vld.idx.msk [tilespmem:v1+s9+$0x0], $0xffff;
	v0 =	vadd.f32 v21, v4;
	v4 =	vmul.f32 v40, v53;
	[tilespmem:s24+$0xFFFFFE10] =	vst v3  }
0x484: {  	v54 =	vld [tilespmem:s19+$0xFFFFFBB0];
	v41 =	vadd.f32 v36, v51;
	v5 =	vadd.f32 v48, v5;
	v51 =	vmul.f32 v45, v53;
	[tilespmem:s24+$0xFFFFFE20] =	vst v2  }
0x485: {  	v2 =	vadd.f32 v15, v7;
	v4 =	vadd.f32 v4, v42;
	[tilespmem:s24+$0xFFFFFE30] =	vst v0;
	v0 =	vld [tilespmem:s19+$0xFFFFFBC0];
	v7 =	vmul.f32 v8, v53  }
0x486: {  	v58 =	vld [tilespmem:s19+$0xFFFFFBD0];
	v59 =	vmul.f32 v50, v6;
	v15 =	vadd.f32 v51, v56;
	v56 =	vmul.f32 v46, v53;
	[tilespmem:s24+$0xFFFFFE40] =	vst v5  }
0x487: {  	v8 =	vmul.f32 v37, v6;
	[tilespmem:s24+$0xFFFFFE50] =	vst v4;
	v5 =	vadd.f32 v7, v19;
	v7 =	vmul.f32 v49, v35;
	v19 =	vld [tilespmem:s19+$0xFFFFFBE0]  }
0x488: {  	v60 =	vmul.f32 v52, v6;
	v20 =	vadd.f32 v56, v20;
	[tilespmem:s24+$0xFFFFFE60] =	vst v15;
	v15 =	vmul.f32 v16, v35;
	v16 =	vld [tilespmem:s19+$0xFFFFFBF0]  }
0x489: {  	v4 =	vadd.f32 v8, v27;
	v8 =	vmul.f32 v54, v35;
	[tilespmem:s24+$0xFFFFFE70] =	vst v5;
	v7 =	vadd.f32 v7, v10;
	v10 =	vld [tilespmem:s19+$0xFFFFFC00]  }
0x48a: {  	v63 =	vmul.f32 v55, v6;
	[tilespmem:s24+$0xFFFFFE80] =	vst v20;
	v11 =	vadd.f32 v15, v11;
	v0 =	vmul.f32 v0, v35;
	v15 =	vld [tilespmem:s19+$0xFFFFFD90]  }
0x48b: {  	v61 =	vld [tilespmem:s19+$0xFFFFFDA0];
	v3 =	vmul.f32 v47, v6;
	v8 =	vadd.f32 v8, v9;
	v9 =	vmul.f32 v58, v35;
	[tilespmem:s24+$0xFFFFFE90] =	vst v7  }
0x48c: {  	v6 =	vmul.f32 v57, v6;
	v0 =	vadd.f32 v0, v13;
	[tilespmem:s24+$0xFFFFFEA0] =	vst v11;
	v13 =	vmul.f32 v19, v35;
	v19 =	vld [tilespmem:s19+$0xFFFFFDB0]  }
0x48d: {  	v3 =	vadd.f32 v3, v23;
	v9 =	vadd.f32 v9, v12;
	[tilespmem:s24+$0xFFFFFEB0] =	vst v8;
	v7 =	vld [tilespmem:s19+$0xFFFFFDC0];
	v12 =	vmul.f32 v16, v35  }
0x48e: {  	v5 =	vadd.f32 v59, v29;
	v8 =	vld [tilespmem:s19+$0xFFFFFDD0];
	[tilespmem:s24+$0xFFFFFEC0] =	vst v0;
	v16 =	vadd.f32 v13, v41;
	v10 =	vmul.f32 v10, v35  }
0x48f: {  	v11 =	vadd.f32 v60, v43;
	[tilespmem:s24+$0xFFFFFED0] =	vst v9;
	v9 =	vld [tilespmem:s19+$0xFFFFFDE0];
	v12 =	vadd.f32 v12, v17;
	v15 =	vmul.f32 v15, v1  }
0x490: {  	v0 =	vadd.f32 v63, v14;
	v14 =	vadd.f32 v10, v18;
	[tilespmem:s24+$0xFFFFFEE0] =	vst v16;
	v10 =	vld [tilespmem:s19+$0xFFFFFDF0];
	v16 =	vmul.f32 v61, v1  }
0x491: {  	s28 =	simm.s32 $0x10FF0;
	s26 =	simm.s32 $0x0;
	v13 =	vadd.f32 v6, v62;
	[tilespmem:s24+$0xFFFFFEF0] =	vst v12;
	v15 =	vadd.f32 v15, v32;
	v12 =	vld [tilespmem:s19+$0xFFFFFE00];
	s19 =	smov.u32 s22;
	v17 =	vmul.f32 v19, v1  }
.LBB2_9:
0x492: {  	v6 =	vld [tilespmem:s28+$0xFFFFFF90];
	[tilespmem:s24+$0xFFFFFF00] =	vst v14;
	v2 =	vadd.f32 v16, v2;
	v14 =	vmul.f32 v7, v1  }
0x493: {  	v7 =	vld [tilespmem:s28+$0xFFFFFFA0];
	v3 =	vadd.f32 v17, v3;
	v16 =	vmul.f32 v8, v1;
	[tilespmem:s24+$0xFFFFFF10] =	vst v15  }
0x494: {  	v8 =	vld [tilespmem:s28+$0xFFFFFFB0];
	v4 =	vadd.f32 v14, v4;
	v14 =	vmul.f32 v9, v1;
	[tilespmem:s24+$0xFFFFFF20] =	vst v2  }
0x495: {  	v9 =	vld [tilespmem:s28+$0xFFFFFFC0];
	v2 =	vadd.f32 v16, v5;
	v5 =	vmul.f32 v10, v1;
	[tilespmem:s24+$0xFFFFFF30] =	vst v3  }
0x496: {  	v10 =	vld [tilespmem:s28+$0xFFFFFFD0];
	v3 =	vadd.f32 v14, v11;
	v1 =	vmul.f32 v12, v1;
	[tilespmem:s24+$0xFFFFFF40] =	vst v4  }
0x497: {  	v11 =	vld [tilespmem:s28+$0xFFFFFFE0];
	v0 =	vadd.f32 v5, v0;
	[tilespmem:s24+$0xFFFFFF50] =	vst v2  }
0x498: {  	v12 =	vld [tilespmem:s28+$0xFFFFFFF0];
	v1 =	vadd.f32 v1, v13;
	[tilespmem:s24+$0xFFFFFF60] =	vst v3  }
0x499: {  	v13 =	vld [tilespmem:s28+$0x0];
	[tilespmem:s24+$0xFFFFFF70] =	vst v0  }
0x49a: {  	v14 =	vld [tilespmem:s28+$0xFFFFFF10];
	[tilespmem:s24+$0xFFFFFF80] =	vst v1  }
0x49b: {  	v15 =	vld [tilespmem:s28+$0xFFFFFF20]  }
0x49c: {  	s19 =	sadd.s32 $0x10, s19;
	v16 =	vld [tilespmem:s28+$0xFFFFFF30]  }
0x49d: {  	s1 =	sadd.s32 $0xFFFFFFF2, s19;
	s4 =	sadd.s32 $0xFFFFFFF5, s19;
	s11 =	sadd.s32 $0xFFFFFFFD, s19;
	v17 =	vld [tilespmem:s28+$0xFFFFFF40]  }
0x49e: {  	s26 =	sadd.s32 $0x4, s26;
	v2 =	vmov s11;
	v0 =	vmov s1;
	s1 =	sadd.s32 $0xFFFFFFF6, s19;
	v1 =	vmov s4;
	s4 =	sadd.s32 $0xFFFFFFFE, s19;
	v18 =	vld [tilespmem:s28+$0xFFFFFF50]  }
0x49f: {  	p1 =	slt.u32 s26, $0x1C;
	s11 =	sadd.s32 $0xFFFFFFFA, s19;
	v2 =	vand.u32 $0xFFFFFFFC, v2;
	v3 =	vmov s1;
	s1 =	sadd.s32 $0xFFFFFFF9, s19;
	v4 =	vmov s4;
	v19 =	vld [tilespmem:s28+$0xFFFFFF60]  }
0x4a0: {  	s12 =	sadd.s32 $0xFFFFFFF3, s19;
	v2 =	vbroadcast v2, $0x0;
	s4 =	sadd.s32 $0xFFFFFFF1, s19;
	v5 =	vmov s1;
	s1 =	sadd.s32 $0xFFFFFFFF, s19;
	v4 =	vand.u32 $0xFFFFFFFD, v4;
	v20 =	vld [tilespmem:s28+$0xFFFFFF70]  }
0x4a1: {  	s13 =	sadd.s32 $0xFFFFFFF7, s19;
	s14 =	sadd.s32 $0xFFFFFFFB, s19;
	v21 =	vmov s4;
	s4 =	sadd.s32 $0xFFFFFFF4, s19;
	v22 =	vmov s1;
	v4 =	vbroadcast v4, $0x0;
	v23 =	vld [tilespmem:s28+$0xFFFFFF80]  }
0x4a2: {  	v24 =	vmov s11;
	s11 =	sadd.s32 $0xFFFFFFFC, s19;
	s1 =	sadd.s32 $0xFFFFFFF8, s19;
	v21 =	vand.u32 $0xFFFFFFF0, v21;
	v22 =	vand.u32 $0xFFFFFFFE, v22;
	v25 =	vld [tilespmem:s28+$0xFFFFFE10]  }
0x4a3: {  	v0 =	vand.u32 $0xFFFFFFF1, v0;
	v1 =	vand.u32 $0xFFFFFFF4, v1;
	v22 =	vbroadcast v22, $0x0;
	v26 =	vld [tilespmem:s28+$0xFFFFFE20]  }
0x4a4: {  	v24 =	vand.u32 $0xFFFFFFFD, v24;
	v3 =	vand.u32 $0xFFFFFFFD, v3;
	v5 =	vand.u32 $0xFFFFFFF8, v5;
	v27 =	vld [tilespmem:s28+$0xFFFFFE30]  }
0x4a5: {  	v28 =	vbroadcast v0, $0x0;
	v0 =	vmov s12;
	v21 =	vbroadcast v21, $0x0;
	v29 =	vld [tilespmem:s28+$0xFFFFFE80]  }
0x4a6: {  	v30 =	vbroadcast v1, $0x0;
	v31 =	vbroadcast v3, $0x0;
	v32 =	vld.idx.msk [tilespmem:v2+s9+$0x0], $0xffff;
	v2 =	vmov s19  }
0x4a7: {  	v24 =	vbroadcast v24, $0x0;
	v1 =	vmov s13;
	v33 =	vbroadcast v5, $0x0;
	v34 =	vld.idx.msk [tilespmem:v4+s9+$0x0], $0xffff  }
0x4a8: {  	v0 =	vand.u32 $0xFFFFFFF2, v0;
	v1 =	vand.u32 $0xFFFFFFFE, v1;
	v4 =	vmov s14;
	v35 =	vld [tilespmem:s28+$0xFFFFFF00]  }
0x4a9: {  	v5 =	vbroadcast v0, $0x0;
	v3 =	vbroadcast v1, $0x0;
	v0 =	vand.u32 $0xFFFFFFFE, v4;
	v22 =	vld.idx.msk [tilespmem:v22+s9+$0x0], $0xffff  }
0x4aa: {  	v36 =	vmov s4;
	v1 =	vmov s1;
	v4 =	vbroadcast v0, $0x0;
	v37 =	vld [tilespmem:s28+$0xFFFFFE40]  }
0x4ab: {  	v36 =	vand.u32 $0xFFFFFFF3, v36;
	v0 =	vmov s11;
	v38 =	vld.idx.msk [tilespmem:v2+s9+$0x0], $0xffff  }
0x4ac: {  	v2 =	vbroadcast v36, $0x0;
	v25 =	vmul.f32 v25, v32;
	v36 =	vld [tilespmem:s28+$0xFFFFFE50]  }
0x4ad: {  	v29 =	vmul.f32 v29, v32;
	v39 =	vld [tilespmem:s28+$0xFFFFFE60];
	v35 =	vmul.f32 v35, v34  }
0x4ae: {  	v26 =	vmul.f32 v26, v32;
	v27 =	vmul.f32 v27, v32;
	v40 =	vld [tilespmem:s28+$0xFFFFFE70]  }
0x4af: {  	v23 =	vmul.f32 v23, v22;
	v37 =	vmul.f32 v37, v32;
	v41 =	vld [tilespmem:s28+$0xFFFFFE90];
	v29 =	vadd.f32 v35, v29  }
0x4b0: {  	v14 =	vmul.f32 v14, v22;
	v15 =	vmul.f32 v15, v22;
	v35 =	vld [tilespmem:s28+$0xFFFFFEA0]  }
0x4b1: {  	v13 =	vmul.f32 v13, v38;
	v36 =	vmul.f32 v36, v32;
	v42 =	vld [tilespmem:s28+$0xFFFFFEB0];
	v23 =	vadd.f32 v23, v29  }
0x4b2: {  	v16 =	vmul.f32 v16, v22;
	v29 =	vmul.f32 v39, v32;
	v39 =	vld [tilespmem:s28+$0xFFFFFEC0]  }
0x4b3: {  	v43 =	vmul.f32 v17, v22;
	v32 =	vmul.f32 v40, v32;
	v40 =	vld [tilespmem:s28+$0xFFFFFED0];
	v13 =	vadd.f32 v13, v23  }
0x4b4: {  	s24 =	sadd.s32 $0x200, s24;
	v18 =	vmul.f32 v18, v22;
	v17 =	vmul.f32 v41, v34;
	v23 =	vld [tilespmem:s28+$0xFFFFFEE0]  }
0x4b5: {  	v19 =	vmul.f32 v19, v22;
	v35 =	vmul.f32 v35, v34;
	v41 =	vld [tilespmem:s28+$0xFFFFFEF0];
	[tilespmem:s24+$0x0] =	vst v13  }
0x4b6: {  	v20 =	vmul.f32 v20, v22;
	v21 =	vld.idx.msk [tilespmem:v21+s9+$0x0], $0xffff;
	v13 =	vadd.f32 v17, v25;
	v25 =	vmul.f32 v42, v34  }
0x4b7: {  	v22 =	vld.idx.msk [tilespmem:v28+s9+$0x0], $0xffff;
	v26 =	vadd.f32 v35, v26;
	v28 =	vmul.f32 v39, v34;
	v35 =	vmul.f32 v6, v38  }
0x4b8: {  	v17 =	vld.idx.msk [tilespmem:v30+s9+$0x0], $0xffff;
	v6 =	vadd.f32 v25, v27;
	v25 =	vmul.f32 v40, v34;
	v27 =	vadd.f32 v14, v13  }
0x4b9: {  	v14 =	vld.idx.msk [tilespmem:v31+s9+$0x0], $0xffff;
	v28 =	vadd.f32 v28, v37;
	v23 =	vmul.f32 v23, v34;
	v15 =	vadd.f32 v15, v26  }
0x4ba: {  	v13 =	vld.idx.msk [tilespmem:v33+s9+$0x0], $0xffff;
	v25 =	vadd.f32 v25, v36;
	v26 =	vmul.f32 v41, v34;
	v16 =	vadd.f32 v16, v6  }
0x4bb: {  	v7 =	vmul.f32 v7, v38;
	v6 =	vld.idx.msk [tilespmem:v24+s9+$0x0], $0xffff;
	v23 =	vadd.f32 v23, v29;
	v24 =	vadd.f32 v43, v28  }
0x4bc: {  	v8 =	vmul.f32 v8, v38;
	v28 =	vld [tilespmem:s28+$0xFFFFF810];
	v26 =	vadd.f32 v26, v32;
	v18 =	vadd.f32 v18, v25  }
0x4bd: {  	v9 =	vmul.f32 v9, v38;
	v10 =	vmul.f32 v10, v38;
	v25 =	vld [tilespmem:s28+$0xFFFFF820];
	v19 =	vadd.f32 v19, v23  }
0x4be: {  	v11 =	vmul.f32 v11, v38;
	v12 =	vmul.f32 v12, v38;
	v23 =	vld [tilespmem:s28+$0xFFFFF830];
	v20 =	vadd.f32 v20, v26  }
0x4bf: {  	v27 =	vadd.f32 v35, v27;
	v7 =	vadd.f32 v7, v15;
	v26 =	vld [tilespmem:s28+$0xFFFFF840]  }
0x4c0: {  	v8 =	vadd.f32 v8, v16;
	v9 =	vadd.f32 v9, v24;
	v15 =	vld [tilespmem:s28+$0xFFFFF850]  }
0x4c1: {  	v10 =	vadd.f32 v10, v18;
	v11 =	vadd.f32 v11, v19;
	v16 =	vmul.f32 v28, v21;
	v24 =	vld [tilespmem:s28+$0xFFFFF860];
	[tilespmem:s24+$0xFFFFFF90] =	vst v27  }
0x4c2: {  	v12 =	vadd.f32 v12, v20;
	v18 =	vmul.f32 v25, v21;
	v19 =	vld [tilespmem:s28+$0xFFFFF870];
	[tilespmem:s24+$0xFFFFFFA0] =	vst v7  }
0x4c3: {  	v20 =	vmul.f32 v23, v21;
	v7 =	vld [tilespmem:s28+$0xFFFFF880];
	[tilespmem:s24+$0xFFFFFFB0] =	vst v8  }
0x4c4: {  	v23 =	vmul.f32 v26, v21;
	v8 =	vld [tilespmem:s28+$0xFFFFF890];
	[tilespmem:s24+$0xFFFFFFC0] =	vst v9  }
0x4c5: {  	v15 =	vmul.f32 v15, v21;
	v9 =	vld [tilespmem:s28+$0xFFFFF8A0];
	[tilespmem:s24+$0xFFFFFFD0] =	vst v10  }
0x4c6: {  	v24 =	vmul.f32 v24, v21;
	v10 =	vld [tilespmem:s28+$0xFFFFF8B0];
	[tilespmem:s24+$0xFFFFFFE0] =	vst v11  }
0x4c7: {  	v19 =	vmul.f32 v19, v21;
	v11 =	vld [tilespmem:s28+$0xFFFFF8C0];
	[tilespmem:s24+$0xFFFFFFF0] =	vst v12  }
0x4c8: {  	v21 =	vmul.f32 v7, v21;
	v12 =	vld [tilespmem:s28+$0xFFFFF8D0]  }
0x4c9: {  	v7 =	vmul.f32 v8, v22;
	v25 =	vld [tilespmem:s28+$0xFFFFF8E0]  }
0x4ca: {  	v8 =	vmul.f32 v9, v22;
	v26 =	vld [tilespmem:s28+$0xFFFFF8F0]  }
0x4cb: {  	v7 =	vadd.f32 v7, v16;
	v9 =	vmul.f32 v10, v22;
	v16 =	vld [tilespmem:s28+$0xFFFFF900]  }
0x4cc: {  	v8 =	vadd.f32 v8, v18;
	v10 =	vmul.f32 v11, v22;
	v18 =	vld [tilespmem:s28+$0xFFFFFA10]  }
0x4cd: {  	v9 =	vadd.f32 v9, v20;
	v11 =	vmul.f32 v12, v22;
	v20 =	vld [tilespmem:s28+$0xFFFFFA20]  }
0x4ce: {  	v10 =	vadd.f32 v10, v23;
	v12 =	vmul.f32 v25, v22;
	v23 =	vld [tilespmem:s28+$0xFFFFFA30]  }
0x4cf: {  	v11 =	vadd.f32 v11, v15;
	v15 =	vmul.f32 v26, v22;
	v25 =	vld [tilespmem:s28+$0xFFFFFA40]  }
0x4d0: {  	v12 =	vadd.f32 v12, v24;
	v16 =	vmul.f32 v16, v22;
	v22 =	vld [tilespmem:s28+$0xFFFFFA50]  }
0x4d1: {  	v15 =	vadd.f32 v15, v19;
	v18 =	vmul.f32 v18, v17;
	v19 =	vld [tilespmem:s28+$0xFFFFFA60]  }
0x4d2: {  	v16 =	vadd.f32 v16, v21;
	v20 =	vmul.f32 v20, v17;
	v21 =	vld [tilespmem:s28+$0xFFFFFA70]  }
0x4d3: {  	v23 =	vmul.f32 v23, v17;
	v24 =	vld [tilespmem:s28+$0xFFFFFA80]  }
0x4d4: {  	v25 =	vmul.f32 v25, v17;
	v26 =	vld [tilespmem:s28+$0xFFFFFA90]  }
0x4d5: {  	v22 =	vmul.f32 v22, v17;
	v27 =	vld [tilespmem:s28+$0xFFFFFAA0]  }
0x4d6: {  	v19 =	vmul.f32 v19, v17;
	v28 =	vld [tilespmem:s28+$0xFFFFFAB0]  }
0x4d7: {  	v21 =	vmul.f32 v21, v17;
	v29 =	vld [tilespmem:s28+$0xFFFFFAC0]  }
0x4d8: {  	v17 =	vmul.f32 v24, v17;
	v24 =	vld [tilespmem:s28+$0xFFFFFAD0]  }
0x4d9: {  	v26 =	vmul.f32 v26, v14;
	v30 =	vld [tilespmem:s28+$0xFFFFFAE0]  }
0x4da: {  	v27 =	vmul.f32 v27, v14;
	v31 =	vld [tilespmem:s28+$0xFFFFFAF0]  }
0x4db: {  	v18 =	vadd.f32 v26, v18;
	v26 =	vmul.f32 v28, v14;
	v28 =	vld [tilespmem:s28+$0xFFFFFB00]  }
0x4dc: {  	v20 =	vadd.f32 v27, v20;
	v27 =	vmul.f32 v29, v14;
	v29 =	vld [tilespmem:s28+$0xFFFFFC10]  }
0x4dd: {  	v23 =	vadd.f32 v26, v23;
	v24 =	vmul.f32 v24, v14;
	v26 =	vld [tilespmem:s28+$0xFFFFFC20]  }
0x4de: {  	v25 =	vadd.f32 v27, v25;
	v27 =	vmul.f32 v30, v14;
	v30 =	vld [tilespmem:s28+$0xFFFFFC30]  }
0x4df: {  	v22 =	vadd.f32 v24, v22;
	v24 =	vmul.f32 v31, v14;
	v31 =	vld [tilespmem:s28+$0xFFFFFC40]  }
0x4e0: {  	v19 =	vadd.f32 v27, v19;
	v14 =	vmul.f32 v28, v14;
	v27 =	vld [tilespmem:s28+$0xFFFFFC50]  }
0x4e1: {  	v21 =	vadd.f32 v24, v21;
	v24 =	vmul.f32 v29, v13;
	v28 =	vld [tilespmem:s28+$0xFFFFFC60]  }
0x4e2: {  	v14 =	vadd.f32 v14, v17;
	v17 =	vmul.f32 v26, v13;
	v26 =	vld [tilespmem:s28+$0xFFFFFC70]  }
0x4e3: {  	v29 =	vmul.f32 v30, v13;
	v30 =	vld [tilespmem:s28+$0xFFFFFC80]  }
0x4e4: {  	v31 =	vmul.f32 v31, v13;
	v32 =	vld [tilespmem:s28+$0xFFFFFC90]  }
0x4e5: {  	v27 =	vmul.f32 v27, v13;
	v33 =	vld [tilespmem:s28+$0xFFFFFCA0]  }
0x4e6: {  	v28 =	vmul.f32 v28, v13;
	v34 =	vld [tilespmem:s28+$0xFFFFFCB0]  }
0x4e7: {  	v26 =	vmul.f32 v26, v13;
	v35 =	vld [tilespmem:s28+$0xFFFFFCC0]  }
0x4e8: {  	v13 =	vmul.f32 v30, v13;
	v30 =	vld [tilespmem:s28+$0xFFFFFCD0]  }
0x4e9: {  	v32 =	vmul.f32 v32, v6;
	v36 =	vld [tilespmem:s28+$0xFFFFFCE0]  }
0x4ea: {  	v33 =	vmul.f32 v33, v6;
	v37 =	vld [tilespmem:s28+$0xFFFFFCF0]  }
0x4eb: {  	v24 =	vadd.f32 v32, v24;
	v32 =	vmul.f32 v34, v6;
	v34 =	vld [tilespmem:s28+$0xFFFFFD00]  }
0x4ec: {  	v5 =	vld.idx.msk [tilespmem:v5+s9+$0x0], $0xffff;
	v17 =	vadd.f32 v33, v17;
	v33 =	vmul.f32 v35, v6  }
0x4ed: {  	v3 =	vld.idx.msk [tilespmem:v3+s9+$0x0], $0xffff;
	v29 =	vadd.f32 v32, v29;
	v30 =	vmul.f32 v30, v6  }
0x4ee: {  	v31 =	vadd.f32 v33, v31;
	v32 =	vmul.f32 v36, v6;
	v33 =	vld.idx.msk [tilespmem:v4+s9+$0x0], $0xffff  }
0x4ef: {  	v4 =	vld [tilespmem:s28+$0xFFFFF910];
	v27 =	vadd.f32 v30, v27;
	v30 =	vmul.f32 v37, v6  }
0x4f0: {  	v35 =	vld [tilespmem:s28+$0xFFFFF920];
	v28 =	vadd.f32 v32, v28;
	v6 =	vmul.f32 v34, v6  }
0x4f1: {  	v32 =	vld [tilespmem:s28+$0xFFFFF930];
	v26 =	vadd.f32 v30, v26  }
0x4f2: {  	v30 =	vld [tilespmem:s28+$0xFFFFF940];
	v6 =	vadd.f32 v6, v13  }
0x4f3: {  	v13 =	vld [tilespmem:s28+$0xFFFFF950]  }
0x4f4: {  	v4 =	vmul.f32 v4, v5;
	v34 =	vld [tilespmem:s28+$0xFFFFF960]  }
0x4f5: {  	v35 =	vmul.f32 v35, v5;
	v36 =	vld [tilespmem:s28+$0xFFFFF970]  }
0x4f6: {  	v7 =	vadd.f32 v4, v7;
	v4 =	vmul.f32 v32, v5;
	v32 =	vld [tilespmem:s28+$0xFFFFF980]  }
0x4f7: {  	v8 =	vadd.f32 v35, v8;
	v30 =	vmul.f32 v30, v5;
	v35 =	vld [tilespmem:s28+$0xFFFFFB10]  }
0x4f8: {  	v9 =	vadd.f32 v4, v9;
	v4 =	vmul.f32 v13, v5;
	v13 =	vld [tilespmem:s28+$0xFFFFFB20]  }
0x4f9: {  	v10 =	vadd.f32 v30, v10;
	v30 =	vmul.f32 v34, v5;
	v34 =	vld [tilespmem:s28+$0xFFFFFB30]  }
0x4fa: {  	v37 =	vadd.f32 v4, v11;
	v4 =	vmul.f32 v36, v5;
	v11 =	vld [tilespmem:s28+$0xFFFFFB40]  }
0x4fb: {  	v12 =	vadd.f32 v30, v12;
	v5 =	vmul.f32 v32, v5;
	v30 =	vld [tilespmem:s28+$0xFFFFFB50]  }
0x4fc: {  	v15 =	vadd.f32 v4, v15;
	v4 =	vmul.f32 v35, v3;
	v32 =	vld [tilespmem:s28+$0xFFFFFB60]  }
0x4fd: {  	v16 =	vadd.f32 v5, v16;
	v5 =	vmul.f32 v13, v3;
	v13 =	vld [tilespmem:s28+$0xFFFFFB70]  }
0x4fe: {  	v18 =	vadd.f32 v4, v18;
	v4 =	vmul.f32 v34, v3;
	v34 =	vld [tilespmem:s28+$0xFFFFFB80]  }
0x4ff: {  	v20 =	vadd.f32 v5, v20;
	v5 =	vmul.f32 v11, v3;
	v11 =	vld [tilespmem:s28+$0xFFFFFD10]  }
0x500: {  	v23 =	vadd.f32 v4, v23;
	v4 =	vmul.f32 v30, v3;
	v30 =	vld [tilespmem:s28+$0xFFFFFD20]  }
0x501: {  	v25 =	vadd.f32 v5, v25;
	v5 =	vmul.f32 v32, v3;
	v32 =	vld [tilespmem:s28+$0xFFFFFD30]  }
0x502: {  	v22 =	vadd.f32 v4, v22;
	v4 =	vmul.f32 v13, v3;
	v13 =	vld [tilespmem:s28+$0xFFFFFD40]  }
0x503: {  	v19 =	vadd.f32 v5, v19;
	v3 =	vmul.f32 v34, v3;
	v5 =	vld [tilespmem:s28+$0xFFFFFD50]  }
0x504: {  	v21 =	vadd.f32 v4, v21;
	v4 =	vmul.f32 v11, v33;
	v11 =	vld [tilespmem:s28+$0xFFFFFD60]  }
0x505: {  	v14 =	vadd.f32 v3, v14;
	v3 =	vmul.f32 v30, v33;
	v30 =	vld [tilespmem:s28+$0xFFFFFD70]  }
0x506: {  	v24 =	vadd.f32 v4, v24;
	v4 =	vmul.f32 v32, v33;
	v32 =	vld [tilespmem:s28+$0xFFFFFD80]  }
0x507: {  	v34 =	vld.idx.msk [tilespmem:v2+s9+$0x0], $0xffff;
	v2 =	vadd.f32 v3, v17;
	v13 =	vmul.f32 v13, v33  }
0x508: {  	v17 =	vld.idx.msk [tilespmem:v1+s9+$0x0], $0xffff;
	v3 =	vadd.f32 v4, v29;
	v5 =	vmul.f32 v5, v33  }
0x509: {  	v4 =	vadd.f32 v13, v31;
	v11 =	vmul.f32 v11, v33;
	v1 =	vld.idx.msk [tilespmem:v0+s9+$0x0], $0xffff  }
0x50a: {  	v29 =	vld [tilespmem:s28+$0xFFFFF990];
	v5 =	vadd.f32 v5, v27;
	v0 =	vmul.f32 v30, v33  }
0x50b: {  	v27 =	vld [tilespmem:s28+$0xFFFFF9A0];
	v11 =	vadd.f32 v11, v28;
	v13 =	vmul.f32 v32, v33  }
0x50c: {  	v28 =	vld [tilespmem:s28+$0xFFFFF9B0];
	v0 =	vadd.f32 v0, v26  }
0x50d: {  	v26 =	vld [tilespmem:s28+$0xFFFFF9C0];
	v13 =	vadd.f32 v13, v6  }
0x50e: {  	v6 =	vld [tilespmem:s28+$0xFFFFF9D0]  }
0x50f: {  	v29 =	vmul.f32 v29, v34;
	v30 =	vld [tilespmem:s28+$0xFFFFF9E0]  }
0x510: {  	v27 =	vmul.f32 v27, v34;
	v31 =	vld [tilespmem:s28+$0xFFFFF9F0]  }
0x511: {  	v7 =	vadd.f32 v29, v7;
	v28 =	vmul.f32 v28, v34;
	v29 =	vld [tilespmem:s28+$0xFFFFFA00]  }
0x512: {  	v8 =	vadd.f32 v27, v8;
	v26 =	vmul.f32 v26, v34;
	v27 =	vld [tilespmem:s28+$0xFFFFFB90]  }
0x513: {  	v9 =	vadd.f32 v28, v9;
	v6 =	vmul.f32 v6, v34;
	[tilespmem:s24+$0xFFFFFE10] =	vst v7;
	v7 =	vld [tilespmem:s28+$0xFFFFFBA0]  }
0x514: {  	v10 =	vadd.f32 v26, v10;
	v26 =	vmul.f32 v30, v34;
	[tilespmem:s24+$0xFFFFFE20] =	vst v8;
	v8 =	vld [tilespmem:s28+$0xFFFFFBB0]  }
0x515: {  	v6 =	vadd.f32 v6, v37;
	v28 =	vmul.f32 v31, v34;
	[tilespmem:s24+$0xFFFFFE30] =	vst v9;
	v9 =	vld [tilespmem:s28+$0xFFFFFBC0]  }
0x516: {  	v12 =	vadd.f32 v26, v12;
	v26 =	vmul.f32 v29, v34;
	[tilespmem:s24+$0xFFFFFE40] =	vst v10;
	v10 =	vld [tilespmem:s28+$0xFFFFFBD0]  }
0x517: {  	v15 =	vadd.f32 v28, v15;
	[tilespmem:s24+$0xFFFFFE50] =	vst v6;
	v6 =	vmul.f32 v27, v17;
	v27 =	vld [tilespmem:s28+$0xFFFFFBE0]  }
0x518: {  	v16 =	vadd.f32 v26, v16;
	[tilespmem:s24+$0xFFFFFE60] =	vst v12;
	v7 =	vmul.f32 v7, v17;
	v12 =	vld [tilespmem:s28+$0xFFFFFBF0]  }
0x519: {  	[tilespmem:s24+$0xFFFFFE70] =	vst v15;
	v6 =	vadd.f32 v6, v18;
	v8 =	vmul.f32 v8, v17;
	v15 =	vld [tilespmem:s28+$0xFFFFFC00]  }
0x51a: {  	[tilespmem:s24+$0xFFFFFE80] =	vst v16;
	v7 =	vadd.f32 v7, v20;
	v9 =	vmul.f32 v9, v17;
	v16 =	vld [tilespmem:s28+$0xFFFFFD90]  }
0x51b: {  	v8 =	vadd.f32 v8, v23;
	v10 =	vmul.f32 v10, v17;
	[tilespmem:s24+$0xFFFFFE90] =	vst v6;
	v6 =	vld [tilespmem:s28+$0xFFFFFDA0]  }
0x51c: {  	v9 =	vadd.f32 v9, v25;
	v18 =	vmul.f32 v27, v17;
	[tilespmem:s24+$0xFFFFFEA0] =	vst v7;
	v20 =	vld [tilespmem:s28+$0xFFFFFDB0]  }
.Ltmp3:
0x51d: {  	v10 =	vadd.f32 v10, v22;
	v12 =	vmul.f32 v12, v17;
	[tilespmem:s24+$0xFFFFFEB0] =	vst v8;
	v7 =	vld [tilespmem:s28+$0xFFFFFDC0];
	(pc) =	sbr.rel @p1 .LBB2_9-.Ltmp3, $4  }
0x51e: {  	v18 =	vadd.f32 v18, v19;
	v15 =	vmul.f32 v15, v17;
	[tilespmem:s24+$0xFFFFFEC0] =	vst v9;
	v8 =	vld [tilespmem:s28+$0xFFFFFDD0]  }
0x51f: {  	v12 =	vadd.f32 v12, v21;
	[tilespmem:s24+$0xFFFFFED0] =	vst v10;
	v17 =	vmul.f32 v16, v1;
	v9 =	vld [tilespmem:s28+$0xFFFFFDE0]  }
0x520: {  	v14 =	vadd.f32 v15, v14;
	[tilespmem:s24+$0xFFFFFEE0] =	vst v18;
	v16 =	vmul.f32 v6, v1;
	v10 =	vld [tilespmem:s28+$0xFFFFFDF0]  }
0x521: {  	[tilespmem:s24+$0xFFFFFEF0] =	vst v12;
	v15 =	vadd.f32 v17, v24;
	v17 =	vmul.f32 v20, v1;
	v12 =	vld [tilespmem:s28+$0xFFFFFE00];
	s28 =	sadd.s32 $0x800, s28  }
0x522: {  	[tilespmem:s24+$0xFFFFFF00] =	vst v14;
	v2 =	vadd.f32 v16, v2;
	v6 =	vmul.f32 v7, v1  }
0x523: {  	v3 =	vadd.f32 v17, v3;
	v58 =	vmul.f32 v8, v1;
	[tilespmem:s24+$0xFFFFFF10] =	vst v15  }
0x524: {  	v4 =	vadd.f32 v6, v4;
	v59 =	vmul.f32 v9, v1;
	[tilespmem:s24+$0xFFFFFF20] =	vst v2  }
0x525: {  	s1 =	sshll.u32 s23, $0xB;
	s23 =	sadd.s32 $0x1, s23;
	v60 =	vadd.f32 v58, v5;
	v61 =	vmul.f32 v10, v1;
	[tilespmem:s24+$0xFFFFFF30] =	vst v3  }
0x526: {  	p1 =	sne.s32 s23, $0x10;
	v62 =	vadd.f32 v59, v11;
	v63 =	vmul.f32 v12, v1;
	[tilespmem:s24+$0xFFFFFF40] =	vst v4  }
.Ltmp4:
0x527: {  	v0 =	vadd.f32 v61, v0;
	[tilespmem:s24+$0xFFFFFF50] =	vst v60;
	(pc) =	sbr.rel @p1 .LBB2_2-.Ltmp4, $4  }
0x528: {  	v1 =	vadd.f32 v63, v13;
	[tilespmem:s24+$0xFFFFFF60] =	vst v62  }
0x529: {  	s0 =	sadd.s32 $0x200, s0;
	p0 =	por !p0, !p0;
	s20 =	sadd.s32 $0x200, s20;
	[tilespmem:s24+$0xFFFFFF70] =	vst v0  }
0x52a: {  	s21 =	sadd.s32 $0x200, s21;
	s22 =	sadd.s32 $0x200, s22;
	s1 =	sadd.s32 s1, s6;
	[tilespmem:s24+$0xFFFFFF80] =	vst v1  }
0x52b: {  	[hbm4b:s1+s2] =	stream.linear.scatter [tilespmem:s25], [sflag:$0x2], $0x4000, $0x38;
	[tilespmem:$0x1C000] =	vst v63  }
0x52c: {  	s18 =	sadd.s32 $0x1, s18  }
0x52d: {  	_ =	swait.ge [sflag:s17], $0x4000;
	p0 =	sne.s32 s18, s7  }
.Ltmp5:
0x52e: {  	[sflag:s17] =	ssyncset.done $0x0;
	(pc) =	sbr.rel @p0 .LBB2_1-.Ltmp5, $4  }
0x52f: {  	[sflag:s17] =	ssyncadd.s32 $0xFFFFC000  }
0x530: {  	_ =	swait.ge [sflag:s17], $0x4000  }
0x531: {  	[sflag:s17] =	ssyncset.done $0x0  }
0x532: {  	[sflag:s17] =	ssyncadd.s32 $0xFFFFC000  }
0x533: {  	_ =	sfence.sel $0x180000  }
0x534: {  	[bflag:$0x0] =	sbarrier.arrive $0xFFFF  }
0x535: {  	_ =	strace $0x90000047  }
0x536: {  	s0 =	stileid.u32;
	[bflag:$0x2] =	sbarrier.arrive $0xFFFF  }
0x537: {  	p0 =	sne.s32 s0, $0x0;
	s0 =	rddreg [dreg:$0x1]  }
0x538: {  	s0 =	sadd.s32 @!p0 $0x100000, s0  }
0x539: {  	[sflag:s0] =	ssyncadd.tile.s32 @!p0 $0x1;
	_ =	shalt  }
.Lfunc_end2:
_tile_overlayer_lowered:
.L_overlay_start_2:
0x53a: {  	(tag) =	ssettag $0x2  }
0x53b: {  	s0 =	rddreg [dreg:$0x0];
	s2 =	stileid.u32  }
0x53c: {  	s1 =	rddreg [dreg:$0x1];
	p0 =	sne.s32 s2, $0x0  }
0x53d: {  	s3 =	rddreg [dreg:$0x2];
	[bflag:$0x3] =	sbarrier.arrive $0xFFFF;
	s2 =	simm.s32 @!p0 $0x1C03  }
0x53e: {  	[timem:s3], [sflag:s2] =	dma.local @!p0 [hbm:s0], s1  }
0x53f: {  	s0 =	simm.s32 @!p0 $0x3  }
0x540: {  	_ =	swait.ge @!p0 [sflag:s0], s1  }
0x541: {  	s1 =	ssub.s32 @!p0 $0x0, s1;
	[sflag:s0] =	ssyncset.done @!p0 $0x0  }
0x542: {  	[sflag:s0] =	ssyncadd.s32 @!p0 s1  }
0x543: {  	[bflag:$0x3] =	sbarrier.arrive $0xFFFF  }
0x544: {  	_ =	shalt  }

// kernel: sparse-core-data-format-call.cloned.1.call-start
scs
called_computation_lowered:
.L_overlay_start_0:
0x0: {  	s2 =	sld [smem:$0x3FD9]  }
0x1: {  	s3 =	sld [smem:$0x3FFE];
	_ =	sdelay $0x1  }
0x2: {  	s1 =	srdreg.scid  }
0x3: {  	s0 =	sand.u32 $0x1, s1  }
0x4: {  	s18 =	sshll.u32 s0, $0xA;
	s2 =	sadd.s32 s3, s2  }
0x5: {  	s2 =	sadd.s32 s2, s18  }
0x6: {  	[smem:$0x3FC5] =	sst s2  }
0x7: {  	_ = 	snop  }
0x8: {  	s2 =	sld [smem:$0x3FD0];
	(tm) =	ssettm $0x1  }
0x9: {  	s19 =	sld [smem:$0x3FFB];
	_ =	sdelay $0x3  }
0xa: {  	_ =	strace s19  }
0xb: {  	s3 =	sld [smem:$0x3FFC];
	_ =	sdelay $0x3  }
0xc: {  	_ =	strace s3  }
0xd: {  	s3 =	sld [smem:$0x3FFD];
	_ =	sdelay $0x3  }
0xe: {  	_ =	strace s3  }
0xf: {  	_ =	strace $0x8FFFFFFF  }
0x10: {  	s20 =	sld [smem:$0x3FDB];
	_ =	sdelay $0x1  }
0x11: {  	s4 =	simm.s32 $_scs_section_size  }
0x12: {  	s5 =	simm.s32 $_size__tile_overlayer_lowered;
	s6 =	simm.s32 $_tile_overlayer_lowered  }
0x13: {  	s23 =	simm.s32 $0x1BFF;
	s22 =	sshll.u32 s6, $0x1;
	s3 =	sadd.s32 s4, s20  }
0x14: {  	s7 =	simm.s32 $0x0;
	s21 =	sshll.u32 s5, $0x1;
	s5 =	sadd.s32 s22, s3  }
0x15: {  	[timem:s7], [sflag:s23] =	dma.local [hbm:s5], s21  }
0x16: {  	_ =	swait.ge [sflag:s23], s21  }
0x17: {  	s4 =	ssub.s32 $0x0, s21;
	[sflag:s23] =	ssyncset.done $0x0  }
0x18: {  	[sflag:s23] =	ssyncadd.s32 s4;
	_ =	sdelay $0x1  }
0x19: {  	s24 =	simm.s32 $0x1B8B  }
0x1a: {  	_ =	swait.ge [sflag:s24], $0x1  }
0x1b: {  	[sflag:s24] =	ssyncset.done $0x0  }
0x1c: {  	s26 =	simm.s32 $0x1B8E;
	s25 =	sld [smem:$0x3FFE];
	[sflag:s24] =	ssyncadd.s32 $0xFFFFFFFF  }
0x1d: {  	s27 =	simm.s32 $execute0_lowered;
	[smem:$0x3FD2] =	sst s26  }
0x1e: {  	s5 =	sshll.u32 s27, $0x1;
	_ =	strace $0x80000049;
	[dreg:$0x1] =	wrdreg $0xFFFFFFFF  }
0x1f: {  	s28 =	simm.s32 $_size_execute0_lowered;
	s3 =	sadd.s32 s3, s5;
	[dreg:$0x0] =	wrdreg $0x0  }
0x20: {  	s5 =	sshll.u32 s28, $0x1;
	[dreg:$0x2] =	wrdreg s3  }
0x21: {  	[dreg:$0x3] =	wrdreg s5  }
0x22: {  	[dreg:$0x4] =	wrdreg $0xC0  }
0x23: {  	_ =	task [dreg:s7], $0x5FFFF  }
0x24: {  	[dreg:$0x1] =	wrdreg $0xFFFFFFFF  }
0x25: {  	[dreg:$0x0] =	wrdreg $0x60  }
0x26: {  	[dreg:$0x2] =	wrdreg s25  }
0x27: {  	[dreg:$0x3] =	wrdreg s2  }
0x28: {  	[dreg:$0x4] =	wrdreg $0x9  }
0x29: {  	_ =	task.clear_ibuf [dreg:s7], $0x5FFFF;
	_ =	strace $0x90000049  }
0x2a: {  	s29 =	simm.s32 $0x9;
	_ =	strace $0x8000004B  }
0x2b: {  	_ =	swait.ge [sflag:s29], $0x1  }
0x2c: {  	[sflag:s29] =	ssyncadd.s32 $0xFFFFFFFF  }
0x2d: {  	_ =	strace $0x9000004B  }
0x2e: {  	_ =	sfence  }
0x2f: {  	s30 =	sld [smem:$0x0];
	_ =	sdelay $0x2  }
0x30: {  	s31 =	sshll.u32 s1, $0xD;
	s1 =	sshrl.u32 s1, $0x2  }
0x31: {  	s3 =	sand.u32 $0x4000, s31;
	s1 =	sadd.s32 s1, s30  }
0x32: {  	s0 =	sor.u32 s3, s0;
	s1 =	sshll.u32 s1, $0x11  }
0x33: {  	s0 =	sor.u32 s1, s0  }
0x34: {  	s0 =	sadd.s32 $0x8F2B, s0  }
0x35: {  	[sflag:s0] =	ssyncadd.remote.s32 $0x1  }
0x36: {  	_ =	sfence.sel $0xFFFF  }
0x37: {  	[dreg:$0x0] =	wrdreg $0xFFFFFFFF;
	(pc) =	sbr.abs _section_cstart, $3  }
0x38: {  	[dreg:$0x1] =	wrdreg $0xFFFFFFFF  }
0x39: {  	_ =	task.clear_ibuf [dreg:s7], $0x2FFFF;
	_ =	strace $0x9FFFFFFF  }
0x3a: {  	(tm) =	ssettm $0x7FFFFFFF  }
0x3b: {  	_ =	shalt  }
tec
execute0_lowered:
.L_overlay_start_1:
0x0: {  	(tag) =	ssettag $0x1  }
0x1: {  	s0 =	srdreg.scid  }
0x2: {  	s1 =	sshll.u32 s0, $0x4  }
0x3: {  	s4 =	rddreg [dreg:$0x0];
	s0 =	stileid.u32;
	s1 =	sand.u32 $0x10, s1  }
0x4: {  	s2 =	rddreg [dreg:$0x1];
	s7 =	simm.s32 $0x1;
	s1 =	sor.u32 s0, s1  }
0x5: {  	s8 =	simm.s32 $0x2;
	s11 =	simm.s32 $0x0;
	s3 =	sshll.u32 s1, $0x7  }
0x6: {  	s10 =	simm.s32 $0x0;
	s4 =	sadd.s32 $0x310A00, s4;
	s6 =	ssub.s32 $0x10000, s3  }
.Ltmp0:
0x7: {  	s1 =	rddreg [dreg:$0x2];
	s5 =	sand.u32 $0xF80, s6;
	(pc) =	sbr.rel .LBB1_1-.Ltmp0, $4  }
0x8: {  	_ =	strace $0x8000004A;
	s9 =	smov.u32 s3;
	p0 =	sne.s32 s5, $0x0  }
0x9: {  	s6 =	sshrl.u32 s6, $0xC;
	s5 =	simm.s32 $0x1;
	s7 =	simm.s32 @!p0 $0x0  }
0xa: {  	[sflag:s5] =	ssyncpa.u1 $0x0;
	p0 =	por $0x0, $0x0;
	s6 =	sadd.s32 s7, s6  }
0xb: {  	[sflag:s8] =	ssyncpa.u1 $0x0;
	s8 =	simm.s32 $0x80000;
	s7 =	sadd.s32 $0x1, s6  }
.LBB1_4:
0xc: {  	v5 =	vld [tilespmem:s15+$0xFFFFFFD0];
	[tilespmem:s14+$0x2040 ss:$0x81] =	vst.msk $0xffff, v1  }
0xd: {  	v58 =	vld [tilespmem:s15+$0xFFFFFFE0];
	[tilespmem:s14+$0x2850 ss:$0x81] =	vst.msk $0xffff, v2  }
0xe: {  	s16 =	sshra.s32 s16, $0x2;
	v59 =	vld [tilespmem:s15+$0xFFFFFFF0];
	[tilespmem:s14+$0x3060 ss:$0x81] =	vst.msk $0xffff, v3  }
0xf: {  	v60 =	vld [tilespmem:s15+$0x0];
	[tilespmem:s14+$0x0 ss:$0x81] =	vst.msk $0xffff, v0;
	s13 =	sadd.s32 s16, s13  }
0x10: {  	v61 =	vld [tilespmem:s15+$0x10];
	[tilespmem:s13+$0x3870 ss:$0x81] =	vst.msk $0xffff, v4  }
0x11: {  	v62 =	vld [tilespmem:s15+$0x20];
	[tilespmem:s13+$0x810 ss:$0x81] =	vst.msk $0xffff, v5  }
0x12: {  	v63 =	vld [tilespmem:s15+$0xFFFFFFC0];
	[tilespmem:s13+$0x1020 ss:$0x81] =	vst.msk $0xffff, v58  }
0x13: {  	s27 =	sshll.u32 s11, $0x3;
	[tilespmem:s13+$0x1830 ss:$0x81] =	vst.msk $0xffff, v59  }
0x14: {  	s28 =	sand.u32 $0x78, s11;
	s14 =	sand.u32 $0xFC00, s27;
	[tilespmem:s13+$0x2040 ss:$0x81] =	vst.msk $0xffff, v60  }
0x15: {  	s29 =	sand.u32 $0xFE000, s11;
	s30 =	sand.u32 $0x7, s11;
	s14 =	sor.u32 s28, s14;
	[tilespmem:s13+$0x2850 ss:$0x81] =	vst.msk $0xffff, v61  }
0x16: {  	s15 =	sadd.s32 s2, s29;
	s11 =	sshll.u32 s30, $0x12;
	s14 =	sshrl.u32 s14, $0x3;
	[tilespmem:s13+$0x3060 ss:$0x81] =	vst.msk $0xffff, v62  }
0x17: {  	s11 =	sor.u32 $0x400, s11;
	s31 =	sadd.s32 s14, s15;
	[tilespmem:s13+$0x0 ss:$0x81] =	vst.msk $0xffff, v63  }
0x18: {  	[hbm4b:s31+s11] =	stream.strided.scatter [tilespmem:s12], [sflag:$0x2], $0x4000, s8, s11, $0x20;
	[tilespmem:$0x10100] =	vst v63  }
.LBB1_5:
0x19: {  	s13 =	sadd.s32 $0x1000, s9  }
0x1a: {  	p2 =	sgt.s32 s13, $0xFFFF  }
0x1b: {  	s13 =	smov.u32 @p2 s3;
	p2 =	sne.s32 s10, s7  }
.Ltmp1:
0x1c: {  	p1 =	slt.u32 s10, $0x2;
	(pc) =	sbr.rel @!p2 .LBB1_6-.Ltmp1, $4  }
0x1d: {  	s12 =	simm.s32 @!p1 $0x2  }
0x1e: {  	s14 =	sadd.s32 $0x1, s10;
	_ =	swait.ge @!p1 [sflag:s12], $0x4000  }
0x1f: {  	s11 =	smov.u32 s9;
	p0 =	por !p0, !p0;
	[sflag:s12] =	ssyncset.done @!p1 $0x0  }
0x20: {  	s10 =	smov.u32 s14;
	s9 =	smov.u32 s13;
	[sflag:s12] =	ssyncadd.s32 @!p1 $0xFFFFC000  }
.LBB1_1:
0x21: {  	p1 =	sge.u32 s10, s6  }
0x22: {  	s12 =	sxor.u32 @!p1 $0xFFFFFFFF, s10;
	s13 =	sshll.u32 @!p1 s9, $0x4  }
0x23: {  	s31 =	sadd.s32 $0xFFFFFFFF, s10;
	s12 =	sshll.u32 @!p1 s12, $0xE;
	s13 =	sand.u32 @!p1 $0xFFFF0, s13  }
0x24: {  	s14 =	simm.s32 @!p1 $0x0;
	s12 =	sand.u32 @!p1 $0x4000, s12;
	s13 =	sadd.s32 @!p1 s4, s13  }
0x25: {  	[tilespmem:s12], [sflag:$0x1] =	stream.linear.gather @!p1 [hbm4b:s13+s14], $0x4000, $0x38;
	[tilespmem:$0x10100] =	vst v63  }
0x26: {  	p1 =	sge.u32 s31, s6  }
.Ltmp2:
0x27: {  	_ = 	snop;
	(pc) =	sbr.rel @p1 .LBB1_5-.Ltmp2, $1  }
0x28: {  	_ =	sdelay $0x3  }
0x29: {  	s12 =	simm.s32 $0x1  }
0x2a: {  	_ =	swait.ge [sflag:s5], $0x4000;
	s12 =	simm.s32 @!p0 $0x0  }
0x2b: {  	[sflag:s5] =	ssyncset.done $0x0;
	s13 =	sshll.u32 s12, $0xE  }
0x2c: {  	[sflag:s5] =	ssyncadd.s32 $0xFFFFC000;
	s15 =	sor.u32 $0x40, s13  }
0x2d: {  	s12 =	smul.u32 $0x10200, s12;
	v0 =	vld [tilespmem:s15+$0x30]  }
0x2e: {  	v3 =	vld [tilespmem:s15+$0xFFFFFFD0]  }
0x2f: {  	s12 =	sshrl.u32 s12, $0x2;
	v4 =	vld [tilespmem:s15+$0xFFFFFFE0]  }
0x30: {  	v5 =	vld [tilespmem:s15+$0xFFFFFFF0];
	s13 =	sor.u32 $0x8000, s12  }
0x31: {  	s31 =	sand.u32 $0x1, s10;
	v1 =	vld [tilespmem:s15+$0x0];
	s14 =	sadd.s32 $0x0, s13  }
0x32: {  	v2 =	vld [tilespmem:s15+$0x10];
	s12 =	smul.u32 $0x10200, s31;
	[tilespmem:s14+$0x3870 ss:$0x81] =	vst.msk $0xffff, v0  }
0x33: {  	[tilespmem:s14+$0x810 ss:$0x81] =	vst.msk $0xffff, v3;
	v3 =	vld [tilespmem:s15+$0x20]  }
0x34: {  	s12 =	sshrl.u32 s12, $0x2;
	v0 =	vld [tilespmem:s15+$0xFFFFFFC0];
	[tilespmem:s14+$0x1020 ss:$0x81] =	vst.msk $0xffff, v4;
	s15 =	sadd.s32 $0x80, s15  }
0x35: {  	s16 =	simm.s32 $0x4;
	s17 =	simm.s32 $0x8;
	s12 =	sor.u32 $0x8000, s12;
	[tilespmem:s14+$0x1830 ss:$0x81] =	vst.msk $0xffff, v5;
	v4 =	vld [tilespmem:s15+$0x30]  }
.LBB1_3:
0x36: {  	p1 =	sne.s32 s17, $0x1FC;
	v5 =	vld [tilespmem:s15+$0xFFFFFFD0];
	[tilespmem:s14+$0x2040 ss:$0x81] =	vst.msk $0xffff, v1  }
0x37: {  	v6 =	vld [tilespmem:s15+$0xFFFFFFE0];
	[tilespmem:s14+$0x2850 ss:$0x81] =	vst.msk $0xffff, v2  }
0x38: {  	s18 =	sshra.s32 s16, $0x2;
	s16 =	smov.u32 s17;
	v7 =	vld [tilespmem:s15+$0xFFFFFFF0];
	[tilespmem:s14+$0x3060 ss:$0x81] =	vst.msk $0xffff, v3  }
.Ltmp3:
0x39: {  	v1 =	vld [tilespmem:s15+$0x0];
	[tilespmem:s14+$0x0 ss:$0x81] =	vst.msk $0xffff, v0;
	s14 =	sadd.s32 s18, s13;
	(pc) =	sbr.rel @p1 .LBB1_3-.Ltmp3, $4  }
0x3a: {  	v2 =	vld [tilespmem:s15+$0x10];
	[tilespmem:s14+$0x3870 ss:$0x81] =	vst.msk $0xffff, v4  }
0x3b: {  	[tilespmem:s14+$0x810 ss:$0x81] =	vst.msk $0xffff, v5;
	v3 =	vld [tilespmem:s15+$0x20]  }
0x3c: {  	v0 =	vld [tilespmem:s15+$0xFFFFFFC0];
	[tilespmem:s14+$0x1020 ss:$0x81] =	vst.msk $0xffff, v6;
	s15 =	sadd.s32 $0x80, s15  }
0x3d: {  	s17 =	sadd.s32 $0x4, s17;
	v4 =	vld [tilespmem:s15+$0x30];
	[tilespmem:s14+$0x1830 ss:$0x81] =	vst.msk $0xffff, v7  }
.Ltmp4:
0x3e: {  	_ = 	snop;
	(pc) =	sbr.rel .LBB1_4-.Ltmp4, $1  }
0x3f: {  	_ =	sdelay $0x3  }
.LBB1_6:
0x40: {  	_ =	sfence.sel $0x180000  }
0x41: {  	s2 =	simm.s32 $0x1;
	[bflag:$0x0] =	sbarrier.arrive $0xFFFF  }
0x42: {  	s31 =	simm.s32 $0x2;
	[sflag:s2] =	ssyncpa.u1 $0x1  }
0x43: {  	[sflag:s31] =	ssyncpa.u1 $0x1  }
0x44: {  	p0 =	sne.s32 s0, $0x0;
	_ =	strace $0x9000004A  }
0x45: {  	s0 =	sadd.s32 @!p0 $0x100000, s1;
	[bflag:$0x2] =	sbarrier.arrive $0xFFFF  }
0x46: {  	[sflag:s0] =	ssyncadd.tile.s32 @!p0 $0x1;
	_ =	shalt  }
.Lfunc_end1:
_tile_overlayer_lowered:
.L_overlay_start_2:
0x47: {  	(tag) =	ssettag $0x2  }
0x48: {  	s0 =	rddreg [dreg:$0x0];
	s2 =	stileid.u32  }
0x49: {  	s1 =	rddreg [dreg:$0x1];
	p0 =	sne.s32 s2, $0x0  }
0x4a: {  	s3 =	rddreg [dreg:$0x2];
	[bflag:$0x3] =	sbarrier.arrive $0xFFFF;
	s2 =	simm.s32 @!p0 $0x1C01  }
0x4b: {  	[timem:s3], [sflag:s2] =	dma.local @!p0 [hbm:s0], s1  }
0x4c: {  	s0 =	simm.s32 @!p0 $0x1  }
0x4d: {  	_ =	swait.ge @!p0 [sflag:s0], s1  }
0x4e: {  	s1 =	ssub.s32 @!p0 $0x0, s1;
	[sflag:s0] =	ssyncset.done @!p0 $0x0  }
0x4f: {  	[sflag:s0] =	ssyncadd.s32 @!p0 s1  }
0x50: {  	[bflag:$0x3] =	sbarrier.arrive $0xFFFF  }
0x51: {  	_ =	shalt  }

</sc_bundles>
